<compile_context>
chip_gen: v7x
topology: tpu7x:2x2x1
jax: 0.10.2.dev20260603
libtpu: 0.0.44.dev20260713+nightly
codegen_flags: <defaults>
</compile_context>

<pallas_src>
import functools

import jax
import jax.numpy as jnp
from jax import lax
from jax.experimental import pallas as pl
from jax.experimental.pallas import tpu as pltpu
from jax.experimental.pallas import tpu_sc as plsc

NC = 2
NS = 16
NW = NC * NS
G = 4


def _ffm_body(m, k, spt, x_hbm, tab_hbm, out_hbm,
              xv, buf, outv, sem0, sem1):
    ng = spt // G
    c = lax.axis_index("c")
    s = lax.axis_index("s")
    wid = s * NC + c
    base = wid * spt

    pltpu.sync_copy(x_hbm.at[pl.ds(base * m, spt * m)], xv)

    def issue(g, b):
        idx = xv.at[pl.ds(g * (G * m), G * m)]
        sem = sem0 if b == 0 else sem1
        pltpu.async_copy(tab_hbm.at[idx], buf.at[b], sem)

    def wait_grp(b):
        idx = xv.at[pl.ds(0, G * m)]
        sem = sem0 if b == 0 else sem1
        pltpu.make_async_copy(tab_hbm.at[idx], buf.at[b], sem).wait()

    issue(0, 0)

    lane = lax.iota(jnp.int32, 16)

    def sample_body(par, g, t, zvec):
        tm0 = t * m
        tm1 = tm0 + m
        tm2 = tm0 + 2 * m
        tm3 = tm0 + 3 * m
        zero = jnp.zeros((k,), jnp.float32)
        accs = (zero,) * 8

        def pair_prod(tm, i, j):
            v1 = buf[par, tm + i, pl.ds(j * k, k)]
            v2 = buf[par, tm + j, pl.ds(i * k, k)]
            return v1 * v2

        for d in range(1, m // 2):
            def diag_body(i, acc, d=d):
                jj = i + d
                j = jnp.where(jj >= m, jj - m, jj)
                return acc[4:] + (acc[0] + pair_prod(tm0, i, j),
                                  acc[1] + pair_prod(tm1, i, j),
                                  acc[2] + pair_prod(tm2, i, j),
                                  acc[3] + pair_prod(tm3, i, j))
            accs = plsc.parallel_loop(0, m, 1, unroll=4, carry=accs)(diag_body)

        half = [zero, zero, zero, zero]
        for i in range(m // 2):
            for q, tm in enumerate((tm0, tm1, tm2, tm3)):
                half[q] = half[q] + pair_prod(tm, i, i + m // 2)
        zs = []
        for q in range(4):
            tot = (accs[q] + accs[q + 4]) + half[q]
            zs.append(lax.reduce_sum(tot, axes=(0,)))
        ls = g * G + t
        for q in range(4):
            zvec = jnp.where(lane == lax.rem(ls + q, 16), zs[q], zvec)

        @pl.when(lax.rem(ls, 16) == 12)
        def _():
            chunk = (ls // 16) * 16
            outv[pl.ds(chunk, 16)] = 1.0 / (1.0 + jnp.exp(-zvec))

        return zvec

    def group_body(g, zvec):
        par = lax.rem(g, 2)
        more = g + 1 < ng

        @pl.when(jnp.logical_and(more, par == 0))
        def _():
            issue(g + 1, 1)

        @pl.when(jnp.logical_and(more, par == 1))
        def _():
            issue(g + 1, 0)

        @pl.when(par == 0)
        def _():
            wait_grp(0)

        @pl.when(par == 1)
        def _():
            wait_grp(1)

        return sample_body(par, g, 0, zvec)

    lax.fori_loop(0, ng, group_body, jnp.zeros((16,), jnp.float32))

    pltpu.sync_copy(outv, out_hbm.at[pl.ds(base, spt)])


def kernel(x, field_embeddings):
    n, m, k = field_embeddings.shape
    if x.ndim == 1:
        x = x[None, :]
    b = x.shape[0]
    x = (x.astype(jnp.int32) % n).astype(jnp.int32)

    bpad = ((b + NW * 16 - 1) // (NW * 16)) * (NW * 16)
    if bpad != b:
        x = jnp.concatenate(
            [x, jnp.zeros((bpad - b, m), jnp.int32)], axis=0)
    spt = bpad // NW

    tab = field_embeddings.reshape(n, m * k)
    xflat = x.reshape(-1)

    mesh = plsc.VectorSubcoreMesh(
        core_axis_name="c", subcore_axis_name="s",
        num_cores=NC, num_subcores=NS)
    fn = pl.kernel(
        functools.partial(_ffm_body, m, k, spt),
        out_type=jax.ShapeDtypeStruct((bpad,), jnp.float32),
        mesh=mesh,
        compiler_params=pltpu.CompilerParams(
            needs_layout_passes=False, use_tc_tiling_on_sc=False),
        scratch_types=[
            pltpu.VMEM((spt * m,), jnp.int32),
            pltpu.VMEM((2, G * m, m * k), jnp.float32),
            pltpu.VMEM((spt,), jnp.float32),
            pltpu.SemaphoreType.DMA,
            pltpu.SemaphoreType.DMA,
        ],
    )
    out = fn(xflat, tab)
    if bpad != b:
        out = out[:b]
    return out

# --- scband reference (transcript-rebuilt; emitter-appended) ---
"""Pipeline reference for scband-field-aware-factorization-machine-7980049236075 (READ-ONLY COPY).

The authoritative reference and input builder live on the scoring server;
editing this copy changes nothing except your own understanding.
"""

import jax, jax.numpy as jnp
import numpy as np

N = 100000
M = 26
K = 16
B = 4096


def setup_inputs(seed: int = 0) -> dict:
    key = jax.random.key(seed)
    k1, k2 = jax.random.split(key)
    x = jax.random.randint(k1, (B, M), 0, N, dtype=jnp.int32)
    field_embeddings = jax.random.normal(k2, (N, M, K), dtype=jnp.float32)
    return {"x": x, "field_embeddings": field_embeddings}


def reference(x, field_embeddings):
    n = field_embeddings.shape[0]
    m = field_embeddings.shape[1]
    x = x % n
    if x.ndim == 1:
        x = x[None, :]
    # gather: [B, m] -> [B, m, m, k]
    embeddings = jnp.take(field_embeddings, x, axis=0)
    i1, i2 = np.triu_indices(m, k=1)
    embeds1 = embeddings[:, i1, i2, :]  # [B, P, k]
    embeds2 = embeddings[:, i2, i1, :]  # [B, P, k]
    interactions = jnp.sum(embeds1 * embeds2, axis=(-1, -2))  # [B]
    probability = jax.nn.sigmoid(interactions)
    return probability

if __name__ == "__main__":
    import jax
    _d = setup_inputs()
    print(jax.jit(kernel)(*tuple(_d.values())))

</pallas_src>

<mosaic_0001>
#map = affine_map<(d0, d1) -> (0)>
#map1 = affine_map<(d0, d1) -> (0, 0)>
module attributes {stable_mosaic.version = 14 : i64} {
  func.func @_ffm_body(%arg0: i32, %arg1: i32, %arg2: memref<106496xi32, #tpu.memory_space<hbm>>, %arg3: memref<100000x416xf32, #tpu.memory_space<hbm>>, %arg4: memref<4096xf32, #tpu.memory_space<hbm>>, %arg5: memref<3328xi32, #tpu.memory_space<vmem>>, %arg6: memref<2x104x416xf32, #tpu.memory_space<vmem>>, %arg7: memref<128xf32, #tpu.memory_space<vmem>>, %arg8: memref<!tpu.dma_semaphore, #tpu.memory_space<semaphore_mem>>, %arg9: memref<!tpu.dma_semaphore, #tpu.memory_space<semaphore_mem>>) attributes {dimension_semantics = [#tpu.dimension_semantics<core_parallel>, #tpu.dimension_semantics<subcore_parallel>], iteration_bounds = array<i64: 2, 16>, scalar_prefetch = 0 : i64, scratch_operands = 5 : i64, tpu.core_type = #tpu.core_type<sc_vector_subcore>, window_params = [{transform_indices = #map}, {transform_indices = #map1}, {transform_indices = #map}]} {
    %mul3A = arith.constant 2 : i32
    %mul3A_0 = arith.muli %arg1, %mul3A : i32
    %add3A = arith.addi %mul3A_0, %arg0 : i32
    %mul3A_1 = arith.constant 128 : i32
    %mul3A_2 = arith.muli %add3A, %mul3A_1 : i32
    %mul3A_3 = arith.constant 26 : i32
    %mul3A_4 = arith.muli %mul3A_2, %mul3A_3 : i32
    "tpu.region"() ({
      %run_scoped3A = tpu.sem_alloc : memref<!tpu.dma_semaphore, #tpu.memory_space<semaphore_mem>>
      %dma_start3A_20 = tpu.memref_slice %arg2[%mul3A_4] : memref<106496xi32, #tpu.memory_space<hbm>> -> memref<3328xi32, #tpu.memory_space<hbm>>
      %dma_start3A_21 = tpu.memref_slice %arg2[%mul3A_4] : memref<106496xi32, #tpu.memory_space<hbm>> -> memref<3328xi32, #tpu.memory_space<hbm>>
      tpu.enqueue_dma source(%dma_start3A_21 : memref<3328xi32, #tpu.memory_space<hbm>>) target(%arg5 : memref<3328xi32, #tpu.memory_space<vmem>>) target_semaphore(%run_scoped3A : memref<!tpu.dma_semaphore, #tpu.memory_space<semaphore_mem>>)
      %dma_wait3A = tpu.memref_slice %arg2[%mul3A_4] : memref<106496xi32, #tpu.memory_space<hbm>> -> memref<3328xi32, #tpu.memory_space<hbm>>
      %dma_wait3A_22 = tpu.memref_slice %arg2[%mul3A_4] : memref<106496xi32, #tpu.memory_space<hbm>> -> memref<3328xi32, #tpu.memory_space<hbm>>
      tpu.wait_dma2 semaphore(%run_scoped3A : memref<!tpu.dma_semaphore, #tpu.memory_space<semaphore_mem>>) src(%dma_wait3A_22 : memref<3328xi32, #tpu.memory_space<hbm>>) dst(%arg5 : memref<3328xi32, #tpu.memory_space<vmem>>)
      tpu.yield
    }) : () -> ()
    %dma_start3A = arith.constant 0 : i32
    %dma_start3A_5 = arith.constant 0 : i32
    %dma_start3A_6 = arith.constant 0 : i32
    %dma_start3A_7 = tpu.memref_slice %arg6[%dma_start3A, %dma_start3A_5, %dma_start3A_6] : memref<2x104x416xf32, #tpu.memory_space<vmem>> -> memref<1x104x416xf32, #tpu.memory_space<vmem>>
    %dma_start3A_8 = tpu.memref_squeeze %dma_start3A_7 : memref<1x104x416xf32, #tpu.memory_space<vmem>> -> memref<104x416xf32, #tpu.memory_space<vmem>>
    %dma_start3A_9 = arith.constant 0 : i32
    %dma_start3A_10 = tpu.memref_slice %arg5[%dma_start3A_9] : memref<3328xi32, #tpu.memory_space<vmem>> -> memref<104xi32, #tpu.memory_space<vmem>>
    %dma_start3A_11 = arith.constant 0 : i32
    %dma_start3A_12 = arith.constant 0 : i32
    %dma_start3A_13 = tpu.memref_slice %arg3[%dma_start3A_11, %dma_start3A_12] : memref<100000x416xf32, #tpu.memory_space<hbm>> -> memref<100000x416xf32, #tpu.memory_space<hbm>>
    tpu.enqueue_indirect_dma source(%dma_start3A_13 : memref<100000x416xf32, #tpu.memory_space<hbm>>) target(%dma_start3A_8 : memref<104x416xf32, #tpu.memory_space<vmem>>) offsets(%dma_start3A_10 : memref<104xi32, #tpu.memory_space<vmem>>) semaphore(%arg8 : memref<!tpu.dma_semaphore, #tpu.memory_space<semaphore_mem>>)
    %iota3A = tpu.iota {dimensions = array<i32: 0>} : vector<16xi32>
    %broadcast_in_dim3A = arith.constant 0.000000e+00 : f32
    %broadcast_in_dim3A_14 = vector.broadcast %broadcast_in_dim3A : f32 to vector<16xf32>
    %scan3A = arith.constant 0 : i32
    %scan3A_15 = arith.constant 32 : i32
    %scan3A_16 = arith.addi %scan3A, %scan3A_15 : i32
    %scan3A_17 = arith.constant 1 : i32
    %scan3A_18 = scf.for %scan3A_20 = %scan3A to %scan3A_16 step %scan3A_17 iter_args(%scan3A_21 = %broadcast_in_dim3A_14) -> (vector<16xf32>)  : i32 {
      %rem3A = arith.constant 2 : i32
      %rem3A_22 = arith.remsi %scan3A_20, %rem3A : i32
      %add3A_23 = arith.constant 1 : i32
      %add3A_24 = arith.addi %scan3A_20, %add3A_23 : i32
      %lt3A = arith.constant 32 : i32
      %lt3A_25 = arith.cmpi slt, %add3A_24, %lt3A : i32
      %eq3A = arith.constant 0 : i32
      %eq3A_26 = arith.cmpi eq, %rem3A_22, %eq3A : i32
      %and3A = arith.andi %lt3A_25, %eq3A_26 : i1
      %convert_element_type3A = arith.extui %and3A : i1 to i32
      %cond3A = arith.constant 0 : i32
      %cond3A_27 = arith.cmpi ne, %convert_element_type3A, %cond3A : i32
      scf.if %cond3A_27 {
        %add3A_781 = arith.constant 1 : i32
        %add3A_782 = arith.addi %scan3A_20, %add3A_781 : i32
        %mul3A_783 = arith.constant 104 : i32
        %mul3A_784 = arith.muli %add3A_782, %mul3A_783 : i32
        %dma_start3A_785 = arith.constant 1 : i32
        %dma_start3A_786 = arith.constant 0 : i32
        %dma_start3A_787 = arith.constant 0 : i32
        %dma_start3A_788 = tpu.memref_slice %arg6[%dma_start3A_785, %dma_start3A_786, %dma_start3A_787] : memref<2x104x416xf32, #tpu.memory_space<vmem>> -> memref<1x104x416xf32, #tpu.memory_space<vmem>>
        %dma_start3A_789 = tpu.memref_squeeze %dma_start3A_788 : memref<1x104x416xf32, #tpu.memory_space<vmem>> -> memref<104x416xf32, #tpu.memory_space<vmem>>
        %dma_start3A_790 = tpu.memref_slice %arg5[%mul3A_784] : memref<3328xi32, #tpu.memory_space<vmem>> -> memref<104xi32, #tpu.memory_space<vmem>>
        %dma_start3A_791 = arith.constant 0 : i32
        %dma_start3A_792 = arith.constant 0 : i32
        %dma_start3A_793 = tpu.memref_slice %arg3[%dma_start3A_791, %dma_start3A_792] : memref<100000x416xf32, #tpu.memory_space<hbm>> -> memref<100000x416xf32, #tpu.memory_space<hbm>>
        tpu.enqueue_indirect_dma source(%dma_start3A_793 : memref<100000x416xf32, #tpu.memory_space<hbm>>) target(%dma_start3A_789 : memref<104x416xf32, #tpu.memory_space<vmem>>) offsets(%dma_start3A_790 : memref<104xi32, #tpu.memory_space<vmem>>) semaphore(%arg9 : memref<!tpu.dma_semaphore, #tpu.memory_space<semaphore_mem>>)
      } else {
      }
      %eq3A_28 = arith.constant 1 : i32
      %eq3A_29 = arith.cmpi eq, %rem3A_22, %eq3A_28 : i32
      %and3A_30 = arith.andi %lt3A_25, %eq3A_29 : i1
      %convert_element_type3A_31 = arith.extui %and3A_30 : i1 to i32
      %cond3A_32 = arith.constant 0 : i32
      %cond3A_33 = arith.cmpi ne, %convert_element_type3A_31, %cond3A_32 : i32
      scf.if %cond3A_33 {
        %add3A_781 = arith.constant 1 : i32
        %add3A_782 = arith.addi %scan3A_20, %add3A_781 : i32
        %mul3A_783 = arith.constant 104 : i32
        %mul3A_784 = arith.muli %add3A_782, %mul3A_783 : i32
        %dma_start3A_785 = arith.constant 0 : i32
        %dma_start3A_786 = arith.constant 0 : i32
        %dma_start3A_787 = arith.constant 0 : i32
        %dma_start3A_788 = tpu.memref_slice %arg6[%dma_start3A_785, %dma_start3A_786, %dma_start3A_787] : memref<2x104x416xf32, #tpu.memory_space<vmem>> -> memref<1x104x416xf32, #tpu.memory_space<vmem>>
        %dma_start3A_789 = tpu.memref_squeeze %dma_start3A_788 : memref<1x104x416xf32, #tpu.memory_space<vmem>> -> memref<104x416xf32, #tpu.memory_space<vmem>>
        %dma_start3A_790 = tpu.memref_slice %arg5[%mul3A_784] : memref<3328xi32, #tpu.memory_space<vmem>> -> memref<104xi32, #tpu.memory_space<vmem>>
        %dma_start3A_791 = arith.constant 0 : i32
        %dma_start3A_792 = arith.constant 0 : i32
        %dma_start3A_793 = tpu.memref_slice %arg3[%dma_start3A_791, %dma_start3A_792] : memref<100000x416xf32, #tpu.memory_space<hbm>> -> memref<100000x416xf32, #tpu.memory_space<hbm>>
        tpu.enqueue_indirect_dma source(%dma_start3A_793 : memref<100000x416xf32, #tpu.memory_space<hbm>>) target(%dma_start3A_789 : memref<104x416xf32, #tpu.memory_space<vmem>>) offsets(%dma_start3A_790 : memref<104xi32, #tpu.memory_space<vmem>>) semaphore(%arg8 : memref<!tpu.dma_semaphore, #tpu.memory_space<semaphore_mem>>)
      } else {
      }
      %eq3A_34 = arith.constant 0 : i32
      %eq3A_35 = arith.cmpi eq, %rem3A_22, %eq3A_34 : i32
      %convert_element_type3A_36 = arith.extui %eq3A_35 : i1 to i32
      %cond3A_37 = arith.constant 0 : i32
      %cond3A_38 = arith.cmpi ne, %convert_element_type3A_36, %cond3A_37 : i32
      scf.if %cond3A_38 {
        %dma_wait3A = arith.constant 0 : i32
        %dma_wait3A_781 = arith.constant 0 : i32
        %dma_wait3A_782 = arith.constant 0 : i32
        %dma_wait3A_783 = tpu.memref_slice %arg6[%dma_wait3A, %dma_wait3A_781, %dma_wait3A_782] : memref<2x104x416xf32, #tpu.memory_space<vmem>> -> memref<1x104x416xf32, #tpu.memory_space<vmem>>
        %dma_wait3A_784 = tpu.memref_squeeze %dma_wait3A_783 : memref<1x104x416xf32, #tpu.memory_space<vmem>> -> memref<104x416xf32, #tpu.memory_space<vmem>>
        %dma_wait3A_785 = arith.constant 0 : i32
        %dma_wait3A_786 = tpu.memref_slice %arg5[%dma_wait3A_785] : memref<3328xi32, #tpu.memory_space<vmem>> -> memref<104xi32, #tpu.memory_space<vmem>>
        %dma_wait3A_787 = arith.constant 0 : i32
        %dma_wait3A_788 = arith.constant 0 : i32
        %dma_wait3A_789 = tpu.memref_slice %arg3[%dma_wait3A_787, %dma_wait3A_788] : memref<100000x416xf32, #tpu.memory_space<hbm>> -> memref<100000x416xf32, #tpu.memory_space<hbm>>
        tpu.wait_indirect_dma semaphore(%arg8 : memref<!tpu.dma_semaphore, #tpu.memory_space<semaphore_mem>>) src(%dma_wait3A_789 : memref<100000x416xf32, #tpu.memory_space<hbm>>) dst(%dma_wait3A_784 : memref<104x416xf32, #tpu.memory_space<vmem>>)
      } else {
      }
      %eq3A_39 = arith.constant 1 : i32
      %eq3A_40 = arith.cmpi eq, %rem3A_22, %eq3A_39 : i32
      %convert_element_type3A_41 = arith.extui %eq3A_40 : i1 to i32
      %cond3A_42 = arith.constant 0 : i32
      %cond3A_43 = arith.cmpi ne, %convert_element_type3A_41, %cond3A_42 : i32
      scf.if %cond3A_43 {
        %dma_wait3A = arith.constant 1 : i32
        %dma_wait3A_781 = arith.constant 0 : i32
        %dma_wait3A_782 = arith.constant 0 : i32
        %dma_wait3A_783 = tpu.memref_slice %arg6[%dma_wait3A, %dma_wait3A_781, %dma_wait3A_782] : memref<2x104x416xf32, #tpu.memory_space<vmem>> -> memref<1x104x416xf32, #tpu.memory_space<vmem>>
        %dma_wait3A_784 = tpu.memref_squeeze %dma_wait3A_783 : memref<1x104x416xf32, #tpu.memory_space<vmem>> -> memref<104x416xf32, #tpu.memory_space<vmem>>
        %dma_wait3A_785 = arith.constant 0 : i32
        %dma_wait3A_786 = tpu.memref_slice %arg5[%dma_wait3A_785] : memref<3328xi32, #tpu.memory_space<vmem>> -> memref<104xi32, #tpu.memory_space<vmem>>
        %dma_wait3A_787 = arith.constant 0 : i32
        %dma_wait3A_788 = arith.constant 0 : i32
        %dma_wait3A_789 = tpu.memref_slice %arg3[%dma_wait3A_787, %dma_wait3A_788] : memref<100000x416xf32, #tpu.memory_space<hbm>> -> memref<100000x416xf32, #tpu.memory_space<hbm>>
        tpu.wait_indirect_dma semaphore(%arg9 : memref<!tpu.dma_semaphore, #tpu.memory_space<semaphore_mem>>) src(%dma_wait3A_789 : memref<100000x416xf32, #tpu.memory_space<hbm>>) dst(%dma_wait3A_784 : memref<104x416xf32, #tpu.memory_space<vmem>>)
      } else {
      }
      %broadcast_in_dim3A_44 = arith.constant 0.000000e+00 : f32
      %broadcast_in_dim3A_45 = vector.broadcast %broadcast_in_dim3A_44 : f32 to vector<16xf32>
      %parallel_loop3A = arith.constant 0 : i32
      %parallel_loop3A_46 = arith.constant 26 : i32
      %parallel_loop3A_47 = arith.constant 1 : i32
      %parallel_loop3A_48:8 = scf.for %parallel_loop3A_781 = %parallel_loop3A to %parallel_loop3A_46 step %parallel_loop3A_47 iter_args(%parallel_loop3A_782 = %broadcast_in_dim3A_45, %parallel_loop3A_783 = %broadcast_in_dim3A_45, %parallel_loop3A_784 = %broadcast_in_dim3A_45, %parallel_loop3A_785 = %broadcast_in_dim3A_45, %parallel_loop3A_786 = %broadcast_in_dim3A_45, %parallel_loop3A_787 = %broadcast_in_dim3A_45, %parallel_loop3A_788 = %broadcast_in_dim3A_45, %parallel_loop3A_789 = %broadcast_in_dim3A_45) -> (vector<16xf32>, vector<16xf32>, vector<16xf32>, vector<16xf32>, vector<16xf32>, vector<16xf32>, vector<16xf32>, vector<16xf32>)  : i32 {
        %parallel_loop3A_790 = arith.constant 1 : i32
        %parallel_loop3A_791 = arith.addi %parallel_loop3A_781, %parallel_loop3A_790 : i32
        %parallel_loop3A_792 = arith.constant 26 : i32
        %parallel_loop3A_793 = arith.cmpi sge, %parallel_loop3A_791, %parallel_loop3A_792 : i32
        %parallel_loop3A_794 = arith.constant 26 : i32
        %parallel_loop3A_795 = arith.subi %parallel_loop3A_791, %parallel_loop3A_794 : i32
        %parallel_loop3A_796 = arith.select %parallel_loop3A_793, %parallel_loop3A_795, %parallel_loop3A_791 : i32
        %parallel_loop3A_797 = arith.constant 0 : i32
        %parallel_loop3A_798 = arith.addi %parallel_loop3A_797, %parallel_loop3A_781 : i32
        %parallel_loop3A_799 = arith.constant 16 : i32
        %parallel_loop3A_800 = arith.muli %parallel_loop3A_796, %parallel_loop3A_799 : i32
        %parallel_loop3A_801 = arith.index_cast %rem3A_22 : i32 to index
        %parallel_loop3A_802 = arith.index_cast %parallel_loop3A_798 : i32 to index
        %parallel_loop3A_803 = arith.index_cast %parallel_loop3A_800 : i32 to index
        %parallel_loop3A_804 = tpu.vector_load %arg6[%parallel_loop3A_801, %parallel_loop3A_802, %parallel_loop3A_803] {strides = array<i32>} : memref<2x104x416xf32, #tpu.memory_space<vmem>>, vector<16xf32>,
        %parallel_loop3A_805 = arith.constant 0 : i32
        %parallel_loop3A_806 = arith.addi %parallel_loop3A_805, %parallel_loop3A_796 : i32
        %parallel_loop3A_807 = arith.constant 16 : i32
        %parallel_loop3A_808 = arith.muli %parallel_loop3A_781, %parallel_loop3A_807 : i32
        %parallel_loop3A_809 = arith.index_cast %rem3A_22 : i32 to index
        %parallel_loop3A_810 = arith.index_cast %parallel_loop3A_806 : i32 to index
        %parallel_loop3A_811 = arith.index_cast %parallel_loop3A_808 : i32 to index
        %parallel_loop3A_812 = tpu.vector_load %arg6[%parallel_loop3A_809, %parallel_loop3A_810, %parallel_loop3A_811] {strides = array<i32>} : memref<2x104x416xf32, #tpu.memory_space<vmem>>, vector<16xf32>,
        %parallel_loop3A_813 = arith.mulf %parallel_loop3A_804, %parallel_loop3A_812 : vector<16xf32>
        %parallel_loop3A_814 = arith.addf %parallel_loop3A_782, %parallel_loop3A_813 : vector<16xf32>
        %parallel_loop3A_815 = arith.constant 26 : i32
        %parallel_loop3A_816 = arith.addi %parallel_loop3A_815, %parallel_loop3A_781 : i32
        %parallel_loop3A_817 = arith.constant 16 : i32
        %parallel_loop3A_818 = arith.muli %parallel_loop3A_796, %parallel_loop3A_817 : i32
        %parallel_loop3A_819 = arith.index_cast %rem3A_22 : i32 to index
        %parallel_loop3A_820 = arith.index_cast %parallel_loop3A_816 : i32 to index
        %parallel_loop3A_821 = arith.index_cast %parallel_loop3A_818 : i32 to index
        %parallel_loop3A_822 = tpu.vector_load %arg6[%parallel_loop3A_819, %parallel_loop3A_820, %parallel_loop3A_821] {strides = array<i32>} : memref<2x104x416xf32, #tpu.memory_space<vmem>>, vector<16xf32>,
        %parallel_loop3A_823 = arith.constant 26 : i32
        %parallel_loop3A_824 = arith.addi %parallel_loop3A_823, %parallel_loop3A_796 : i32
        %parallel_loop3A_825 = arith.constant 16 : i32
        %parallel_loop3A_826 = arith.muli %parallel_loop3A_781, %parallel_loop3A_825 : i32
        %parallel_loop3A_827 = arith.index_cast %rem3A_22 : i32 to index
        %parallel_loop3A_828 = arith.index_cast %parallel_loop3A_824 : i32 to index
        %parallel_loop3A_829 = arith.index_cast %parallel_loop3A_826 : i32 to index
        %parallel_loop3A_830 = tpu.vector_load %arg6[%parallel_loop3A_827, %parallel_loop3A_828, %parallel_loop3A_829] {strides = array<i32>} : memref<2x104x416xf32, #tpu.memory_space<vmem>>, vector<16xf32>,
        %parallel_loop3A_831 = arith.mulf %parallel_loop3A_822, %parallel_loop3A_830 : vector<16xf32>
        %parallel_loop3A_832 = arith.addf %parallel_loop3A_783, %parallel_loop3A_831 : vector<16xf32>
        %parallel_loop3A_833 = arith.constant 52 : i32
        %parallel_loop3A_834 = arith.addi %parallel_loop3A_833, %parallel_loop3A_781 : i32
        %parallel_loop3A_835 = arith.constant 16 : i32
        %parallel_loop3A_836 = arith.muli %parallel_loop3A_796, %parallel_loop3A_835 : i32
        %parallel_loop3A_837 = arith.index_cast %rem3A_22 : i32 to index
        %parallel_loop3A_838 = arith.index_cast %parallel_loop3A_834 : i32 to index
        %parallel_loop3A_839 = arith.index_cast %parallel_loop3A_836 : i32 to index
        %parallel_loop3A_840 = tpu.vector_load %arg6[%parallel_loop3A_837, %parallel_loop3A_838, %parallel_loop3A_839] {strides = array<i32>} : memref<2x104x416xf32, #tpu.memory_space<vmem>>, vector<16xf32>,
        %parallel_loop3A_841 = arith.constant 52 : i32
        %parallel_loop3A_842 = arith.addi %parallel_loop3A_841, %parallel_loop3A_796 : i32
        %parallel_loop3A_843 = arith.constant 16 : i32
        %parallel_loop3A_844 = arith.muli %parallel_loop3A_781, %parallel_loop3A_843 : i32
        %parallel_loop3A_845 = arith.index_cast %rem3A_22 : i32 to index
        %parallel_loop3A_846 = arith.index_cast %parallel_loop3A_842 : i32 to index
        %parallel_loop3A_847 = arith.index_cast %parallel_loop3A_844 : i32 to index
        %parallel_loop3A_848 = tpu.vector_load %arg6[%parallel_loop3A_845, %parallel_loop3A_846, %parallel_loop3A_847] {strides = array<i32>} : memref<2x104x416xf32, #tpu.memory_space<vmem>>, vector<16xf32>,
        %parallel_loop3A_849 = arith.mulf %parallel_loop3A_840, %parallel_loop3A_848 : vector<16xf32>
        %parallel_loop3A_850 = arith.addf %parallel_loop3A_784, %parallel_loop3A_849 : vector<16xf32>
        %parallel_loop3A_851 = arith.constant 78 : i32
        %parallel_loop3A_852 = arith.addi %parallel_loop3A_851, %parallel_loop3A_781 : i32
        %parallel_loop3A_853 = arith.constant 16 : i32
        %parallel_loop3A_854 = arith.muli %parallel_loop3A_796, %parallel_loop3A_853 : i32
        %parallel_loop3A_855 = arith.index_cast %rem3A_22 : i32 to index
        %parallel_loop3A_856 = arith.index_cast %parallel_loop3A_852 : i32 to index
        %parallel_loop3A_857 = arith.index_cast %parallel_loop3A_854 : i32 to index
        %parallel_loop3A_858 = tpu.vector_load %arg6[%parallel_loop3A_855, %parallel_loop3A_856, %parallel_loop3A_857] {strides = array<i32>} : memref<2x104x416xf32, #tpu.memory_space<vmem>>, vector<16xf32>,
        %parallel_loop3A_859 = arith.constant 78 : i32
        %parallel_loop3A_860 = arith.addi %parallel_loop3A_859, %parallel_loop3A_796 : i32
        %parallel_loop3A_861 = arith.constant 16 : i32
        %parallel_loop3A_862 = arith.muli %parallel_loop3A_781, %parallel_loop3A_861 : i32
        %parallel_loop3A_863 = arith.index_cast %rem3A_22 : i32 to index
        %parallel_loop3A_864 = arith.index_cast %parallel_loop3A_860 : i32 to index
        %parallel_loop3A_865 = arith.index_cast %parallel_loop3A_862 : i32 to index
        %parallel_loop3A_866 = tpu.vector_load %arg6[%parallel_loop3A_863, %parallel_loop3A_864, %parallel_loop3A_865] {strides = array<i32>} : memref<2x104x416xf32, #tpu.memory_space<vmem>>, vector<16xf32>,
        %parallel_loop3A_867 = arith.mulf %parallel_loop3A_858, %parallel_loop3A_866 : vector<16xf32>
        %parallel_loop3A_868 = arith.addf %parallel_loop3A_785, %parallel_loop3A_867 : vector<16xf32>
        scf.yield %parallel_loop3A_786, %parallel_loop3A_787, %parallel_loop3A_788, %parallel_loop3A_789, %parallel_loop3A_814, %parallel_loop3A_832, %parallel_loop3A_850, %parallel_loop3A_868 : vector<16xf32>, vector<16xf32>, vector<16xf32>, vector<16xf32>, vector<16xf32>, vector<16xf32>, vector<16xf32>, vector<16xf32>
      } {sc.loop_unroll_factor = 4 : i64, sc.parallel_access}
      %parallel_loop3A_49 = arith.constant 0 : i32
      %parallel_loop3A_50 = arith.constant 26 : i32
      %parallel_loop3A_51 = arith.constant 1 : i32
      %parallel_loop3A_52:8 = scf.for %parallel_loop3A_781 = %parallel_loop3A_49 to %parallel_loop3A_50 step %parallel_loop3A_51 iter_args(%parallel_loop3A_782 = %parallel_loop3A_48#0, %parallel_loop3A_783 = %parallel_loop3A_48#1, %parallel_loop3A_784 = %parallel_loop3A_48#2, %parallel_loop3A_785 = %parallel_loop3A_48#3, %parallel_loop3A_786 = %parallel_loop3A_48#4, %parallel_loop3A_787 = %parallel_loop3A_48#5, %parallel_loop3A_788 = %parallel_loop3A_48#6, %parallel_loop3A_789 = %parallel_loop3A_48#7) -> (vector<16xf32>, vector<16xf32>, vector<16xf32>, vector<16xf32>, vector<16xf32>, vector<16xf32>, vector<16xf32>, vector<16xf32>)  : i32 {
        %parallel_loop3A_790 = arith.constant 2 : i32
        %parallel_loop3A_791 = arith.addi %parallel_loop3A_781, %parallel_loop3A_790 : i32
        %parallel_loop3A_792 = arith.constant 26 : i32
        %parallel_loop3A_793 = arith.cmpi sge, %parallel_loop3A_791, %parallel_loop3A_792 : i32
        %parallel_loop3A_794 = arith.constant 26 : i32
        %parallel_loop3A_795 = arith.subi %parallel_loop3A_791, %parallel_loop3A_794 : i32
        %parallel_loop3A_796 = arith.select %parallel_loop3A_793, %parallel_loop3A_795, %parallel_loop3A_791 : i32
        %parallel_loop3A_797 = arith.constant 0 : i32
        %parallel_loop3A_798 = arith.addi %parallel_loop3A_797, %parallel_loop3A_781 : i32
        %parallel_loop3A_799 = arith.constant 16 : i32
        %parallel_loop3A_800 = arith.muli %parallel_loop3A_796, %parallel_loop3A_799 : i32
        %parallel_loop3A_801 = arith.index_cast %rem3A_22 : i32 to index
        %parallel_loop3A_802 = arith.index_cast %parallel_loop3A_798 : i32 to index
        %parallel_loop3A_803 = arith.index_cast %parallel_loop3A_800 : i32 to index
        %parallel_loop3A_804 = tpu.vector_load %arg6[%parallel_loop3A_801, %parallel_loop3A_802, %parallel_loop3A_803] {strides = array<i32>} : memref<2x104x416xf32, #tpu.memory_space<vmem>>, vector<16xf32>,
        %parallel_loop3A_805 = arith.constant 0 : i32
        %parallel_loop3A_806 = arith.addi %parallel_loop3A_805, %parallel_loop3A_796 : i32
        %parallel_loop3A_807 = arith.constant 16 : i32
        %parallel_loop3A_808 = arith.muli %parallel_loop3A_781, %parallel_loop3A_807 : i32
        %parallel_loop3A_809 = arith.index_cast %rem3A_22 : i32 to index
        %parallel_loop3A_810 = arith.index_cast %parallel_loop3A_806 : i32 to index
        %parallel_loop3A_811 = arith.index_cast %parallel_loop3A_808 : i32 to index
        %parallel_loop3A_812 = tpu.vector_load %arg6[%parallel_loop3A_809, %parallel_loop3A_810, %parallel_loop3A_811] {strides = array<i32>} : memref<2x104x416xf32, #tpu.memory_space<vmem>>, vector<16xf32>,
        %parallel_loop3A_813 = arith.mulf %parallel_loop3A_804, %parallel_loop3A_812 : vector<16xf32>
        %parallel_loop3A_814 = arith.addf %parallel_loop3A_782, %parallel_loop3A_813 : vector<16xf32>
        %parallel_loop3A_815 = arith.constant 26 : i32
        %parallel_loop3A_816 = arith.addi %parallel_loop3A_815, %parallel_loop3A_781 : i32
        %parallel_loop3A_817 = arith.constant 16 : i32
        %parallel_loop3A_818 = arith.muli %parallel_loop3A_796, %parallel_loop3A_817 : i32
        %parallel_loop3A_819 = arith.index_cast %rem3A_22 : i32 to index
        %parallel_loop3A_820 = arith.index_cast %parallel_loop3A_816 : i32 to index
        %parallel_loop3A_821 = arith.index_cast %parallel_loop3A_818 : i32 to index
        %parallel_loop3A_822 = tpu.vector_load %arg6[%parallel_loop3A_819, %parallel_loop3A_820, %parallel_loop3A_821] {strides = array<i32>} : memref<2x104x416xf32, #tpu.memory_space<vmem>>, vector<16xf32>,
        %parallel_loop3A_823 = arith.constant 26 : i32
        %parallel_loop3A_824 = arith.addi %parallel_loop3A_823, %parallel_loop3A_796 : i32
        %parallel_loop3A_825 = arith.constant 16 : i32
        %parallel_loop3A_826 = arith.muli %parallel_loop3A_781, %parallel_loop3A_825 : i32
        %parallel_loop3A_827 = arith.index_cast %rem3A_22 : i32 to index
        %parallel_loop3A_828 = arith.index_cast %parallel_loop3A_824 : i32 to index
        %parallel_loop3A_829 = arith.index_cast %parallel_loop3A_826 : i32 to index
        %parallel_loop3A_830 = tpu.vector_load %arg6[%parallel_loop3A_827, %parallel_loop3A_828, %parallel_loop3A_829] {strides = array<i32>} : memref<2x104x416xf32, #tpu.memory_space<vmem>>, vector<16xf32>,
        %parallel_loop3A_831 = arith.mulf %parallel_loop3A_822, %parallel_loop3A_830 : vector<16xf32>
        %parallel_loop3A_832 = arith.addf %parallel_loop3A_783, %parallel_loop3A_831 : vector<16xf32>
        %parallel_loop3A_833 = arith.constant 52 : i32
        %parallel_loop3A_834 = arith.addi %parallel_loop3A_833, %parallel_loop3A_781 : i32
        %parallel_loop3A_835 = arith.constant 16 : i32
        %parallel_loop3A_836 = arith.muli %parallel_loop3A_796, %parallel_loop3A_835 : i32
        %parallel_loop3A_837 = arith.index_cast %rem3A_22 : i32 to index
        %parallel_loop3A_838 = arith.index_cast %parallel_loop3A_834 : i32 to index
        %parallel_loop3A_839 = arith.index_cast %parallel_loop3A_836 : i32 to index
        %parallel_loop3A_840 = tpu.vector_load %arg6[%parallel_loop3A_837, %parallel_loop3A_838, %parallel_loop3A_839] {strides = array<i32>} : memref<2x104x416xf32, #tpu.memory_space<vmem>>, vector<16xf32>,
        %parallel_loop3A_841 = arith.constant 52 : i32
        %parallel_loop3A_842 = arith.addi %parallel_loop3A_841, %parallel_loop3A_796 : i32
        %parallel_loop3A_843 = arith.constant 16 : i32
        %parallel_loop3A_844 = arith.muli %parallel_loop3A_781, %parallel_loop3A_843 : i32
        %parallel_loop3A_845 = arith.index_cast %rem3A_22 : i32 to index
        %parallel_loop3A_846 = arith.index_cast %parallel_loop3A_842 : i32 to index
        %parallel_loop3A_847 = arith.index_cast %parallel_loop3A_844 : i32 to index
        %parallel_loop3A_848 = tpu.vector_load %arg6[%parallel_loop3A_845, %parallel_loop3A_846, %parallel_loop3A_847] {strides = array<i32>} : memref<2x104x416xf32, #tpu.memory_space<vmem>>, vector<16xf32>,
        %parallel_loop3A_849 = arith.mulf %parallel_loop3A_840, %parallel_loop3A_848 : vector<16xf32>
        %parallel_loop3A_850 = arith.addf %parallel_loop3A_784, %parallel_loop3A_849 : vector<16xf32>
        %parallel_loop3A_851 = arith.constant 78 : i32
        %parallel_loop3A_852 = arith.addi %parallel_loop3A_851, %parallel_loop3A_781 : i32
        %parallel_loop3A_853 = arith.constant 16 : i32
        %parallel_loop3A_854 = arith.muli %parallel_loop3A_796, %parallel_loop3A_853 : i32
        %parallel_loop3A_855 = arith.index_cast %rem3A_22 : i32 to index
        %parallel_loop3A_856 = arith.index_cast %parallel_loop3A_852 : i32 to index
        %parallel_loop3A_857 = arith.index_cast %parallel_loop3A_854 : i32 to index
        %parallel_loop3A_858 = tpu.vector_load %arg6[%parallel_loop3A_855, %parallel_loop3A_856, %parallel_loop3A_857] {strides = array<i32>} : memref<2x104x416xf32, #tpu.memory_space<vmem>>, vector<16xf32>,
        %parallel_loop3A_859 = arith.constant 78 : i32
        %parallel_loop3A_860 = arith.addi %parallel_loop3A_859, %parallel_loop3A_796 : i32
        %parallel_loop3A_861 = arith.constant 16 : i32
        %parallel_loop3A_862 = arith.muli %parallel_loop3A_781, %parallel_loop3A_861 : i32
        %parallel_loop3A_863 = arith.index_cast %rem3A_22 : i32 to index
        %parallel_loop3A_864 = arith.index_cast %parallel_loop3A_860 : i32 to index
        %parallel_loop3A_865 = arith.index_cast %parallel_loop3A_862 : i32 to index
        %parallel_loop3A_866 = tpu.vector_load %arg6[%parallel_loop3A_863, %parallel_loop3A_864, %parallel_loop3A_865] {strides = array<i32>} : memref<2x104x416xf32, #tpu.memory_space<vmem>>, vector<16xf32>,
        %parallel_loop3A_867 = arith.mulf %parallel_loop3A_858, %parallel_loop3A_866 : vector<16xf32>
        %parallel_loop3A_868 = arith.addf %parallel_loop3A_785, %parallel_loop3A_867 : vector<16xf32>
        scf.yield %parallel_loop3A_786, %parallel_loop3A_787, %parallel_loop3A_788, %parallel_loop3A_789, %parallel_loop3A_814, %parallel_loop3A_832, %parallel_loop3A_850, %parallel_loop3A_868 : vector<16xf32>, vector<16xf32>, vector<16xf32>, vector<16xf32>, vector<16xf32>, vector<16xf32>, vector<16xf32>, vector<16xf32>
      } {sc.loop_unroll_factor = 4 : i64, sc.parallel_access}
      %parallel_loop3A_53 = arith.constant 0 : i32
      %parallel_loop3A_54 = arith.constant 26 : i32
      %parallel_loop3A_55 = arith.constant 1 : i32
      %parallel_loop3A_56:8 = scf.for %parallel_loop3A_781 = %parallel_loop3A_53 to %parallel_loop3A_54 step %parallel_loop3A_55 iter_args(%parallel_loop3A_782 = %parallel_loop3A_52#0, %parallel_loop3A_783 = %parallel_loop3A_52#1, %parallel_loop3A_784 = %parallel_loop3A_52#2, %parallel_loop3A_785 = %parallel_loop3A_52#3, %parallel_loop3A_786 = %parallel_loop3A_52#4, %parallel_loop3A_787 = %parallel_loop3A_52#5, %parallel_loop3A_788 = %parallel_loop3A_52#6, %parallel_loop3A_789 = %parallel_loop3A_52#7) -> (vector<16xf32>, vector<16xf32>, vector<16xf32>, vector<16xf32>, vector<16xf32>, vector<16xf32>, vector<16xf32>, vector<16xf32>)  : i32 {
        %parallel_loop3A_790 = arith.constant 3 : i32
        %parallel_loop3A_791 = arith.addi %parallel_loop3A_781, %parallel_loop3A_790 : i32
        %parallel_loop3A_792 = arith.constant 26 : i32
        %parallel_loop3A_793 = arith.cmpi sge, %parallel_loop3A_791, %parallel_loop3A_792 : i32
        %parallel_loop3A_794 = arith.constant 26 : i32
        %parallel_loop3A_795 = arith.subi %parallel_loop3A_791, %parallel_loop3A_794 : i32
        %parallel_loop3A_796 = arith.select %parallel_loop3A_793, %parallel_loop3A_795, %parallel_loop3A_791 : i32
        %parallel_loop3A_797 = arith.constant 0 : i32
        %parallel_loop3A_798 = arith.addi %parallel_loop3A_797, %parallel_loop3A_781 : i32
        %parallel_loop3A_799 = arith.constant 16 : i32
        %parallel_loop3A_800 = arith.muli %parallel_loop3A_796, %parallel_loop3A_799 : i32
        %parallel_loop3A_801 = arith.index_cast %rem3A_22 : i32 to index
        %parallel_loop3A_802 = arith.index_cast %parallel_loop3A_798 : i32 to index
        %parallel_loop3A_803 = arith.index_cast %parallel_loop3A_800 : i32 to index
        %parallel_loop3A_804 = tpu.vector_load %arg6[%parallel_loop3A_801, %parallel_loop3A_802, %parallel_loop3A_803] {strides = array<i32>} : memref<2x104x416xf32, #tpu.memory_space<vmem>>, vector<16xf32>,
        %parallel_loop3A_805 = arith.constant 0 : i32
        %parallel_loop3A_806 = arith.addi %parallel_loop3A_805, %parallel_loop3A_796 : i32
        %parallel_loop3A_807 = arith.constant 16 : i32
        %parallel_loop3A_808 = arith.muli %parallel_loop3A_781, %parallel_loop3A_807 : i32
        %parallel_loop3A_809 = arith.index_cast %rem3A_22 : i32 to index
        %parallel_loop3A_810 = arith.index_cast %parallel_loop3A_806 : i32 to index
        %parallel_loop3A_811 = arith.index_cast %parallel_loop3A_808 : i32 to index
        %parallel_loop3A_812 = tpu.vector_load %arg6[%parallel_loop3A_809, %parallel_loop3A_810, %parallel_loop3A_811] {strides = array<i32>} : memref<2x104x416xf32, #tpu.memory_space<vmem>>, vector<16xf32>,
        %parallel_loop3A_813 = arith.mulf %parallel_loop3A_804, %parallel_loop3A_812 : vector<16xf32>
        %parallel_loop3A_814 = arith.addf %parallel_loop3A_782, %parallel_loop3A_813 : vector<16xf32>
        %parallel_loop3A_815 = arith.constant 26 : i32
        %parallel_loop3A_816 = arith.addi %parallel_loop3A_815, %parallel_loop3A_781 : i32
        %parallel_loop3A_817 = arith.constant 16 : i32
        %parallel_loop3A_818 = arith.muli %parallel_loop3A_796, %parallel_loop3A_817 : i32
        %parallel_loop3A_819 = arith.index_cast %rem3A_22 : i32 to index
        %parallel_loop3A_820 = arith.index_cast %parallel_loop3A_816 : i32 to index
        %parallel_loop3A_821 = arith.index_cast %parallel_loop3A_818 : i32 to index
        %parallel_loop3A_822 = tpu.vector_load %arg6[%parallel_loop3A_819, %parallel_loop3A_820, %parallel_loop3A_821] {strides = array<i32>} : memref<2x104x416xf32, #tpu.memory_space<vmem>>, vector<16xf32>,
        %parallel_loop3A_823 = arith.constant 26 : i32
        %parallel_loop3A_824 = arith.addi %parallel_loop3A_823, %parallel_loop3A_796 : i32
        %parallel_loop3A_825 = arith.constant 16 : i32
        %parallel_loop3A_826 = arith.muli %parallel_loop3A_781, %parallel_loop3A_825 : i32
        %parallel_loop3A_827 = arith.index_cast %rem3A_22 : i32 to index
        %parallel_loop3A_828 = arith.index_cast %parallel_loop3A_824 : i32 to index
        %parallel_loop3A_829 = arith.index_cast %parallel_loop3A_826 : i32 to index
        %parallel_loop3A_830 = tpu.vector_load %arg6[%parallel_loop3A_827, %parallel_loop3A_828, %parallel_loop3A_829] {strides = array<i32>} : memref<2x104x416xf32, #tpu.memory_space<vmem>>, vector<16xf32>,
        %parallel_loop3A_831 = arith.mulf %parallel_loop3A_822, %parallel_loop3A_830 : vector<16xf32>
        %parallel_loop3A_832 = arith.addf %parallel_loop3A_783, %parallel_loop3A_831 : vector<16xf32>
        %parallel_loop3A_833 = arith.constant 52 : i32
        %parallel_loop3A_834 = arith.addi %parallel_loop3A_833, %parallel_loop3A_781 : i32
        %parallel_loop3A_835 = arith.constant 16 : i32
        %parallel_loop3A_836 = arith.muli %parallel_loop3A_796, %parallel_loop3A_835 : i32
        %parallel_loop3A_837 = arith.index_cast %rem3A_22 : i32 to index
        %parallel_loop3A_838 = arith.index_cast %parallel_loop3A_834 : i32 to index
        %parallel_loop3A_839 = arith.index_cast %parallel_loop3A_836 : i32 to index
        %parallel_loop3A_840 = tpu.vector_load %arg6[%parallel_loop3A_837, %parallel_loop3A_838, %parallel_loop3A_839] {strides = array<i32>} : memref<2x104x416xf32, #tpu.memory_space<vmem>>, vector<16xf32>,
        %parallel_loop3A_841 = arith.constant 52 : i32
        %parallel_loop3A_842 = arith.addi %parallel_loop3A_841, %parallel_loop3A_796 : i32
        %parallel_loop3A_843 = arith.constant 16 : i32
        %parallel_loop3A_844 = arith.muli %parallel_loop3A_781, %parallel_loop3A_843 : i32
        %parallel_loop3A_845 = arith.index_cast %rem3A_22 : i32 to index
        %parallel_loop3A_846 = arith.index_cast %parallel_loop3A_842 : i32 to index
        %parallel_loop3A_847 = arith.index_cast %parallel_loop3A_844 : i32 to index
        %parallel_loop3A_848 = tpu.vector_load %arg6[%parallel_loop3A_845, %parallel_loop3A_846, %parallel_loop3A_847] {strides = array<i32>} : memref<2x104x416xf32, #tpu.memory_space<vmem>>, vector<16xf32>,
        %parallel_loop3A_849 = arith.mulf %parallel_loop3A_840, %parallel_loop3A_848 : vector<16xf32>
        %parallel_loop3A_850 = arith.addf %parallel_loop3A_784, %parallel_loop3A_849 : vector<16xf32>
        %parallel_loop3A_851 = arith.constant 78 : i32
        %parallel_loop3A_852 = arith.addi %parallel_loop3A_851, %parallel_loop3A_781 : i32
        %parallel_loop3A_853 = arith.constant 16 : i32
        %parallel_loop3A_854 = arith.muli %parallel_loop3A_796, %parallel_loop3A_853 : i32
        %parallel_loop3A_855 = arith.index_cast %rem3A_22 : i32 to index
        %parallel_loop3A_856 = arith.index_cast %parallel_loop3A_852 : i32 to index
        %parallel_loop3A_857 = arith.index_cast %parallel_loop3A_854 : i32 to index
        %parallel_loop3A_858 = tpu.vector_load %arg6[%parallel_loop3A_855, %parallel_loop3A_856, %parallel_loop3A_857] {strides = array<i32>} : memref<2x104x416xf32, #tpu.memory_space<vmem>>, vector<16xf32>,
        %parallel_loop3A_859 = arith.constant 78 : i32
        %parallel_loop3A_860 = arith.addi %parallel_loop3A_859, %parallel_loop3A_796 : i32
        %parallel_loop3A_861 = arith.constant 16 : i32
        %parallel_loop3A_862 = arith.muli %parallel_loop3A_781, %parallel_loop3A_861 : i32
        %parallel_loop3A_863 = arith.index_cast %rem3A_22 : i32 to index
        %parallel_loop3A_864 = arith.index_cast %parallel_loop3A_860 : i32 to index
        %parallel_loop3A_865 = arith.index_cast %parallel_loop3A_862 : i32 to index
        %parallel_loop3A_866 = tpu.vector_load %arg6[%parallel_loop3A_863, %parallel_loop3A_864, %parallel_loop3A_865] {strides = array<i32>} : memref<2x104x416xf32, #tpu.memory_space<vmem>>, vector<16xf32>,
        %parallel_loop3A_867 = arith.mulf %parallel_loop3A_858, %parallel_loop3A_866 : vector<16xf32>
        %parallel_loop3A_868 = arith.addf %parallel_loop3A_785, %parallel_loop3A_867 : vector<16xf32>
        scf.yield %parallel_loop3A_786, %parallel_loop3A_787, %parallel_loop3A_788, %parallel_loop3A_789, %parallel_loop3A_814, %parallel_loop3A_832, %parallel_loop3A_850, %parallel_loop3A_868 : vector<16xf32>, vector<16xf32>, vector<16xf32>, vector<16xf32>, vector<16xf32>, vector<16xf32>, vector<16xf32>, vector<16xf32>
      } {sc.loop_unroll_factor = 4 : i64, sc.parallel_access}
      %parallel_loop3A_57 = arith.constant 0 : i32
      %parallel_loop3A_58 = arith.constant 26 : i32
      %parallel_loop3A_59 = arith.constant 1 : i32
      %parallel_loop3A_60:8 = scf.for %parallel_loop3A_781 = %parallel_loop3A_57 to %parallel_loop3A_58 step %parallel_loop3A_59 iter_args(%parallel_loop3A_782 = %parallel_loop3A_56#0, %parallel_loop3A_783 = %parallel_loop3A_56#1, %parallel_loop3A_784 = %parallel_loop3A_56#2, %parallel_loop3A_785 = %parallel_loop3A_56#3, %parallel_loop3A_786 = %parallel_loop3A_56#4, %parallel_loop3A_787 = %parallel_loop3A_56#5, %parallel_loop3A_788 = %parallel_loop3A_56#6, %parallel_loop3A_789 = %parallel_loop3A_56#7) -> (vector<16xf32>, vector<16xf32>, vector<16xf32>, vector<16xf32>, vector<16xf32>, vector<16xf32>, vector<16xf32>, vector<16xf32>)  : i32 {
        %parallel_loop3A_790 = arith.constant 4 : i32
        %parallel_loop3A_791 = arith.addi %parallel_loop3A_781, %parallel_loop3A_790 : i32
        %parallel_loop3A_792 = arith.constant 26 : i32
        %parallel_loop3A_793 = arith.cmpi sge, %parallel_loop3A_791, %parallel_loop3A_792 : i32
        %parallel_loop3A_794 = arith.constant 26 : i32
        %parallel_loop3A_795 = arith.subi %parallel_loop3A_791, %parallel_loop3A_794 : i32
        %parallel_loop3A_796 = arith.select %parallel_loop3A_793, %parallel_loop3A_795, %parallel_loop3A_791 : i32
        %parallel_loop3A_797 = arith.constant 0 : i32
        %parallel_loop3A_798 = arith.addi %parallel_loop3A_797, %parallel_loop3A_781 : i32
        %parallel_loop3A_799 = arith.constant 16 : i32
        %parallel_loop3A_800 = arith.muli %parallel_loop3A_796, %parallel_loop3A_799 : i32
        %parallel_loop3A_801 = arith.index_cast %rem3A_22 : i32 to index
        %parallel_loop3A_802 = arith.index_cast %parallel_loop3A_798 : i32 to index
        %parallel_loop3A_803 = arith.index_cast %parallel_loop3A_800 : i32 to index
        %parallel_loop3A_804 = tpu.vector_load %arg6[%parallel_loop3A_801, %parallel_loop3A_802, %parallel_loop3A_803] {strides = array<i32>} : memref<2x104x416xf32, #tpu.memory_space<vmem>>, vector<16xf32>,
        %parallel_loop3A_805 = arith.constant 0 : i32
        %parallel_loop3A_806 = arith.addi %parallel_loop3A_805, %parallel_loop3A_796 : i32
        %parallel_loop3A_807 = arith.constant 16 : i32
        %parallel_loop3A_808 = arith.muli %parallel_loop3A_781, %parallel_loop3A_807 : i32
        %parallel_loop3A_809 = arith.index_cast %rem3A_22 : i32 to index
        %parallel_loop3A_810 = arith.index_cast %parallel_loop3A_806 : i32 to index
        %parallel_loop3A_811 = arith.index_cast %parallel_loop3A_808 : i32 to index
        %parallel_loop3A_812 = tpu.vector_load %arg6[%parallel_loop3A_809, %parallel_loop3A_810, %parallel_loop3A_811] {strides = array<i32>} : memref<2x104x416xf32, #tpu.memory_space<vmem>>, vector<16xf32>,
        %parallel_loop3A_813 = arith.mulf %parallel_loop3A_804, %parallel_loop3A_812 : vector<16xf32>
        %parallel_loop3A_814 = arith.addf %parallel_loop3A_782, %parallel_loop3A_813 : vector<16xf32>
        %parallel_loop3A_815 = arith.constant 26 : i32
        %parallel_loop3A_816 = arith.addi %parallel_loop3A_815, %parallel_loop3A_781 : i32
        %parallel_loop3A_817 = arith.constant 16 : i32
        %parallel_loop3A_818 = arith.muli %parallel_loop3A_796, %parallel_loop3A_817 : i32
        %parallel_loop3A_819 = arith.index_cast %rem3A_22 : i32 to index
        %parallel_loop3A_820 = arith.index_cast %parallel_loop3A_816 : i32 to index
        %parallel_loop3A_821 = arith.index_cast %parallel_loop3A_818 : i32 to index
        %parallel_loop3A_822 = tpu.vector_load %arg6[%parallel_loop3A_819, %parallel_loop3A_820, %parallel_loop3A_821] {strides = array<i32>} : memref<2x104x416xf32, #tpu.memory_space<vmem>>, vector<16xf32>,
        %parallel_loop3A_823 = arith.constant 26 : i32
        %parallel_loop3A_824 = arith.addi %parallel_loop3A_823, %parallel_loop3A_796 : i32
        %parallel_loop3A_825 = arith.constant 16 : i32
        %parallel_loop3A_826 = arith.muli %parallel_loop3A_781, %parallel_loop3A_825 : i32
        %parallel_loop3A_827 = arith.index_cast %rem3A_22 : i32 to index
        %parallel_loop3A_828 = arith.index_cast %parallel_loop3A_824 : i32 to index
        %parallel_loop3A_829 = arith.index_cast %parallel_loop3A_826 : i32 to index
        %parallel_loop3A_830 = tpu.vector_load %arg6[%parallel_loop3A_827, %parallel_loop3A_828, %parallel_loop3A_829] {strides = array<i32>} : memref<2x104x416xf32, #tpu.memory_space<vmem>>, vector<16xf32>,
        %parallel_loop3A_831 = arith.mulf %parallel_loop3A_822, %parallel_loop3A_830 : vector<16xf32>
        %parallel_loop3A_832 = arith.addf %parallel_loop3A_783, %parallel_loop3A_831 : vector<16xf32>
        %parallel_loop3A_833 = arith.constant 52 : i32
        %parallel_loop3A_834 = arith.addi %parallel_loop3A_833, %parallel_loop3A_781 : i32
        %parallel_loop3A_835 = arith.constant 16 : i32
        %parallel_loop3A_836 = arith.muli %parallel_loop3A_796, %parallel_loop3A_835 : i32
        %parallel_loop3A_837 = arith.index_cast %rem3A_22 : i32 to index
        %parallel_loop3A_838 = arith.index_cast %parallel_loop3A_834 : i32 to index
        %parallel_loop3A_839 = arith.index_cast %parallel_loop3A_836 : i32 to index
        %parallel_loop3A_840 = tpu.vector_load %arg6[%parallel_loop3A_837, %parallel_loop3A_838, %parallel_loop3A_839] {strides = array<i32>} : memref<2x104x416xf32, #tpu.memory_space<vmem>>, vector<16xf32>,
        %parallel_loop3A_841 = arith.constant 52 : i32
        %parallel_loop3A_842 = arith.addi %parallel_loop3A_841, %parallel_loop3A_796 : i32
        %parallel_loop3A_843 = arith.constant 16 : i32
        %parallel_loop3A_844 = arith.muli %parallel_loop3A_781, %parallel_loop3A_843 : i32
        %parallel_loop3A_845 = arith.index_cast %rem3A_22 : i32 to index
        %parallel_loop3A_846 = arith.index_cast %parallel_loop3A_842 : i32 to index
        %parallel_loop3A_847 = arith.index_cast %parallel_loop3A_844 : i32 to index
        %parallel_loop3A_848 = tpu.vector_load %arg6[%parallel_loop3A_845, %parallel_loop3A_846, %parallel_loop3A_847] {strides = array<i32>} : memref<2x104x416xf32, #tpu.memory_space<vmem>>, vector<16xf32>,
        %parallel_loop3A_849 = arith.mulf %parallel_loop3A_840, %parallel_loop3A_848 : vector<16xf32>
        %parallel_loop3A_850 = arith.addf %parallel_loop3A_784, %parallel_loop3A_849 : vector<16xf32>
        %parallel_loop3A_851 = arith.constant 78 : i32
        %parallel_loop3A_852 = arith.addi %parallel_loop3A_851, %parallel_loop3A_781 : i32
        %parallel_loop3A_853 = arith.constant 16 : i32
        %parallel_loop3A_854 = arith.muli %parallel_loop3A_796, %parallel_loop3A_853 : i32
        %parallel_loop3A_855 = arith.index_cast %rem3A_22 : i32 to index
        %parallel_loop3A_856 = arith.index_cast %parallel_loop3A_852 : i32 to index
        %parallel_loop3A_857 = arith.index_cast %parallel_loop3A_854 : i32 to index
        %parallel_loop3A_858 = tpu.vector_load %arg6[%parallel_loop3A_855, %parallel_loop3A_856, %parallel_loop3A_857] {strides = array<i32>} : memref<2x104x416xf32, #tpu.memory_space<vmem>>, vector<16xf32>,
        %parallel_loop3A_859 = arith.constant 78 : i32
        %parallel_loop3A_860 = arith.addi %parallel_loop3A_859, %parallel_loop3A_796 : i32
        %parallel_loop3A_861 = arith.constant 16 : i32
        %parallel_loop3A_862 = arith.muli %parallel_loop3A_781, %parallel_loop3A_861 : i32
        %parallel_loop3A_863 = arith.index_cast %rem3A_22 : i32 to index
        %parallel_loop3A_864 = arith.index_cast %parallel_loop3A_860 : i32 to index
        %parallel_loop3A_865 = arith.index_cast %parallel_loop3A_862 : i32 to index
        %parallel_loop3A_866 = tpu.vector_load %arg6[%parallel_loop3A_863, %parallel_loop3A_864, %parallel_loop3A_865] {strides = array<i32>} : memref<2x104x416xf32, #tpu.memory_space<vmem>>, vector<16xf32>,
        %parallel_loop3A_867 = arith.mulf %parallel_loop3A_858, %parallel_loop3A_866 : vector<16xf32>
        %parallel_loop3A_868 = arith.addf %parallel_loop3A_785, %parallel_loop3A_867 : vector<16xf32>
        scf.yield %parallel_loop3A_786, %parallel_loop3A_787, %parallel_loop3A_788, %parallel_loop3A_789, %parallel_loop3A_814, %parallel_loop3A_832, %parallel_loop3A_850, %parallel_loop3A_868 : vector<16xf32>, vector<16xf32>, vector<16xf32>, vector<16xf32>, vector<16xf32>, vector<16xf32>, vector<16xf32>, vector<16xf32>
      } {sc.loop_unroll_factor = 4 : i64, sc.parallel_access}
      %parallel_loop3A_61 = arith.constant 0 : i32
      %parallel_loop3A_62 = arith.constant 26 : i32
      %parallel_loop3A_63 = arith.constant 1 : i32
      %parallel_loop3A_64:8 = scf.for %parallel_loop3A_781 = %parallel_loop3A_61 to %parallel_loop3A_62 step %parallel_loop3A_63 iter_args(%parallel_loop3A_782 = %parallel_loop3A_60#0, %parallel_loop3A_783 = %parallel_loop3A_60#1, %parallel_loop3A_784 = %parallel_loop3A_60#2, %parallel_loop3A_785 = %parallel_loop3A_60#3, %parallel_loop3A_786 = %parallel_loop3A_60#4, %parallel_loop3A_787 = %parallel_loop3A_60#5, %parallel_loop3A_788 = %parallel_loop3A_60#6, %parallel_loop3A_789 = %parallel_loop3A_60#7) -> (vector<16xf32>, vector<16xf32>, vector<16xf32>, vector<16xf32>, vector<16xf32>, vector<16xf32>, vector<16xf32>, vector<16xf32>)  : i32 {
        %parallel_loop3A_790 = arith.constant 5 : i32
        %parallel_loop3A_791 = arith.addi %parallel_loop3A_781, %parallel_loop3A_790 : i32
        %parallel_loop3A_792 = arith.constant 26 : i32
        %parallel_loop3A_793 = arith.cmpi sge, %parallel_loop3A_791, %parallel_loop3A_792 : i32
        %parallel_loop3A_794 = arith.constant 26 : i32
        %parallel_loop3A_795 = arith.subi %parallel_loop3A_791, %parallel_loop3A_794 : i32
        %parallel_loop3A_796 = arith.select %parallel_loop3A_793, %parallel_loop3A_795, %parallel_loop3A_791 : i32
        %parallel_loop3A_797 = arith.constant 0 : i32
        %parallel_loop3A_798 = arith.addi %parallel_loop3A_797, %parallel_loop3A_781 : i32
        %parallel_loop3A_799 = arith.constant 16 : i32
        %parallel_loop3A_800 = arith.muli %parallel_loop3A_796, %parallel_loop3A_799 : i32
        %parallel_loop3A_801 = arith.index_cast %rem3A_22 : i32 to index
        %parallel_loop3A_802 = arith.index_cast %parallel_loop3A_798 : i32 to index
        %parallel_loop3A_803 = arith.index_cast %parallel_loop3A_800 : i32 to index
        %parallel_loop3A_804 = tpu.vector_load %arg6[%parallel_loop3A_801, %parallel_loop3A_802, %parallel_loop3A_803] {strides = array<i32>} : memref<2x104x416xf32, #tpu.memory_space<vmem>>, vector<16xf32>,
        %parallel_loop3A_805 = arith.constant 0 : i32
        %parallel_loop3A_806 = arith.addi %parallel_loop3A_805, %parallel_loop3A_796 : i32
        %parallel_loop3A_807 = arith.constant 16 : i32
        %parallel_loop3A_808 = arith.muli %parallel_loop3A_781, %parallel_loop3A_807 : i32
        %parallel_loop3A_809 = arith.index_cast %rem3A_22 : i32 to index
        %parallel_loop3A_810 = arith.index_cast %parallel_loop3A_806 : i32 to index
        %parallel_loop3A_811 = arith.index_cast %parallel_loop3A_808 : i32 to index
        %parallel_loop3A_812 = tpu.vector_load %arg6[%parallel_loop3A_809, %parallel_loop3A_810, %parallel_loop3A_811] {strides = array<i32>} : memref<2x104x416xf32, #tpu.memory_space<vmem>>, vector<16xf32>,
        %parallel_loop3A_813 = arith.mulf %parallel_loop3A_804, %parallel_loop3A_812 : vector<16xf32>
        %parallel_loop3A_814 = arith.addf %parallel_loop3A_782, %parallel_loop3A_813 : vector<16xf32>
        %parallel_loop3A_815 = arith.constant 26 : i32
        %parallel_loop3A_816 = arith.addi %parallel_loop3A_815, %parallel_loop3A_781 : i32
        %parallel_loop3A_817 = arith.constant 16 : i32
        %parallel_loop3A_818 = arith.muli %parallel_loop3A_796, %parallel_loop3A_817 : i32
        %parallel_loop3A_819 = arith.index_cast %rem3A_22 : i32 to index
        %parallel_loop3A_820 = arith.index_cast %parallel_loop3A_816 : i32 to index
        %parallel_loop3A_821 = arith.index_cast %parallel_loop3A_818 : i32 to index
        %parallel_loop3A_822 = tpu.vector_load %arg6[%parallel_loop3A_819, %parallel_loop3A_820, %parallel_loop3A_821] {strides = array<i32>} : memref<2x104x416xf32, #tpu.memory_space<vmem>>, vector<16xf32>,
        %parallel_loop3A_823 = arith.constant 26 : i32
        %parallel_loop3A_824 = arith.addi %parallel_loop3A_823, %parallel_loop3A_796 : i32
        %parallel_loop3A_825 = arith.constant 16 : i32
        %parallel_loop3A_826 = arith.muli %parallel_loop3A_781, %parallel_loop3A_825 : i32
        %parallel_loop3A_827 = arith.index_cast %rem3A_22 : i32 to index
        %parallel_loop3A_828 = arith.index_cast %parallel_loop3A_824 : i32 to index
        %parallel_loop3A_829 = arith.index_cast %parallel_loop3A_826 : i32 to index
        %parallel_loop3A_830 = tpu.vector_load %arg6[%parallel_loop3A_827, %parallel_loop3A_828, %parallel_loop3A_829] {strides = array<i32>} : memref<2x104x416xf32, #tpu.memory_space<vmem>>, vector<16xf32>,
        %parallel_loop3A_831 = arith.mulf %parallel_loop3A_822, %parallel_loop3A_830 : vector<16xf32>
        %parallel_loop3A_832 = arith.addf %parallel_loop3A_783, %parallel_loop3A_831 : vector<16xf32>
        %parallel_loop3A_833 = arith.constant 52 : i32
        %parallel_loop3A_834 = arith.addi %parallel_loop3A_833, %parallel_loop3A_781 : i32
        %parallel_loop3A_835 = arith.constant 16 : i32
        %parallel_loop3A_836 = arith.muli %parallel_loop3A_796, %parallel_loop3A_835 : i32
        %parallel_loop3A_837 = arith.index_cast %rem3A_22 : i32 to index
        %parallel_loop3A_838 = arith.index_cast %parallel_loop3A_834 : i32 to index
        %parallel_loop3A_839 = arith.index_cast %parallel_loop3A_836 : i32 to index
        %parallel_loop3A_840 = tpu.vector_load %arg6[%parallel_loop3A_837, %parallel_loop3A_838, %parallel_loop3A_839] {strides = array<i32>} : memref<2x104x416xf32, #tpu.memory_space<vmem>>, vector<16xf32>,
        %parallel_loop3A_841 = arith.constant 52 : i32
        %parallel_loop3A_842 = arith.addi %parallel_loop3A_841, %parallel_loop3A_796 : i32
        %parallel_loop3A_843 = arith.constant 16 : i32
        %parallel_loop3A_844 = arith.muli %parallel_loop3A_781, %parallel_loop3A_843 : i32
        %parallel_loop3A_845 = arith.index_cast %rem3A_22 : i32 to index
        %parallel_loop3A_846 = arith.index_cast %parallel_loop3A_842 : i32 to index
        %parallel_loop3A_847 = arith.index_cast %parallel_loop3A_844 : i32 to index
        %parallel_loop3A_848 = tpu.vector_load %arg6[%parallel_loop3A_845, %parallel_loop3A_846, %parallel_loop3A_847] {strides = array<i32>} : memref<2x104x416xf32, #tpu.memory_space<vmem>>, vector<16xf32>,
        %parallel_loop3A_849 = arith.mulf %parallel_loop3A_840, %parallel_loop3A_848 : vector<16xf32>
        %parallel_loop3A_850 = arith.addf %parallel_loop3A_784, %parallel_loop3A_849 : vector<16xf32>
        %parallel_loop3A_851 = arith.constant 78 : i32
        %parallel_loop3A_852 = arith.addi %parallel_loop3A_851, %parallel_loop3A_781 : i32
        %parallel_loop3A_853 = arith.constant 16 : i32
        %parallel_loop3A_854 = arith.muli %parallel_loop3A_796, %parallel_loop3A_853 : i32
        %parallel_loop3A_855 = arith.index_cast %rem3A_22 : i32 to index
        %parallel_loop3A_856 = arith.index_cast %parallel_loop3A_852 : i32 to index
        %parallel_loop3A_857 = arith.index_cast %parallel_loop3A_854 : i32 to index
        %parallel_loop3A_858 = tpu.vector_load %arg6[%parallel_loop3A_855, %parallel_loop3A_856, %parallel_loop3A_857] {strides = array<i32>} : memref<2x104x416xf32, #tpu.memory_space<vmem>>, vector<16xf32>,
        %parallel_loop3A_859 = arith.constant 78 : i32
        %parallel_loop3A_860 = arith.addi %parallel_loop3A_859, %parallel_loop3A_796 : i32
        %parallel_loop3A_861 = arith.constant 16 : i32
        %parallel_loop3A_862 = arith.muli %parallel_loop3A_781, %parallel_loop3A_861 : i32
        %parallel_loop3A_863 = arith.index_cast %rem3A_22 : i32 to index
        %parallel_loop3A_864 = arith.index_cast %parallel_loop3A_860 : i32 to index
        %parallel_loop3A_865 = arith.index_cast %parallel_loop3A_862 : i32 to index
        %parallel_loop3A_866 = tpu.vector_load %arg6[%parallel_loop3A_863, %parallel_loop3A_864, %parallel_loop3A_865] {strides = array<i32>} : memref<2x104x416xf32, #tpu.memory_space<vmem>>, vector<16xf32>,
        %parallel_loop3A_867 = arith.mulf %parallel_loop3A_858, %parallel_loop3A_866 : vector<16xf32>
        %parallel_loop3A_868 = arith.addf %parallel_loop3A_785, %parallel_loop3A_867 : vector<16xf32>
        scf.yield %parallel_loop3A_786, %parallel_loop3A_787, %parallel_loop3A_788, %parallel_loop3A_789, %parallel_loop3A_814, %parallel_loop3A_832, %parallel_loop3A_850, %parallel_loop3A_868 : vector<16xf32>, vector<16xf32>, vector<16xf32>, vector<16xf32>, vector<16xf32>, vector<16xf32>, vector<16xf32>, vector<16xf32>
      } {sc.loop_unroll_factor = 4 : i64, sc.parallel_access}
      %parallel_loop3A_65 = arith.constant 0 : i32
      %parallel_loop3A_66 = arith.constant 26 : i32
      %parallel_loop3A_67 = arith.constant 1 : i32
      %parallel_loop3A_68:8 = scf.for %parallel_loop3A_781 = %parallel_loop3A_65 to %parallel_loop3A_66 step %parallel_loop3A_67 iter_args(%parallel_loop3A_782 = %parallel_loop3A_64#0, %parallel_loop3A_783 = %parallel_loop3A_64#1, %parallel_loop3A_784 = %parallel_loop3A_64#2, %parallel_loop3A_785 = %parallel_loop3A_64#3, %parallel_loop3A_786 = %parallel_loop3A_64#4, %parallel_loop3A_787 = %parallel_loop3A_64#5, %parallel_loop3A_788 = %parallel_loop3A_64#6, %parallel_loop3A_789 = %parallel_loop3A_64#7) -> (vector<16xf32>, vector<16xf32>, vector<16xf32>, vector<16xf32>, vector<16xf32>, vector<16xf32>, vector<16xf32>, vector<16xf32>)  : i32 {
        %parallel_loop3A_790 = arith.constant 6 : i32
        %parallel_loop3A_791 = arith.addi %parallel_loop3A_781, %parallel_loop3A_790 : i32
        %parallel_loop3A_792 = arith.constant 26 : i32
        %parallel_loop3A_793 = arith.cmpi sge, %parallel_loop3A_791, %parallel_loop3A_792 : i32
        %parallel_loop3A_794 = arith.constant 26 : i32
        %parallel_loop3A_795 = arith.subi %parallel_loop3A_791, %parallel_loop3A_794 : i32
        %parallel_loop3A_796 = arith.select %parallel_loop3A_793, %parallel_loop3A_795, %parallel_loop3A_791 : i32
        %parallel_loop3A_797 = arith.constant 0 : i32
        %parallel_loop3A_798 = arith.addi %parallel_loop3A_797, %parallel_loop3A_781 : i32
        %parallel_loop3A_799 = arith.constant 16 : i32
        %parallel_loop3A_800 = arith.muli %parallel_loop3A_796, %parallel_loop3A_799 : i32
        %parallel_loop3A_801 = arith.index_cast %rem3A_22 : i32 to index
        %parallel_loop3A_802 = arith.index_cast %parallel_loop3A_798 : i32 to index
        %parallel_loop3A_803 = arith.index_cast %parallel_loop3A_800 : i32 to index
        %parallel_loop3A_804 = tpu.vector_load %arg6[%parallel_loop3A_801, %parallel_loop3A_802, %parallel_loop3A_803] {strides = array<i32>} : memref<2x104x416xf32, #tpu.memory_space<vmem>>, vector<16xf32>,
        %parallel_loop3A_805 = arith.constant 0 : i32
        %parallel_loop3A_806 = arith.addi %parallel_loop3A_805, %parallel_loop3A_796 : i32
        %parallel_loop3A_807 = arith.constant 16 : i32
        %parallel_loop3A_808 = arith.muli %parallel_loop3A_781, %parallel_loop3A_807 : i32
        %parallel_loop3A_809 = arith.index_cast %rem3A_22 : i32 to index
        %parallel_loop3A_810 = arith.index_cast %parallel_loop3A_806 : i32 to index
        %parallel_loop3A_811 = arith.index_cast %parallel_loop3A_808 : i32 to index
        %parallel_loop3A_812 = tpu.vector_load %arg6[%parallel_loop3A_809, %parallel_loop3A_810, %parallel_loop3A_811] {strides = array<i32>} : memref<2x104x416xf32, #tpu.memory_space<vmem>>, vector<16xf32>,
        %parallel_loop3A_813 = arith.mulf %parallel_loop3A_804, %parallel_loop3A_812 : vector<16xf32>
        %parallel_loop3A_814 = arith.addf %parallel_loop3A_782, %parallel_loop3A_813 : vector<16xf32>
        %parallel_loop3A_815 = arith.constant 26 : i32
        %parallel_loop3A_816 = arith.addi %parallel_loop3A_815, %parallel_loop3A_781 : i32
        %parallel_loop3A_817 = arith.constant 16 : i32
        %parallel_loop3A_818 = arith.muli %parallel_loop3A_796, %parallel_loop3A_817 : i32
        %parallel_loop3A_819 = arith.index_cast %rem3A_22 : i32 to index
        %parallel_loop3A_820 = arith.index_cast %parallel_loop3A_816 : i32 to index
        %parallel_loop3A_821 = arith.index_cast %parallel_loop3A_818 : i32 to index
        %parallel_loop3A_822 = tpu.vector_load %arg6[%parallel_loop3A_819, %parallel_loop3A_820, %parallel_loop3A_821] {strides = array<i32>} : memref<2x104x416xf32, #tpu.memory_space<vmem>>, vector<16xf32>,
        %parallel_loop3A_823 = arith.constant 26 : i32
        %parallel_loop3A_824 = arith.addi %parallel_loop3A_823, %parallel_loop3A_796 : i32
        %parallel_loop3A_825 = arith.constant 16 : i32
        %parallel_loop3A_826 = arith.muli %parallel_loop3A_781, %parallel_loop3A_825 : i32
        %parallel_loop3A_827 = arith.index_cast %rem3A_22 : i32 to index
        %parallel_loop3A_828 = arith.index_cast %parallel_loop3A_824 : i32 to index
        %parallel_loop3A_829 = arith.index_cast %parallel_loop3A_826 : i32 to index
        %parallel_loop3A_830 = tpu.vector_load %arg6[%parallel_loop3A_827, %parallel_loop3A_828, %parallel_loop3A_829] {strides = array<i32>} : memref<2x104x416xf32, #tpu.memory_space<vmem>>, vector<16xf32>,
        %parallel_loop3A_831 = arith.mulf %parallel_loop3A_822, %parallel_loop3A_830 : vector<16xf32>
        %parallel_loop3A_832 = arith.addf %parallel_loop3A_783, %parallel_loop3A_831 : vector<16xf32>
        %parallel_loop3A_833 = arith.constant 52 : i32
        %parallel_loop3A_834 = arith.addi %parallel_loop3A_833, %parallel_loop3A_781 : i32
        %parallel_loop3A_835 = arith.constant 16 : i32
        %parallel_loop3A_836 = arith.muli %parallel_loop3A_796, %parallel_loop3A_835 : i32
        %parallel_loop3A_837 = arith.index_cast %rem3A_22 : i32 to index
        %parallel_loop3A_838 = arith.index_cast %parallel_loop3A_834 : i32 to index
        %parallel_loop3A_839 = arith.index_cast %parallel_loop3A_836 : i32 to index
        %parallel_loop3A_840 = tpu.vector_load %arg6[%parallel_loop3A_837, %parallel_loop3A_838, %parallel_loop3A_839] {strides = array<i32>} : memref<2x104x416xf32, #tpu.memory_space<vmem>>, vector<16xf32>,
        %parallel_loop3A_841 = arith.constant 52 : i32
        %parallel_loop3A_842 = arith.addi %parallel_loop3A_841, %parallel_loop3A_796 : i32
        %parallel_loop3A_843 = arith.constant 16 : i32
        %parallel_loop3A_844 = arith.muli %parallel_loop3A_781, %parallel_loop3A_843 : i32
        %parallel_loop3A_845 = arith.index_cast %rem3A_22 : i32 to index
        %parallel_loop3A_846 = arith.index_cast %parallel_loop3A_842 : i32 to index
        %parallel_loop3A_847 = arith.index_cast %parallel_loop3A_844 : i32 to index
        %parallel_loop3A_848 = tpu.vector_load %arg6[%parallel_loop3A_845, %parallel_loop3A_846, %parallel_loop3A_847] {strides = array<i32>} : memref<2x104x416xf32, #tpu.memory_space<vmem>>, vector<16xf32>,
        %parallel_loop3A_849 = arith.mulf %parallel_loop3A_840, %parallel_loop3A_848 : vector<16xf32>
        %parallel_loop3A_850 = arith.addf %parallel_loop3A_784, %parallel_loop3A_849 : vector<16xf32>
        %parallel_loop3A_851 = arith.constant 78 : i32
        %parallel_loop3A_852 = arith.addi %parallel_loop3A_851, %parallel_loop3A_781 : i32
        %parallel_loop3A_853 = arith.constant 16 : i32
        %parallel_loop3A_854 = arith.muli %parallel_loop3A_796, %parallel_loop3A_853 : i32
        %parallel_loop3A_855 = arith.index_cast %rem3A_22 : i32 to index
        %parallel_loop3A_856 = arith.index_cast %parallel_loop3A_852 : i32 to index
        %parallel_loop3A_857 = arith.index_cast %parallel_loop3A_854 : i32 to index
        %parallel_loop3A_858 = tpu.vector_load %arg6[%parallel_loop3A_855, %parallel_loop3A_856, %parallel_loop3A_857] {strides = array<i32>} : memref<2x104x416xf32, #tpu.memory_space<vmem>>, vector<16xf32>,
        %parallel_loop3A_859 = arith.constant 78 : i32
        %parallel_loop3A_860 = arith.addi %parallel_loop3A_859, %parallel_loop3A_796 : i32
        %parallel_loop3A_861 = arith.constant 16 : i32
        %parallel_loop3A_862 = arith.muli %parallel_loop3A_781, %parallel_loop3A_861 : i32
        %parallel_loop3A_863 = arith.index_cast %rem3A_22 : i32 to index
        %parallel_loop3A_864 = arith.index_cast %parallel_loop3A_860 : i32 to index
        %parallel_loop3A_865 = arith.index_cast %parallel_loop3A_862 : i32 to index
        %parallel_loop3A_866 = tpu.vector_load %arg6[%parallel_loop3A_863, %parallel_loop3A_864, %parallel_loop3A_865] {strides = array<i32>} : memref<2x104x416xf32, #tpu.memory_space<vmem>>, vector<16xf32>,
        %parallel_loop3A_867 = arith.mulf %parallel_loop3A_858, %parallel_loop3A_866 : vector<16xf32>
        %parallel_loop3A_868 = arith.addf %parallel_loop3A_785, %parallel_loop3A_867 : vector<16xf32>
        scf.yield %parallel_loop3A_786, %parallel_loop3A_787, %parallel_loop3A_788, %parallel_loop3A_789, %parallel_loop3A_814, %parallel_loop3A_832, %parallel_loop3A_850, %parallel_loop3A_868 : vector<16xf32>, vector<16xf32>, vector<16xf32>, vector<16xf32>, vector<16xf32>, vector<16xf32>, vector<16xf32>, vector<16xf32>
      } {sc.loop_unroll_factor = 4 : i64, sc.parallel_access}
      %parallel_loop3A_69 = arith.constant 0 : i32
      %parallel_loop3A_70 = arith.constant 26 : i32
      %parallel_loop3A_71 = arith.constant 1 : i32
      %parallel_loop3A_72:8 = scf.for %parallel_loop3A_781 = %parallel_loop3A_69 to %parallel_loop3A_70 step %parallel_loop3A_71 iter_args(%parallel_loop3A_782 = %parallel_loop3A_68#0, %parallel_loop3A_783 = %parallel_loop3A_68#1, %parallel_loop3A_784 = %parallel_loop3A_68#2, %parallel_loop3A_785 = %parallel_loop3A_68#3, %parallel_loop3A_786 = %parallel_loop3A_68#4, %parallel_loop3A_787 = %parallel_loop3A_68#5, %parallel_loop3A_788 = %parallel_loop3A_68#6, %parallel_loop3A_789 = %parallel_loop3A_68#7) -> (vector<16xf32>, vector<16xf32>, vector<16xf32>, vector<16xf32>, vector<16xf32>, vector<16xf32>, vector<16xf32>, vector<16xf32>)  : i32 {
        %parallel_loop3A_790 = arith.constant 7 : i32
        %parallel_loop3A_791 = arith.addi %parallel_loop3A_781, %parallel_loop3A_790 : i32
        %parallel_loop3A_792 = arith.constant 26 : i32
        %parallel_loop3A_793 = arith.cmpi sge, %parallel_loop3A_791, %parallel_loop3A_792 : i32
        %parallel_loop3A_794 = arith.constant 26 : i32
        %parallel_loop3A_795 = arith.subi %parallel_loop3A_791, %parallel_loop3A_794 : i32
        %parallel_loop3A_796 = arith.select %parallel_loop3A_793, %parallel_loop3A_795, %parallel_loop3A_791 : i32
        %parallel_loop3A_797 = arith.constant 0 : i32
        %parallel_loop3A_798 = arith.addi %parallel_loop3A_797, %parallel_loop3A_781 : i32
        %parallel_loop3A_799 = arith.constant 16 : i32
        %parallel_loop3A_800 = arith.muli %parallel_loop3A_796, %parallel_loop3A_799 : i32
        %parallel_loop3A_801 = arith.index_cast %rem3A_22 : i32 to index
        %parallel_loop3A_802 = arith.index_cast %parallel_loop3A_798 : i32 to index
        %parallel_loop3A_803 = arith.index_cast %parallel_loop3A_800 : i32 to index
        %parallel_loop3A_804 = tpu.vector_load %arg6[%parallel_loop3A_801, %parallel_loop3A_802, %parallel_loop3A_803] {strides = array<i32>} : memref<2x104x416xf32, #tpu.memory_space<vmem>>, vector<16xf32>,
        %parallel_loop3A_805 = arith.constant 0 : i32
        %parallel_loop3A_806 = arith.addi %parallel_loop3A_805, %parallel_loop3A_796 : i32
        %parallel_loop3A_807 = arith.constant 16 : i32
        %parallel_loop3A_808 = arith.muli %parallel_loop3A_781, %parallel_loop3A_807 : i32
        %parallel_loop3A_809 = arith.index_cast %rem3A_22 : i32 to index
        %parallel_loop3A_810 = arith.index_cast %parallel_loop3A_806 : i32 to index
        %parallel_loop3A_811 = arith.index_cast %parallel_loop3A_808 : i32 to index
        %parallel_loop3A_812 = tpu.vector_load %arg6[%parallel_loop3A_809, %parallel_loop3A_810, %parallel_loop3A_811] {strides = array<i32>} : memref<2x104x416xf32, #tpu.memory_space<vmem>>, vector<16xf32>,
        %parallel_loop3A_813 = arith.mulf %parallel_loop3A_804, %parallel_loop3A_812 : vector<16xf32>
        %parallel_loop3A_814 = arith.addf %parallel_loop3A_782, %parallel_loop3A_813 : vector<16xf32>
        %parallel_loop3A_815 = arith.constant 26 : i32
        %parallel_loop3A_816 = arith.addi %parallel_loop3A_815, %parallel_loop3A_781 : i32
        %parallel_loop3A_817 = arith.constant 16 : i32
        %parallel_loop3A_818 = arith.muli %parallel_loop3A_796, %parallel_loop3A_817 : i32
        %parallel_loop3A_819 = arith.index_cast %rem3A_22 : i32 to index
        %parallel_loop3A_820 = arith.index_cast %parallel_loop3A_816 : i32 to index
        %parallel_loop3A_821 = arith.index_cast %parallel_loop3A_818 : i32 to index
        %parallel_loop3A_822 = tpu.vector_load %arg6[%parallel_loop3A_819, %parallel_loop3A_820, %parallel_loop3A_821] {strides = array<i32>} : memref<2x104x416xf32, #tpu.memory_space<vmem>>, vector<16xf32>,
        %parallel_loop3A_823 = arith.constant 26 : i32
        %parallel_loop3A_824 = arith.addi %parallel_loop3A_823, %parallel_loop3A_796 : i32
        %parallel_loop3A_825 = arith.constant 16 : i32
        %parallel_loop3A_826 = arith.muli %parallel_loop3A_781, %parallel_loop3A_825 : i32
        %parallel_loop3A_827 = arith.index_cast %rem3A_22 : i32 to index
        %parallel_loop3A_828 = arith.index_cast %parallel_loop3A_824 : i32 to index
        %parallel_loop3A_829 = arith.index_cast %parallel_loop3A_826 : i32 to index
        %parallel_loop3A_830 = tpu.vector_load %arg6[%parallel_loop3A_827, %parallel_loop3A_828, %parallel_loop3A_829] {strides = array<i32>} : memref<2x104x416xf32, #tpu.memory_space<vmem>>, vector<16xf32>,
        %parallel_loop3A_831 = arith.mulf %parallel_loop3A_822, %parallel_loop3A_830 : vector<16xf32>
        %parallel_loop3A_832 = arith.addf %parallel_loop3A_783, %parallel_loop3A_831 : vector<16xf32>
        %parallel_loop3A_833 = arith.constant 52 : i32
        %parallel_loop3A_834 = arith.addi %parallel_loop3A_833, %parallel_loop3A_781 : i32
        %parallel_loop3A_835 = arith.constant 16 : i32
        %parallel_loop3A_836 = arith.muli %parallel_loop3A_796, %parallel_loop3A_835 : i32
        %parallel_loop3A_837 = arith.index_cast %rem3A_22 : i32 to index
        %parallel_loop3A_838 = arith.index_cast %parallel_loop3A_834 : i32 to index
        %parallel_loop3A_839 = arith.index_cast %parallel_loop3A_836 : i32 to index
        %parallel_loop3A_840 = tpu.vector_load %arg6[%parallel_loop3A_837, %parallel_loop3A_838, %parallel_loop3A_839] {strides = array<i32>} : memref<2x104x416xf32, #tpu.memory_space<vmem>>, vector<16xf32>,
        %parallel_loop3A_841 = arith.constant 52 : i32
        %parallel_loop3A_842 = arith.addi %parallel_loop3A_841, %parallel_loop3A_796 : i32
        %parallel_loop3A_843 = arith.constant 16 : i32
        %parallel_loop3A_844 = arith.muli %parallel_loop3A_781, %parallel_loop3A_843 : i32
        %parallel_loop3A_845 = arith.index_cast %rem3A_22 : i32 to index
        %parallel_loop3A_846 = arith.index_cast %parallel_loop3A_842 : i32 to index
        %parallel_loop3A_847 = arith.index_cast %parallel_loop3A_844 : i32 to index
        %parallel_loop3A_848 = tpu.vector_load %arg6[%parallel_loop3A_845, %parallel_loop3A_846, %parallel_loop3A_847] {strides = array<i32>} : memref<2x104x416xf32, #tpu.memory_space<vmem>>, vector<16xf32>,
        %parallel_loop3A_849 = arith.mulf %parallel_loop3A_840, %parallel_loop3A_848 : vector<16xf32>
        %parallel_loop3A_850 = arith.addf %parallel_loop3A_784, %parallel_loop3A_849 : vector<16xf32>
        %parallel_loop3A_851 = arith.constant 78 : i32
        %parallel_loop3A_852 = arith.addi %parallel_loop3A_851, %parallel_loop3A_781 : i32
        %parallel_loop3A_853 = arith.constant 16 : i32
        %parallel_loop3A_854 = arith.muli %parallel_loop3A_796, %parallel_loop3A_853 : i32
        %parallel_loop3A_855 = arith.index_cast %rem3A_22 : i32 to index
        %parallel_loop3A_856 = arith.index_cast %parallel_loop3A_852 : i32 to index
        %parallel_loop3A_857 = arith.index_cast %parallel_loop3A_854 : i32 to index
        %parallel_loop3A_858 = tpu.vector_load %arg6[%parallel_loop3A_855, %parallel_loop3A_856, %parallel_loop3A_857] {strides = array<i32>} : memref<2x104x416xf32, #tpu.memory_space<vmem>>, vector<16xf32>,
        %parallel_loop3A_859 = arith.constant 78 : i32
        %parallel_loop3A_860 = arith.addi %parallel_loop3A_859, %parallel_loop3A_796 : i32
        %parallel_loop3A_861 = arith.constant 16 : i32
        %parallel_loop3A_862 = arith.muli %parallel_loop3A_781, %parallel_loop3A_861 : i32
        %parallel_loop3A_863 = arith.index_cast %rem3A_22 : i32 to index
        %parallel_loop3A_864 = arith.index_cast %parallel_loop3A_860 : i32 to index
        %parallel_loop3A_865 = arith.index_cast %parallel_loop3A_862 : i32 to index
        %parallel_loop3A_866 = tpu.vector_load %arg6[%parallel_loop3A_863, %parallel_loop3A_864, %parallel_loop3A_865] {strides = array<i32>} : memref<2x104x416xf32, #tpu.memory_space<vmem>>, vector<16xf32>,
        %parallel_loop3A_867 = arith.mulf %parallel_loop3A_858, %parallel_loop3A_866 : vector<16xf32>
        %parallel_loop3A_868 = arith.addf %parallel_loop3A_785, %parallel_loop3A_867 : vector<16xf32>
        scf.yield %parallel_loop3A_786, %parallel_loop3A_787, %parallel_loop3A_788, %parallel_loop3A_789, %parallel_loop3A_814, %parallel_loop3A_832, %parallel_loop3A_850, %parallel_loop3A_868 : vector<16xf32>, vector<16xf32>, vector<16xf32>, vector<16xf32>, vector<16xf32>, vector<16xf32>, vector<16xf32>, vector<16xf32>
      } {sc.loop_unroll_factor = 4 : i64, sc.parallel_access}
      %parallel_loop3A_73 = arith.constant 0 : i32
      %parallel_loop3A_74 = arith.constant 26 : i32
      %parallel_loop3A_75 = arith.constant 1 : i32
      %parallel_loop3A_76:8 = scf.for %parallel_loop3A_781 = %parallel_loop3A_73 to %parallel_loop3A_74 step %parallel_loop3A_75 iter_args(%parallel_loop3A_782 = %parallel_loop3A_72#0, %parallel_loop3A_783 = %parallel_loop3A_72#1, %parallel_loop3A_784 = %parallel_loop3A_72#2, %parallel_loop3A_785 = %parallel_loop3A_72#3, %parallel_loop3A_786 = %parallel_loop3A_72#4, %parallel_loop3A_787 = %parallel_loop3A_72#5, %parallel_loop3A_788 = %parallel_loop3A_72#6, %parallel_loop3A_789 = %parallel_loop3A_72#7) -> (vector<16xf32>, vector<16xf32>, vector<16xf32>, vector<16xf32>, vector<16xf32>, vector<16xf32>, vector<16xf32>, vector<16xf32>)  : i32 {
        %parallel_loop3A_790 = arith.constant 8 : i32
        %parallel_loop3A_791 = arith.addi %parallel_loop3A_781, %parallel_loop3A_790 : i32
        %parallel_loop3A_792 = arith.constant 26 : i32
        %parallel_loop3A_793 = arith.cmpi sge, %parallel_loop3A_791, %parallel_loop3A_792 : i32
        %parallel_loop3A_794 = arith.constant 26 : i32
        %parallel_loop3A_795 = arith.subi %parallel_loop3A_791, %parallel_loop3A_794 : i32
        %parallel_loop3A_796 = arith.select %parallel_loop3A_793, %parallel_loop3A_795, %parallel_loop3A_791 : i32
        %parallel_loop3A_797 = arith.constant 0 : i32
        %parallel_loop3A_798 = arith.addi %parallel_loop3A_797, %parallel_loop3A_781 : i32
        %parallel_loop3A_799 = arith.constant 16 : i32
        %parallel_loop3A_800 = arith.muli %parallel_loop3A_796, %parallel_loop3A_799 : i32
        %parallel_loop3A_801 = arith.index_cast %rem3A_22 : i32 to index
        %parallel_loop3A_802 = arith.index_cast %parallel_loop3A_798 : i32 to index
        %parallel_loop3A_803 = arith.index_cast %parallel_loop3A_800 : i32 to index
        %parallel_loop3A_804 = tpu.vector_load %arg6[%parallel_loop3A_801, %parallel_loop3A_802, %parallel_loop3A_803] {strides = array<i32>} : memref<2x104x416xf32, #tpu.memory_space<vmem>>, vector<16xf32>,
        %parallel_loop3A_805 = arith.constant 0 : i32
        %parallel_loop3A_806 = arith.addi %parallel_loop3A_805, %parallel_loop3A_796 : i32
        %parallel_loop3A_807 = arith.constant 16 : i32
        %parallel_loop3A_808 = arith.muli %parallel_loop3A_781, %parallel_loop3A_807 : i32
        %parallel_loop3A_809 = arith.index_cast %rem3A_22 : i32 to index
        %parallel_loop3A_810 = arith.index_cast %parallel_loop3A_806 : i32 to index
        %parallel_loop3A_811 = arith.index_cast %parallel_loop3A_808 : i32 to index
        %parallel_loop3A_812 = tpu.vector_load %arg6[%parallel_loop3A_809, %parallel_loop3A_810, %parallel_loop3A_811] {strides = array<i32>} : memref<2x104x416xf32, #tpu.memory_space<vmem>>, vector<16xf32>,
        %parallel_loop3A_813 = arith.mulf %parallel_loop3A_804, %parallel_loop3A_812 : vector<16xf32>
        %parallel_loop3A_814 = arith.addf %parallel_loop3A_782, %parallel_loop3A_813 : vector<16xf32>
        %parallel_loop3A_815 = arith.constant 26 : i32
        %parallel_loop3A_816 = arith.addi %parallel_loop3A_815, %parallel_loop3A_781 : i32
        %parallel_loop3A_817 = arith.constant 16 : i32
        %parallel_loop3A_818 = arith.muli %parallel_loop3A_796, %parallel_loop3A_817 : i32
        %parallel_loop3A_819 = arith.index_cast %rem3A_22 : i32 to index
        %parallel_loop3A_820 = arith.index_cast %parallel_loop3A_816 : i32 to index
        %parallel_loop3A_821 = arith.index_cast %parallel_loop3A_818 : i32 to index
        %parallel_loop3A_822 = tpu.vector_load %arg6[%parallel_loop3A_819, %parallel_loop3A_820, %parallel_loop3A_821] {strides = array<i32>} : memref<2x104x416xf32, #tpu.memory_space<vmem>>, vector<16xf32>,
        %parallel_loop3A_823 = arith.constant 26 : i32
        %parallel_loop3A_824 = arith.addi %parallel_loop3A_823, %parallel_loop3A_796 : i32
        %parallel_loop3A_825 = arith.constant 16 : i32
        %parallel_loop3A_826 = arith.muli %parallel_loop3A_781, %parallel_loop3A_825 : i32
        %parallel_loop3A_827 = arith.index_cast %rem3A_22 : i32 to index
        %parallel_loop3A_828 = arith.index_cast %parallel_loop3A_824 : i32 to index
        %parallel_loop3A_829 = arith.index_cast %parallel_loop3A_826 : i32 to index
        %parallel_loop3A_830 = tpu.vector_load %arg6[%parallel_loop3A_827, %parallel_loop3A_828, %parallel_loop3A_829] {strides = array<i32>} : memref<2x104x416xf32, #tpu.memory_space<vmem>>, vector<16xf32>,
        %parallel_loop3A_831 = arith.mulf %parallel_loop3A_822, %parallel_loop3A_830 : vector<16xf32>
        %parallel_loop3A_832 = arith.addf %parallel_loop3A_783, %parallel_loop3A_831 : vector<16xf32>
        %parallel_loop3A_833 = arith.constant 52 : i32
        %parallel_loop3A_834 = arith.addi %parallel_loop3A_833, %parallel_loop3A_781 : i32
        %parallel_loop3A_835 = arith.constant 16 : i32
        %parallel_loop3A_836 = arith.muli %parallel_loop3A_796, %parallel_loop3A_835 : i32
        %parallel_loop3A_837 = arith.index_cast %rem3A_22 : i32 to index
        %parallel_loop3A_838 = arith.index_cast %parallel_loop3A_834 : i32 to index
        %parallel_loop3A_839 = arith.index_cast %parallel_loop3A_836 : i32 to index
        %parallel_loop3A_840 = tpu.vector_load %arg6[%parallel_loop3A_837, %parallel_loop3A_838, %parallel_loop3A_839] {strides = array<i32>} : memref<2x104x416xf32, #tpu.memory_space<vmem>>, vector<16xf32>,
        %parallel_loop3A_841 = arith.constant 52 : i32
        %parallel_loop3A_842 = arith.addi %parallel_loop3A_841, %parallel_loop3A_796 : i32
        %parallel_loop3A_843 = arith.constant 16 : i32
        %parallel_loop3A_844 = arith.muli %parallel_loop3A_781, %parallel_loop3A_843 : i32
        %parallel_loop3A_845 = arith.index_cast %rem3A_22 : i32 to index
        %parallel_loop3A_846 = arith.index_cast %parallel_loop3A_842 : i32 to index
        %parallel_loop3A_847 = arith.index_cast %parallel_loop3A_844 : i32 to index
        %parallel_loop3A_848 = tpu.vector_load %arg6[%parallel_loop3A_845, %parallel_loop3A_846, %parallel_loop3A_847] {strides = array<i32>} : memref<2x104x416xf32, #tpu.memory_space<vmem>>, vector<16xf32>,
        %parallel_loop3A_849 = arith.mulf %parallel_loop3A_840, %parallel_loop3A_848 : vector<16xf32>
        %parallel_loop3A_850 = arith.addf %parallel_loop3A_784, %parallel_loop3A_849 : vector<16xf32>
        %parallel_loop3A_851 = arith.constant 78 : i32
        %parallel_loop3A_852 = arith.addi %parallel_loop3A_851, %parallel_loop3A_781 : i32
        %parallel_loop3A_853 = arith.constant 16 : i32
        %parallel_loop3A_854 = arith.muli %parallel_loop3A_796, %parallel_loop3A_853 : i32
        %parallel_loop3A_855 = arith.index_cast %rem3A_22 : i32 to index
        %parallel_loop3A_856 = arith.index_cast %parallel_loop3A_852 : i32 to index
        %parallel_loop3A_857 = arith.index_cast %parallel_loop3A_854 : i32 to index
        %parallel_loop3A_858 = tpu.vector_load %arg6[%parallel_loop3A_855, %parallel_loop3A_856, %parallel_loop3A_857] {strides = array<i32>} : memref<2x104x416xf32, #tpu.memory_space<vmem>>, vector<16xf32>,
        %parallel_loop3A_859 = arith.constant 78 : i32
        %parallel_loop3A_860 = arith.addi %parallel_loop3A_859, %parallel_loop3A_796 : i32
        %parallel_loop3A_861 = arith.constant 16 : i32
        %parallel_loop3A_862 = arith.muli %parallel_loop3A_781, %parallel_loop3A_861 : i32
        %parallel_loop3A_863 = arith.index_cast %rem3A_22 : i32 to index
        %parallel_loop3A_864 = arith.index_cast %parallel_loop3A_860 : i32 to index
        %parallel_loop3A_865 = arith.index_cast %parallel_loop3A_862 : i32 to index
        %parallel_loop3A_866 = tpu.vector_load %arg6[%parallel_loop3A_863, %parallel_loop3A_864, %parallel_loop3A_865] {strides = array<i32>} : memref<2x104x416xf32, #tpu.memory_space<vmem>>, vector<16xf32>,
        %parallel_loop3A_867 = arith.mulf %parallel_loop3A_858, %parallel_loop3A_866 : vector<16xf32>
        %parallel_loop3A_868 = arith.addf %parallel_loop3A_785, %parallel_loop3A_867 : vector<16xf32>
        scf.yield %parallel_loop3A_786, %parallel_loop3A_787, %parallel_loop3A_788, %parallel_loop3A_789, %parallel_loop3A_814, %parallel_loop3A_832, %parallel_loop3A_850, %parallel_loop3A_868 : vector<16xf32>, vector<16xf32>, vector<16xf32>, vector<16xf32>, vector<16xf32>, vector<16xf32>, vector<16xf32>, vector<16xf32>
      } {sc.loop_unroll_factor = 4 : i64, sc.parallel_access}
      %parallel_loop3A_77 = arith.constant 0 : i32
      %parallel_loop3A_78 = arith.constant 26 : i32
      %parallel_loop3A_79 = arith.constant 1 : i32
      %parallel_loop3A_80:8 = scf.for %parallel_loop3A_781 = %parallel_loop3A_77 to %parallel_loop3A_78 step %parallel_loop3A_79 iter_args(%parallel_loop3A_782 = %parallel_loop3A_76#0, %parallel_loop3A_783 = %parallel_loop3A_76#1, %parallel_loop3A_784 = %parallel_loop3A_76#2, %parallel_loop3A_785 = %parallel_loop3A_76#3, %parallel_loop3A_786 = %parallel_loop3A_76#4, %parallel_loop3A_787 = %parallel_loop3A_76#5, %parallel_loop3A_788 = %parallel_loop3A_76#6, %parallel_loop3A_789 = %parallel_loop3A_76#7) -> (vector<16xf32>, vector<16xf32>, vector<16xf32>, vector<16xf32>, vector<16xf32>, vector<16xf32>, vector<16xf32>, vector<16xf32>)  : i32 {
        %parallel_loop3A_790 = arith.constant 9 : i32
        %parallel_loop3A_791 = arith.addi %parallel_loop3A_781, %parallel_loop3A_790 : i32
        %parallel_loop3A_792 = arith.constant 26 : i32
        %parallel_loop3A_793 = arith.cmpi sge, %parallel_loop3A_791, %parallel_loop3A_792 : i32
        %parallel_loop3A_794 = arith.constant 26 : i32
        %parallel_loop3A_795 = arith.subi %parallel_loop3A_791, %parallel_loop3A_794 : i32
        %parallel_loop3A_796 = arith.select %parallel_loop3A_793, %parallel_loop3A_795, %parallel_loop3A_791 : i32
        %parallel_loop3A_797 = arith.constant 0 : i32
        %parallel_loop3A_798 = arith.addi %parallel_loop3A_797, %parallel_loop3A_781 : i32
        %parallel_loop3A_799 = arith.constant 16 : i32
        %parallel_loop3A_800 = arith.muli %parallel_loop3A_796, %parallel_loop3A_799 : i32
        %parallel_loop3A_801 = arith.index_cast %rem3A_22 : i32 to index
        %parallel_loop3A_802 = arith.index_cast %parallel_loop3A_798 : i32 to index
        %parallel_loop3A_803 = arith.index_cast %parallel_loop3A_800 : i32 to index
        %parallel_loop3A_804 = tpu.vector_load %arg6[%parallel_loop3A_801, %parallel_loop3A_802, %parallel_loop3A_803] {strides = array<i32>} : memref<2x104x416xf32, #tpu.memory_space<vmem>>, vector<16xf32>,
        %parallel_loop3A_805 = arith.constant 0 : i32
        %parallel_loop3A_806 = arith.addi %parallel_loop3A_805, %parallel_loop3A_796 : i32
        %parallel_loop3A_807 = arith.constant 16 : i32
        %parallel_loop3A_808 = arith.muli %parallel_loop3A_781, %parallel_loop3A_807 : i32
        %parallel_loop3A_809 = arith.index_cast %rem3A_22 : i32 to index
        %parallel_loop3A_810 = arith.index_cast %parallel_loop3A_806 : i32 to index
        %parallel_loop3A_811 = arith.index_cast %parallel_loop3A_808 : i32 to index
        %parallel_loop3A_812 = tpu.vector_load %arg6[%parallel_loop3A_809, %parallel_loop3A_810, %parallel_loop3A_811] {strides = array<i32>} : memref<2x104x416xf32, #tpu.memory_space<vmem>>, vector<16xf32>,
        %parallel_loop3A_813 = arith.mulf %parallel_loop3A_804, %parallel_loop3A_812 : vector<16xf32>
        %parallel_loop3A_814 = arith.addf %parallel_loop3A_782, %parallel_loop3A_813 : vector<16xf32>
        %parallel_loop3A_815 = arith.constant 26 : i32
        %parallel_loop3A_816 = arith.addi %parallel_loop3A_815, %parallel_loop3A_781 : i32
        %parallel_loop3A_817 = arith.constant 16 : i32
        %parallel_loop3A_818 = arith.muli %parallel_loop3A_796, %parallel_loop3A_817 : i32
        %parallel_loop3A_819 = arith.index_cast %rem3A_22 : i32 to index
        %parallel_loop3A_820 = arith.index_cast %parallel_loop3A_816 : i32 to index
        %parallel_loop3A_821 = arith.index_cast %parallel_loop3A_818 : i32 to index
        %parallel_loop3A_822 = tpu.vector_load %arg6[%parallel_loop3A_819, %parallel_loop3A_820, %parallel_loop3A_821] {strides = array<i32>} : memref<2x104x416xf32, #tpu.memory_space<vmem>>, vector<16xf32>,
        %parallel_loop3A_823 = arith.constant 26 : i32
        %parallel_loop3A_824 = arith.addi %parallel_loop3A_823, %parallel_loop3A_796 : i32
        %parallel_loop3A_825 = arith.constant 16 : i32
        %parallel_loop3A_826 = arith.muli %parallel_loop3A_781, %parallel_loop3A_825 : i32
        %parallel_loop3A_827 = arith.index_cast %rem3A_22 : i32 to index
        %parallel_loop3A_828 = arith.index_cast %parallel_loop3A_824 : i32 to index
        %parallel_loop3A_829 = arith.index_cast %parallel_loop3A_826 : i32 to index
        %parallel_loop3A_830 = tpu.vector_load %arg6[%parallel_loop3A_827, %parallel_loop3A_828, %parallel_loop3A_829] {strides = array<i32>} : memref<2x104x416xf32, #tpu.memory_space<vmem>>, vector<16xf32>,
        %parallel_loop3A_831 = arith.mulf %parallel_loop3A_822, %parallel_loop3A_830 : vector<16xf32>
        %parallel_loop3A_832 = arith.addf %parallel_loop3A_783, %parallel_loop3A_831 : vector<16xf32>
        %parallel_loop3A_833 = arith.constant 52 : i32
        %parallel_loop3A_834 = arith.addi %parallel_loop3A_833, %parallel_loop3A_781 : i32
        %parallel_loop3A_835 = arith.constant 16 : i32
        %parallel_loop3A_836 = arith.muli %parallel_loop3A_796, %parallel_loop3A_835 : i32
        %parallel_loop3A_837 = arith.index_cast %rem3A_22 : i32 to index
        %parallel_loop3A_838 = arith.index_cast %parallel_loop3A_834 : i32 to index
        %parallel_loop3A_839 = arith.index_cast %parallel_loop3A_836 : i32 to index
        %parallel_loop3A_840 = tpu.vector_load %arg6[%parallel_loop3A_837, %parallel_loop3A_838, %parallel_loop3A_839] {strides = array<i32>} : memref<2x104x416xf32, #tpu.memory_space<vmem>>, vector<16xf32>,
        %parallel_loop3A_841 = arith.constant 52 : i32
        %parallel_loop3A_842 = arith.addi %parallel_loop3A_841, %parallel_loop3A_796 : i32
        %parallel_loop3A_843 = arith.constant 16 : i32
        %parallel_loop3A_844 = arith.muli %parallel_loop3A_781, %parallel_loop3A_843 : i32
        %parallel_loop3A_845 = arith.index_cast %rem3A_22 : i32 to index
        %parallel_loop3A_846 = arith.index_cast %parallel_loop3A_842 : i32 to index
        %parallel_loop3A_847 = arith.index_cast %parallel_loop3A_844 : i32 to index
        %parallel_loop3A_848 = tpu.vector_load %arg6[%parallel_loop3A_845, %parallel_loop3A_846, %parallel_loop3A_847] {strides = array<i32>} : memref<2x104x416xf32, #tpu.memory_space<vmem>>, vector<16xf32>,
        %parallel_loop3A_849 = arith.mulf %parallel_loop3A_840, %parallel_loop3A_848 : vector<16xf32>
        %parallel_loop3A_850 = arith.addf %parallel_loop3A_784, %parallel_loop3A_849 : vector<16xf32>
        %parallel_loop3A_851 = arith.constant 78 : i32
        %parallel_loop3A_852 = arith.addi %parallel_loop3A_851, %parallel_loop3A_781 : i32
        %parallel_loop3A_853 = arith.constant 16 : i32
        %parallel_loop3A_854 = arith.muli %parallel_loop3A_796, %parallel_loop3A_853 : i32
        %parallel_loop3A_855 = arith.index_cast %rem3A_22 : i32 to index
        %parallel_loop3A_856 = arith.index_cast %parallel_loop3A_852 : i32 to index
        %parallel_loop3A_857 = arith.index_cast %parallel_loop3A_854 : i32 to index
        %parallel_loop3A_858 = tpu.vector_load %arg6[%parallel_loop3A_855, %parallel_loop3A_856, %parallel_loop3A_857] {strides = array<i32>} : memref<2x104x416xf32, #tpu.memory_space<vmem>>, vector<16xf32>,
        %parallel_loop3A_859 = arith.constant 78 : i32
        %parallel_loop3A_860 = arith.addi %parallel_loop3A_859, %parallel_loop3A_796 : i32
        %parallel_loop3A_861 = arith.constant 16 : i32
        %parallel_loop3A_862 = arith.muli %parallel_loop3A_781, %parallel_loop3A_861 : i32
        %parallel_loop3A_863 = arith.index_cast %rem3A_22 : i32 to index
        %parallel_loop3A_864 = arith.index_cast %parallel_loop3A_860 : i32 to index
        %parallel_loop3A_865 = arith.index_cast %parallel_loop3A_862 : i32 to index
        %parallel_loop3A_866 = tpu.vector_load %arg6[%parallel_loop3A_863, %parallel_loop3A_864, %parallel_loop3A_865] {strides = array<i32>} : memref<2x104x416xf32, #tpu.memory_space<vmem>>, vector<16xf32>,
        %parallel_loop3A_867 = arith.mulf %parallel_loop3A_858, %parallel_loop3A_866 : vector<16xf32>
        %parallel_loop3A_868 = arith.addf %parallel_loop3A_785, %parallel_loop3A_867 : vector<16xf32>
        scf.yield %parallel_loop3A_786, %parallel_loop3A_787, %parallel_loop3A_788, %parallel_loop3A_789, %parallel_loop3A_814, %parallel_loop3A_832, %parallel_loop3A_850, %parallel_loop3A_868 : vector<16xf32>, vector<16xf32>, vector<16xf32>, vector<16xf32>, vector<16xf32>, vector<16xf32>, vector<16xf32>, vector<16xf32>
      } {sc.loop_unroll_factor = 4 : i64, sc.parallel_access}
      %parallel_loop3A_81 = arith.constant 0 : i32
      %parallel_loop3A_82 = arith.constant 26 : i32
      %parallel_loop3A_83 = arith.constant 1 : i32
      %parallel_loop3A_84:8 = scf.for %parallel_loop3A_781 = %parallel_loop3A_81 to %parallel_loop3A_82 step %parallel_loop3A_83 iter_args(%parallel_loop3A_782 = %parallel_loop3A_80#0, %parallel_loop3A_783 = %parallel_loop3A_80#1, %parallel_loop3A_784 = %parallel_loop3A_80#2, %parallel_loop3A_785 = %parallel_loop3A_80#3, %parallel_loop3A_786 = %parallel_loop3A_80#4, %parallel_loop3A_787 = %parallel_loop3A_80#5, %parallel_loop3A_788 = %parallel_loop3A_80#6, %parallel_loop3A_789 = %parallel_loop3A_80#7) -> (vector<16xf32>, vector<16xf32>, vector<16xf32>, vector<16xf32>, vector<16xf32>, vector<16xf32>, vector<16xf32>, vector<16xf32>)  : i32 {
        %parallel_loop3A_790 = arith.constant 10 : i32
        %parallel_loop3A_791 = arith.addi %parallel_loop3A_781, %parallel_loop3A_790 : i32
        %parallel_loop3A_792 = arith.constant 26 : i32
        %parallel_loop3A_793 = arith.cmpi sge, %parallel_loop3A_791, %parallel_loop3A_792 : i32
        %parallel_loop3A_794 = arith.constant 26 : i32
        %parallel_loop3A_795 = arith.subi %parallel_loop3A_791, %parallel_loop3A_794 : i32
        %parallel_loop3A_796 = arith.select %parallel_loop3A_793, %parallel_loop3A_795, %parallel_loop3A_791 : i32
        %parallel_loop3A_797 = arith.constant 0 : i32
        %parallel_loop3A_798 = arith.addi %parallel_loop3A_797, %parallel_loop3A_781 : i32
        %parallel_loop3A_799 = arith.constant 16 : i32
        %parallel_loop3A_800 = arith.muli %parallel_loop3A_796, %parallel_loop3A_799 : i32
        %parallel_loop3A_801 = arith.index_cast %rem3A_22 : i32 to index
        %parallel_loop3A_802 = arith.index_cast %parallel_loop3A_798 : i32 to index
        %parallel_loop3A_803 = arith.index_cast %parallel_loop3A_800 : i32 to index
        %parallel_loop3A_804 = tpu.vector_load %arg6[%parallel_loop3A_801, %parallel_loop3A_802, %parallel_loop3A_803] {strides = array<i32>} : memref<2x104x416xf32, #tpu.memory_space<vmem>>, vector<16xf32>,
        %parallel_loop3A_805 = arith.constant 0 : i32
        %parallel_loop3A_806 = arith.addi %parallel_loop3A_805, %parallel_loop3A_796 : i32
        %parallel_loop3A_807 = arith.constant 16 : i32
        %parallel_loop3A_808 = arith.muli %parallel_loop3A_781, %parallel_loop3A_807 : i32
        %parallel_loop3A_809 = arith.index_cast %rem3A_22 : i32 to index
        %parallel_loop3A_810 = arith.index_cast %parallel_loop3A_806 : i32 to index
        %parallel_loop3A_811 = arith.index_cast %parallel_loop3A_808 : i32 to index
        %parallel_loop3A_812 = tpu.vector_load %arg6[%parallel_loop3A_809, %parallel_loop3A_810, %parallel_loop3A_811] {strides = array<i32>} : memref<2x104x416xf32, #tpu.memory_space<vmem>>, vector<16xf32>,
        %parallel_loop3A_813 = arith.mulf %parallel_loop3A_804, %parallel_loop3A_812 : vector<16xf32>
        %parallel_loop3A_814 = arith.addf %parallel_loop3A_782, %parallel_loop3A_813 : vector<16xf32>
        %parallel_loop3A_815 = arith.constant 26 : i32
        %parallel_loop3A_816 = arith.addi %parallel_loop3A_815, %parallel_loop3A_781 : i32
        %parallel_loop3A_817 = arith.constant 16 : i32
        %parallel_loop3A_818 = arith.muli %parallel_loop3A_796, %parallel_loop3A_817 : i32
        %parallel_loop3A_819 = arith.index_cast %rem3A_22 : i32 to index
        %parallel_loop3A_820 = arith.index_cast %parallel_loop3A_816 : i32 to index
        %parallel_loop3A_821 = arith.index_cast %parallel_loop3A_818 : i32 to index
        %parallel_loop3A_822 = tpu.vector_load %arg6[%parallel_loop3A_819, %parallel_loop3A_820, %parallel_loop3A_821] {strides = array<i32>} : memref<2x104x416xf32, #tpu.memory_space<vmem>>, vector<16xf32>,
        %parallel_loop3A_823 = arith.constant 26 : i32
        %parallel_loop3A_824 = arith.addi %parallel_loop3A_823, %parallel_loop3A_796 : i32
        %parallel_loop3A_825 = arith.constant 16 : i32
        %parallel_loop3A_826 = arith.muli %parallel_loop3A_781, %parallel_loop3A_825 : i32
        %parallel_loop3A_827 = arith.index_cast %rem3A_22 : i32 to index
        %parallel_loop3A_828 = arith.index_cast %parallel_loop3A_824 : i32 to index
        %parallel_loop3A_829 = arith.index_cast %parallel_loop3A_826 : i32 to index
        %parallel_loop3A_830 = tpu.vector_load %arg6[%parallel_loop3A_827, %parallel_loop3A_828, %parallel_loop3A_829] {strides = array<i32>} : memref<2x104x416xf32, #tpu.memory_space<vmem>>, vector<16xf32>,
        %parallel_loop3A_831 = arith.mulf %parallel_loop3A_822, %parallel_loop3A_830 : vector<16xf32>
        %parallel_loop3A_832 = arith.addf %parallel_loop3A_783, %parallel_loop3A_831 : vector<16xf32>
        %parallel_loop3A_833 = arith.constant 52 : i32
        %parallel_loop3A_834 = arith.addi %parallel_loop3A_833, %parallel_loop3A_781 : i32
        %parallel_loop3A_835 = arith.constant 16 : i32
        %parallel_loop3A_836 = arith.muli %parallel_loop3A_796, %parallel_loop3A_835 : i32
        %parallel_loop3A_837 = arith.index_cast %rem3A_22 : i32 to index
        %parallel_loop3A_838 = arith.index_cast %parallel_loop3A_834 : i32 to index
        %parallel_loop3A_839 = arith.index_cast %parallel_loop3A_836 : i32 to index
        %parallel_loop3A_840 = tpu.vector_load %arg6[%parallel_loop3A_837, %parallel_loop3A_838, %parallel_loop3A_839] {strides = array<i32>} : memref<2x104x416xf32, #tpu.memory_space<vmem>>, vector<16xf32>,
        %parallel_loop3A_841 = arith.constant 52 : i32
        %parallel_loop3A_842 = arith.addi %parallel_loop3A_841, %parallel_loop3A_796 : i32
        %parallel_loop3A_843 = arith.constant 16 : i32
        %parallel_loop3A_844 = arith.muli %parallel_loop3A_781, %parallel_loop3A_843 : i32
        %parallel_loop3A_845 = arith.index_cast %rem3A_22 : i32 to index
        %parallel_loop3A_846 = arith.index_cast %parallel_loop3A_842 : i32 to index
        %parallel_loop3A_847 = arith.index_cast %parallel_loop3A_844 : i32 to index
        %parallel_loop3A_848 = tpu.vector_load %arg6[%parallel_loop3A_845, %parallel_loop3A_846, %parallel_loop3A_847] {strides = array<i32>} : memref<2x104x416xf32, #tpu.memory_space<vmem>>, vector<16xf32>,
        %parallel_loop3A_849 = arith.mulf %parallel_loop3A_840, %parallel_loop3A_848 : vector<16xf32>
        %parallel_loop3A_850 = arith.addf %parallel_loop3A_784, %parallel_loop3A_849 : vector<16xf32>
        %parallel_loop3A_851 = arith.constant 78 : i32
        %parallel_loop3A_852 = arith.addi %parallel_loop3A_851, %parallel_loop3A_781 : i32
        %parallel_loop3A_853 = arith.constant 16 : i32
        %parallel_loop3A_854 = arith.muli %parallel_loop3A_796, %parallel_loop3A_853 : i32
        %parallel_loop3A_855 = arith.index_cast %rem3A_22 : i32 to index
        %parallel_loop3A_856 = arith.index_cast %parallel_loop3A_852 : i32 to index
        %parallel_loop3A_857 = arith.index_cast %parallel_loop3A_854 : i32 to index
        %parallel_loop3A_858 = tpu.vector_load %arg6[%parallel_loop3A_855, %parallel_loop3A_856, %parallel_loop3A_857] {strides = array<i32>} : memref<2x104x416xf32, #tpu.memory_space<vmem>>, vector<16xf32>,
        %parallel_loop3A_859 = arith.constant 78 : i32
        %parallel_loop3A_860 = arith.addi %parallel_loop3A_859, %parallel_loop3A_796 : i32
        %parallel_loop3A_861 = arith.constant 16 : i32
        %parallel_loop3A_862 = arith.muli %parallel_loop3A_781, %parallel_loop3A_861 : i32
        %parallel_loop3A_863 = arith.index_cast %rem3A_22 : i32 to index
        %parallel_loop3A_864 = arith.index_cast %parallel_loop3A_860 : i32 to index
        %parallel_loop3A_865 = arith.index_cast %parallel_loop3A_862 : i32 to index
        %parallel_loop3A_866 = tpu.vector_load %arg6[%parallel_loop3A_863, %parallel_loop3A_864, %parallel_loop3A_865] {strides = array<i32>} : memref<2x104x416xf32, #tpu.memory_space<vmem>>, vector<16xf32>,
        %parallel_loop3A_867 = arith.mulf %parallel_loop3A_858, %parallel_loop3A_866 : vector<16xf32>
        %parallel_loop3A_868 = arith.addf %parallel_loop3A_785, %parallel_loop3A_867 : vector<16xf32>
        scf.yield %parallel_loop3A_786, %parallel_loop3A_787, %parallel_loop3A_788, %parallel_loop3A_789, %parallel_loop3A_814, %parallel_loop3A_832, %parallel_loop3A_850, %parallel_loop3A_868 : vector<16xf32>, vector<16xf32>, vector<16xf32>, vector<16xf32>, vector<16xf32>, vector<16xf32>, vector<16xf32>, vector<16xf32>
      } {sc.loop_unroll_factor = 4 : i64, sc.parallel_access}
      %parallel_loop3A_85 = arith.constant 0 : i32
      %parallel_loop3A_86 = arith.constant 26 : i32
      %parallel_loop3A_87 = arith.constant 1 : i32
      %parallel_loop3A_88:8 = scf.for %parallel_loop3A_781 = %parallel_loop3A_85 to %parallel_loop3A_86 step %parallel_loop3A_87 iter_args(%parallel_loop3A_782 = %parallel_loop3A_84#0, %parallel_loop3A_783 = %parallel_loop3A_84#1, %parallel_loop3A_784 = %parallel_loop3A_84#2, %parallel_loop3A_785 = %parallel_loop3A_84#3, %parallel_loop3A_786 = %parallel_loop3A_84#4, %parallel_loop3A_787 = %parallel_loop3A_84#5, %parallel_loop3A_788 = %parallel_loop3A_84#6, %parallel_loop3A_789 = %parallel_loop3A_84#7) -> (vector<16xf32>, vector<16xf32>, vector<16xf32>, vector<16xf32>, vector<16xf32>, vector<16xf32>, vector<16xf32>, vector<16xf32>)  : i32 {
        %parallel_loop3A_790 = arith.constant 11 : i32
        %parallel_loop3A_791 = arith.addi %parallel_loop3A_781, %parallel_loop3A_790 : i32
        %parallel_loop3A_792 = arith.constant 26 : i32
        %parallel_loop3A_793 = arith.cmpi sge, %parallel_loop3A_791, %parallel_loop3A_792 : i32
        %parallel_loop3A_794 = arith.constant 26 : i32
        %parallel_loop3A_795 = arith.subi %parallel_loop3A_791, %parallel_loop3A_794 : i32
        %parallel_loop3A_796 = arith.select %parallel_loop3A_793, %parallel_loop3A_795, %parallel_loop3A_791 : i32
        %parallel_loop3A_797 = arith.constant 0 : i32
        %parallel_loop3A_798 = arith.addi %parallel_loop3A_797, %parallel_loop3A_781 : i32
        %parallel_loop3A_799 = arith.constant 16 : i32
        %parallel_loop3A_800 = arith.muli %parallel_loop3A_796, %parallel_loop3A_799 : i32
        %parallel_loop3A_801 = arith.index_cast %rem3A_22 : i32 to index
        %parallel_loop3A_802 = arith.index_cast %parallel_loop3A_798 : i32 to index
        %parallel_loop3A_803 = arith.index_cast %parallel_loop3A_800 : i32 to index
        %parallel_loop3A_804 = tpu.vector_load %arg6[%parallel_loop3A_801, %parallel_loop3A_802, %parallel_loop3A_803] {strides = array<i32>} : memref<2x104x416xf32, #tpu.memory_space<vmem>>, vector<16xf32>,
        %parallel_loop3A_805 = arith.constant 0 : i32
        %parallel_loop3A_806 = arith.addi %parallel_loop3A_805, %parallel_loop3A_796 : i32
        %parallel_loop3A_807 = arith.constant 16 : i32
        %parallel_loop3A_808 = arith.muli %parallel_loop3A_781, %parallel_loop3A_807 : i32
        %parallel_loop3A_809 = arith.index_cast %rem3A_22 : i32 to index
        %parallel_loop3A_810 = arith.index_cast %parallel_loop3A_806 : i32 to index
        %parallel_loop3A_811 = arith.index_cast %parallel_loop3A_808 : i32 to index
        %parallel_loop3A_812 = tpu.vector_load %arg6[%parallel_loop3A_809, %parallel_loop3A_810, %parallel_loop3A_811] {strides = array<i32>} : memref<2x104x416xf32, #tpu.memory_space<vmem>>, vector<16xf32>,
        %parallel_loop3A_813 = arith.mulf %parallel_loop3A_804, %parallel_loop3A_812 : vector<16xf32>
        %parallel_loop3A_814 = arith.addf %parallel_loop3A_782, %parallel_loop3A_813 : vector<16xf32>
        %parallel_loop3A_815 = arith.constant 26 : i32
        %parallel_loop3A_816 = arith.addi %parallel_loop3A_815, %parallel_loop3A_781 : i32
        %parallel_loop3A_817 = arith.constant 16 : i32
        %parallel_loop3A_818 = arith.muli %parallel_loop3A_796, %parallel_loop3A_817 : i32
        %parallel_loop3A_819 = arith.index_cast %rem3A_22 : i32 to index
        %parallel_loop3A_820 = arith.index_cast %parallel_loop3A_816 : i32 to index
        %parallel_loop3A_821 = arith.index_cast %parallel_loop3A_818 : i32 to index
        %parallel_loop3A_822 = tpu.vector_load %arg6[%parallel_loop3A_819, %parallel_loop3A_820, %parallel_loop3A_821] {strides = array<i32>} : memref<2x104x416xf32, #tpu.memory_space<vmem>>, vector<16xf32>,
        %parallel_loop3A_823 = arith.constant 26 : i32
        %parallel_loop3A_824 = arith.addi %parallel_loop3A_823, %parallel_loop3A_796 : i32
        %parallel_loop3A_825 = arith.constant 16 : i32
        %parallel_loop3A_826 = arith.muli %parallel_loop3A_781, %parallel_loop3A_825 : i32
        %parallel_loop3A_827 = arith.index_cast %rem3A_22 : i32 to index
        %parallel_loop3A_828 = arith.index_cast %parallel_loop3A_824 : i32 to index
        %parallel_loop3A_829 = arith.index_cast %parallel_loop3A_826 : i32 to index
        %parallel_loop3A_830 = tpu.vector_load %arg6[%parallel_loop3A_827, %parallel_loop3A_828, %parallel_loop3A_829] {strides = array<i32>} : memref<2x104x416xf32, #tpu.memory_space<vmem>>, vector<16xf32>,
        %parallel_loop3A_831 = arith.mulf %parallel_loop3A_822, %parallel_loop3A_830 : vector<16xf32>
        %parallel_loop3A_832 = arith.addf %parallel_loop3A_783, %parallel_loop3A_831 : vector<16xf32>
        %parallel_loop3A_833 = arith.constant 52 : i32
        %parallel_loop3A_834 = arith.addi %parallel_loop3A_833, %parallel_loop3A_781 : i32
        %parallel_loop3A_835 = arith.constant 16 : i32
        %parallel_loop3A_836 = arith.muli %parallel_loop3A_796, %parallel_loop3A_835 : i32
        %parallel_loop3A_837 = arith.index_cast %rem3A_22 : i32 to index
        %parallel_loop3A_838 = arith.index_cast %parallel_loop3A_834 : i32 to index
        %parallel_loop3A_839 = arith.index_cast %parallel_loop3A_836 : i32 to index
        %parallel_loop3A_840 = tpu.vector_load %arg6[%parallel_loop3A_837, %parallel_loop3A_838, %parallel_loop3A_839] {strides = array<i32>} : memref<2x104x416xf32, #tpu.memory_space<vmem>>, vector<16xf32>,
        %parallel_loop3A_841 = arith.constant 52 : i32
        %parallel_loop3A_842 = arith.addi %parallel_loop3A_841, %parallel_loop3A_796 : i32
        %parallel_loop3A_843 = arith.constant 16 : i32
        %parallel_loop3A_844 = arith.muli %parallel_loop3A_781, %parallel_loop3A_843 : i32
        %parallel_loop3A_845 = arith.index_cast %rem3A_22 : i32 to index
        %parallel_loop3A_846 = arith.index_cast %parallel_loop3A_842 : i32 to index
        %parallel_loop3A_847 = arith.index_cast %parallel_loop3A_844 : i32 to index
        %parallel_loop3A_848 = tpu.vector_load %arg6[%parallel_loop3A_845, %parallel_loop3A_846, %parallel_loop3A_847] {strides = array<i32>} : memref<2x104x416xf32, #tpu.memory_space<vmem>>, vector<16xf32>,
        %parallel_loop3A_849 = arith.mulf %parallel_loop3A_840, %parallel_loop3A_848 : vector<16xf32>
        %parallel_loop3A_850 = arith.addf %parallel_loop3A_784, %parallel_loop3A_849 : vector<16xf32>
        %parallel_loop3A_851 = arith.constant 78 : i32
        %parallel_loop3A_852 = arith.addi %parallel_loop3A_851, %parallel_loop3A_781 : i32
        %parallel_loop3A_853 = arith.constant 16 : i32
        %parallel_loop3A_854 = arith.muli %parallel_loop3A_796, %parallel_loop3A_853 : i32
        %parallel_loop3A_855 = arith.index_cast %rem3A_22 : i32 to index
        %parallel_loop3A_856 = arith.index_cast %parallel_loop3A_852 : i32 to index
        %parallel_loop3A_857 = arith.index_cast %parallel_loop3A_854 : i32 to index
        %parallel_loop3A_858 = tpu.vector_load %arg6[%parallel_loop3A_855, %parallel_loop3A_856, %parallel_loop3A_857] {strides = array<i32>} : memref<2x104x416xf32, #tpu.memory_space<vmem>>, vector<16xf32>,
        %parallel_loop3A_859 = arith.constant 78 : i32
        %parallel_loop3A_860 = arith.addi %parallel_loop3A_859, %parallel_loop3A_796 : i32
        %parallel_loop3A_861 = arith.constant 16 : i32
        %parallel_loop3A_862 = arith.muli %parallel_loop3A_781, %parallel_loop3A_861 : i32
        %parallel_loop3A_863 = arith.index_cast %rem3A_22 : i32 to index
        %parallel_loop3A_864 = arith.index_cast %parallel_loop3A_860 : i32 to index
        %parallel_loop3A_865 = arith.index_cast %parallel_loop3A_862 : i32 to index
        %parallel_loop3A_866 = tpu.vector_load %arg6[%parallel_loop3A_863, %parallel_loop3A_864, %parallel_loop3A_865] {strides = array<i32>} : memref<2x104x416xf32, #tpu.memory_space<vmem>>, vector<16xf32>,
        %parallel_loop3A_867 = arith.mulf %parallel_loop3A_858, %parallel_loop3A_866 : vector<16xf32>
        %parallel_loop3A_868 = arith.addf %parallel_loop3A_785, %parallel_loop3A_867 : vector<16xf32>
        scf.yield %parallel_loop3A_786, %parallel_loop3A_787, %parallel_loop3A_788, %parallel_loop3A_789, %parallel_loop3A_814, %parallel_loop3A_832, %parallel_loop3A_850, %parallel_loop3A_868 : vector<16xf32>, vector<16xf32>, vector<16xf32>, vector<16xf32>, vector<16xf32>, vector<16xf32>, vector<16xf32>, vector<16xf32>
      } {sc.loop_unroll_factor = 4 : i64, sc.parallel_access}
      %parallel_loop3A_89 = arith.constant 0 : i32
      %parallel_loop3A_90 = arith.constant 26 : i32
      %parallel_loop3A_91 = arith.constant 1 : i32
      %parallel_loop3A_92:8 = scf.for %parallel_loop3A_781 = %parallel_loop3A_89 to %parallel_loop3A_90 step %parallel_loop3A_91 iter_args(%parallel_loop3A_782 = %parallel_loop3A_88#0, %parallel_loop3A_783 = %parallel_loop3A_88#1, %parallel_loop3A_784 = %parallel_loop3A_88#2, %parallel_loop3A_785 = %parallel_loop3A_88#3, %parallel_loop3A_786 = %parallel_loop3A_88#4, %parallel_loop3A_787 = %parallel_loop3A_88#5, %parallel_loop3A_788 = %parallel_loop3A_88#6, %parallel_loop3A_789 = %parallel_loop3A_88#7) -> (vector<16xf32>, vector<16xf32>, vector<16xf32>, vector<16xf32>, vector<16xf32>, vector<16xf32>, vector<16xf32>, vector<16xf32>)  : i32 {
        %parallel_loop3A_790 = arith.constant 12 : i32
        %parallel_loop3A_791 = arith.addi %parallel_loop3A_781, %parallel_loop3A_790 : i32
        %parallel_loop3A_792 = arith.constant 26 : i32
        %parallel_loop3A_793 = arith.cmpi sge, %parallel_loop3A_791, %parallel_loop3A_792 : i32
        %parallel_loop3A_794 = arith.constant 26 : i32
        %parallel_loop3A_795 = arith.subi %parallel_loop3A_791, %parallel_loop3A_794 : i32
        %parallel_loop3A_796 = arith.select %parallel_loop3A_793, %parallel_loop3A_795, %parallel_loop3A_791 : i32
        %parallel_loop3A_797 = arith.constant 0 : i32
        %parallel_loop3A_798 = arith.addi %parallel_loop3A_797, %parallel_loop3A_781 : i32
        %parallel_loop3A_799 = arith.constant 16 : i32
        %parallel_loop3A_800 = arith.muli %parallel_loop3A_796, %parallel_loop3A_799 : i32
        %parallel_loop3A_801 = arith.index_cast %rem3A_22 : i32 to index
        %parallel_loop3A_802 = arith.index_cast %parallel_loop3A_798 : i32 to index
        %parallel_loop3A_803 = arith.index_cast %parallel_loop3A_800 : i32 to index
        %parallel_loop3A_804 = tpu.vector_load %arg6[%parallel_loop3A_801, %parallel_loop3A_802, %parallel_loop3A_803] {strides = array<i32>} : memref<2x104x416xf32, #tpu.memory_space<vmem>>, vector<16xf32>,
        %parallel_loop3A_805 = arith.constant 0 : i32
        %parallel_loop3A_806 = arith.addi %parallel_loop3A_805, %parallel_loop3A_796 : i32
        %parallel_loop3A_807 = arith.constant 16 : i32
        %parallel_loop3A_808 = arith.muli %parallel_loop3A_781, %parallel_loop3A_807 : i32
        %parallel_loop3A_809 = arith.index_cast %rem3A_22 : i32 to index
        %parallel_loop3A_810 = arith.index_cast %parallel_loop3A_806 : i32 to index
        %parallel_loop3A_811 = arith.index_cast %parallel_loop3A_808 : i32 to index
        %parallel_loop3A_812 = tpu.vector_load %arg6[%parallel_loop3A_809, %parallel_loop3A_810, %parallel_loop3A_811] {strides = array<i32>} : memref<2x104x416xf32, #tpu.memory_space<vmem>>, vector<16xf32>,
        %parallel_loop3A_813 = arith.mulf %parallel_loop3A_804, %parallel_loop3A_812 : vector<16xf32>
        %parallel_loop3A_814 = arith.addf %parallel_loop3A_782, %parallel_loop3A_813 : vector<16xf32>
        %parallel_loop3A_815 = arith.constant 26 : i32
        %parallel_loop3A_816 = arith.addi %parallel_loop3A_815, %parallel_loop3A_781 : i32
        %parallel_loop3A_817 = arith.constant 16 : i32
        %parallel_loop3A_818 = arith.muli %parallel_loop3A_796, %parallel_loop3A_817 : i32
        %parallel_loop3A_819 = arith.index_cast %rem3A_22 : i32 to index
        %parallel_loop3A_820 = arith.index_cast %parallel_loop3A_816 : i32 to index
        %parallel_loop3A_821 = arith.index_cast %parallel_loop3A_818 : i32 to index
        %parallel_loop3A_822 = tpu.vector_load %arg6[%parallel_loop3A_819, %parallel_loop3A_820, %parallel_loop3A_821] {strides = array<i32>} : memref<2x104x416xf32, #tpu.memory_space<vmem>>, vector<16xf32>,
        %parallel_loop3A_823 = arith.constant 26 : i32
        %parallel_loop3A_824 = arith.addi %parallel_loop3A_823, %parallel_loop3A_796 : i32
        %parallel_loop3A_825 = arith.constant 16 : i32
        %parallel_loop3A_826 = arith.muli %parallel_loop3A_781, %parallel_loop3A_825 : i32
        %parallel_loop3A_827 = arith.index_cast %rem3A_22 : i32 to index
        %parallel_loop3A_828 = arith.index_cast %parallel_loop3A_824 : i32 to index
        %parallel_loop3A_829 = arith.index_cast %parallel_loop3A_826 : i32 to index
        %parallel_loop3A_830 = tpu.vector_load %arg6[%parallel_loop3A_827, %parallel_loop3A_828, %parallel_loop3A_829] {strides = array<i32>} : memref<2x104x416xf32, #tpu.memory_space<vmem>>, vector<16xf32>,
        %parallel_loop3A_831 = arith.mulf %parallel_loop3A_822, %parallel_loop3A_830 : vector<16xf32>
        %parallel_loop3A_832 = arith.addf %parallel_loop3A_783, %parallel_loop3A_831 : vector<16xf32>
        %parallel_loop3A_833 = arith.constant 52 : i32
        %parallel_loop3A_834 = arith.addi %parallel_loop3A_833, %parallel_loop3A_781 : i32
        %parallel_loop3A_835 = arith.constant 16 : i32
        %parallel_loop3A_836 = arith.muli %parallel_loop3A_796, %parallel_loop3A_835 : i32
        %parallel_loop3A_837 = arith.index_cast %rem3A_22 : i32 to index
        %parallel_loop3A_838 = arith.index_cast %parallel_loop3A_834 : i32 to index
        %parallel_loop3A_839 = arith.index_cast %parallel_loop3A_836 : i32 to index
        %parallel_loop3A_840 = tpu.vector_load %arg6[%parallel_loop3A_837, %parallel_loop3A_838, %parallel_loop3A_839] {strides = array<i32>} : memref<2x104x416xf32, #tpu.memory_space<vmem>>, vector<16xf32>,
        %parallel_loop3A_841 = arith.constant 52 : i32
        %parallel_loop3A_842 = arith.addi %parallel_loop3A_841, %parallel_loop3A_796 : i32
        %parallel_loop3A_843 = arith.constant 16 : i32
        %parallel_loop3A_844 = arith.muli %parallel_loop3A_781, %parallel_loop3A_843 : i32
        %parallel_loop3A_845 = arith.index_cast %rem3A_22 : i32 to index
        %parallel_loop3A_846 = arith.index_cast %parallel_loop3A_842 : i32 to index
        %parallel_loop3A_847 = arith.index_cast %parallel_loop3A_844 : i32 to index
        %parallel_loop3A_848 = tpu.vector_load %arg6[%parallel_loop3A_845, %parallel_loop3A_846, %parallel_loop3A_847] {strides = array<i32>} : memref<2x104x416xf32, #tpu.memory_space<vmem>>, vector<16xf32>,
        %parallel_loop3A_849 = arith.mulf %parallel_loop3A_840, %parallel_loop3A_848 : vector<16xf32>
        %parallel_loop3A_850 = arith.addf %parallel_loop3A_784, %parallel_loop3A_849 : vector<16xf32>
        %parallel_loop3A_851 = arith.constant 78 : i32
        %parallel_loop3A_852 = arith.addi %parallel_loop3A_851, %parallel_loop3A_781 : i32
        %parallel_loop3A_853 = arith.constant 16 : i32
        %parallel_loop3A_854 = arith.muli %parallel_loop3A_796, %parallel_loop3A_853 : i32
        %parallel_loop3A_855 = arith.index_cast %rem3A_22 : i32 to index
        %parallel_loop3A_856 = arith.index_cast %parallel_loop3A_852 : i32 to index
        %parallel_loop3A_857 = arith.index_cast %parallel_loop3A_854 : i32 to index
        %parallel_loop3A_858 = tpu.vector_load %arg6[%parallel_loop3A_855, %parallel_loop3A_856, %parallel_loop3A_857] {strides = array<i32>} : memref<2x104x416xf32, #tpu.memory_space<vmem>>, vector<16xf32>,
        %parallel_loop3A_859 = arith.constant 78 : i32
        %parallel_loop3A_860 = arith.addi %parallel_loop3A_859, %parallel_loop3A_796 : i32
        %parallel_loop3A_861 = arith.constant 16 : i32
        %parallel_loop3A_862 = arith.muli %parallel_loop3A_781, %parallel_loop3A_861 : i32
        %parallel_loop3A_863 = arith.index_cast %rem3A_22 : i32 to index
        %parallel_loop3A_864 = arith.index_cast %parallel_loop3A_860 : i32 to index
        %parallel_loop3A_865 = arith.index_cast %parallel_loop3A_862 : i32 to index
        %parallel_loop3A_866 = tpu.vector_load %arg6[%parallel_loop3A_863, %parallel_loop3A_864, %parallel_loop3A_865] {strides = array<i32>} : memref<2x104x416xf32, #tpu.memory_space<vmem>>, vector<16xf32>,
        %parallel_loop3A_867 = arith.mulf %parallel_loop3A_858, %parallel_loop3A_866 : vector<16xf32>
        %parallel_loop3A_868 = arith.addf %parallel_loop3A_785, %parallel_loop3A_867 : vector<16xf32>
        scf.yield %parallel_loop3A_786, %parallel_loop3A_787, %parallel_loop3A_788, %parallel_loop3A_789, %parallel_loop3A_814, %parallel_loop3A_832, %parallel_loop3A_850, %parallel_loop3A_868 : vector<16xf32>, vector<16xf32>, vector<16xf32>, vector<16xf32>, vector<16xf32>, vector<16xf32>, vector<16xf32>, vector<16xf32>
      } {sc.loop_unroll_factor = 4 : i64, sc.parallel_access}
      %get3A = arith.constant 0 : i32
      %get3A_93 = arith.index_cast %rem3A_22 : i32 to index
      %get3A_94 = arith.index_cast %get3A : i32 to index
      %get3A_95 = arith.constant 208 : index
      %get3A_96 = tpu.vector_load %arg6[%get3A_93, %get3A_94, %get3A_95] {strides = array<i32>} : memref<2x104x416xf32, #tpu.memory_space<vmem>>, vector<16xf32>,
      %get3A_97 = arith.constant 13 : i32
      %get3A_98 = arith.index_cast %rem3A_22 : i32 to index
      %get3A_99 = arith.index_cast %get3A_97 : i32 to index
      %get3A_100 = arith.constant 0 : index
      %get3A_101 = tpu.vector_load %arg6[%get3A_98, %get3A_99, %get3A_100] {strides = array<i32>} : memref<2x104x416xf32, #tpu.memory_space<vmem>>, vector<16xf32>,
      %mul3A_102 = arith.mulf %get3A_96, %get3A_101 : vector<16xf32>
      %add3A_103 = arith.addf %broadcast_in_dim3A_45, %mul3A_102 : vector<16xf32>
      %get3A_104 = arith.constant 26 : i32
      %get3A_105 = arith.index_cast %rem3A_22 : i32 to index
      %get3A_106 = arith.index_cast %get3A_104 : i32 to index
      %get3A_107 = arith.constant 208 : index
      %get3A_108 = tpu.vector_load %arg6[%get3A_105, %get3A_106, %get3A_107] {strides = array<i32>} : memref<2x104x416xf32, #tpu.memory_space<vmem>>, vector<16xf32>,
      %get3A_109 = arith.constant 39 : i32
      %get3A_110 = arith.index_cast %rem3A_22 : i32 to index
      %get3A_111 = arith.index_cast %get3A_109 : i32 to index
      %get3A_112 = arith.constant 0 : index
      %get3A_113 = tpu.vector_load %arg6[%get3A_110, %get3A_111, %get3A_112] {strides = array<i32>} : memref<2x104x416xf32, #tpu.memory_space<vmem>>, vector<16xf32>,
      %mul3A_114 = arith.mulf %get3A_108, %get3A_113 : vector<16xf32>
      %add3A_115 = arith.addf %broadcast_in_dim3A_45, %mul3A_114 : vector<16xf32>
      %get3A_116 = arith.constant 52 : i32
      %get3A_117 = arith.index_cast %rem3A_22 : i32 to index
      %get3A_118 = arith.index_cast %get3A_116 : i32 to index
      %get3A_119 = arith.constant 208 : index
      %get3A_120 = tpu.vector_load %arg6[%get3A_117, %get3A_118, %get3A_119] {strides = array<i32>} : memref<2x104x416xf32, #tpu.memory_space<vmem>>, vector<16xf32>,
      %get3A_121 = arith.constant 65 : i32
      %get3A_122 = arith.index_cast %rem3A_22 : i32 to index
      %get3A_123 = arith.index_cast %get3A_121 : i32 to index
      %get3A_124 = arith.constant 0 : index
      %get3A_125 = tpu.vector_load %arg6[%get3A_122, %get3A_123, %get3A_124] {strides = array<i32>} : memref<2x104x416xf32, #tpu.memory_space<vmem>>, vector<16xf32>,
      %mul3A_126 = arith.mulf %get3A_120, %get3A_125 : vector<16xf32>
      %add3A_127 = arith.addf %broadcast_in_dim3A_45, %mul3A_126 : vector<16xf32>
      %get3A_128 = arith.constant 78 : i32
      %get3A_129 = arith.index_cast %rem3A_22 : i32 to index
      %get3A_130 = arith.index_cast %get3A_128 : i32 to index
      %get3A_131 = arith.constant 208 : index
      %get3A_132 = tpu.vector_load %arg6[%get3A_129, %get3A_130, %get3A_131] {strides = array<i32>} : memref<2x104x416xf32, #tpu.memory_space<vmem>>, vector<16xf32>,
      %get3A_133 = arith.constant 91 : i32
      %get3A_134 = arith.index_cast %rem3A_22 : i32 to index
      %get3A_135 = arith.index_cast %get3A_133 : i32 to index
      %get3A_136 = arith.constant 0 : index
      %get3A_137 = tpu.vector_load %arg6[%get3A_134, %get3A_135, %get3A_136] {strides = array<i32>} : memref<2x104x416xf32, #tpu.memory_space<vmem>>, vector<16xf32>,
      %mul3A_138 = arith.mulf %get3A_132, %get3A_137 : vector<16xf32>
      %add3A_139 = arith.addf %broadcast_in_dim3A_45, %mul3A_138 : vector<16xf32>
      %get3A_140 = arith.constant 1 : i32
      %get3A_141 = arith.index_cast %rem3A_22 : i32 to index
      %get3A_142 = arith.index_cast %get3A_140 : i32 to index
      %get3A_143 = arith.constant 224 : index
      %get3A_144 = tpu.vector_load %arg6[%get3A_141, %get3A_142, %get3A_143] {strides = array<i32>} : memref<2x104x416xf32, #tpu.memory_space<vmem>>, vector<16xf32>,
      %get3A_145 = arith.constant 14 : i32
      %get3A_146 = arith.index_cast %rem3A_22 : i32 to index
      %get3A_147 = arith.index_cast %get3A_145 : i32 to index
      %get3A_148 = arith.constant 16 : index
      %get3A_149 = tpu.vector_load %arg6[%get3A_146, %get3A_147, %get3A_148] {strides = array<i32>} : memref<2x104x416xf32, #tpu.memory_space<vmem>>, vector<16xf32>,
      %mul3A_150 = arith.mulf %get3A_144, %get3A_149 : vector<16xf32>
      %add3A_151 = arith.addf %add3A_103, %mul3A_150 : vector<16xf32>
      %get3A_152 = arith.constant 27 : i32
      %get3A_153 = arith.index_cast %rem3A_22 : i32 to index
      %get3A_154 = arith.index_cast %get3A_152 : i32 to index
      %get3A_155 = arith.constant 224 : index
      %get3A_156 = tpu.vector_load %arg6[%get3A_153, %get3A_154, %get3A_155] {strides = array<i32>} : memref<2x104x416xf32, #tpu.memory_space<vmem>>, vector<16xf32>,
      %get3A_157 = arith.constant 40 : i32
      %get3A_158 = arith.index_cast %rem3A_22 : i32 to index
      %get3A_159 = arith.index_cast %get3A_157 : i32 to index
      %get3A_160 = arith.constant 16 : index
      %get3A_161 = tpu.vector_load %arg6[%get3A_158, %get3A_159, %get3A_160] {strides = array<i32>} : memref<2x104x416xf32, #tpu.memory_space<vmem>>, vector<16xf32>,
      %mul3A_162 = arith.mulf %get3A_156, %get3A_161 : vector<16xf32>
      %add3A_163 = arith.addf %add3A_115, %mul3A_162 : vector<16xf32>
      %get3A_164 = arith.constant 53 : i32
      %get3A_165 = arith.index_cast %rem3A_22 : i32 to index
      %get3A_166 = arith.index_cast %get3A_164 : i32 to index
      %get3A_167 = arith.constant 224 : index
      %get3A_168 = tpu.vector_load %arg6[%get3A_165, %get3A_166, %get3A_167] {strides = array<i32>} : memref<2x104x416xf32, #tpu.memory_space<vmem>>, vector<16xf32>,
      %get3A_169 = arith.constant 66 : i32
      %get3A_170 = arith.index_cast %rem3A_22 : i32 to index
      %get3A_171 = arith.index_cast %get3A_169 : i32 to index
      %get3A_172 = arith.constant 16 : index
      %get3A_173 = tpu.vector_load %arg6[%get3A_170, %get3A_171, %get3A_172] {strides = array<i32>} : memref<2x104x416xf32, #tpu.memory_space<vmem>>, vector<16xf32>,
      %mul3A_174 = arith.mulf %get3A_168, %get3A_173 : vector<16xf32>
      %add3A_175 = arith.addf %add3A_127, %mul3A_174 : vector<16xf32>
      %get3A_176 = arith.constant 79 : i32
      %get3A_177 = arith.index_cast %rem3A_22 : i32 to index
      %get3A_178 = arith.index_cast %get3A_176 : i32 to index
      %get3A_179 = arith.constant 224 : index
      %get3A_180 = tpu.vector_load %arg6[%get3A_177, %get3A_178, %get3A_179] {strides = array<i32>} : memref<2x104x416xf32, #tpu.memory_space<vmem>>, vector<16xf32>,
      %get3A_181 = arith.constant 92 : i32
      %get3A_182 = arith.index_cast %rem3A_22 : i32 to index
      %get3A_183 = arith.index_cast %get3A_181 : i32 to index
      %get3A_184 = arith.constant 16 : index
      %get3A_185 = tpu.vector_load %arg6[%get3A_182, %get3A_183, %get3A_184] {strides = array<i32>} : memref<2x104x416xf32, #tpu.memory_space<vmem>>, vector<16xf32>,
      %mul3A_186 = arith.mulf %get3A_180, %get3A_185 : vector<16xf32>
      %add3A_187 = arith.addf %add3A_139, %mul3A_186 : vector<16xf32>
      %get3A_188 = arith.constant 2 : i32
      %get3A_189 = arith.index_cast %rem3A_22 : i32 to index
      %get3A_190 = arith.index_cast %get3A_188 : i32 to index
      %get3A_191 = arith.constant 240 : index
      %get3A_192 = tpu.vector_load %arg6[%get3A_189, %get3A_190, %get3A_191] {strides = array<i32>} : memref<2x104x416xf32, #tpu.memory_space<vmem>>, vector<16xf32>,
      %get3A_193 = arith.constant 15 : i32
      %get3A_194 = arith.index_cast %rem3A_22 : i32 to index
      %get3A_195 = arith.index_cast %get3A_193 : i32 to index
      %get3A_196 = arith.constant 32 : index
      %get3A_197 = tpu.vector_load %arg6[%get3A_194, %get3A_195, %get3A_196] {strides = array<i32>} : memref<2x104x416xf32, #tpu.memory_space<vmem>>, vector<16xf32>,
      %mul3A_198 = arith.mulf %get3A_192, %get3A_197 : vector<16xf32>
      %add3A_199 = arith.addf %add3A_151, %mul3A_198 : vector<16xf32>
      %get3A_200 = arith.constant 28 : i32
      %get3A_201 = arith.index_cast %rem3A_22 : i32 to index
      %get3A_202 = arith.index_cast %get3A_200 : i32 to index
      %get3A_203 = arith.constant 240 : index
      %get3A_204 = tpu.vector_load %arg6[%get3A_201, %get3A_202, %get3A_203] {strides = array<i32>} : memref<2x104x416xf32, #tpu.memory_space<vmem>>, vector<16xf32>,
      %get3A_205 = arith.constant 41 : i32
      %get3A_206 = arith.index_cast %rem3A_22 : i32 to index
      %get3A_207 = arith.index_cast %get3A_205 : i32 to index
      %get3A_208 = arith.constant 32 : index
      %get3A_209 = tpu.vector_load %arg6[%get3A_206, %get3A_207, %get3A_208] {strides = array<i32>} : memref<2x104x416xf32, #tpu.memory_space<vmem>>, vector<16xf32>,
      %mul3A_210 = arith.mulf %get3A_204, %get3A_209 : vector<16xf32>
      %add3A_211 = arith.addf %add3A_163, %mul3A_210 : vector<16xf32>
      %get3A_212 = arith.constant 54 : i32
      %get3A_213 = arith.index_cast %rem3A_22 : i32 to index
      %get3A_214 = arith.index_cast %get3A_212 : i32 to index
      %get3A_215 = arith.constant 240 : index
      %get3A_216 = tpu.vector_load %arg6[%get3A_213, %get3A_214, %get3A_215] {strides = array<i32>} : memref<2x104x416xf32, #tpu.memory_space<vmem>>, vector<16xf32>,
      %get3A_217 = arith.constant 67 : i32
      %get3A_218 = arith.index_cast %rem3A_22 : i32 to index
      %get3A_219 = arith.index_cast %get3A_217 : i32 to index
      %get3A_220 = arith.constant 32 : index
      %get3A_221 = tpu.vector_load %arg6[%get3A_218, %get3A_219, %get3A_220] {strides = array<i32>} : memref<2x104x416xf32, #tpu.memory_space<vmem>>, vector<16xf32>,
      %mul3A_222 = arith.mulf %get3A_216, %get3A_221 : vector<16xf32>
      %add3A_223 = arith.addf %add3A_175, %mul3A_222 : vector<16xf32>
      %get3A_224 = arith.constant 80 : i32
      %get3A_225 = arith.index_cast %rem3A_22 : i32 to index
      %get3A_226 = arith.index_cast %get3A_224 : i32 to index
      %get3A_227 = arith.constant 240 : index
      %get3A_228 = tpu.vector_load %arg6[%get3A_225, %get3A_226, %get3A_227] {strides = array<i32>} : memref<2x104x416xf32, #tpu.memory_space<vmem>>, vector<16xf32>,
      %get3A_229 = arith.constant 93 : i32
      %get3A_230 = arith.index_cast %rem3A_22 : i32 to index
      %get3A_231 = arith.index_cast %get3A_229 : i32 to index
      %get3A_232 = arith.constant 32 : index
      %get3A_233 = tpu.vector_load %arg6[%get3A_230, %get3A_231, %get3A_232] {strides = array<i32>} : memref<2x104x416xf32, #tpu.memory_space<vmem>>, vector<16xf32>,
      %mul3A_234 = arith.mulf %get3A_228, %get3A_233 : vector<16xf32>
      %add3A_235 = arith.addf %add3A_187, %mul3A_234 : vector<16xf32>
      %get3A_236 = arith.constant 3 : i32
      %get3A_237 = arith.index_cast %rem3A_22 : i32 to index
      %get3A_238 = arith.index_cast %get3A_236 : i32 to index
      %get3A_239 = arith.constant 256 : index
      %get3A_240 = tpu.vector_load %arg6[%get3A_237, %get3A_238, %get3A_239] {strides = array<i32>} : memref<2x104x416xf32, #tpu.memory_space<vmem>>, vector<16xf32>,
      %get3A_241 = arith.constant 16 : i32
      %get3A_242 = arith.index_cast %rem3A_22 : i32 to index
      %get3A_243 = arith.index_cast %get3A_241 : i32 to index
      %get3A_244 = arith.constant 48 : index
      %get3A_245 = tpu.vector_load %arg6[%get3A_242, %get3A_243, %get3A_244] {strides = array<i32>} : memref<2x104x416xf32, #tpu.memory_space<vmem>>, vector<16xf32>,
      %mul3A_246 = arith.mulf %get3A_240, %get3A_245 : vector<16xf32>
      %add3A_247 = arith.addf %add3A_199, %mul3A_246 : vector<16xf32>
      %get3A_248 = arith.constant 29 : i32
      %get3A_249 = arith.index_cast %rem3A_22 : i32 to index
      %get3A_250 = arith.index_cast %get3A_248 : i32 to index
      %get3A_251 = arith.constant 256 : index
      %get3A_252 = tpu.vector_load %arg6[%get3A_249, %get3A_250, %get3A_251] {strides = array<i32>} : memref<2x104x416xf32, #tpu.memory_space<vmem>>, vector<16xf32>,
      %get3A_253 = arith.constant 42 : i32
      %get3A_254 = arith.index_cast %rem3A_22 : i32 to index
      %get3A_255 = arith.index_cast %get3A_253 : i32 to index
      %get3A_256 = arith.constant 48 : index
      %get3A_257 = tpu.vector_load %arg6[%get3A_254, %get3A_255, %get3A_256] {strides = array<i32>} : memref<2x104x416xf32, #tpu.memory_space<vmem>>, vector<16xf32>,
      %mul3A_258 = arith.mulf %get3A_252, %get3A_257 : vector<16xf32>
      %add3A_259 = arith.addf %add3A_211, %mul3A_258 : vector<16xf32>
      %get3A_260 = arith.constant 55 : i32
      %get3A_261 = arith.index_cast %rem3A_22 : i32 to index
      %get3A_262 = arith.index_cast %get3A_260 : i32 to index
      %get3A_263 = arith.constant 256 : index
      %get3A_264 = tpu.vector_load %arg6[%get3A_261, %get3A_262, %get3A_263] {strides = array<i32>} : memref<2x104x416xf32, #tpu.memory_space<vmem>>, vector<16xf32>,
      %get3A_265 = arith.constant 68 : i32
      %get3A_266 = arith.index_cast %rem3A_22 : i32 to index
      %get3A_267 = arith.index_cast %get3A_265 : i32 to index
      %get3A_268 = arith.constant 48 : index
      %get3A_269 = tpu.vector_load %arg6[%get3A_266, %get3A_267, %get3A_268] {strides = array<i32>} : memref<2x104x416xf32, #tpu.memory_space<vmem>>, vector<16xf32>,
      %mul3A_270 = arith.mulf %get3A_264, %get3A_269 : vector<16xf32>
      %add3A_271 = arith.addf %add3A_223, %mul3A_270 : vector<16xf32>
      %get3A_272 = arith.constant 81 : i32
      %get3A_273 = arith.index_cast %rem3A_22 : i32 to index
      %get3A_274 = arith.index_cast %get3A_272 : i32 to index
      %get3A_275 = arith.constant 256 : index
      %get3A_276 = tpu.vector_load %arg6[%get3A_273, %get3A_274, %get3A_275] {strides = array<i32>} : memref<2x104x416xf32, #tpu.memory_space<vmem>>, vector<16xf32>,
      %get3A_277 = arith.constant 94 : i32
      %get3A_278 = arith.index_cast %rem3A_22 : i32 to index
      %get3A_279 = arith.index_cast %get3A_277 : i32 to index
      %get3A_280 = arith.constant 48 : index
      %get3A_281 = tpu.vector_load %arg6[%get3A_278, %get3A_279, %get3A_280] {strides = array<i32>} : memref<2x104x416xf32, #tpu.memory_space<vmem>>, vector<16xf32>,
      %mul3A_282 = arith.mulf %get3A_276, %get3A_281 : vector<16xf32>
      %add3A_283 = arith.addf %add3A_235, %mul3A_282 : vector<16xf32>
      %get3A_284 = arith.constant 4 : i32
      %get3A_285 = arith.index_cast %rem3A_22 : i32 to index
      %get3A_286 = arith.index_cast %get3A_284 : i32 to index
      %get3A_287 = arith.constant 272 : index
      %get3A_288 = tpu.vector_load %arg6[%get3A_285, %get3A_286, %get3A_287] {strides = array<i32>} : memref<2x104x416xf32, #tpu.memory_space<vmem>>, vector<16xf32>,
      %get3A_289 = arith.constant 17 : i32
      %get3A_290 = arith.index_cast %rem3A_22 : i32 to index
      %get3A_291 = arith.index_cast %get3A_289 : i32 to index
      %get3A_292 = arith.constant 64 : index
      %get3A_293 = tpu.vector_load %arg6[%get3A_290, %get3A_291, %get3A_292] {strides = array<i32>} : memref<2x104x416xf32, #tpu.memory_space<vmem>>, vector<16xf32>,
      %mul3A_294 = arith.mulf %get3A_288, %get3A_293 : vector<16xf32>
      %add3A_295 = arith.addf %add3A_247, %mul3A_294 : vector<16xf32>
      %get3A_296 = arith.constant 30 : i32
      %get3A_297 = arith.index_cast %rem3A_22 : i32 to index
      %get3A_298 = arith.index_cast %get3A_296 : i32 to index
      %get3A_299 = arith.constant 272 : index
      %get3A_300 = tpu.vector_load %arg6[%get3A_297, %get3A_298, %get3A_299] {strides = array<i32>} : memref<2x104x416xf32, #tpu.memory_space<vmem>>, vector<16xf32>,
      %get3A_301 = arith.constant 43 : i32
      %get3A_302 = arith.index_cast %rem3A_22 : i32 to index
      %get3A_303 = arith.index_cast %get3A_301 : i32 to index
      %get3A_304 = arith.constant 64 : index
      %get3A_305 = tpu.vector_load %arg6[%get3A_302, %get3A_303, %get3A_304] {strides = array<i32>} : memref<2x104x416xf32, #tpu.memory_space<vmem>>, vector<16xf32>,
      %mul3A_306 = arith.mulf %get3A_300, %get3A_305 : vector<16xf32>
      %add3A_307 = arith.addf %add3A_259, %mul3A_306 : vector<16xf32>
      %get3A_308 = arith.constant 56 : i32
      %get3A_309 = arith.index_cast %rem3A_22 : i32 to index
      %get3A_310 = arith.index_cast %get3A_308 : i32 to index
      %get3A_311 = arith.constant 272 : index
      %get3A_312 = tpu.vector_load %arg6[%get3A_309, %get3A_310, %get3A_311] {strides = array<i32>} : memref<2x104x416xf32, #tpu.memory_space<vmem>>, vector<16xf32>,
      %get3A_313 = arith.constant 69 : i32
      %get3A_314 = arith.index_cast %rem3A_22 : i32 to index
      %get3A_315 = arith.index_cast %get3A_313 : i32 to index
      %get3A_316 = arith.constant 64 : index
      %get3A_317 = tpu.vector_load %arg6[%get3A_314, %get3A_315, %get3A_316] {strides = array<i32>} : memref<2x104x416xf32, #tpu.memory_space<vmem>>, vector<16xf32>,
      %mul3A_318 = arith.mulf %get3A_312, %get3A_317 : vector<16xf32>
      %add3A_319 = arith.addf %add3A_271, %mul3A_318 : vector<16xf32>
      %get3A_320 = arith.constant 82 : i32
      %get3A_321 = arith.index_cast %rem3A_22 : i32 to index
      %get3A_322 = arith.index_cast %get3A_320 : i32 to index
      %get3A_323 = arith.constant 272 : index
      %get3A_324 = tpu.vector_load %arg6[%get3A_321, %get3A_322, %get3A_323] {strides = array<i32>} : memref<2x104x416xf32, #tpu.memory_space<vmem>>, vector<16xf32>,
      %get3A_325 = arith.constant 95 : i32
      %get3A_326 = arith.index_cast %rem3A_22 : i32 to index
      %get3A_327 = arith.index_cast %get3A_325 : i32 to index
      %get3A_328 = arith.constant 64 : index
      %get3A_329 = tpu.vector_load %arg6[%get3A_326, %get3A_327, %get3A_328] {strides = array<i32>} : memref<2x104x416xf32, #tpu.memory_space<vmem>>, vector<16xf32>,
      %mul3A_330 = arith.mulf %get3A_324, %get3A_329 : vector<16xf32>
      %add3A_331 = arith.addf %add3A_283, %mul3A_330 : vector<16xf32>
      %get3A_332 = arith.constant 5 : i32
      %get3A_333 = arith.index_cast %rem3A_22 : i32 to index
      %get3A_334 = arith.index_cast %get3A_332 : i32 to index
      %get3A_335 = arith.constant 288 : index
      %get3A_336 = tpu.vector_load %arg6[%get3A_333, %get3A_334, %get3A_335] {strides = array<i32>} : memref<2x104x416xf32, #tpu.memory_space<vmem>>, vector<16xf32>,
      %get3A_337 = arith.constant 18 : i32
      %get3A_338 = arith.index_cast %rem3A_22 : i32 to index
      %get3A_339 = arith.index_cast %get3A_337 : i32 to index
      %get3A_340 = arith.constant 80 : index
      %get3A_341 = tpu.vector_load %arg6[%get3A_338, %get3A_339, %get3A_340] {strides = array<i32>} : memref<2x104x416xf32, #tpu.memory_space<vmem>>, vector<16xf32>,
      %mul3A_342 = arith.mulf %get3A_336, %get3A_341 : vector<16xf32>
      %add3A_343 = arith.addf %add3A_295, %mul3A_342 : vector<16xf32>
      %get3A_344 = arith.constant 31 : i32
      %get3A_345 = arith.index_cast %rem3A_22 : i32 to index
      %get3A_346 = arith.index_cast %get3A_344 : i32 to index
      %get3A_347 = arith.constant 288 : index
      %get3A_348 = tpu.vector_load %arg6[%get3A_345, %get3A_346, %get3A_347] {strides = array<i32>} : memref<2x104x416xf32, #tpu.memory_space<vmem>>, vector<16xf32>,
      %get3A_349 = arith.constant 44 : i32
      %get3A_350 = arith.index_cast %rem3A_22 : i32 to index
      %get3A_351 = arith.index_cast %get3A_349 : i32 to index
      %get3A_352 = arith.constant 80 : index
      %get3A_353 = tpu.vector_load %arg6[%get3A_350, %get3A_351, %get3A_352] {strides = array<i32>} : memref<2x104x416xf32, #tpu.memory_space<vmem>>, vector<16xf32>,
      %mul3A_354 = arith.mulf %get3A_348, %get3A_353 : vector<16xf32>
      %add3A_355 = arith.addf %add3A_307, %mul3A_354 : vector<16xf32>
      %get3A_356 = arith.constant 57 : i32
      %get3A_357 = arith.index_cast %rem3A_22 : i32 to index
      %get3A_358 = arith.index_cast %get3A_356 : i32 to index
      %get3A_359 = arith.constant 288 : index
      %get3A_360 = tpu.vector_load %arg6[%get3A_357, %get3A_358, %get3A_359] {strides = array<i32>} : memref<2x104x416xf32, #tpu.memory_space<vmem>>, vector<16xf32>,
      %get3A_361 = arith.constant 70 : i32
      %get3A_362 = arith.index_cast %rem3A_22 : i32 to index
      %get3A_363 = arith.index_cast %get3A_361 : i32 to index
      %get3A_364 = arith.constant 80 : index
      %get3A_365 = tpu.vector_load %arg6[%get3A_362, %get3A_363, %get3A_364] {strides = array<i32>} : memref<2x104x416xf32, #tpu.memory_space<vmem>>, vector<16xf32>,
      %mul3A_366 = arith.mulf %get3A_360, %get3A_365 : vector<16xf32>
      %add3A_367 = arith.addf %add3A_319, %mul3A_366 : vector<16xf32>
      %get3A_368 = arith.constant 83 : i32
      %get3A_369 = arith.index_cast %rem3A_22 : i32 to index
      %get3A_370 = arith.index_cast %get3A_368 : i32 to index
      %get3A_371 = arith.constant 288 : index
      %get3A_372 = tpu.vector_load %arg6[%get3A_369, %get3A_370, %get3A_371] {strides = array<i32>} : memref<2x104x416xf32, #tpu.memory_space<vmem>>, vector<16xf32>,
      %get3A_373 = arith.constant 96 : i32
      %get3A_374 = arith.index_cast %rem3A_22 : i32 to index
      %get3A_375 = arith.index_cast %get3A_373 : i32 to index
      %get3A_376 = arith.constant 80 : index
      %get3A_377 = tpu.vector_load %arg6[%get3A_374, %get3A_375, %get3A_376] {strides = array<i32>} : memref<2x104x416xf32, #tpu.memory_space<vmem>>, vector<16xf32>,
      %mul3A_378 = arith.mulf %get3A_372, %get3A_377 : vector<16xf32>
      %add3A_379 = arith.addf %add3A_331, %mul3A_378 : vector<16xf32>
      %get3A_380 = arith.constant 6 : i32
      %get3A_381 = arith.index_cast %rem3A_22 : i32 to index
      %get3A_382 = arith.index_cast %get3A_380 : i32 to index
      %get3A_383 = arith.constant 304 : index
      %get3A_384 = tpu.vector_load %arg6[%get3A_381, %get3A_382, %get3A_383] {strides = array<i32>} : memref<2x104x416xf32, #tpu.memory_space<vmem>>, vector<16xf32>,
      %get3A_385 = arith.constant 19 : i32
      %get3A_386 = arith.index_cast %rem3A_22 : i32 to index
      %get3A_387 = arith.index_cast %get3A_385 : i32 to index
      %get3A_388 = arith.constant 96 : index
      %get3A_389 = tpu.vector_load %arg6[%get3A_386, %get3A_387, %get3A_388] {strides = array<i32>} : memref<2x104x416xf32, #tpu.memory_space<vmem>>, vector<16xf32>,
      %mul3A_390 = arith.mulf %get3A_384, %get3A_389 : vector<16xf32>
      %add3A_391 = arith.addf %add3A_343, %mul3A_390 : vector<16xf32>
      %get3A_392 = arith.constant 32 : i32
      %get3A_393 = arith.index_cast %rem3A_22 : i32 to index
      %get3A_394 = arith.index_cast %get3A_392 : i32 to index
      %get3A_395 = arith.constant 304 : index
      %get3A_396 = tpu.vector_load %arg6[%get3A_393, %get3A_394, %get3A_395] {strides = array<i32>} : memref<2x104x416xf32, #tpu.memory_space<vmem>>, vector<16xf32>,
      %get3A_397 = arith.constant 45 : i32
      %get3A_398 = arith.index_cast %rem3A_22 : i32 to index
      %get3A_399 = arith.index_cast %get3A_397 : i32 to index
      %get3A_400 = arith.constant 96 : index
      %get3A_401 = tpu.vector_load %arg6[%get3A_398, %get3A_399, %get3A_400] {strides = array<i32>} : memref<2x104x416xf32, #tpu.memory_space<vmem>>, vector<16xf32>,
      %mul3A_402 = arith.mulf %get3A_396, %get3A_401 : vector<16xf32>
      %add3A_403 = arith.addf %add3A_355, %mul3A_402 : vector<16xf32>
      %get3A_404 = arith.constant 58 : i32
      %get3A_405 = arith.index_cast %rem3A_22 : i32 to index
      %get3A_406 = arith.index_cast %get3A_404 : i32 to index
      %get3A_407 = arith.constant 304 : index
      %get3A_408 = tpu.vector_load %arg6[%get3A_405, %get3A_406, %get3A_407] {strides = array<i32>} : memref<2x104x416xf32, #tpu.memory_space<vmem>>, vector<16xf32>,
      %get3A_409 = arith.constant 71 : i32
      %get3A_410 = arith.index_cast %rem3A_22 : i32 to index
      %get3A_411 = arith.index_cast %get3A_409 : i32 to index
      %get3A_412 = arith.constant 96 : index
      %get3A_413 = tpu.vector_load %arg6[%get3A_410, %get3A_411, %get3A_412] {strides = array<i32>} : memref<2x104x416xf32, #tpu.memory_space<vmem>>, vector<16xf32>,
      %mul3A_414 = arith.mulf %get3A_408, %get3A_413 : vector<16xf32>
      %add3A_415 = arith.addf %add3A_367, %mul3A_414 : vector<16xf32>
      %get3A_416 = arith.constant 84 : i32
      %get3A_417 = arith.index_cast %rem3A_22 : i32 to index
      %get3A_418 = arith.index_cast %get3A_416 : i32 to index
      %get3A_419 = arith.constant 304 : index
      %get3A_420 = tpu.vector_load %arg6[%get3A_417, %get3A_418, %get3A_419] {strides = array<i32>} : memref<2x104x416xf32, #tpu.memory_space<vmem>>, vector<16xf32>,
      %get3A_421 = arith.constant 97 : i32
      %get3A_422 = arith.index_cast %rem3A_22 : i32 to index
      %get3A_423 = arith.index_cast %get3A_421 : i32 to index
      %get3A_424 = arith.constant 96 : index
      %get3A_425 = tpu.vector_load %arg6[%get3A_422, %get3A_423, %get3A_424] {strides = array<i32>} : memref<2x104x416xf32, #tpu.memory_space<vmem>>, vector<16xf32>,
      %mul3A_426 = arith.mulf %get3A_420, %get3A_425 : vector<16xf32>
      %add3A_427 = arith.addf %add3A_379, %mul3A_426 : vector<16xf32>
      %get3A_428 = arith.constant 7 : i32
      %get3A_429 = arith.index_cast %rem3A_22 : i32 to index
      %get3A_430 = arith.index_cast %get3A_428 : i32 to index
      %get3A_431 = arith.constant 320 : index
      %get3A_432 = tpu.vector_load %arg6[%get3A_429, %get3A_430, %get3A_431] {strides = array<i32>} : memref<2x104x416xf32, #tpu.memory_space<vmem>>, vector<16xf32>,
      %get3A_433 = arith.constant 20 : i32
      %get3A_434 = arith.index_cast %rem3A_22 : i32 to index
      %get3A_435 = arith.index_cast %get3A_433 : i32 to index
      %get3A_436 = arith.constant 112 : index
      %get3A_437 = tpu.vector_load %arg6[%get3A_434, %get3A_435, %get3A_436] {strides = array<i32>} : memref<2x104x416xf32, #tpu.memory_space<vmem>>, vector<16xf32>,
      %mul3A_438 = arith.mulf %get3A_432, %get3A_437 : vector<16xf32>
      %add3A_439 = arith.addf %add3A_391, %mul3A_438 : vector<16xf32>
      %get3A_440 = arith.constant 33 : i32
      %get3A_441 = arith.index_cast %rem3A_22 : i32 to index
      %get3A_442 = arith.index_cast %get3A_440 : i32 to index
      %get3A_443 = arith.constant 320 : index
      %get3A_444 = tpu.vector_load %arg6[%get3A_441, %get3A_442, %get3A_443] {strides = array<i32>} : memref<2x104x416xf32, #tpu.memory_space<vmem>>, vector<16xf32>,
      %get3A_445 = arith.constant 46 : i32
      %get3A_446 = arith.index_cast %rem3A_22 : i32 to index
      %get3A_447 = arith.index_cast %get3A_445 : i32 to index
      %get3A_448 = arith.constant 112 : index
      %get3A_449 = tpu.vector_load %arg6[%get3A_446, %get3A_447, %get3A_448] {strides = array<i32>} : memref<2x104x416xf32, #tpu.memory_space<vmem>>, vector<16xf32>,
      %mul3A_450 = arith.mulf %get3A_444, %get3A_449 : vector<16xf32>
      %add3A_451 = arith.addf %add3A_403, %mul3A_450 : vector<16xf32>
      %get3A_452 = arith.constant 59 : i32
      %get3A_453 = arith.index_cast %rem3A_22 : i32 to index
      %get3A_454 = arith.index_cast %get3A_452 : i32 to index
      %get3A_455 = arith.constant 320 : index
      %get3A_456 = tpu.vector_load %arg6[%get3A_453, %get3A_454, %get3A_455] {strides = array<i32>} : memref<2x104x416xf32, #tpu.memory_space<vmem>>, vector<16xf32>,
      %get3A_457 = arith.constant 72 : i32
      %get3A_458 = arith.index_cast %rem3A_22 : i32 to index
      %get3A_459 = arith.index_cast %get3A_457 : i32 to index
      %get3A_460 = arith.constant 112 : index
      %get3A_461 = tpu.vector_load %arg6[%get3A_458, %get3A_459, %get3A_460] {strides = array<i32>} : memref<2x104x416xf32, #tpu.memory_space<vmem>>, vector<16xf32>,
      %mul3A_462 = arith.mulf %get3A_456, %get3A_461 : vector<16xf32>
      %add3A_463 = arith.addf %add3A_415, %mul3A_462 : vector<16xf32>
      %get3A_464 = arith.constant 85 : i32
      %get3A_465 = arith.index_cast %rem3A_22 : i32 to index
      %get3A_466 = arith.index_cast %get3A_464 : i32 to index
      %get3A_467 = arith.constant 320 : index
      %get3A_468 = tpu.vector_load %arg6[%get3A_465, %get3A_466, %get3A_467] {strides = array<i32>} : memref<2x104x416xf32, #tpu.memory_space<vmem>>, vector<16xf32>,
      %get3A_469 = arith.constant 98 : i32
      %get3A_470 = arith.index_cast %rem3A_22 : i32 to index
      %get3A_471 = arith.index_cast %get3A_469 : i32 to index
      %get3A_472 = arith.constant 112 : index
      %get3A_473 = tpu.vector_load %arg6[%get3A_470, %get3A_471, %get3A_472] {strides = array<i32>} : memref<2x104x416xf32, #tpu.memory_space<vmem>>, vector<16xf32>,
      %mul3A_474 = arith.mulf %get3A_468, %get3A_473 : vector<16xf32>
      %add3A_475 = arith.addf %add3A_427, %mul3A_474 : vector<16xf32>
      %get3A_476 = arith.constant 8 : i32
      %get3A_477 = arith.index_cast %rem3A_22 : i32 to index
      %get3A_478 = arith.index_cast %get3A_476 : i32 to index
      %get3A_479 = arith.constant 336 : index
      %get3A_480 = tpu.vector_load %arg6[%get3A_477, %get3A_478, %get3A_479] {strides = array<i32>} : memref<2x104x416xf32, #tpu.memory_space<vmem>>, vector<16xf32>,
      %get3A_481 = arith.constant 21 : i32
      %get3A_482 = arith.index_cast %rem3A_22 : i32 to index
      %get3A_483 = arith.index_cast %get3A_481 : i32 to index
      %get3A_484 = arith.constant 128 : index
      %get3A_485 = tpu.vector_load %arg6[%get3A_482, %get3A_483, %get3A_484] {strides = array<i32>} : memref<2x104x416xf32, #tpu.memory_space<vmem>>, vector<16xf32>,
      %mul3A_486 = arith.mulf %get3A_480, %get3A_485 : vector<16xf32>
      %add3A_487 = arith.addf %add3A_439, %mul3A_486 : vector<16xf32>
      %get3A_488 = arith.constant 34 : i32
      %get3A_489 = arith.index_cast %rem3A_22 : i32 to index
      %get3A_490 = arith.index_cast %get3A_488 : i32 to index
      %get3A_491 = arith.constant 336 : index
      %get3A_492 = tpu.vector_load %arg6[%get3A_489, %get3A_490, %get3A_491] {strides = array<i32>} : memref<2x104x416xf32, #tpu.memory_space<vmem>>, vector<16xf32>,
      %get3A_493 = arith.constant 47 : i32
      %get3A_494 = arith.index_cast %rem3A_22 : i32 to index
      %get3A_495 = arith.index_cast %get3A_493 : i32 to index
      %get3A_496 = arith.constant 128 : index
      %get3A_497 = tpu.vector_load %arg6[%get3A_494, %get3A_495, %get3A_496] {strides = array<i32>} : memref<2x104x416xf32, #tpu.memory_space<vmem>>, vector<16xf32>,
      %mul3A_498 = arith.mulf %get3A_492, %get3A_497 : vector<16xf32>
      %add3A_499 = arith.addf %add3A_451, %mul3A_498 : vector<16xf32>
      %get3A_500 = arith.constant 60 : i32
      %get3A_501 = arith.index_cast %rem3A_22 : i32 to index
      %get3A_502 = arith.index_cast %get3A_500 : i32 to index
      %get3A_503 = arith.constant 336 : index
      %get3A_504 = tpu.vector_load %arg6[%get3A_501, %get3A_502, %get3A_503] {strides = array<i32>} : memref<2x104x416xf32, #tpu.memory_space<vmem>>, vector<16xf32>,
      %get3A_505 = arith.constant 73 : i32
      %get3A_506 = arith.index_cast %rem3A_22 : i32 to index
      %get3A_507 = arith.index_cast %get3A_505 : i32 to index
      %get3A_508 = arith.constant 128 : index
      %get3A_509 = tpu.vector_load %arg6[%get3A_506, %get3A_507, %get3A_508] {strides = array<i32>} : memref<2x104x416xf32, #tpu.memory_space<vmem>>, vector<16xf32>,
      %mul3A_510 = arith.mulf %get3A_504, %get3A_509 : vector<16xf32>
      %add3A_511 = arith.addf %add3A_463, %mul3A_510 : vector<16xf32>
      %get3A_512 = arith.constant 86 : i32
      %get3A_513 = arith.index_cast %rem3A_22 : i32 to index
      %get3A_514 = arith.index_cast %get3A_512 : i32 to index
      %get3A_515 = arith.constant 336 : index
      %get3A_516 = tpu.vector_load %arg6[%get3A_513, %get3A_514, %get3A_515] {strides = array<i32>} : memref<2x104x416xf32, #tpu.memory_space<vmem>>, vector<16xf32>,
      %get3A_517 = arith.constant 99 : i32
      %get3A_518 = arith.index_cast %rem3A_22 : i32 to index
      %get3A_519 = arith.index_cast %get3A_517 : i32 to index
      %get3A_520 = arith.constant 128 : index
      %get3A_521 = tpu.vector_load %arg6[%get3A_518, %get3A_519, %get3A_520] {strides = array<i32>} : memref<2x104x416xf32, #tpu.memory_space<vmem>>, vector<16xf32>,
      %mul3A_522 = arith.mulf %get3A_516, %get3A_521 : vector<16xf32>
      %add3A_523 = arith.addf %add3A_475, %mul3A_522 : vector<16xf32>
      %get3A_524 = arith.constant 9 : i32
      %get3A_525 = arith.index_cast %rem3A_22 : i32 to index
      %get3A_526 = arith.index_cast %get3A_524 : i32 to index
      %get3A_527 = arith.constant 352 : index
      %get3A_528 = tpu.vector_load %arg6[%get3A_525, %get3A_526, %get3A_527] {strides = array<i32>} : memref<2x104x416xf32, #tpu.memory_space<vmem>>, vector<16xf32>,
      %get3A_529 = arith.constant 22 : i32
      %get3A_530 = arith.index_cast %rem3A_22 : i32 to index
      %get3A_531 = arith.index_cast %get3A_529 : i32 to index
      %get3A_532 = arith.constant 144 : index
      %get3A_533 = tpu.vector_load %arg6[%get3A_530, %get3A_531, %get3A_532] {strides = array<i32>} : memref<2x104x416xf32, #tpu.memory_space<vmem>>, vector<16xf32>,
      %mul3A_534 = arith.mulf %get3A_528, %get3A_533 : vector<16xf32>
      %add3A_535 = arith.addf %add3A_487, %mul3A_534 : vector<16xf32>
      %get3A_536 = arith.constant 35 : i32
      %get3A_537 = arith.index_cast %rem3A_22 : i32 to index
      %get3A_538 = arith.index_cast %get3A_536 : i32 to index
      %get3A_539 = arith.constant 352 : index
      %get3A_540 = tpu.vector_load %arg6[%get3A_537, %get3A_538, %get3A_539] {strides = array<i32>} : memref<2x104x416xf32, #tpu.memory_space<vmem>>, vector<16xf32>,
      %get3A_541 = arith.constant 48 : i32
      %get3A_542 = arith.index_cast %rem3A_22 : i32 to index
      %get3A_543 = arith.index_cast %get3A_541 : i32 to index
      %get3A_544 = arith.constant 144 : index
      %get3A_545 = tpu.vector_load %arg6[%get3A_542, %get3A_543, %get3A_544] {strides = array<i32>} : memref<2x104x416xf32, #tpu.memory_space<vmem>>, vector<16xf32>,
      %mul3A_546 = arith.mulf %get3A_540, %get3A_545 : vector<16xf32>
      %add3A_547 = arith.addf %add3A_499, %mul3A_546 : vector<16xf32>
      %get3A_548 = arith.constant 61 : i32
      %get3A_549 = arith.index_cast %rem3A_22 : i32 to index
      %get3A_550 = arith.index_cast %get3A_548 : i32 to index
      %get3A_551 = arith.constant 352 : index
      %get3A_552 = tpu.vector_load %arg6[%get3A_549, %get3A_550, %get3A_551] {strides = array<i32>} : memref<2x104x416xf32, #tpu.memory_space<vmem>>, vector<16xf32>,
      %get3A_553 = arith.constant 74 : i32
      %get3A_554 = arith.index_cast %rem3A_22 : i32 to index
      %get3A_555 = arith.index_cast %get3A_553 : i32 to index
      %get3A_556 = arith.constant 144 : index
      %get3A_557 = tpu.vector_load %arg6[%get3A_554, %get3A_555, %get3A_556] {strides = array<i32>} : memref<2x104x416xf32, #tpu.memory_space<vmem>>, vector<16xf32>,
      %mul3A_558 = arith.mulf %get3A_552, %get3A_557 : vector<16xf32>
      %add3A_559 = arith.addf %add3A_511, %mul3A_558 : vector<16xf32>
      %get3A_560 = arith.constant 87 : i32
      %get3A_561 = arith.index_cast %rem3A_22 : i32 to index
      %get3A_562 = arith.index_cast %get3A_560 : i32 to index
      %get3A_563 = arith.constant 352 : index
      %get3A_564 = tpu.vector_load %arg6[%get3A_561, %get3A_562, %get3A_563] {strides = array<i32>} : memref<2x104x416xf32, #tpu.memory_space<vmem>>, vector<16xf32>,
      %get3A_565 = arith.constant 100 : i32
      %get3A_566 = arith.index_cast %rem3A_22 : i32 to index
      %get3A_567 = arith.index_cast %get3A_565 : i32 to index
      %get3A_568 = arith.constant 144 : index
      %get3A_569 = tpu.vector_load %arg6[%get3A_566, %get3A_567, %get3A_568] {strides = array<i32>} : memref<2x104x416xf32, #tpu.memory_space<vmem>>, vector<16xf32>,
      %mul3A_570 = arith.mulf %get3A_564, %get3A_569 : vector<16xf32>
      %add3A_571 = arith.addf %add3A_523, %mul3A_570 : vector<16xf32>
      %get3A_572 = arith.constant 10 : i32
      %get3A_573 = arith.index_cast %rem3A_22 : i32 to index
      %get3A_574 = arith.index_cast %get3A_572 : i32 to index
      %get3A_575 = arith.constant 368 : index
      %get3A_576 = tpu.vector_load %arg6[%get3A_573, %get3A_574, %get3A_575] {strides = array<i32>} : memref<2x104x416xf32, #tpu.memory_space<vmem>>, vector<16xf32>,
      %get3A_577 = arith.constant 23 : i32
      %get3A_578 = arith.index_cast %rem3A_22 : i32 to index
      %get3A_579 = arith.index_cast %get3A_577 : i32 to index
      %get3A_580 = arith.constant 160 : index
      %get3A_581 = tpu.vector_load %arg6[%get3A_578, %get3A_579, %get3A_580] {strides = array<i32>} : memref<2x104x416xf32, #tpu.memory_space<vmem>>, vector<16xf32>,
      %mul3A_582 = arith.mulf %get3A_576, %get3A_581 : vector<16xf32>
      %add3A_583 = arith.addf %add3A_535, %mul3A_582 : vector<16xf32>
      %get3A_584 = arith.constant 36 : i32
      %get3A_585 = arith.index_cast %rem3A_22 : i32 to index
      %get3A_586 = arith.index_cast %get3A_584 : i32 to index
      %get3A_587 = arith.constant 368 : index
      %get3A_588 = tpu.vector_load %arg6[%get3A_585, %get3A_586, %get3A_587] {strides = array<i32>} : memref<2x104x416xf32, #tpu.memory_space<vmem>>, vector<16xf32>,
      %get3A_589 = arith.constant 49 : i32
      %get3A_590 = arith.index_cast %rem3A_22 : i32 to index
      %get3A_591 = arith.index_cast %get3A_589 : i32 to index
      %get3A_592 = arith.constant 160 : index
      %get3A_593 = tpu.vector_load %arg6[%get3A_590, %get3A_591, %get3A_592] {strides = array<i32>} : memref<2x104x416xf32, #tpu.memory_space<vmem>>, vector<16xf32>,
      %mul3A_594 = arith.mulf %get3A_588, %get3A_593 : vector<16xf32>
      %add3A_595 = arith.addf %add3A_547, %mul3A_594 : vector<16xf32>
      %get3A_596 = arith.constant 62 : i32
      %get3A_597 = arith.index_cast %rem3A_22 : i32 to index
      %get3A_598 = arith.index_cast %get3A_596 : i32 to index
      %get3A_599 = arith.constant 368 : index
      %get3A_600 = tpu.vector_load %arg6[%get3A_597, %get3A_598, %get3A_599] {strides = array<i32>} : memref<2x104x416xf32, #tpu.memory_space<vmem>>, vector<16xf32>,
      %get3A_601 = arith.constant 75 : i32
      %get3A_602 = arith.index_cast %rem3A_22 : i32 to index
      %get3A_603 = arith.index_cast %get3A_601 : i32 to index
      %get3A_604 = arith.constant 160 : index
      %get3A_605 = tpu.vector_load %arg6[%get3A_602, %get3A_603, %get3A_604] {strides = array<i32>} : memref<2x104x416xf32, #tpu.memory_space<vmem>>, vector<16xf32>,
      %mul3A_606 = arith.mulf %get3A_600, %get3A_605 : vector<16xf32>
      %add3A_607 = arith.addf %add3A_559, %mul3A_606 : vector<16xf32>
      %get3A_608 = arith.constant 88 : i32
      %get3A_609 = arith.index_cast %rem3A_22 : i32 to index
      %get3A_610 = arith.index_cast %get3A_608 : i32 to index
      %get3A_611 = arith.constant 368 : index
      %get3A_612 = tpu.vector_load %arg6[%get3A_609, %get3A_610, %get3A_611] {strides = array<i32>} : memref<2x104x416xf32, #tpu.memory_space<vmem>>, vector<16xf32>,
      %get3A_613 = arith.constant 101 : i32
      %get3A_614 = arith.index_cast %rem3A_22 : i32 to index
      %get3A_615 = arith.index_cast %get3A_613 : i32 to index
      %get3A_616 = arith.constant 160 : index
      %get3A_617 = tpu.vector_load %arg6[%get3A_614, %get3A_615, %get3A_616] {strides = array<i32>} : memref<2x104x416xf32, #tpu.memory_space<vmem>>, vector<16xf32>,
      %mul3A_618 = arith.mulf %get3A_612, %get3A_617 : vector<16xf32>
      %add3A_619 = arith.addf %add3A_571, %mul3A_618 : vector<16xf32>
      %get3A_620 = arith.constant 11 : i32
      %get3A_621 = arith.index_cast %rem3A_22 : i32 to index
      %get3A_622 = arith.index_cast %get3A_620 : i32 to index
      %get3A_623 = arith.constant 384 : index
      %get3A_624 = tpu.vector_load %arg6[%get3A_621, %get3A_622, %get3A_623] {strides = array<i32>} : memref<2x104x416xf32, #tpu.memory_space<vmem>>, vector<16xf32>,
      %get3A_625 = arith.constant 24 : i32
      %get3A_626 = arith.index_cast %rem3A_22 : i32 to index
      %get3A_627 = arith.index_cast %get3A_625 : i32 to index
      %get3A_628 = arith.constant 176 : index
      %get3A_629 = tpu.vector_load %arg6[%get3A_626, %get3A_627, %get3A_628] {strides = array<i32>} : memref<2x104x416xf32, #tpu.memory_space<vmem>>, vector<16xf32>,
      %mul3A_630 = arith.mulf %get3A_624, %get3A_629 : vector<16xf32>
      %add3A_631 = arith.addf %add3A_583, %mul3A_630 : vector<16xf32>
      %get3A_632 = arith.constant 37 : i32
      %get3A_633 = arith.index_cast %rem3A_22 : i32 to index
      %get3A_634 = arith.index_cast %get3A_632 : i32 to index
      %get3A_635 = arith.constant 384 : index
      %get3A_636 = tpu.vector_load %arg6[%get3A_633, %get3A_634, %get3A_635] {strides = array<i32>} : memref<2x104x416xf32, #tpu.memory_space<vmem>>, vector<16xf32>,
      %get3A_637 = arith.constant 50 : i32
      %get3A_638 = arith.index_cast %rem3A_22 : i32 to index
      %get3A_639 = arith.index_cast %get3A_637 : i32 to index
      %get3A_640 = arith.constant 176 : index
      %get3A_641 = tpu.vector_load %arg6[%get3A_638, %get3A_639, %get3A_640] {strides = array<i32>} : memref<2x104x416xf32, #tpu.memory_space<vmem>>, vector<16xf32>,
      %mul3A_642 = arith.mulf %get3A_636, %get3A_641 : vector<16xf32>
      %add3A_643 = arith.addf %add3A_595, %mul3A_642 : vector<16xf32>
      %get3A_644 = arith.constant 63 : i32
      %get3A_645 = arith.index_cast %rem3A_22 : i32 to index
      %get3A_646 = arith.index_cast %get3A_644 : i32 to index
      %get3A_647 = arith.constant 384 : index
      %get3A_648 = tpu.vector_load %arg6[%get3A_645, %get3A_646, %get3A_647] {strides = array<i32>} : memref<2x104x416xf32, #tpu.memory_space<vmem>>, vector<16xf32>,
      %get3A_649 = arith.constant 76 : i32
      %get3A_650 = arith.index_cast %rem3A_22 : i32 to index
      %get3A_651 = arith.index_cast %get3A_649 : i32 to index
      %get3A_652 = arith.constant 176 : index
      %get3A_653 = tpu.vector_load %arg6[%get3A_650, %get3A_651, %get3A_652] {strides = array<i32>} : memref<2x104x416xf32, #tpu.memory_space<vmem>>, vector<16xf32>,
      %mul3A_654 = arith.mulf %get3A_648, %get3A_653 : vector<16xf32>
      %add3A_655 = arith.addf %add3A_607, %mul3A_654 : vector<16xf32>
      %get3A_656 = arith.constant 89 : i32
      %get3A_657 = arith.index_cast %rem3A_22 : i32 to index
      %get3A_658 = arith.index_cast %get3A_656 : i32 to index
      %get3A_659 = arith.constant 384 : index
      %get3A_660 = tpu.vector_load %arg6[%get3A_657, %get3A_658, %get3A_659] {strides = array<i32>} : memref<2x104x416xf32, #tpu.memory_space<vmem>>, vector<16xf32>,
      %get3A_661 = arith.constant 102 : i32
      %get3A_662 = arith.index_cast %rem3A_22 : i32 to index
      %get3A_663 = arith.index_cast %get3A_661 : i32 to index
      %get3A_664 = arith.constant 176 : index
      %get3A_665 = tpu.vector_load %arg6[%get3A_662, %get3A_663, %get3A_664] {strides = array<i32>} : memref<2x104x416xf32, #tpu.memory_space<vmem>>, vector<16xf32>,
      %mul3A_666 = arith.mulf %get3A_660, %get3A_665 : vector<16xf32>
      %add3A_667 = arith.addf %add3A_619, %mul3A_666 : vector<16xf32>
      %get3A_668 = arith.constant 12 : i32
      %get3A_669 = arith.index_cast %rem3A_22 : i32 to index
      %get3A_670 = arith.index_cast %get3A_668 : i32 to index
      %get3A_671 = arith.constant 400 : index
      %get3A_672 = tpu.vector_load %arg6[%get3A_669, %get3A_670, %get3A_671] {strides = array<i32>} : memref<2x104x416xf32, #tpu.memory_space<vmem>>, vector<16xf32>,
      %get3A_673 = arith.constant 25 : i32
      %get3A_674 = arith.index_cast %rem3A_22 : i32 to index
      %get3A_675 = arith.index_cast %get3A_673 : i32 to index
      %get3A_676 = arith.constant 192 : index
      %get3A_677 = tpu.vector_load %arg6[%get3A_674, %get3A_675, %get3A_676] {strides = array<i32>} : memref<2x104x416xf32, #tpu.memory_space<vmem>>, vector<16xf32>,
      %mul3A_678 = arith.mulf %get3A_672, %get3A_677 : vector<16xf32>
      %add3A_679 = arith.addf %add3A_631, %mul3A_678 : vector<16xf32>
      %get3A_680 = arith.constant 38 : i32
      %get3A_681 = arith.index_cast %rem3A_22 : i32 to index
      %get3A_682 = arith.index_cast %get3A_680 : i32 to index
      %get3A_683 = arith.constant 400 : index
      %get3A_684 = tpu.vector_load %arg6[%get3A_681, %get3A_682, %get3A_683] {strides = array<i32>} : memref<2x104x416xf32, #tpu.memory_space<vmem>>, vector<16xf32>,
      %get3A_685 = arith.constant 51 : i32
      %get3A_686 = arith.index_cast %rem3A_22 : i32 to index
      %get3A_687 = arith.index_cast %get3A_685 : i32 to index
      %get3A_688 = arith.constant 192 : index
      %get3A_689 = tpu.vector_load %arg6[%get3A_686, %get3A_687, %get3A_688] {strides = array<i32>} : memref<2x104x416xf32, #tpu.memory_space<vmem>>, vector<16xf32>,
      %mul3A_690 = arith.mulf %get3A_684, %get3A_689 : vector<16xf32>
      %add3A_691 = arith.addf %add3A_643, %mul3A_690 : vector<16xf32>
      %get3A_692 = arith.constant 64 : i32
      %get3A_693 = arith.index_cast %rem3A_22 : i32 to index
      %get3A_694 = arith.index_cast %get3A_692 : i32 to index
      %get3A_695 = arith.constant 400 : index
      %get3A_696 = tpu.vector_load %arg6[%get3A_693, %get3A_694, %get3A_695] {strides = array<i32>} : memref<2x104x416xf32, #tpu.memory_space<vmem>>, vector<16xf32>,
      %get3A_697 = arith.constant 77 : i32
      %get3A_698 = arith.index_cast %rem3A_22 : i32 to index
      %get3A_699 = arith.index_cast %get3A_697 : i32 to index
      %get3A_700 = arith.constant 192 : index
      %get3A_701 = tpu.vector_load %arg6[%get3A_698, %get3A_699, %get3A_700] {strides = array<i32>} : memref<2x104x416xf32, #tpu.memory_space<vmem>>, vector<16xf32>,
      %mul3A_702 = arith.mulf %get3A_696, %get3A_701 : vector<16xf32>
      %add3A_703 = arith.addf %add3A_655, %mul3A_702 : vector<16xf32>
      %get3A_704 = arith.constant 90 : i32
      %get3A_705 = arith.index_cast %rem3A_22 : i32 to index
      %get3A_706 = arith.index_cast %get3A_704 : i32 to index
      %get3A_707 = arith.constant 400 : index
      %get3A_708 = tpu.vector_load %arg6[%get3A_705, %get3A_706, %get3A_707] {strides = array<i32>} : memref<2x104x416xf32, #tpu.memory_space<vmem>>, vector<16xf32>,
      %get3A_709 = arith.constant 103 : i32
      %get3A_710 = arith.index_cast %rem3A_22 : i32 to index
      %get3A_711 = arith.index_cast %get3A_709 : i32 to index
      %get3A_712 = arith.constant 192 : index
      %get3A_713 = tpu.vector_load %arg6[%get3A_710, %get3A_711, %get3A_712] {strides = array<i32>} : memref<2x104x416xf32, #tpu.memory_space<vmem>>, vector<16xf32>,
      %mul3A_714 = arith.mulf %get3A_708, %get3A_713 : vector<16xf32>
      %add3A_715 = arith.addf %add3A_667, %mul3A_714 : vector<16xf32>
      %add3A_716 = arith.addf %parallel_loop3A_92#0, %parallel_loop3A_92#4 : vector<16xf32>
      %add3A_717 = arith.addf %add3A_716, %add3A_679 : vector<16xf32>
      %reduce_sum3A = arith.constant true
      %reduce_sum3A_718 = vector.broadcast %reduce_sum3A : i1 to vector<16xi1>
      %reduce_sum3A_719 = tpu.scan <sum>, %add3A_717 masked %reduce_sum3A_718 : vector<16xf32>, vector<16xi1> -> vector<16xf32>
      %reduce_sum3A_720 = vector.extract %reduce_sum3A_719[15] : f32 from vector<16xf32>
      %add3A_721 = arith.addf %parallel_loop3A_92#1, %parallel_loop3A_92#5 : vector<16xf32>
      %add3A_722 = arith.addf %add3A_721, %add3A_691 : vector<16xf32>
      %reduce_sum3A_723 = arith.constant true
      %reduce_sum3A_724 = vector.broadcast %reduce_sum3A_723 : i1 to vector<16xi1>
      %reduce_sum3A_725 = tpu.scan <sum>, %add3A_722 masked %reduce_sum3A_724 : vector<16xf32>, vector<16xi1> -> vector<16xf32>
      %reduce_sum3A_726 = vector.extract %reduce_sum3A_725[15] : f32 from vector<16xf32>
      %add3A_727 = arith.addf %parallel_loop3A_92#2, %parallel_loop3A_92#6 : vector<16xf32>
      %add3A_728 = arith.addf %add3A_727, %add3A_703 : vector<16xf32>
      %reduce_sum3A_729 = arith.constant true
      %reduce_sum3A_730 = vector.broadcast %reduce_sum3A_729 : i1 to vector<16xi1>
      %reduce_sum3A_731 = tpu.scan <sum>, %add3A_728 masked %reduce_sum3A_730 : vector<16xf32>, vector<16xi1> -> vector<16xf32>
      %reduce_sum3A_732 = vector.extract %reduce_sum3A_731[15] : f32 from vector<16xf32>
      %add3A_733 = arith.addf %parallel_loop3A_92#3, %parallel_loop3A_92#7 : vector<16xf32>
      %add3A_734 = arith.addf %add3A_733, %add3A_715 : vector<16xf32>
      %reduce_sum3A_735 = arith.constant true
      %reduce_sum3A_736 = vector.broadcast %reduce_sum3A_735 : i1 to vector<16xi1>
      %reduce_sum3A_737 = tpu.scan <sum>, %add3A_734 masked %reduce_sum3A_736 : vector<16xf32>, vector<16xi1> -> vector<16xf32>
      %reduce_sum3A_738 = vector.extract %reduce_sum3A_737[15] : f32 from vector<16xf32>
      %mul3A_739 = arith.constant 4 : i32
      %mul3A_740 = arith.muli %scan3A_20, %mul3A_739 : i32
      %add3A_741 = arith.constant 0 : i32
      %add3A_742 = arith.addi %mul3A_740, %add3A_741 : i32
      %add3A_743 = arith.constant 0 : i32
      %add3A_744 = arith.addi %add3A_742, %add3A_743 : i32
      %rem3A_745 = arith.constant 16 : i32
      %rem3A_746 = arith.remsi %add3A_744, %rem3A_745 : i32
      %eq3A_747 = vector.broadcast %rem3A_746 : i32 to vector<16xi32>
      %eq3A_748 = arith.cmpi eq, %iota3A, %eq3A_747 : vector<16xi32>
      %broadcast_in_dim3A_749 = vector.broadcast %reduce_sum3A_720 : f32 to vector<16xf32>
      %select_n3A = arith.select %eq3A_748, %broadcast_in_dim3A_749, %scan3A_21 : vector<16xi1>, vector<16xf32>
      %add3A_750 = arith.constant 1 : i32
      %add3A_751 = arith.addi %add3A_742, %add3A_750 : i32
      %rem3A_752 = arith.constant 16 : i32
      %rem3A_753 = arith.remsi %add3A_751, %rem3A_752 : i32
      %eq3A_754 = vector.broadcast %rem3A_753 : i32 to vector<16xi32>
      %eq3A_755 = arith.cmpi eq, %iota3A, %eq3A_754 : vector<16xi32>
      %broadcast_in_dim3A_756 = vector.broadcast %reduce_sum3A_726 : f32 to vector<16xf32>
      %select_n3A_757 = arith.select %eq3A_755, %broadcast_in_dim3A_756, %select_n3A : vector<16xi1>, vector<16xf32>
      %add3A_758 = arith.constant 2 : i32
      %add3A_759 = arith.addi %add3A_742, %add3A_758 : i32
      %rem3A_760 = arith.constant 16 : i32
      %rem3A_761 = arith.remsi %add3A_759, %rem3A_760 : i32
      %eq3A_762 = vector.broadcast %rem3A_761 : i32 to vector<16xi32>
      %eq3A_763 = arith.cmpi eq, %iota3A, %eq3A_762 : vector<16xi32>
      %broadcast_in_dim3A_764 = vector.broadcast %reduce_sum3A_732 : f32 to vector<16xf32>
      %select_n3A_765 = arith.select %eq3A_763, %broadcast_in_dim3A_764, %select_n3A_757 : vector<16xi1>, vector<16xf32>
      %add3A_766 = arith.constant 3 : i32
      %add3A_767 = arith.addi %add3A_742, %add3A_766 : i32
      %rem3A_768 = arith.constant 16 : i32
      %rem3A_769 = arith.remsi %add3A_767, %rem3A_768 : i32
      %eq3A_770 = vector.broadcast %rem3A_769 : i32 to vector<16xi32>
      %eq3A_771 = arith.cmpi eq, %iota3A, %eq3A_770 : vector<16xi32>
      %broadcast_in_dim3A_772 = vector.broadcast %reduce_sum3A_738 : f32 to vector<16xf32>
      %select_n3A_773 = arith.select %eq3A_771, %broadcast_in_dim3A_772, %select_n3A_765 : vector<16xi1>, vector<16xf32>
      %rem3A_774 = arith.constant 16 : i32
      %rem3A_775 = arith.remsi %add3A_742, %rem3A_774 : i32
      %eq3A_776 = arith.constant 12 : i32
      %eq3A_777 = arith.cmpi eq, %rem3A_775, %eq3A_776 : i32
      %convert_element_type3A_778 = arith.extui %eq3A_777 : i1 to i32
      %cond3A_779 = arith.constant 0 : i32
      %cond3A_780 = arith.cmpi ne, %convert_element_type3A_778, %cond3A_779 : i32
      scf.if %cond3A_780 {
        %jit3A = arith.constant 16 : i32
        %div3A = arith.divsi %add3A_742, %jit3A : i32
        %sign3A = arith.constant 0 : i32
        %sign3A_781 = arith.cmpi sgt, %add3A_742, %sign3A : i32
        %sign3A_782 = arith.extui %sign3A_781 : i1 to i32
        %sign3A_783 = arith.constant 0 : i32
        %sign3A_784 = arith.cmpi slt, %add3A_742, %sign3A_783 : i32
        %sign3A_785 = arith.extui %sign3A_784 : i1 to i32
        %sign3A_786 = arith.subi %sign3A_782, %sign3A_785 : i32
        %sign3A_787 = arith.constant 0 : i32
        %sign3A_788 = arith.cmpi sgt, %jit3A, %sign3A_787 : i32
        %sign3A_789 = arith.extui %sign3A_788 : i1 to i32
        %sign3A_790 = arith.constant 0 : i32
        %sign3A_791 = arith.cmpi slt, %jit3A, %sign3A_790 : i32
        %sign3A_792 = arith.extui %sign3A_791 : i1 to i32
        %sign3A_793 = arith.subi %sign3A_789, %sign3A_792 : i32
        %ne3A = arith.cmpi ne, %sign3A_786, %sign3A_793 : i32
        %rem3A_794 = arith.remsi %add3A_742, %jit3A : i32
        %ne3A_795 = arith.constant 0 : i32
        %ne3A_796 = arith.cmpi ne, %rem3A_794, %ne3A_795 : i32
        %and3A_797 = arith.andi %ne3A, %ne3A_796 : i1
        %sub3A = arith.constant 1 : i32
        %sub3A_798 = arith.subi %div3A, %sub3A : i32
        %select_n3A_799 = arith.select %and3A_797, %sub3A_798, %div3A : i32
        %mul3A_800 = arith.constant 16 : i32
        %mul3A_801 = arith.muli %select_n3A_799, %mul3A_800 : i32
        %neg3A = arith.constant 0.000000e+00 : f32
        %neg3A_802 = vector.broadcast %neg3A : f32 to vector<16xf32>
        %neg3A_803 = arith.subf %neg3A_802, %select_n3A_773 : vector<16xf32>
        %exp3A = math.exp %neg3A_803 : vector<16xf32>
        %add3A_804 = arith.constant 1.000000e+00 : f32
        %add3A_805 = vector.broadcast %add3A_804 : f32 to vector<16xf32>
        %add3A_806 = arith.addf %add3A_805, %exp3A : vector<16xf32>
        %div3A_807 = arith.constant 1.000000e+00 : f32
        %div3A_808 = vector.broadcast %div3A_807 : f32 to vector<16xf32>
        %div3A_809 = arith.divf %div3A_808, %add3A_806 : vector<16xf32>
        %swap3A = arith.index_cast %mul3A_801 : i32 to index
        %swap3A_810 = tpu.vector_load %arg7[%swap3A] {strides = array<i32>} : memref<128xf32, #tpu.memory_space<vmem>>, vector<16xf32>,
        tpu.vector_store %arg7[%swap3A], %div3A_809 {strides = array<i32>} : memref<128xf32, #tpu.memory_space<vmem>>, vector<16xf32>,
      } else {
      }
      scf.yield %select_n3A_773 : vector<16xf32>
    }
    %scan3A_19 = arith.constant 32 : i32
    "tpu.region"() ({
      %run_scoped3A = tpu.sem_alloc : memref<!tpu.dma_semaphore, #tpu.memory_space<semaphore_mem>>
      %dma_start3A_20 = tpu.memref_slice %arg4[%mul3A_2] : memref<4096xf32, #tpu.memory_space<hbm>> -> memref<128xf32, #tpu.memory_space<hbm>>
      %dma_start3A_21 = tpu.memref_slice %arg4[%mul3A_2] : memref<4096xf32, #tpu.memory_space<hbm>> -> memref<128xf32, #tpu.memory_space<hbm>>
      tpu.enqueue_dma source(%arg7 : memref<128xf32, #tpu.memory_space<vmem>>) target(%dma_start3A_21 : memref<128xf32, #tpu.memory_space<hbm>>) target_semaphore(%run_scoped3A : memref<!tpu.dma_semaphore, #tpu.memory_space<semaphore_mem>>)
      %dma_wait3A = tpu.memref_slice %arg4[%mul3A_2] : memref<4096xf32, #tpu.memory_space<hbm>> -> memref<128xf32, #tpu.memory_space<hbm>>
      %dma_wait3A_22 = tpu.memref_slice %arg4[%mul3A_2] : memref<4096xf32, #tpu.memory_space<hbm>> -> memref<128xf32, #tpu.memory_space<hbm>>
      tpu.wait_dma2 semaphore(%run_scoped3A : memref<!tpu.dma_semaphore, #tpu.memory_space<semaphore_mem>>) src(%arg7 : memref<128xf32, #tpu.memory_space<vmem>>) dst(%dma_wait3A_22 : memref<128xf32, #tpu.memory_space<hbm>>)
      tpu.yield
    }) : () -> ()
    return
  }
}

</mosaic_0001>

<sc_bundles>
// kernel: kernel.3.cloned.1.call-start
scs
__scs_entry_jumppad:
0x0: {  	(pc) =	sbr.rel $0x88, $3  }
0x1: {  	(tag) =	ssettag $0x0;
	lr =	simm.s32 $0x1  }
0x2: {  	[smem:$0x3F9F] =	sst lr;
	_ =	strace $0xD0000000  }
0x3: {  	_ = 	snop  }
0x4: {  	_ = 	snop  }
0x5: {  	_ = 	snop  }
0x6: {  	_ = 	snop  }
0x7: {  	_ = 	snop  }
__scs_overlays_trampoline_lowered:
0x8: {  	[smem:$0x3FAE] =	sst s0  }
0x9: {  	[smem:$0x3FAF] =	sst s1  }
0xa: {  	[smem:$0x3FB0] =	sst s2  }
0xb: {  	[smem:$0x3FB1] =	sst s3  }
0xc: {  	[smem:$0x3FB2] =	sst s4  }
0xd: {  	[smem:$0x3FB3] =	sst s5  }
0xe: {  	[smem:$0x3FB4] =	sst s6  }
0xf: {  	[smem:$0x3FB5] =	sst s7  }
0x10: {  	[smem:$0x3FB6] =	sst s8  }
0x11: {  	[smem:$0x3FB7] =	sst s9;
	s0 =	simm.s32 @!p0 $0x0  }
0x12: {  	s1 =	sld [smem:$0x3F9D];
	s0 =	simm.s32 @p0 $0x1  }
0x13: {  	[smem:$0x3FB8] =	sst s0;
	s0 =	simm.s32 @!p1 $0x0  }
0x14: {  	s2 =	sld [smem:$0x3F9C];
	s0 =	simm.s32 @p1 $0x1  }
0x15: {  	[smem:$0x3FB9] =	sst s0;
	s0 =	simm.s32 @!p2 $0x0  }
0x16: {  	s3 =	sld [smem:$0x3FDB];
	s0 =	simm.s32 @p2 $0x1  }
0x17: {  	s4 =	simm.s32 $0x1BF5;
	[smem:$0x3FBB] =	sst s0  }
0x18: {  	s0 =	sld [smem:$0x3F9E];
	_ =	swait.ge [sflag:s4], $0x0  }
0x19: {  	s7 =	sld [smem:$0x3F9F]  }
0x1a: {  	s8 =	sadd.s32 $0xFFFFE003, lr  }
0x1b: {  	s9 =	sadd.s32 $0xFFFFFEF7, lr;
	s5 =	simm.s32 $0xFFFFFFFF;
	p2 =	slt.u32 s8, $0xFFFFF086  }
0x1c: {  	p1 =	slt.u32 s9, $0xF7A;
	s5 =	simm.s32 @!p2 $0x0  }
0x1d: {  	s5 =	simm.s32 @p1 $0x1;
	p0 =	seq.s32 s7, s2  }
0x1e: {  	s7 =	smul.u32 @!p0 $0xF7A, s2;
	p2 =	seq.s32 @!p0 s5, $0x0  }
0x1f: {  	s9 =	smul.u32 $0xF7A, s1;
	s8 =	simm.s32 @!p0 $0x1BF5;
	p2 =	por !p2, p0  }
0x20: {  	[sflag:s8] =	ssyncset.s32 @!p0 $0xFFFFF086;
	s6 =	sadd.s32 @!p0 s3, s7;
	s7 =	simm.s32 @!p0 $0x108  }
0x21: {  	s3 =	sadd.s32 s3, s9;
	s6 =	sadd.s32 @!p0 $0x88, s6;
	s7 =	simm.s32 @p2 $0x1082  }
0x22: {  	[simem:s7], [sflag:s8] =	dma.local @!p0 [hbm:s6], $0xF7A  }
0x23: {  	s9 =	sor.u32 $0xD0000000, s2;
	s6 =	simm.s32 $0x108;
	_ =	swait.ge @!p0 [sflag:s8], $0x0  }
0x24: {  	s3 =	sadd.s32 $0x88, s3;
	s6 =	simm.s32 @!p1 $0x1082;
	[sflag:s4] =	ssyncset.s32 $0xFFFFF086  }
0x25: {  	[simem:s6], [sflag:s4] =	dma.local [hbm:s3], $0xF7A  }
0x26: {  	[smem:$0x3F9F] =	sst s1;
	(tag) =	ssettag s2;
	_ =	strace s9  }
0x27: {  	s1 =	sld [smem:$0x3FAF]  }
0x28: {  	s2 =	sld [smem:$0x3FB0]  }
0x29: {  	s4 =	sld [smem:$0x3FB2]  }
0x2a: {  	p0 =	seq.s32 s5, $0x0;
	s5 =	sld [smem:$0x3FB3]  }
0x2b: {  	s6 =	sld [smem:$0x3FB4]  }
0x2c: {  	s7 =	sld [smem:$0x3FB5]  }
0x2d: {  	s3 =	simm.s32 $0x108;
	s8 =	sld [smem:$0x3FB6]  }
0x2e: {  	s3 =	simm.s32 @!p0 $0x1082;
	s9 =	sld [smem:$0x3FB7]  }
0x2f: {  	lr =	sadd.s32 s0, s3;
	s0 =	sld [smem:$0x3FAE]  }
0x30: {  	s3 =	sld [smem:$0x3FB1]  }
0x31: {  	[smem:$0x3FBA] =	sst s10  }
0x32: {  	s10 =	sld [smem:$0x3FB8];
	_ =	sdelay $0x3  }
0x33: {  	p0 =	seq.s32 s10, $0x1;
	s10 =	sld [smem:$0x3FBA];
	_ =	sdelay $0x3  }
0x34: {  	[smem:$0x3FBA] =	sst s10  }
0x35: {  	s10 =	sld [smem:$0x3FB9];
	_ =	sdelay $0x3  }
0x36: {  	p1 =	seq.s32 s10, $0x1;
	s10 =	sld [smem:$0x3FBA];
	_ =	sdelay $0x3  }
0x37: {  	[smem:$0x3FBA] =	sst s10  }
0x38: {  	s10 =	sld [smem:$0x3FBB]  }
0x39: {  	_ = 	snop;
	(pc) =	sbr.ind lr, $3  }
0x3a: {  	_ = 	snop  }
0x3b: {  	_ = 	snop  }
0x3c: {  	p2 =	seq.s32 s10, $0x1;
	s10 =	sld [smem:$0x3FBA]  }
0x3d: {  	_ =	shalt  }
0x3e: {  	_ =	shalt  }
0x3f: {  	_ =	shalt  }
0x40: {  	_ =	shalt  }
0x41: {  	_ =	shalt  }
0x42: {  	_ =	shalt  }
0x43: {  	_ =	shalt  }
0x44: {  	_ =	shalt  }
0x45: {  	_ =	shalt  }
0x46: {  	_ =	shalt  }
0x47: {  	_ =	shalt  }
0x48: {  	_ =	shalt  }
0x49: {  	_ =	shalt  }
0x4a: {  	_ =	shalt  }
0x4b: {  	_ =	shalt  }
0x4c: {  	_ =	shalt  }
0x4d: {  	_ =	shalt  }
0x4e: {  	_ =	shalt  }
0x4f: {  	_ =	shalt  }
0x50: {  	_ =	shalt  }
0x51: {  	_ =	shalt  }
0x52: {  	_ =	shalt  }
0x53: {  	_ =	shalt  }
0x54: {  	_ =	shalt  }
0x55: {  	_ =	shalt  }
0x56: {  	_ =	shalt  }
0x57: {  	_ =	shalt  }
0x58: {  	_ =	shalt  }
0x59: {  	_ =	shalt  }
0x5a: {  	_ =	shalt  }
0x5b: {  	_ =	shalt  }
0x5c: {  	_ =	shalt  }
0x5d: {  	_ =	shalt  }
0x5e: {  	_ =	shalt  }
0x5f: {  	_ =	shalt  }
0x60: {  	_ =	shalt  }
0x61: {  	_ =	shalt  }
0x62: {  	_ =	shalt  }
0x63: {  	_ =	shalt  }
0x64: {  	_ =	shalt  }
0x65: {  	_ =	shalt  }
0x66: {  	_ =	shalt  }
0x67: {  	_ =	shalt  }
0x68: {  	_ =	shalt  }
0x69: {  	_ =	shalt  }
0x6a: {  	_ =	shalt  }
0x6b: {  	_ =	shalt  }
0x6c: {  	_ =	shalt  }
0x6d: {  	_ =	shalt  }
0x6e: {  	_ =	shalt  }
0x6f: {  	_ =	shalt  }
0x70: {  	_ =	shalt  }
0x71: {  	_ =	shalt  }
0x72: {  	_ =	shalt  }
0x73: {  	_ =	shalt  }
0x74: {  	_ =	shalt  }
0x75: {  	_ =	shalt  }
0x76: {  	_ =	shalt  }
0x77: {  	_ =	shalt  }
0x78: {  	_ =	shalt  }
0x79: {  	_ =	shalt  }
0x7a: {  	_ =	shalt  }
0x7b: {  	_ =	shalt  }
0x7c: {  	_ =	shalt  }
0x7d: {  	_ =	shalt  }
0x7e: {  	_ =	shalt  }
0x7f: {  	_ =	shalt  }
0x80: {  	_ =	shalt  }
0x81: {  	_ =	shalt  }
0x82: {  	_ =	shalt  }
0x83: {  	_ =	shalt  }
0x84: {  	_ =	shalt  }
0x85: {  	_ =	shalt  }
0x86: {  	_ =	shalt  }
0x87: {  	_ =	shalt  }
.Lfunc_end0:
.L_simem_size_0:
called_computation.1_lowered:
.L_overlay_start_0:
0x88: {  	s2 =	sld [smem:$0x3FD9]  }
0x89: {  	s3 =	sld [smem:$0x3FFE];
	_ =	sdelay $0x1  }
0x8a: {  	s1 =	srdreg.scid  }
0x8b: {  	s0 =	sand.u32 $0x1, s1  }
0x8c: {  	s17 =	sshll.u32 s0, $0xA;
	s2 =	sadd.s32 s3, s2  }
0x8d: {  	s2 =	sadd.s32 s2, s17  }
0x8e: {  	[smem:$0x3FC6] =	sst s2  }
0x8f: {  	_ = 	snop  }
0x90: {  	s2 =	sld [smem:$0x3FD0];
	(tm) =	ssettm $0x1  }
0x91: {  	s18 =	sld [smem:$0x3FFB];
	_ =	sdelay $0x3  }
0x92: {  	_ =	strace s18  }
0x93: {  	s3 =	sld [smem:$0x3FFC];
	_ =	sdelay $0x3  }
0x94: {  	_ =	strace s3  }
0x95: {  	s3 =	sld [smem:$0x3FFD];
	_ =	sdelay $0x3  }
0x96: {  	_ =	strace s3  }
0x97: {  	_ =	strace $0x8FFFFFFF  }
0x98: {  	s19 =	sld [smem:$0x3FDB];
	_ =	sdelay $0x1  }
0x99: {  	s4 =	simm.s32 $_scs_section_size  }
0x9a: {  	s5 =	simm.s32 $_size__tile_overlayer_lowered;
	s6 =	simm.s32 $_tile_overlayer_lowered  }
0x9b: {  	s22 =	simm.s32 $0x1BFF;
	s21 =	sshll.u32 s6, $0x1;
	s3 =	sadd.s32 s4, s19  }
0x9c: {  	s7 =	simm.s32 $0x0;
	s20 =	sshll.u32 s5, $0x1;
	s5 =	sadd.s32 s21, s3  }
0x9d: {  	[timem:s7], [sflag:s22] =	dma.local [hbm:s5], s20  }
0x9e: {  	_ =	swait.ge [sflag:s22], s20  }
0x9f: {  	s4 =	ssub.s32 $0x0, s20;
	[sflag:s22] =	ssyncset.done $0x0  }
0xa0: {  	[sflag:s22] =	ssyncadd.s32 s4;
	_ =	sdelay $0x1  }
0xa1: {  	s23 =	simm.s32 $0x1B8B  }
0xa2: {  	_ =	swait.ge [sflag:s23], $0x1  }
0xa3: {  	[sflag:s23] =	ssyncset.done $0x0  }
0xa4: {  	s25 =	simm.s32 $0x1B8E;
	s24 =	sld [smem:$0x3FFE];
	[sflag:s23] =	ssyncadd.s32 $0xFFFFFFFF  }
0xa5: {  	s26 =	simm.s32 $execute0_lowered;
	[smem:$0x3FD2] =	sst s25  }
0xa6: {  	s5 =	sshll.u32 s26, $0x1;
	_ =	strace $0x80000049;
	[dreg:$0x1] =	wrdreg $0xFFFFFFFF  }
0xa7: {  	s28 =	simm.s32 $_size_execute0_lowered;
	s3 =	sadd.s32 s3, s5;
	[dreg:$0x0] =	wrdreg $0x0  }
0xa8: {  	s5 =	sshll.u32 s28, $0x1;
	[dreg:$0x2] =	wrdreg s3  }
0xa9: {  	[dreg:$0x3] =	wrdreg s5  }
0xaa: {  	[dreg:$0x4] =	wrdreg $0xC0  }
0xab: {  	_ =	task [dreg:s7], $0x5FFFF  }
0xac: {  	[dreg:$0x1] =	wrdreg $0xFFFFFFFF  }
0xad: {  	[dreg:$0x0] =	wrdreg $0x60  }
0xae: {  	[dreg:$0x2] =	wrdreg s24  }
0xaf: {  	[dreg:$0x3] =	wrdreg s2  }
0xb0: {  	[dreg:$0x4] =	wrdreg $0x9  }
0xb1: {  	_ =	task.clear_ibuf [dreg:s7], $0x5FFFF;
	_ =	strace $0x90000049  }
0xb2: {  	s29 =	simm.s32 $0x9;
	_ =	strace $0x8000004B  }
0xb3: {  	_ =	swait.ge [sflag:s29], $0x1  }
0xb4: {  	[sflag:s29] =	ssyncadd.s32 $0xFFFFFFFF  }
0xb5: {  	_ =	strace $0x9000004B  }
0xb6: {  	_ =	sfence  }
0xb7: {  	s30 =	sld [smem:$0x0];
	_ =	sdelay $0x2  }
0xb8: {  	s31 =	sshll.u32 s1, $0xD;
	s1 =	sshrl.u32 s1, $0x2  }
0xb9: {  	s3 =	sand.u32 $0x4000, s31;
	s1 =	sadd.s32 s1, s30  }
0xba: {  	s0 =	sor.u32 s3, s0;
	s1 =	sshll.u32 s1, $0x11  }
0xbb: {  	s0 =	sor.u32 s1, s0  }
0xbc: {  	s0 =	sadd.s32 $0x8F2B, s0  }
0xbd: {  	[sflag:s0] =	ssyncadd.remote.s32 $0x1  }
0xbe: {  	_ =	sfence.sel $0xFFFF  }
0xbf: {  	[dreg:$0x0] =	wrdreg $0xFFFFFFFF;
	(pc) =	sbr.abs _section_cstart, $3  }
0xc0: {  	[dreg:$0x1] =	wrdreg $0xFFFFFFFF  }
0xc1: {  	_ =	task.clear_ibuf [dreg:s7], $0x2FFFF;
	_ =	strace $0x9FFFFFFF  }
0xc2: {  	(tm) =	ssettm $0x7FFFFFFF  }
0xc3: {  	_ =	shalt  }
tec
execute0_lowered:
.L_overlay_start_1:
0x0: {  	(tag) =	ssettag $0x1  }
0x1: {  	s3 =	rddreg [dreg:$0x0];
	s1 =	srdreg.scid  }
0x2: {  	s0 =	stileid.u32;
	s5 =	rddreg [dreg:$0x1]  }
0x3: {  	s2 =	simm.s32 $0x0;
	s4 =	sand.u32 $0x1, s1;
	s6 =	sshll.u32 s0, $0x1  }
0x4: {  	s10 =	simm.s32 $0xFFFFFFF5;
	s11 =	simm.s32 $0x0;
	s6 =	sor.u32 s4, s6  }
0x5: {  	[smem:$0x7FF] =	sst s2;
	s4 =	ssub.s32 $0x2, s4;
	s7 =	smul.u32 $0x1A0, s6  }
0x6: {  	_ =	strace $0x8000004A;
	[dreg:$0x3] =	wrdreg s10;
	s8 =	sshrl.u32 s4, $0x1  }
0x7: {  	s6 =	sshll.u32 s6, $0x4;
	s8 =	ssub.s32 s4, s8;
	s7 =	sadd.s32 s7, s3  }
0x8: {  	s5 =	sadd.s32 s5, s6;
	s3 =	sadd.s32 $0x61E600, s3;
	s31 =	sadd.s32 $0x61B200, s7  }
0x9: {  	s6 =	smax.u32 s8, $0x1;
	s7 =	simm.s32 $0x3;
	[dreg:$0x4] =	wrdreg s31  }
.LBB2_1:
0xa: {  	s0 =	rddreg [dreg:$0x4]  }
0xb: {  	[tilespmem:s2], [sflag:$0x3] =	stream.linear.gather [hbm4b:s0+s2], $0xD00, $0x38;
	[tilespmem:$0x15F80] =	vst v63  }
0xc: {  	_ =	swait.ge [sflag:s7], $0xD00  }
0xd: {  	s31 =	simm.s32 $0x68;
	s1 =	simm.s32 $0xD00;
	[sflag:s7] =	ssyncset.done $0x0  }
0xe: {  	p0 =	por $0x0, $0x0;
	s13 =	simm.s32 $0x0;
	[sflag:s7] =	ssyncadd.s32 $0xFFFFF300  }
0xf: {  	v1 =	vimm.f32 $0.0e+00;
	[tilespmem:s1], [sflag:$0x1] =	stream.indirect.gather [hbm4b:s3+s31], $0x1A0, s2, s31, $0xb8;
	[tilespmem:$0x15F80] =	vst v63  }
.LBB2_2:
0x10: {  	s14 =	sand.u32 $0x1, s13  }
0x11: {  	s12 =	sadd.s32 $0x1, s13;
	p1 =	seq.s32 s14, $0x1  }
0x12: {  	s16 =	simm.s32 $0x1;
	p2 =	seq.s32 s13, $0x1F;
	s15 =	smul.u32 @!p1 $0x1A0, s12  }
0x13: {  	s16 =	simm.s32 @!p0 $0x0;
	p2 =	por !p1, p2;
	s17 =	simm.s32 @!p1 $0x68  }
0x14: {  	s18 =	simm.s32 @!p1 $0xB600;
	s19 =	smul.u32 @!p2 $0x1A0, s12;
	s15 =	sshra.s32 @!p1 s15, $0x2  }
0x15: {  	[tilespmem:s18], [sflag:$0x2] =	stream.indirect.gather @!p1 [hbm4b:s3+s17], $0x1A0, s15, s17, $0xb8;
	[tilespmem:$0x15F80] =	vst v63  }
0x16: {  	s15 =	sshra.s32 @!p2 s19, $0x2;
	s17 =	simm.s32 @!p2 $0x68;
	s18 =	simm.s32 @!p2 $0xD00  }
0x17: {  	[tilespmem:s18], [sflag:$0x1] =	stream.indirect.gather @!p2 [hbm4b:s3+s17], $0x1A0, s15, s17, $0xb8;
	[tilespmem:$0x15F80] =	vst v63  }
0x18: {  	s16 =	smul.u32 $0x2A400, s16;
	p2 =	sne.s32 s14, $0x0  }
0x19: {  	s17 =	simm.s32 @!p2 $0x1  }
0x1a: {  	s15 =	sshrl.u32 s16, $0x2;
	_ =	swait.ge @!p2 [sflag:s17], $0xA900  }
0x1b: {  	v2 =	vmov s15;
	[sflag:s17] =	ssyncset.done @!p2 $0x0  }
0x1c: {  	[sflag:s17] =	ssyncadd.s32 @!p2 $0xFFFF5700;
	s17 =	simm.s32 @p1 $0x2  }
0x1d: {  	_ =	swait.ge @p1 [sflag:s17], $0xA900  }
0x1e: {  	[sflag:s17] =	ssyncset.done @p1 $0x0  }
0x1f: {  	[sflag:s17] =	ssyncadd.s32 @p1 $0xFFFF5700;
	s17 =	simm.s32 $0xD00  }
0x20: {  	v5 =	vld.idx.msk [tilespmem:v2+s17+$0x370 ss:$0x1], $0xffff  }
0x21: {  	v6 =	vld.idx.msk [tilespmem:v2+s17+$0x500 ss:$0x1], $0xffff  }
0x22: {  	v7 =	vld.idx.msk [tilespmem:v2+s17+$0x2DB0 ss:$0x1], $0xffff  }
0x23: {  	v8 =	vld.idx.msk [tilespmem:v2+s17+$0x2F40 ss:$0x1], $0xffff  }
0x24: {  	v9 =	vld.idx.msk [tilespmem:v2+s17+$0x57F0 ss:$0x1], $0xffff  }
0x25: {  	v10 =	vld.idx.msk [tilespmem:v2+s17+$0x5980 ss:$0x1], $0xffff  }
0x26: {  	v11 =	vld.idx.msk [tilespmem:v2+s17+$0x8230 ss:$0x1], $0xffff  }
0x27: {  	v12 =	vld.idx.msk [tilespmem:v2+s17+$0x83C0 ss:$0x1], $0xffff  }
0x28: {  	v13 =	vld.idx.msk [tilespmem:v2+s17+$0x520 ss:$0x1], $0xffff  }
0x29: {  	v14 =	vld.idx.msk [tilespmem:v2+s17+$0x6B0 ss:$0x1], $0xffff  }
0x2a: {  	v24 =	vld.idx.msk [tilespmem:v2+s17+$0x2F60 ss:$0x1], $0xffff  }
0x2b: {  	v25 =	vld.idx.msk [tilespmem:v2+s17+$0x30F0 ss:$0x1], $0xffff  }
0x2c: {  	v3 =	vld.idx.msk [tilespmem:v2+s17+$0x59A0 ss:$0x1], $0xffff  }
0x2d: {  	v4 =	vld.idx.msk [tilespmem:v2+s17+$0x5B30 ss:$0x1], $0xffff  }
0x2e: {  	v27 =	vld.idx.msk [tilespmem:v2+s17+$0x10 ss:$0x1], $0xffff  }
0x2f: {  	v28 =	vld.idx.msk [tilespmem:v2+s17+$0x1A0 ss:$0x1], $0xffff  }
0x30: {  	v30 =	vld.idx.msk [tilespmem:v2+s17+$0x2A50 ss:$0x1], $0xffff  }
0x31: {  	v31 =	vld.idx.msk [tilespmem:v2+s17+$0x2BE0 ss:$0x1], $0xffff  }
0x32: {  	v32 =	vld.idx.msk [tilespmem:v2+s17+$0x5490 ss:$0x1], $0xffff  }
0x33: {  	v33 =	vld.idx.msk [tilespmem:v2+s17+$0x5620 ss:$0x1], $0xffff  }
0x34: {  	v34 =	vld.idx.msk [tilespmem:v2+s17+$0x7ED0 ss:$0x1], $0xffff  }
0x35: {  	v35 =	vld.idx.msk [tilespmem:v2+s17+$0x8060 ss:$0x1], $0xffff  }
0x36: {  	v17 =	vld.idx.msk [tilespmem:v2+s17+$0x1C0 ss:$0x1], $0xffff  }
0x37: {  	v22 =	vld.idx.msk [tilespmem:v2+s17+$0x350 ss:$0x1], $0xffff  }
0x38: {  	v15 =	vld.idx.msk [tilespmem:v2+s17+$0x2C00 ss:$0x1], $0xffff;
	v18 =	vmul.f32 v6, v5  }
0x39: {  	v21 =	vld.idx.msk [tilespmem:v2+s17+$0x2D90 ss:$0x1], $0xffff;
	v20 =	vmul.f32 v8, v7;
	v16 =	vmul.f32 v10, v9  }
0x3a: {  	v23 =	vld.idx.msk [tilespmem:v2+s17+$0x5640 ss:$0x1], $0xffff;
	v19 =	vmul.f32 v12, v11;
	v13 =	vmul.f32 v14, v13  }
0x3b: {  	v26 =	vld.idx.msk [tilespmem:v2+s17+$0x57D0 ss:$0x1], $0xffff;
	v14 =	vmul.f32 v25, v24;
	v29 =	vmul.f32 v28, v27  }
0x3c: {  	v25 =	vld.idx.msk [tilespmem:v2+s17+$0x8080 ss:$0x1], $0xffff;
	v31 =	vmul.f32 v31, v30;
	v30 =	vmul.f32 v33, v32  }
0x3d: {  	s14 =	smul.u32 $0x2A400, s14;
	v27 =	vld.idx.msk [tilespmem:v2+s17+$0x8210 ss:$0x1], $0xffff;
	v32 =	vmul.f32 v35, v34;
	v7 =	vimm.f32 $0.0e+00;
	v8 =	vimm.f32 $0.0e+00  }
0x3e: {  	v24 =	vld.idx.msk [tilespmem:v2+s17+$0x83E0 ss:$0x1], $0xffff;
	v9 =	vimm.f32 $0.0e+00;
	v10 =	vimm.f32 $0.0e+00;
	v5 =	vimm.f32 $0.0e+00  }
0x3f: {  	s20 =	simm.s32 $0x13C0;
	s19 =	simm.s32 $0x0;
	s14 =	sshrl.u32 s14, $0x2;
	v28 =	vld.idx.msk [tilespmem:v2+s17+$0x8570 ss:$0x1], $0xffff;
	v12 =	vimm.f32 $0.0e+00;
	v6 =	vimm.f32 $0.0e+00;
	v11 =	vimm.f32 $0.0e+00  }
.LBB2_3:
0x40: {  	v33 =	vld.idx.msk [tilespmem:v2+s20+$0x370 ss:$0x1], $0xffff;
	v7 =	vadd.f32 v29, v7;
	v8 =	vadd.f32 v31, v8;
	v17 =	vmul.f32 v22, v17  }
0x41: {  	v15 =	vmul.f32 v21, v15;
	v29 =	vld.idx.msk [tilespmem:v2+s20+$0x500 ss:$0x1], $0xffff;
	v9 =	vadd.f32 v30, v9;
	v10 =	vadd.f32 v32, v10  }
0x42: {  	v21 =	vmul.f32 v26, v23;
	v30 =	vld.idx.msk [tilespmem:v2+s20+$0x2DB0 ss:$0x1], $0xffff;
	v7 =	vadd.f32 v18, v7;
	v8 =	vadd.f32 v20, v8  }
0x43: {  	v18 =	vmul.f32 v27, v25;
	v20 =	vld.idx.msk [tilespmem:v2+s20+$0x2F40 ss:$0x1], $0xffff;
	v9 =	vadd.f32 v16, v9;
	v10 =	vadd.f32 v19, v10  }
0x44: {  	v3 =	vmul.f32 v4, v3;
	v5 =	vadd.f32 v17, v5;
	v12 =	vadd.f32 v15, v12;
	v16 =	vld.idx.msk [tilespmem:v2+s20+$0x57F0 ss:$0x1], $0xffff  }
0x45: {  	v4 =	vadd.f32 v21, v6;
	v11 =	vadd.f32 v18, v11;
	v15 =	vmul.f32 v28, v24;
	v19 =	vld.idx.msk [tilespmem:v2+s20+$0x5980 ss:$0x1], $0xffff  }
0x46: {  	v5 =	vadd.f32 v13, v5;
	v12 =	vadd.f32 v14, v12;
	v24 =	vld.idx.msk [tilespmem:v2+s20+$0x8230 ss:$0x1], $0xffff  }
0x47: {  	s18 =	simm.s32 $0x19;
	v6 =	vadd.f32 v3, v4;
	v11 =	vadd.f32 v15, v11;
	v13 =	vld.idx.msk [tilespmem:v2+s20+$0x83C0 ss:$0x1], $0xffff  }
0x48: {  	v14 =	vld.idx.msk [tilespmem:v2+s20+$0x520 ss:$0x1], $0xffff  }
0x49: {  	v28 =	vld.idx.msk [tilespmem:v2+s20+$0x6B0 ss:$0x1], $0xffff  }
0x4a: {  	v31 =	vld.idx.msk [tilespmem:v2+s20+$0x2F60 ss:$0x1], $0xffff  }
0x4b: {  	v32 =	vld.idx.msk [tilespmem:v2+s20+$0x30F0 ss:$0x1], $0xffff  }
0x4c: {  	v3 =	vld.idx.msk [tilespmem:v2+s20+$0x59A0 ss:$0x1], $0xffff  }
0x4d: {  	v4 =	vld.idx.msk [tilespmem:v2+s20+$0x5B30 ss:$0x1], $0xffff  }
0x4e: {  	v34 =	vld.idx.msk [tilespmem:v2+s20+$0x10 ss:$0x1], $0xffff  }
0x4f: {  	v35 =	vld.idx.msk [tilespmem:v2+s20+$0x1A0 ss:$0x1], $0xffff  }
0x50: {  	v36 =	vld.idx.msk [tilespmem:v2+s20+$0x2A50 ss:$0x1], $0xffff  }
0x51: {  	v37 =	vld.idx.msk [tilespmem:v2+s20+$0x2BE0 ss:$0x1], $0xffff  }
0x52: {  	v38 =	vld.idx.msk [tilespmem:v2+s20+$0x5490 ss:$0x1], $0xffff  }
0x53: {  	v39 =	vld.idx.msk [tilespmem:v2+s20+$0x5620 ss:$0x1], $0xffff  }
0x54: {  	v40 =	vld.idx.msk [tilespmem:v2+s20+$0x7ED0 ss:$0x1], $0xffff  }
0x55: {  	v41 =	vld.idx.msk [tilespmem:v2+s20+$0x8060 ss:$0x1], $0xffff  }
0x56: {  	v17 =	vld.idx.msk [tilespmem:v2+s20+$0x1C0 ss:$0x1], $0xffff  }
0x57: {  	v22 =	vld.idx.msk [tilespmem:v2+s20+$0x350 ss:$0x1], $0xffff  }
0x58: {  	v15 =	vld.idx.msk [tilespmem:v2+s20+$0x2C00 ss:$0x1], $0xffff  }
0x59: {  	s19 =	sadd.s32 $0x4, s19;
	v21 =	vld.idx.msk [tilespmem:v2+s20+$0x2D90 ss:$0x1], $0xffff  }
0x5a: {  	p1 =	slt.u32 s19, $0x14;
	v23 =	vld.idx.msk [tilespmem:v2+s20+$0x5640 ss:$0x1], $0xffff  }
.Ltmp0:
0x5b: {  	v18 =	vmul.f32 v29, v33;
	v20 =	vmul.f32 v20, v30;
	v26 =	vld.idx.msk [tilespmem:v2+s20+$0x57D0 ss:$0x1], $0xffff;
	(pc) =	sbr.rel @p1 .LBB2_3-.Ltmp0, $4  }
0x5c: {  	v16 =	vmul.f32 v19, v16;
	v19 =	vmul.f32 v13, v24;
	v25 =	vld.idx.msk [tilespmem:v2+s20+$0x8080 ss:$0x1], $0xffff  }
0x5d: {  	v13 =	vmul.f32 v28, v14;
	v14 =	vmul.f32 v32, v31;
	v27 =	vld.idx.msk [tilespmem:v2+s20+$0x8210 ss:$0x1], $0xffff  }
0x5e: {  	v29 =	vmul.f32 v35, v34;
	v31 =	vmul.f32 v37, v36;
	v24 =	vld.idx.msk [tilespmem:v2+s20+$0x83E0 ss:$0x1], $0xffff  }
0x5f: {  	v30 =	vmul.f32 v39, v38;
	v32 =	vmul.f32 v41, v40;
	v28 =	vld.idx.msk [tilespmem:v2+s20+$0x8570 ss:$0x1], $0xffff;
	s20 =	sadd.s32 $0x6C0, s20  }
0x60: {  	v7 =	vadd.f32 v29, v7;
	v8 =	vadd.f32 v31, v8;
	v17 =	vmul.f32 v22, v17  }
0x61: {  	v15 =	vmul.f32 v21, v15;
	v9 =	vadd.f32 v30, v9;
	v10 =	vadd.f32 v32, v10  }
0x62: {  	v61 =	vmul.f32 v26, v23;
	v7 =	vadd.f32 v18, v7;
	v8 =	vadd.f32 v20, v8  }
0x63: {  	v62 =	vmul.f32 v27, v25;
	v5 =	vadd.f32 v17, v5;
	v12 =	vadd.f32 v15, v12  }
0x64: {  	v3 =	vmul.f32 v4, v3;
	v4 =	vadd.f32 v61, v6;
	v9 =	vadd.f32 v16, v9  }
0x65: {  	v10 =	vadd.f32 v19, v10;
	v11 =	vadd.f32 v62, v11;
	v63 =	vmul.f32 v28, v24  }
0x66: {  	v5 =	vadd.f32 v13, v5;
	v6 =	vadd.f32 v14, v12  }
0x67: {  	s19 =	simm.s32 $0xD00;
	v3 =	vadd.f32 v3, v4;
	v4 =	vadd.f32 v63, v11  }
.LBB2_5:
0x68: {  	p1 =	seq.s32 s18, $0x1A;
	s20 =	smov.u32 s18  }
0x69: {  	s20 =	simm.s32 @p1 $0x0  }
0x6a: {  	s21 =	sshll.u32 s20, $0x6  }
0x6b: {  	s21 =	sadd.s32 s21, s16  }
0x6c: {  	s21 =	sshra.s32 s21, $0x2  }
0x6d: {  	s20 =	smul.u32 $0x680, s20;
	s21 =	sadd.s32 s21, s17  }
0x6e: {  	v11 =	vld [tilespmem:s21+$0x2700]  }
0x6f: {  	s20 =	sadd.s32 s20, s16;
	v13 =	vld [tilespmem:s21+$0x5140]  }
0x70: {  	s20 =	sshra.s32 s20, $0x2;
	v15 =	vld [tilespmem:s21+$0x7B80]  }
0x71: {  	s20 =	sadd.s32 s20, s19;
	v17 =	vld [tilespmem:s21+$0xA5C0]  }
0x72: {  	v12 =	vld [tilespmem:s20+$0x180]  }
0x73: {  	v14 =	vld [tilespmem:s20+$0x2BC0]  }
0x74: {  	v16 =	vld [tilespmem:s20+$0x5600]  }
0x75: {  	v18 =	vld [tilespmem:s20+$0x8040];
	_ =	sdelay $0x1  }
0x76: {  	p1 =	sne.s32 s18, $0x1A  }
.Ltmp1:
0x77: {  	_ = 	snop;
	(pc) =	sbr.rel @p1 .LBB2_5-.Ltmp1, $4  }
0x78: {  	v11 =	vmul.f32 v12, v11;
	v58 =	vmul.f32 v14, v13  }
0x79: {  	v59 =	vmovc v7;
	v60 =	vmovc v8;
	v62 =	vmov v9;
	v15 =	vmul.f32 v16, v15;
	v61 =	vmul.f32 v18, v17  }
0x7a: {  	v63 =	vmovc v10;
	v7 =	vmovc v5;
	v8 =	vmov v6;
	v5 =	vadd.f32 v11, v59;
	v6 =	vadd.f32 v58, v60  }
0x7b: {  	v9 =	vmovc v3;
	v10 =	vmov v4;
	s18 =	sadd.s32 $0x1, s18;
	s17 =	sadd.s32 $0x1A0, s17;
	s19 =	sadd.s32 $0x10, s19;
	v3 =	vadd.f32 v15, v62;
	v4 =	vadd.f32 v61, v63  }
0x7c: {  	_ =	sdelay $0x2  }
0x7d: {  	s17 =	simm.s32 $0xD00  }
0x7e: {  	v15 =	vld.idx.msk [tilespmem:v2+s17+$0x380 ss:$0x1], $0xffff  }
0x7f: {  	v16 =	vld.idx.msk [tilespmem:v2+s17+$0x6A0 ss:$0x1], $0xffff  }
0x80: {  	v19 =	vld.idx.msk [tilespmem:v2+s17+$0x2DC0 ss:$0x1], $0xffff  }
0x81: {  	v20 =	vld.idx.msk [tilespmem:v2+s17+$0x30E0 ss:$0x1], $0xffff  }
0x82: {  	v21 =	vld.idx.msk [tilespmem:v2+s17+$0x5800 ss:$0x1], $0xffff  }
0x83: {  	v22 =	vld.idx.msk [tilespmem:v2+s17+$0x5B20 ss:$0x1], $0xffff  }
0x84: {  	v27 =	vld.idx.msk [tilespmem:v2+s17+$0x8240 ss:$0x1], $0xffff  }
0x85: {  	v28 =	vld.idx.msk [tilespmem:v2+s17+$0x8560 ss:$0x1], $0xffff  }
0x86: {  	v29 =	vld.idx.msk [tilespmem:v2+s17+$0x530 ss:$0x1], $0xffff  }
0x87: {  	v30 =	vld.idx.msk [tilespmem:v2+s17+$0x850 ss:$0x1], $0xffff  }
0x88: {  	v31 =	vld.idx.msk [tilespmem:v2+s17+$0x2F70 ss:$0x1], $0xffff  }
0x89: {  	v32 =	vld.idx.msk [tilespmem:v2+s17+$0x3290 ss:$0x1], $0xffff  }
0x8a: {  	v11 =	vld.idx.msk [tilespmem:v2+s17+$0x59B0 ss:$0x1], $0xffff  }
0x8b: {  	v12 =	vld.idx.msk [tilespmem:v2+s17+$0x5CD0 ss:$0x1], $0xffff  }
0x8c: {  	v33 =	vld.idx.msk [tilespmem:v2+s17+$0x20 ss:$0x1], $0xffff  }
0x8d: {  	v34 =	vld.idx.msk [tilespmem:v2+s17+$0x340 ss:$0x1], $0xffff  }
0x8e: {  	v35 =	vld.idx.msk [tilespmem:v2+s17+$0x2A60 ss:$0x1], $0xffff  }
0x8f: {  	v36 =	vld.idx.msk [tilespmem:v2+s17+$0x2D80 ss:$0x1], $0xffff  }
0x90: {  	v37 =	vld.idx.msk [tilespmem:v2+s17+$0x54A0 ss:$0x1], $0xffff  }
0x91: {  	v38 =	vld.idx.msk [tilespmem:v2+s17+$0x57C0 ss:$0x1], $0xffff  }
0x92: {  	v39 =	vld.idx.msk [tilespmem:v2+s17+$0x7EE0 ss:$0x1], $0xffff  }
0x93: {  	v40 =	vld.idx.msk [tilespmem:v2+s17+$0x8200 ss:$0x1], $0xffff  }
0x94: {  	v14 =	vld.idx.msk [tilespmem:v2+s17+$0x1D0 ss:$0x1], $0xffff  }
0x95: {  	v23 =	vld.idx.msk [tilespmem:v2+s17+$0x4F0 ss:$0x1], $0xffff  }
0x96: {  	v13 =	vld.idx.msk [tilespmem:v2+s17+$0x2C10 ss:$0x1], $0xffff  }
0x97: {  	v18 =	vld.idx.msk [tilespmem:v2+s17+$0x2F30 ss:$0x1], $0xffff  }
0x98: {  	v17 =	vld.idx.msk [tilespmem:v2+s17+$0x5650 ss:$0x1], $0xffff  }
0x99: {  	v24 =	vld.idx.msk [tilespmem:v2+s17+$0x5970 ss:$0x1], $0xffff;
	v25 =	vmul.f32 v16, v15;
	v26 =	vmul.f32 v20, v19  }
0x9a: {  	v20 =	vld.idx.msk [tilespmem:v2+s17+$0x8090 ss:$0x1], $0xffff;
	v21 =	vmul.f32 v22, v21;
	v22 =	vmul.f32 v28, v27  }
0x9b: {  	v27 =	vld.idx.msk [tilespmem:v2+s17+$0x83B0 ss:$0x1], $0xffff;
	v15 =	vmul.f32 v30, v29;
	v16 =	vmul.f32 v32, v31  }
0x9c: {  	v29 =	vmul.f32 v34, v33;
	v30 =	vmul.f32 v36, v35;
	v19 =	vld.idx.msk [tilespmem:v2+s17+$0x83F0 ss:$0x1], $0xffff  }
0x9d: {  	s18 =	simm.s32 $0x0;
	s19 =	simm.s32 $0x13C0;
	v31 =	vmul.f32 v38, v37;
	v32 =	vmul.f32 v40, v39;
	v28 =	vld.idx.msk [tilespmem:v2+s17+$0x8710 ss:$0x1], $0xffff  }
.LBB2_7:
0x9e: {  	v33 =	vld.idx.msk [tilespmem:v2+s19+$0x380 ss:$0x1], $0xffff;
	v7 =	vadd.f32 v29, v7;
	v8 =	vadd.f32 v30, v8;
	v14 =	vmul.f32 v23, v14  }
0x9f: {  	v13 =	vmul.f32 v18, v13;
	v29 =	vld.idx.msk [tilespmem:v2+s19+$0x6A0 ss:$0x1], $0xffff;
	v9 =	vadd.f32 v31, v9;
	v10 =	vadd.f32 v32, v10  }
0xa0: {  	v17 =	vmul.f32 v24, v17;
	v30 =	vld.idx.msk [tilespmem:v2+s19+$0x2DC0 ss:$0x1], $0xffff;
	v7 =	vadd.f32 v25, v7;
	v8 =	vadd.f32 v26, v8  }
0xa1: {  	v18 =	vmul.f32 v27, v20;
	v26 =	vld.idx.msk [tilespmem:v2+s19+$0x30E0 ss:$0x1], $0xffff;
	v9 =	vadd.f32 v21, v9;
	v10 =	vadd.f32 v22, v10  }
0xa2: {  	v11 =	vmul.f32 v12, v11;
	v5 =	vadd.f32 v14, v5;
	v6 =	vadd.f32 v13, v6;
	v21 =	vld.idx.msk [tilespmem:v2+s19+$0x5800 ss:$0x1], $0xffff  }
0xa3: {  	v3 =	vadd.f32 v17, v3;
	v4 =	vadd.f32 v18, v4;
	v12 =	vmul.f32 v28, v19;
	v22 =	vld.idx.msk [tilespmem:v2+s19+$0x5B20 ss:$0x1], $0xffff  }
0xa4: {  	v5 =	vadd.f32 v15, v5;
	v6 =	vadd.f32 v16, v6;
	v19 =	vld.idx.msk [tilespmem:v2+s19+$0x8240 ss:$0x1], $0xffff  }
0xa5: {  	v3 =	vadd.f32 v11, v3;
	v4 =	vadd.f32 v12, v4;
	v15 =	vld.idx.msk [tilespmem:v2+s19+$0x8560 ss:$0x1], $0xffff  }
0xa6: {  	v16 =	vld.idx.msk [tilespmem:v2+s19+$0x530 ss:$0x1], $0xffff  }
0xa7: {  	v28 =	vld.idx.msk [tilespmem:v2+s19+$0x850 ss:$0x1], $0xffff  }
0xa8: {  	v31 =	vld.idx.msk [tilespmem:v2+s19+$0x2F70 ss:$0x1], $0xffff  }
0xa9: {  	v32 =	vld.idx.msk [tilespmem:v2+s19+$0x3290 ss:$0x1], $0xffff  }
0xaa: {  	v11 =	vld.idx.msk [tilespmem:v2+s19+$0x59B0 ss:$0x1], $0xffff  }
0xab: {  	v12 =	vld.idx.msk [tilespmem:v2+s19+$0x5CD0 ss:$0x1], $0xffff  }
0xac: {  	v34 =	vld.idx.msk [tilespmem:v2+s19+$0x20 ss:$0x1], $0xffff  }
0xad: {  	v35 =	vld.idx.msk [tilespmem:v2+s19+$0x340 ss:$0x1], $0xffff  }
0xae: {  	v36 =	vld.idx.msk [tilespmem:v2+s19+$0x2A60 ss:$0x1], $0xffff  }
0xaf: {  	v37 =	vld.idx.msk [tilespmem:v2+s19+$0x2D80 ss:$0x1], $0xffff  }
0xb0: {  	v38 =	vld.idx.msk [tilespmem:v2+s19+$0x54A0 ss:$0x1], $0xffff  }
0xb1: {  	v39 =	vld.idx.msk [tilespmem:v2+s19+$0x57C0 ss:$0x1], $0xffff  }
0xb2: {  	v40 =	vld.idx.msk [tilespmem:v2+s19+$0x7EE0 ss:$0x1], $0xffff  }
0xb3: {  	v41 =	vld.idx.msk [tilespmem:v2+s19+$0x8200 ss:$0x1], $0xffff  }
0xb4: {  	v14 =	vld.idx.msk [tilespmem:v2+s19+$0x1D0 ss:$0x1], $0xffff  }
0xb5: {  	v23 =	vld.idx.msk [tilespmem:v2+s19+$0x4F0 ss:$0x1], $0xffff  }
0xb6: {  	v13 =	vld.idx.msk [tilespmem:v2+s19+$0x2C10 ss:$0x1], $0xffff  }
0xb7: {  	s18 =	sadd.s32 $0x4, s18;
	v18 =	vld.idx.msk [tilespmem:v2+s19+$0x2F30 ss:$0x1], $0xffff  }
0xb8: {  	p1 =	slt.u32 s18, $0x14;
	v17 =	vld.idx.msk [tilespmem:v2+s19+$0x5650 ss:$0x1], $0xffff  }
.Ltmp2:
0xb9: {  	v25 =	vmul.f32 v29, v33;
	v26 =	vmul.f32 v26, v30;
	v24 =	vld.idx.msk [tilespmem:v2+s19+$0x5970 ss:$0x1], $0xffff;
	(pc) =	sbr.rel @p1 .LBB2_7-.Ltmp2, $4  }
0xba: {  	v21 =	vmul.f32 v22, v21;
	v22 =	vmul.f32 v15, v19;
	v20 =	vld.idx.msk [tilespmem:v2+s19+$0x8090 ss:$0x1], $0xffff  }
0xbb: {  	v15 =	vmul.f32 v28, v16;
	v16 =	vmul.f32 v32, v31;
	v27 =	vld.idx.msk [tilespmem:v2+s19+$0x83B0 ss:$0x1], $0xffff  }
0xbc: {  	v29 =	vmul.f32 v35, v34;
	v30 =	vmul.f32 v37, v36;
	v19 =	vld.idx.msk [tilespmem:v2+s19+$0x83F0 ss:$0x1], $0xffff  }
0xbd: {  	v31 =	vmul.f32 v39, v38;
	v32 =	vmul.f32 v41, v40;
	v28 =	vld.idx.msk [tilespmem:v2+s19+$0x8710 ss:$0x1], $0xffff;
	s19 =	sadd.s32 $0x6C0, s19  }
0xbe: {  	v7 =	vadd.f32 v29, v7;
	v8 =	vadd.f32 v30, v8;
	v23 =	vmul.f32 v23, v14  }
0xbf: {  	v18 =	vmul.f32 v18, v13;
	v14 =	vadd.f32 v31, v9;
	v10 =	vadd.f32 v32, v10  }
0xc0: {  	v24 =	vmul.f32 v24, v17;
	v9 =	vadd.f32 v25, v7;
	v13 =	vadd.f32 v26, v8  }
0xc1: {  	v7 =	vmul.f32 v27, v20;
	v5 =	vadd.f32 v23, v5;
	v6 =	vadd.f32 v18, v6  }
0xc2: {  	v8 =	vmul.f32 v12, v11;
	v3 =	vadd.f32 v24, v3;
	v14 =	vadd.f32 v21, v14  }
0xc3: {  	v17 =	vadd.f32 v22, v10;
	v7 =	vadd.f32 v7, v4;
	v10 =	vmul.f32 v28, v19  }
0xc4: {  	v11 =	vadd.f32 v15, v5;
	v4 =	vadd.f32 v16, v6  }
0xc5: {  	s18 =	simm.s32 $0x0;
	s19 =	simm.s32 $0x0;
	v16 =	vadd.f32 v8, v3;
	v3 =	vadd.f32 v10, v7  }
.LBB2_9:
0xc6: {  	s20 =	sadd.s32 s15, s17  }
0xc7: {  	v5 =	vld [tilespmem:s20+$0x2700]  }
0xc8: {  	v6 =	vld [tilespmem:s20+$0x180]  }
0xc9: {  	v7 =	vld [tilespmem:s20+$0x5140]  }
0xca: {  	v8 =	vld [tilespmem:s20+$0x2BC0]  }
0xcb: {  	v10 =	vld [tilespmem:s20+$0x7B80]  }
0xcc: {  	v12 =	vld [tilespmem:s20+$0x5600]  }
0xcd: {  	v15 =	vld [tilespmem:s20+$0xA5C0]  }
0xce: {  	v18 =	vld [tilespmem:s20+$0x8040];
	_ =	sdelay $0x1  }
0xcf: {  	p1 =	sne.s32 s19, $0x10  }
.Ltmp3:
0xd0: {  	_ = 	snop;
	(pc) =	sbr.rel @p1 .LBB2_9-.Ltmp3, $4  }
0xd1: {  	v5 =	vmul.f32 v6, v5;
	v6 =	vmul.f32 v8, v7  }
0xd2: {  	v7 =	vmovc v9;
	v8 =	vmovc v13;
	v10 =	vmul.f32 v12, v10;
	v12 =	vmul.f32 v18, v15;
	v15 =	vmov v14  }
0xd3: {  	v18 =	vmovc v17;
	v9 =	vmovc v11;
	v13 =	vmov v4;
	v11 =	vadd.f32 v5, v7;
	v4 =	vadd.f32 v6, v8  }
0xd4: {  	s17 =	sadd.s32 $0x1B0, s17;
	s19 =	sadd.s32 $0x10, s19;
	v14 =	vmovc v16;
	v17 =	vmov v3;
	v16 =	vadd.f32 v10, v15;
	v3 =	vadd.f32 v12, v18  }
0xd5: {  	_ =	sdelay $0x2  }
0xd6: {  	s17 =	simm.s32 $0xD00  }
0xd7: {  	v18 =	vld.idx.msk [tilespmem:v2+s17+$0x5B10 ss:$0x1], $0xffff  }
0xd8: {  	v22 =	vld.idx.msk [tilespmem:v2+s17+$0x840 ss:$0x1], $0xffff  }
0xd9: {  	v24 =	vld.idx.msk [tilespmem:v2+s17+$0x390 ss:$0x1], $0xffff  }
0xda: {  	v12 =	vld.idx.msk [tilespmem:v2+s17+$0x3280 ss:$0x1], $0xffff  }
0xdb: {  	v23 =	vld.idx.msk [tilespmem:v2+s17+$0x4E0 ss:$0x1], $0xffff  }
0xdc: {  	v19 =	vld.idx.msk [tilespmem:v2+s17+$0x2DD0 ss:$0x1], $0xffff  }
0xdd: {  	v25 =	vld.idx.msk [tilespmem:v2+s17+$0x30 ss:$0x1], $0xffff  }
0xde: {  	v20 =	vld.idx.msk [tilespmem:v2+s17+$0x2A70 ss:$0x1], $0xffff  }
0xdf: {  	v26 =	vld.idx.msk [tilespmem:v2+s17+$0x2F20 ss:$0x1], $0xffff  }
0xe0: {  	v21 =	vld.idx.msk [tilespmem:v2+s17+$0x54B0 ss:$0x1], $0xffff  }
0xe1: {  	v27 =	vld.idx.msk [tilespmem:v2+s17+$0x5960 ss:$0x1], $0xffff  }
0xe2: {  	v28 =	vld.idx.msk [tilespmem:v2+s17+$0x7EF0 ss:$0x1], $0xffff  }
0xe3: {  	v29 =	vld.idx.msk [tilespmem:v2+s17+$0x83A0 ss:$0x1], $0xffff  }
0xe4: {  	v30 =	vld.idx.msk [tilespmem:v2+s17+$0x1E0 ss:$0x1], $0xffff  }
0xe5: {  	v31 =	vld.idx.msk [tilespmem:v2+s17+$0x690 ss:$0x1], $0xffff  }
0xe6: {  	v10 =	vld.idx.msk [tilespmem:v2+s17+$0x5CC0 ss:$0x1], $0xffff  }
0xe7: {  	p1 =	por $0x0, $0x0;
	s19 =	simm.s32 $0xFFFFFFEC;
	v32 =	vld.idx.msk [tilespmem:v2+s17+$0x8550 ss:$0x1], $0xffff  }
0xe8: {  	s19 =	simm.s32 @!p1 $0x6;
	v33 =	vld.idx.msk [tilespmem:v2+s17+$0x5660 ss:$0x1], $0xffff  }
0xe9: {  	s21 =	sadd.s32 $0x0, s16;
	v34 =	vld.idx.msk [tilespmem:v2+s17+$0x80A0 ss:$0x1], $0xffff;
	s20 =	sshll.u32 s19, $0x6  }
0xea: {  	v35 =	vld.idx.msk [tilespmem:v2+s17+$0x8250 ss:$0x1], $0xffff;
	s20 =	sadd.s32 s20, s21  }
0xeb: {  	v15 =	vld.idx.msk [tilespmem:v2+s17+$0x2C20 ss:$0x1], $0xffff;
	s20 =	sshra.s32 s20, $0x2  }
0xec: {  	v62 =	vld.idx.msk [tilespmem:v2+s17+$0x8700 ss:$0x1], $0xffff;
	s22 =	sadd.s32 $0x3C20, s20  }
0xed: {  	s19 =	smul.u32 $0x680, s19;
	s30 =	sadd.s32 $0x6660, s20;
	v5 =	vld [tilespmem:s22+$0x0]  }
0xee: {  	s31 =	sadd.s32 $0x90A0, s20;
	v6 =	vld [tilespmem:s30+$0x0]  }
0xef: {  	s19 =	sadd.s32 s19, s21;
	s20 =	sadd.s32 $0x11E0, s20;
	v7 =	vld [tilespmem:s31+$0x0]  }
0xf0: {  	s19 =	sshra.s32 s19, $0x2;
	v8 =	vld [tilespmem:s20+$0x0];
	v28 =	vmul.f32 v29, v28;
	v36 =	vmul.f32 v12, v19  }
0xf1: {  	v19 =	vmul.f32 v27, v21;
	v21 =	vld.idx.msk [tilespmem:v2+s17+$0x5810 ss:$0x1], $0xffff;
	v27 =	vmul.f32 v31, v30;
	s24 =	sadd.s32 $0xD00, s19  }
0xf2: {  	v25 =	vmul.f32 v23, v25;
	v23 =	vld [tilespmem:s24+$0x54B0];
	v12 =	vadd.f32 v28, v17;
	v17 =	vmul.f32 v26, v20  }
0xf3: {  	v63 =	vmul.f32 v32, v34;
	v20 =	vld.idx.msk [tilespmem:v2+s17+$0x30D0 ss:$0x1], $0xffff;
	v26 =	vmul.f32 v18, v33;
	v18 =	vadd.f32 v19, v14  }
0xf4: {  	s29 =	simm.s32 $0x4;
	s23 =	simm.s32 $0xD40;
	s25 =	simm.s32 $0x9720;
	v19 =	vld [tilespmem:s24+$0x7EF0];
	v14 =	vadd.f32 v27, v11;
	v27 =	vadd.f32 v17, v13  }
0xf5: {  	s26 =	simm.s32 $0x6CE0;
	s21 =	simm.s32 $0x42A0;
	s20 =	simm.s32 $0x1860;
	v11 =	vmul.f32 v22, v24;
	v22 =	vld [tilespmem:s24+$0x30];
	v16 =	vadd.f32 v26, v16;
	v17 =	vadd.f32 v63, v3  }
0xf6: {  	s19 =	simm.s32 $0x10;
	s22 =	simm.s32 $0x1A00;
	v24 =	vmul.f32 v62, v35;
	v13 =	vadd.f32 v25, v9;
	v9 =	vld [tilespmem:s24+$0x2A70];
	s24 =	simm.s32 $0x13C0;
	v3 =	vadd.f32 v36, v27  }
.LBB2_11:
0xf7: {  	p1 =	sgt.u32 s29, $0x13;
	s28 =	smov.u32 s29  }
0xf8: {  	v25 =	vld.idx.msk [tilespmem:v2+s24+$0x5B10 ss:$0x1], $0xffff;
	v13 =	vadd.f32 v11, v13;
	v10 =	vmul.f32 v10, v21;
	s18 =	sadd.s32 $0x100, s18;
	s30 =	simm.s32 $0xFFFFFFEC;
	s28 =	sadd.s32 $0x4, s29  }
0xf9: {  	v15 =	vmul.f32 v20, v15;
	s30 =	simm.s32 @!p1 $0x6;
	p1 =	slt.u32 s29, $0x14;
	v11 =	vld.idx.msk [tilespmem:v2+s24+$0x840 ss:$0x1], $0xffff  }
0xfa: {  	s31 =	sadd.s32 s18, s16;
	v7 =	vmul.f32 v19, v7;
	s29 =	sshll.u32 s30, $0x6;
	s30 =	smul.u32 $0x680, s30;
	v18 =	vadd.f32 v10, v18;
	v6 =	vmul.f32 v23, v6;
	v20 =	vld.idx.msk [tilespmem:v2+s24+$0x390 ss:$0x1], $0xffff  }
0xfb: {  	v12 =	vadd.f32 v24, v12;
	v4 =	vadd.f32 v15, v4;
	s29 =	sadd.s32 s29, s31;
	s31 =	sadd.s32 s22, s16;
	v8 =	vmul.f32 v22, v8;
	v10 =	vld.idx.msk [tilespmem:v2+s24+$0x3280 ss:$0x1], $0xffff  }
0xfc: {  	v17 =	vadd.f32 v7, v17;
	s1 =	sshra.s32 s29, $0x2;
	s29 =	sadd.s32 s30, s31;
	v5 =	vmul.f32 v9, v5;
	v9 =	vadd.f32 v6, v16;
	v19 =	vld.idx.msk [tilespmem:v2+s24+$0x4E0 ss:$0x1], $0xffff  }
0xfd: {  	s30 =	sadd.s32 s1, s20;
	s29 =	sshra.s32 s29, $0x2;
	v14 =	vadd.f32 v8, v14;
	v6 =	vld.idx.msk [tilespmem:v2+s24+$0x2DD0 ss:$0x1], $0xffff  }
0xfe: {  	s29 =	sadd.s32 s29, s23;
	v4 =	vadd.f32 v5, v4;
	v16 =	vld.idx.msk [tilespmem:v2+s24+$0x30 ss:$0x1], $0xffff  }
0xff: {  	s31 =	sadd.s32 s1, s21;
	v22 =	vld.idx.msk [tilespmem:v2+s24+$0x2A70 ss:$0x1], $0xffff  }
0x100: {  	v11 =	vmul.f32 v11, v20;
	v23 =	vld.idx.msk [tilespmem:v2+s24+$0x2F20 ss:$0x1], $0xffff  }
0x101: {  	s0 =	sadd.s32 s1, s26;
	v20 =	vld.idx.msk [tilespmem:v2+s24+$0x54B0 ss:$0x1], $0xffff  }
0x102: {  	v5 =	vld [tilespmem:s31+$0x0]  }
0x103: {  	s1 =	sadd.s32 s1, s25;
	v24 =	vmul.f32 v10, v6;
	v21 =	vld.idx.msk [tilespmem:v2+s24+$0x5960 ss:$0x1], $0xffff  }
0x104: {  	v6 =	vld [tilespmem:s0+$0x0]  }
0x105: {  	v8 =	vld.idx.msk [tilespmem:v2+s24+$0x7EF0 ss:$0x1], $0xffff  }
0x106: {  	v7 =	vld [tilespmem:s1+$0x0]  }
0x107: {  	v15 =	vld.idx.msk [tilespmem:v2+s24+$0x83A0 ss:$0x1], $0xffff  }
0x108: {  	v26 =	vld.idx.msk [tilespmem:v2+s24+$0x1E0 ss:$0x1], $0xffff  }
0x109: {  	v27 =	vld.idx.msk [tilespmem:v2+s24+$0x690 ss:$0x1], $0xffff  }
0x10a: {  	v10 =	vld.idx.msk [tilespmem:v2+s24+$0x5CC0 ss:$0x1], $0xffff  }
0x10b: {  	v28 =	vld.idx.msk [tilespmem:v2+s24+$0x8550 ss:$0x1], $0xffff  }
0x10c: {  	v29 =	vld.idx.msk [tilespmem:v2+s24+$0x5660 ss:$0x1], $0xffff  }
0x10d: {  	v30 =	vld.idx.msk [tilespmem:v2+s24+$0x80A0 ss:$0x1], $0xffff  }
0x10e: {  	v31 =	vld.idx.msk [tilespmem:v2+s24+$0x8250 ss:$0x1], $0xffff  }
0x10f: {  	v32 =	vmul.f32 v15, v8;
	v26 =	vmul.f32 v27, v26;
	v15 =	vld.idx.msk [tilespmem:v2+s24+$0x2C20 ss:$0x1], $0xffff  }
0x110: {  	v8 =	vld [tilespmem:s30+$0x0]  }
0x111: {  	v20 =	vmul.f32 v21, v20;
	v12 =	vadd.f32 v32, v12;
	v27 =	vld.idx.msk [tilespmem:v2+s24+$0x8700 ss:$0x1], $0xffff  }
0x112: {  	v25 =	vmul.f32 v25, v29;
	v21 =	vld.idx.msk [tilespmem:v2+s24+$0x5810 ss:$0x1], $0xffff  }
.Ltmp4:
0x113: {  	v22 =	vmul.f32 v23, v22;
	v18 =	vadd.f32 v20, v18;
	v23 =	vmul.f32 v28, v30;
	v20 =	vld.idx.msk [tilespmem:v2+s24+$0x30D0 ss:$0x1], $0xffff;
	(pc) =	sbr.rel @p1 .LBB2_11-.Ltmp4, $4  }
0x114: {  	v14 =	vadd.f32 v26, v14;
	v28 =	vmul.f32 v19, v16;
	v16 =	vadd.f32 v25, v9;
	v19 =	vld [tilespmem:s29+$0x7EF0]  }
0x115: {  	s22 =	sadd.s32 $0x1A00, s22;
	s20 =	sadd.s32 $0x680, s20;
	v3 =	vadd.f32 v22, v3;
	v17 =	vadd.f32 v23, v17;
	v23 =	vld [tilespmem:s29+$0x54B0]  }
0x116: {  	s21 =	sadd.s32 $0x680, s21;
	s25 =	sadd.s32 $0x680, s25;
	s23 =	sadd.s32 $0x40, s23;
	v13 =	vadd.f32 v28, v13;
	v22 =	vld [tilespmem:s29+$0x30]  }
0x117: {  	s26 =	sadd.s32 $0x680, s26;
	v3 =	vadd.f32 v24, v3;
	s24 =	sadd.s32 $0x6C0, s24;
	v24 =	vmul.f32 v27, v31;
	v9 =	vld [tilespmem:s29+$0x2A70];
	s29 =	smov.u32 s28  }
0x118: {  	_ = 	snop  }
0x119: {  	v10 =	vmul.f32 v10, v21;
	v15 =	vmul.f32 v20, v15  }
0x11a: {  	v11 =	vadd.f32 v11, v13;
	v7 =	vmul.f32 v19, v7  }
0x11b: {  	v13 =	vadd.f32 v10, v18;
	v6 =	vmul.f32 v23, v6;
	v10 =	vadd.f32 v15, v4  }
0x11c: {  	v4 =	vadd.f32 v24, v12;
	v8 =	vmul.f32 v22, v8;
	v9 =	vmul.f32 v9, v5  }
0x11d: {  	v5 =	vadd.f32 v6, v16;
	v16 =	vadd.f32 v7, v17  }
0x11e: {  	v6 =	vadd.f32 v8, v14;
	v9 =	vadd.f32 v9, v10  }
.LBB2_13:
0x11f: {  	s0 =	sadd.s32 s15, s17  }
0x120: {  	v7 =	vld [tilespmem:s0+$0x2710]  }
0x121: {  	v8 =	vld [tilespmem:s0+$0x320]  }
0x122: {  	v10 =	vld [tilespmem:s0+$0x5150]  }
0x123: {  	v12 =	vld [tilespmem:s0+$0x2D60]  }
0x124: {  	v14 =	vld [tilespmem:s0+$0x7B90]  }
0x125: {  	v15 =	vld [tilespmem:s0+$0x57A0]  }
0x126: {  	v17 =	vld [tilespmem:s0+$0xA5D0]  }
0x127: {  	v18 =	vld [tilespmem:s0+$0x81E0];
	_ =	sdelay $0x1  }
0x128: {  	p1 =	sne.s32 s19, $0x20  }
.Ltmp5:
0x129: {  	_ = 	snop;
	(pc) =	sbr.rel @p1 .LBB2_13-.Ltmp5, $4  }
0x12a: {  	v7 =	vmul.f32 v8, v7;
	v8 =	vmul.f32 v12, v10  }
0x12b: {  	v10 =	vmovc v11;
	v12 =	vmovc v3;
	v14 =	vmul.f32 v15, v14;
	v15 =	vmul.f32 v18, v17;
	v17 =	vmov v13  }
0x12c: {  	v18 =	vmovc v4;
	v11 =	vmovc v6;
	v3 =	vmov v9;
	v6 =	vadd.f32 v7, v10;
	v9 =	vadd.f32 v8, v12  }
0x12d: {  	s17 =	sadd.s32 $0x1B0, s17;
	s19 =	sadd.s32 $0x10, s19;
	v13 =	vmovc v5;
	v4 =	vmov v16;
	v5 =	vadd.f32 v14, v17;
	v16 =	vadd.f32 v15, v18  }
0x12e: {  	_ =	sdelay $0x2  }
0x12f: {  	s17 =	simm.s32 $0xD00  }
0x130: {  	v7 =	vld.idx.msk [tilespmem:v2+s17+$0x5670 ss:$0x1], $0xffff  }
0x131: {  	v12 =	vld.idx.msk [tilespmem:v2+s17+$0x8540 ss:$0x1], $0xffff  }
0x132: {  	v14 =	vld.idx.msk [tilespmem:v2+s17+$0x7F00 ss:$0x1], $0xffff  }
0x133: {  	v17 =	vld.idx.msk [tilespmem:v2+s17+$0x680 ss:$0x1], $0xffff  }
0x134: {  	v18 =	vld.idx.msk [tilespmem:v2+s17+$0x40 ss:$0x1], $0xffff  }
0x135: {  	v20 =	vld.idx.msk [tilespmem:v2+s17+$0x5B00 ss:$0x1], $0xffff  }
0x136: {  	v21 =	vld.idx.msk [tilespmem:v2+s17+$0x2C30 ss:$0x1], $0xffff  }
0x137: {  	v23 =	vld.idx.msk [tilespmem:v2+s17+$0x30C0 ss:$0x1], $0xffff  }
0x138: {  	v22 =	vld.idx.msk [tilespmem:v2+s17+$0x1F0 ss:$0x1], $0xffff  }
0x139: {  	p1 =	por $0x0, $0x0;
	s0 =	simm.s32 $0xFFFFFFEC;
	v24 =	vld.idx.msk [tilespmem:v2+s17+$0x830 ss:$0x1], $0xffff  }
0x13a: {  	s0 =	simm.s32 @!p1 $0x6;
	v25 =	vld.idx.msk [tilespmem:v2+s17+$0x54C0 ss:$0x1], $0xffff  }
0x13b: {  	s18 =	sadd.s32 $0x0, s16;
	v26 =	vld.idx.msk [tilespmem:v2+s17+$0x3270 ss:$0x1], $0xffff;
	s1 =	smul.u32 $0x680, s0;
	s0 =	sshll.u32 s0, $0x6  }
0x13c: {  	v28 =	vld.idx.msk [tilespmem:v2+s17+$0x2A80 ss:$0x1], $0xffff;
	s0 =	sadd.s32 s0, s18  }
0x13d: {  	v31 =	vld.idx.msk [tilespmem:v2+s17+$0x86F0 ss:$0x1], $0xffff;
	s0 =	sshra.s32 s0, $0x2  }
0x13e: {  	v33 =	vld.idx.msk [tilespmem:v2+s17+$0x80B0 ss:$0x1], $0xffff;
	s1 =	sadd.s32 s1, s18;
	s0 =	sadd.s32 $0xD00, s0  }
0x13f: {  	s1 =	sshra.s32 s1, $0x2;
	v30 =	vld [tilespmem:s0+$0x8200]  }
0x140: {  	s19 =	sadd.s32 $0x61A0, s1;
	v32 =	vld [tilespmem:s0+$0x57C0]  }
0x141: {  	p1 =	por $0x0, $0x0;
	v27 =	vld [tilespmem:s19+$0x0];
	s19 =	simm.s32 $0xFFFFFFED  }
0x142: {  	v15 =	vld [tilespmem:s0+$0x340];
	s19 =	simm.s32 @!p1 $0x7  }
0x143: {  	v10 =	vld [tilespmem:s0+$0x2D80];
	s20 =	smul.u32 $0x680, s19;
	s19 =	sshll.u32 s19, $0x6  }
0x144: {  	s1 =	sadd.s32 $0xD00, s1;
	v36 =	vmul.f32 v12, v14;
	v12 =	vmul.f32 v24, v22;
	v22 =	vld.idx.msk [tilespmem:v2+s17+$0x5CB0 ss:$0x1], $0xffff;
	s30 =	sadd.s32 s19, s18  }
0x145: {  	v29 =	vld [tilespmem:s1+$0x7EE0];
	s0 =	sshra.s32 s30, $0x2  }
0x146: {  	v8 =	vld [tilespmem:s1+$0x2A60];
	s20 =	sadd.s32 s20, s18;
	s0 =	sadd.s32 $0xD00, s0  }
0x147: {  	s31 =	sshra.s32 s20, $0x2;
	v35 =	vld [tilespmem:s0+$0x83A0]  }
0x148: {  	s22 =	sadd.s32 $0xD00, s31;
	v37 =	vld [tilespmem:s0+$0x5960]  }
0x149: {  	v34 =	vld [tilespmem:s22+$0x7EF0]  }
0x14a: {  	v21 =	vmul.f32 v26, v21;
	v26 =	vld [tilespmem:s22+$0x54B0]  }
0x14b: {  	v20 =	vmul.f32 v20, v25;
	v24 =	vmul.f32 v31, v33;
	v19 =	vld [tilespmem:s1+$0x20]  }
0x14c: {  	v14 =	vmul.f32 v23, v28;
	v9 =	vadd.f32 v21, v9;
	v21 =	vmul.f32 v17, v18;
	v17 =	vld [tilespmem:s0+$0x4E0]  }
0x14d: {  	s26 =	simm.s32 $0x4;
	s21 =	simm.s32 $0x61E0;
	v20 =	vadd.f32 v20, v13;
	v16 =	vadd.f32 v24, v16;
	v24 =	vmul.f32 v27, v32;
	v18 =	vld [tilespmem:s0+$0x2F20]  }
0x14e: {  	s23 =	simm.s32 $0xD40;
	s24 =	simm.s32 $0x13C0;
	v25 =	vadd.f32 v36, v4;
	v23 =	vadd.f32 v21, v11;
	s19 =	simm.s32 $0x100;
	v13 =	vmul.f32 v29, v30;
	v21 =	vld [tilespmem:s22+$0x2A70]  }
0x14f: {  	s18 =	simm.s32 $0x20;
	s20 =	simm.s32 $0x1380;
	v4 =	vadd.f32 v24, v20;
	v24 =	vld [tilespmem:s22+$0x30];
	s22 =	simm.s32 $0x1A00;
	v11 =	vmul.f32 v34, v35;
	v20 =	vmul.f32 v26, v37  }
.LBB2_15:
0x150: {  	p1 =	sgt.u32 s26, $0x13;
	p2 =	sgt.u32 s26, $0x12;
	s0 =	smov.u32 s26  }
0x151: {  	v26 =	vld.idx.msk [tilespmem:v2+s24+$0x5670 ss:$0x1], $0xffff;
	v15 =	vmul.f32 v19, v15;
	s25 =	sadd.s32 $0x4, s26;
	s1 =	simm.s32 $0xFFFFFFED;
	s0 =	simm.s32 $0xFFFFFFEC  }
0x152: {  	v6 =	vadd.f32 v12, v6;
	v7 =	vmul.f32 v22, v7;
	v8 =	vmul.f32 v8, v10;
	v19 =	vld.idx.msk [tilespmem:v2+s24+$0x8540 ss:$0x1], $0xffff;
	s1 =	simm.s32 @!p2 $0x7;
	s0 =	simm.s32 @!p1 $0x6;
	p1 =	slt.u32 s26, $0x14  }
0x153: {  	s28 =	sadd.s32 s19, s16;
	v3 =	vadd.f32 v14, v3;
	v25 =	vadd.f32 v13, v25;
	v10 =	vld.idx.msk [tilespmem:v2+s24+$0x7F00 ss:$0x1], $0xffff;
	s26 =	sshll.u32 s0, $0x6;
	s0 =	smul.u32 $0x680, s0  }
0x154: {  	s29 =	sadd.s32 s22, s16;
	s30 =	sshll.u32 s1, $0x6;
	v5 =	vadd.f32 v7, v5;
	v23 =	vadd.f32 v15, v23;
	v13 =	vld.idx.msk [tilespmem:v2+s24+$0x680 ss:$0x1], $0xffff;
	s26 =	sadd.s32 s26, s28  }
0x155: {  	v11 =	vadd.f32 v11, v16;
	s1 =	smul.u32 $0x680, s1;
	v0 =	vmul.f32 v21, v18;
	s28 =	sadd.s32 s30, s28;
	v12 =	vmul.f32 v24, v17;
	v27 =	vld.idx.msk [tilespmem:v2+s24+$0x40 ss:$0x1], $0xffff;
	s26 =	sshra.s32 s26, $0x2  }
0x156: {  	v3 =	vadd.f32 v8, v3;
	s0 =	sadd.s32 s0, s29;
	s28 =	sshra.s32 s28, $0x2;
	v14 =	vld.idx.msk [tilespmem:v2+s24+$0x5B00 ss:$0x1], $0xffff;
	s26 =	sadd.s32 s26, s20  }
0x157: {  	s1 =	sadd.s32 s1, s29;
	v5 =	vadd.f32 v20, v5;
	v9 =	vadd.f32 v0, v9;
	v7 =	vmov v26;
	s0 =	sshra.s32 s0, $0x2;
	v15 =	vld.idx.msk [tilespmem:v2+s24+$0x2C30 ss:$0x1], $0xffff  }
0x158: {  	s1 =	sshra.s32 s1, $0x2;
	v6 =	vadd.f32 v12, v6;
	s29 =	sadd.s32 s0, s21;
	v16 =	vld.idx.msk [tilespmem:v2+s24+$0x30C0 ss:$0x1], $0xffff  }
0x159: {  	s0 =	sadd.s32 s0, s23;
	v20 =	vmul.f32 v19, v10;
	v8 =	vld.idx.msk [tilespmem:v2+s24+$0x1F0 ss:$0x1], $0xffff  }
0x15a: {  	v10 =	vld.idx.msk [tilespmem:v2+s24+$0x830 ss:$0x1], $0xffff  }
0x15b: {  	v17 =	vld.idx.msk [tilespmem:v2+s24+$0x54C0 ss:$0x1], $0xffff  }
0x15c: {  	v18 =	vld.idx.msk [tilespmem:v2+s24+$0x3270 ss:$0x1], $0xffff  }
0x15d: {  	v21 =	vld [tilespmem:s29+$0x0]  }
0x15e: {  	s28 =	sadd.s32 s28, s20;
	v19 =	vld.idx.msk [tilespmem:v2+s24+$0x2A80 ss:$0x1], $0xffff  }
0x15f: {  	s1 =	sadd.s32 s1, s23;
	v24 =	vld [tilespmem:s0+$0x7EE0]  }
0x160: {  	v12 =	vmul.f32 v10, v8;
	v8 =	vld [tilespmem:s0+$0x2A60]  }
0x161: {  	v26 =	vmul.f32 v14, v17;
	v28 =	vld [tilespmem:s26+$0x8200]  }
0x162: {  	v17 =	vld.idx.msk [tilespmem:v2+s24+$0x86F0 ss:$0x1], $0xffff  }
0x163: {  	v29 =	vld [tilespmem:s26+$0x57C0]  }
0x164: {  	v14 =	vmul.f32 v16, v19;
	v16 =	vmul.f32 v18, v15;
	v15 =	vld [tilespmem:s26+$0x340]  }
0x165: {  	v10 =	vld [tilespmem:s26+$0x2D80]  }
0x166: {  	v18 =	vld.idx.msk [tilespmem:v2+s24+$0x80B0 ss:$0x1], $0xffff  }
0x167: {  	v9 =	vadd.f32 v16, v9;
	v19 =	vld [tilespmem:s0+$0x20]  }
0x168: {  	v30 =	vld [tilespmem:s1+$0x7EF0]  }
0x169: {  	v31 =	vld [tilespmem:s28+$0x83A0]  }
0x16a: {  	v32 =	vld [tilespmem:s28+$0x5960]  }
0x16b: {  	v33 =	vld [tilespmem:s1+$0x54B0]  }
.Ltmp6:
0x16c: {  	v16 =	vmul.f32 v17, v18;
	v22 =	vld.idx.msk [tilespmem:v2+s24+$0x5CB0 ss:$0x1], $0xffff;
	(pc) =	sbr.rel @p1 .LBB2_15-.Ltmp6, $4  }
0x16d: {  	v13 =	vmul.f32 v13, v27;
	v17 =	vld [tilespmem:s28+$0x4E0]  }
0x16e: {  	s19 =	sadd.s32 $0x100, s19;
	v4 =	vadd.f32 v26, v4;
	v26 =	vmul.f32 v21, v29;
	v16 =	vadd.f32 v16, v11;
	v18 =	vld [tilespmem:s28+$0x2F20]  }
0x16f: {  	s22 =	sadd.s32 $0x1A00, s22;
	s20 =	sadd.s32 $0x680, s20;
	s21 =	sadd.s32 $0x40, s21;
	v23 =	vadd.f32 v13, v23;
	v13 =	vmul.f32 v24, v28;
	v11 =	vmul.f32 v30, v31;
	v21 =	vld [tilespmem:s1+$0x2A70]  }
0x170: {  	s23 =	sadd.s32 $0x40, s23;
	v25 =	vadd.f32 v20, v25;
	s26 =	smov.u32 s25;
	v4 =	vadd.f32 v26, v4;
	s24 =	sadd.s32 $0x6C0, s24;
	v24 =	vld [tilespmem:s1+$0x30];
	v20 =	vmul.f32 v33, v32  }
0x171: {  	_ = 	snop  }
0x172: {  	v15 =	vmul.f32 v19, v15;
	v7 =	vmul.f32 v22, v7;
	v6 =	vadd.f32 v12, v6  }
0x173: {  	v8 =	vmul.f32 v8, v10;
	v10 =	vadd.f32 v14, v3;
	v3 =	vadd.f32 v11, v16  }
0x174: {  	v13 =	vadd.f32 v13, v25;
	v5 =	vadd.f32 v7, v5  }
0x175: {  	v7 =	vadd.f32 v15, v23;
	v12 =	vmul.f32 v21, v18;
	v14 =	vmul.f32 v24, v17  }
0x176: {  	v8 =	vadd.f32 v8, v10;
	v5 =	vadd.f32 v20, v5  }
0x177: {  	v12 =	vadd.f32 v12, v9;
	v6 =	vadd.f32 v14, v6  }
.LBB2_17:
0x178: {  	s0 =	sadd.s32 s15, s17  }
0x179: {  	v9 =	vld [tilespmem:s0+$0x2720]  }
0x17a: {  	v10 =	vld [tilespmem:s0+$0x4C0]  }
0x17b: {  	v11 =	vld [tilespmem:s0+$0x5160]  }
0x17c: {  	v14 =	vld [tilespmem:s0+$0x2F00]  }
0x17d: {  	v15 =	vld [tilespmem:s0+$0x7BA0]  }
0x17e: {  	v16 =	vld [tilespmem:s0+$0x5940]  }
0x17f: {  	v17 =	vld [tilespmem:s0+$0xA5E0]  }
0x180: {  	v18 =	vld [tilespmem:s0+$0x8380];
	_ =	sdelay $0x1  }
0x181: {  	p1 =	sne.s32 s18, $0x30  }
.Ltmp7:
0x182: {  	_ = 	snop;
	(pc) =	sbr.rel @p1 .LBB2_17-.Ltmp7, $4  }
0x183: {  	v9 =	vmul.f32 v10, v9;
	v10 =	vmul.f32 v14, v11  }
0x184: {  	v63 =	vmovc v13;
	v11 =	vmovc v7;
	v14 =	vmov v8;
	v15 =	vmul.f32 v16, v15;
	v61 =	vmul.f32 v18, v17  }
0x185: {  	v62 =	vmovc v4;
	v7 =	vmovc v6;
	v8 =	vmov v12;
	v6 =	vadd.f32 v9, v11;
	v12 =	vadd.f32 v10, v14  }
0x186: {  	s17 =	sadd.s32 $0x1B0, s17;
	s18 =	sadd.s32 $0x10, s18;
	v4 =	vmovc v5;
	v13 =	vmov v3;
	v5 =	vadd.f32 v15, v62;
	v3 =	vadd.f32 v61, v63  }
0x187: {  	_ =	sdelay $0x2  }
0x188: {  	s17 =	simm.s32 $0xD00  }
0x189: {  	v11 =	vld.idx.msk [tilespmem:v2+s17+$0x86E0 ss:$0x1], $0xffff  }
0x18a: {  	v14 =	vld.idx.msk [tilespmem:v2+s17+$0x50 ss:$0x1], $0xffff  }
0x18b: {  	p1 =	por $0x0, $0x0;
	s0 =	simm.s32 $0xFFFFFFEE;
	v10 =	vld.idx.msk [tilespmem:v2+s17+$0x54D0 ss:$0x1], $0xffff  }
0x18c: {  	s0 =	simm.s32 @!p1 $0x8;
	v15 =	vld.idx.msk [tilespmem:v2+s17+$0x5CA0 ss:$0x1], $0xffff  }
0x18d: {  	s1 =	sadd.s32 $0x0, s16;
	v16 =	vld.idx.msk [tilespmem:v2+s17+$0x2A90 ss:$0x1], $0xffff;
	s18 =	sshll.u32 s0, $0x6  }
0x18e: {  	v17 =	vld.idx.msk [tilespmem:v2+s17+$0x3260 ss:$0x1], $0xffff;
	s18 =	sadd.s32 s18, s1  }
0x18f: {  	v18 =	vld.idx.msk [tilespmem:v2+s17+$0x7F10 ss:$0x1], $0xffff;
	s18 =	sshra.s32 s18, $0x2  }
0x190: {  	v20 =	vld.idx.msk [tilespmem:v2+s17+$0x820 ss:$0x1], $0xffff;
	s0 =	smul.u32 $0x680, s0;
	s18 =	sadd.s32 $0xD00, s18  }
0x191: {  	v19 =	vld [tilespmem:s18+$0x83A0]  }
0x192: {  	s19 =	simm.s32 $0xFFFFFFEC;
	p1 =	por $0x0, $0x0;
	s0 =	sadd.s32 s0, s1;
	v21 =	vld [tilespmem:s18+$0x2F20]  }
0x193: {  	s19 =	simm.s32 @!p1 $0x6;
	s0 =	sshra.s32 s0, $0x2;
	v22 =	vld [tilespmem:s18+$0x5960]  }
0x194: {  	s20 =	smul.u32 $0x680, s19;
	s0 =	sadd.s32 $0xD00, s0;
	v24 =	vld [tilespmem:s18+$0x4E0]  }
0x195: {  	v23 =	vld [tilespmem:s0+$0x7EF0]  }
0x196: {  	s20 =	sadd.s32 s20, s1;
	v26 =	vld [tilespmem:s0+$0x30]  }
0x197: {  	s26 =	sshll.u32 s19, $0x6;
	s20 =	sshra.s32 s20, $0x2;
	v27 =	vld [tilespmem:s0+$0x2A70]  }
0x198: {  	s18 =	sadd.s32 s26, s1;
	s21 =	sadd.s32 $0xD00, s20;
	v28 =	vld [tilespmem:s0+$0x54B0]  }
0x199: {  	s18 =	sshra.s32 s18, $0x2;
	v25 =	vld [tilespmem:s21+$0x7ED0]  }
0x19a: {  	p1 =	por $0x0, $0x0;
	s29 =	sadd.s32 $0xD00, s18;
	s18 =	simm.s32 $0xFFFFFFED;
	v9 =	vld [tilespmem:s21+$0x10]  }
0x19b: {  	s20 =	sadd.s32 $0x6190, s20;
	v31 =	vld [tilespmem:s21+$0x2A50];
	s18 =	simm.s32 @!p1 $0x7  }
0x19c: {  	v33 =	vld [tilespmem:s20+$0x0];
	s30 =	sshll.u32 s18, $0x6;
	s18 =	smul.u32 $0x680, s18  }
0x19d: {  	v29 =	vld [tilespmem:s29+$0x8060];
	s19 =	sadd.s32 s30, s1  }
0x19e: {  	v30 =	vld [tilespmem:s29+$0x5620];
	s19 =	sshra.s32 s19, $0x2;
	s1 =	sadd.s32 s18, s1  }
0x19f: {  	v32 =	vld [tilespmem:s29+$0x2BE0];
	s31 =	sadd.s32 $0xD00, s19;
	s1 =	sshra.s32 s1, $0x2  }
0x1a0: {  	v35 =	vmul.f32 v15, v10;
	s1 =	sadd.s32 $0xD00, s1;
	v34 =	vld [tilespmem:s31+$0x8200]  }
0x1a1: {  	v10 =	vmul.f32 v17, v16;
	v16 =	vmul.f32 v11, v18;
	v61 =	vld [tilespmem:s1+$0x7EE0]  }
0x1a2: {  	v11 =	vmul.f32 v20, v14;
	v17 =	vmul.f32 v23, v19;
	v62 =	vld [tilespmem:s31+$0x57C0]  }
0x1a3: {  	v27 =	vmul.f32 v27, v21;
	v15 =	vmul.f32 v25, v29;
	v23 =	vld [tilespmem:s1+$0x54A0]  }
0x1a4: {  	v18 =	vmul.f32 v31, v32;
	v14 =	vld [tilespmem:s31+$0x2D80];
	v19 =	vmul.f32 v33, v30  }
0x1a5: {  	v3 =	vadd.f32 v15, v3;
	v15 =	vmul.f32 v28, v22;
	v22 =	vadd.f32 v16, v13;
	v16 =	vld [tilespmem:s1+$0x2A60]  }
0x1a6: {  	s28 =	simm.s32 $0x4;
	s22 =	simm.s32 $0x1A00;
	v63 =	vadd.f32 v18, v12;
	v13 =	vld [tilespmem:s31+$0x340];
	v20 =	vadd.f32 v19, v5;
	v25 =	vmul.f32 v61, v34  }
0x1a7: {  	s23 =	simm.s32 $0xD40;
	s24 =	simm.s32 $0x13C0;
	s20 =	simm.s32 $0x1380;
	v18 =	vadd.f32 v35, v4;
	v12 =	vmul.f32 v26, v24;
	v19 =	vld [tilespmem:s29+$0x1A0];
	v3 =	vadd.f32 v17, v3  }
0x1a8: {  	s21 =	simm.s32 $0x61D0;
	s18 =	simm.s32 $0x30;
	s19 =	simm.s32 $0x100;
	v17 =	vld [tilespmem:s1+$0x20];
	v4 =	vadd.f32 v27, v63;
	v21 =	vmul.f32 v23, v62;
	v5 =	vadd.f32 v25, v22  }
.LBB2_19:
0x1a9: {  	p1 =	sgt.u32 s28, $0x13;
	s29 =	sadd.s32 s22, s16;
	p2 =	sgt.u32 s28, $0x11  }
0x1aa: {  	v22 =	vld.idx.msk [tilespmem:v2+s24+$0x86E0 ss:$0x1], $0xffff;
	v20 =	vadd.f32 v15, v20;
	s0 =	smov.u32 s28;
	s1 =	simm.s32 $0xFFFFFFEC;
	s25 =	simm.s32 $0xFFFFFFEE  }
0x1ab: {  	s30 =	sadd.s32 s19, s16;
	v15 =	vld.idx.msk [tilespmem:v2+s24+$0x50 ss:$0x1], $0xffff;
	s1 =	simm.s32 @!p1 $0x6;
	s25 =	simm.s32 @!p2 $0x8;
	v18 =	vadd.f32 v21, v18  }
0x1ac: {  	v21 =	vld.idx.msk [tilespmem:v2+s24+$0x54D0 ss:$0x1], $0xffff;
	s26 =	sshll.u32 s1, $0x6;
	s1 =	smul.u32 $0x680, s1;
	s31 =	sshll.u32 s25, $0x6  }
0x1ad: {  	v8 =	vadd.f32 v10, v8;
	v10 =	vmul.f32 v16, v14;
	s25 =	smul.u32 $0x680, s25;
	v23 =	vld.idx.msk [tilespmem:v2+s24+$0x5CA0 ss:$0x1], $0xffff;
	s26 =	sadd.s32 s26, s30;
	s31 =	sadd.s32 s31, s30  }
0x1ae: {  	v7 =	vadd.f32 v11, v7;
	v11 =	vmul.f32 v17, v13;
	v14 =	vld.idx.msk [tilespmem:v2+s24+$0x2A90 ss:$0x1], $0xffff;
	s26 =	sshra.s32 s26, $0x2;
	s1 =	sadd.s32 s1, s29;
	s31 =	sshra.s32 s31, $0x2;
	v9 =	vmul.f32 v9, v19  }
0x1af: {  	v8 =	vadd.f32 v10, v8;
	s25 =	sadd.s32 s25, s29;
	v13 =	vld.idx.msk [tilespmem:v2+s24+$0x3260 ss:$0x1], $0xffff;
	s1 =	sshra.s32 s1, $0x2;
	s31 =	sadd.s32 s31, s20  }
0x1b0: {  	s9 =	sshra.s32 s25, $0x2;
	s25 =	sadd.s32 $0x4, s28;
	v7 =	vadd.f32 v11, v7;
	v16 =	vld.idx.msk [tilespmem:v2+s24+$0x7F10 ss:$0x1], $0xffff;
	s8 =	sadd.s32 s1, s23;
	v6 =	vadd.f32 v9, v6  }
0x1b1: {  	p1 =	slt.u32 s28, $0x14;
	s26 =	sadd.s32 s26, s20;
	s9 =	sadd.s32 s9, s23;
	v9 =	vld [tilespmem:s31+$0x83A0]  }
0x1b2: {  	p2 =	sgt.u32 s0, $0x12;
	s0 =	simm.s32 $0xFFFFFFED;
	v11 =	vld.idx.msk [tilespmem:v2+s24+$0x820 ss:$0x1], $0xffff;
	v6 =	vadd.f32 v12, v6  }
0x1b3: {  	s0 =	simm.s32 @!p2 $0x7;
	v12 =	vmul.f32 v23, v21;
	v17 =	vld [tilespmem:s31+$0x2F20]  }
0x1b4: {  	s28 =	sshll.u32 s0, $0x6;
	s0 =	smul.u32 $0x680, s0;
	s1 =	sadd.s32 s1, s21;
	v19 =	vld [tilespmem:s31+$0x5960]  }
0x1b5: {  	s28 =	sadd.s32 s28, s30;
	v10 =	vmul.f32 v13, v14;
	v13 =	vld [tilespmem:s9+$0x7EF0]  }
0x1b6: {  	s28 =	sshra.s32 s28, $0x2;
	s0 =	sadd.s32 s0, s29;
	v16 =	vmul.f32 v22, v16;
	v21 =	vld [tilespmem:s31+$0x4E0]  }
0x1b7: {  	s28 =	sadd.s32 s28, s20;
	s0 =	sshra.s32 s0, $0x2;
	v14 =	vld [tilespmem:s8+$0x7ED0]  }
0x1b8: {  	s0 =	sadd.s32 s0, s23;
	v11 =	vmul.f32 v11, v15;
	v22 =	vld [tilespmem:s9+$0x30]  }
0x1b9: {  	v23 =	vld [tilespmem:s9+$0x2A70]  }
0x1ba: {  	v15 =	vld [tilespmem:s9+$0x54B0];
	v13 =	vmul.f32 v13, v9  }
0x1bb: {  	v9 =	vld [tilespmem:s8+$0x10]  }
0x1bc: {  	v24 =	vld [tilespmem:s26+$0x8060]  }
0x1bd: {  	v25 =	vld [tilespmem:s26+$0x5620]  }
0x1be: {  	v26 =	vld [tilespmem:s8+$0x2A50]  }
0x1bf: {  	v27 =	vld [tilespmem:s26+$0x2BE0];
	v15 =	vmul.f32 v15, v19  }
0x1c0: {  	v19 =	vld [tilespmem:s1+$0x0]  }
0x1c1: {  	v14 =	vmul.f32 v14, v24;
	v24 =	vld [tilespmem:s28+$0x8200]  }
0x1c2: {  	v28 =	vld [tilespmem:s0+$0x7EE0]  }
0x1c3: {  	v3 =	vadd.f32 v14, v3;
	v29 =	vld [tilespmem:s28+$0x57C0]  }
0x1c4: {  	v26 =	vmul.f32 v26, v27;
	v27 =	vld [tilespmem:s0+$0x54A0]  }
.Ltmp8:
0x1c5: {  	v19 =	vmul.f32 v19, v25;
	v14 =	vld [tilespmem:s28+$0x2D80];
	v3 =	vadd.f32 v13, v3;
	(pc) =	sbr.rel @p1 .LBB2_19-.Ltmp8, $4  }
0x1c6: {  	v5 =	vadd.f32 v16, v5;
	v4 =	vadd.f32 v26, v4;
	v16 =	vld [tilespmem:s0+$0x2A60]  }
0x1c7: {  	s19 =	sadd.s32 $0x100, s19;
	v23 =	vmul.f32 v23, v17;
	v20 =	vadd.f32 v19, v20;
	v13 =	vld [tilespmem:s28+$0x340];
	v24 =	vmul.f32 v28, v24  }
0x1c8: {  	s22 =	sadd.s32 $0x1A00, s22;
	s21 =	sadd.s32 $0x40, s21;
	s20 =	sadd.s32 $0x680, s20;
	v18 =	vadd.f32 v12, v18;
	v12 =	vmul.f32 v22, v21;
	v17 =	vld [tilespmem:s0+$0x20]  }
0x1c9: {  	s24 =	sadd.s32 $0x6C0, s24;
	s23 =	sadd.s32 $0x40, s23;
	s28 =	smov.u32 s25;
	v4 =	vadd.f32 v23, v4;
	v19 =	vld [tilespmem:s26+$0x1A0];
	v21 =	vmul.f32 v27, v29;
	v5 =	vadd.f32 v24, v5  }
0x1ca: {  	_ =	sdelay $0x3  }
0x1cb: {  	v9 =	vmul.f32 v9, v19  }
0x1cc: {  	v2 =	vadd.f32 v15, v20;
	v8 =	vadd.f32 v10, v8;
	v10 =	vmul.f32 v16, v14  }
0x1cd: {  	v7 =	vadd.f32 v11, v7;
	v11 =	vmul.f32 v17, v13;
	v13 =	vadd.f32 v9, v6  }
0x1ce: {  	v15 =	vadd.f32 v10, v8;
	v9 =	vadd.f32 v21, v18  }
0x1cf: {  	v6 =	vadd.f32 v11, v7;
	v7 =	vadd.f32 v12, v13  }
.LBB2_21:
0x1d0: {  	s0 =	sadd.s32 s15, s17  }
0x1d1: {  	v8 =	vld [tilespmem:s0+$0x2730]  }
0x1d2: {  	v10 =	vld [tilespmem:s0+$0x660]  }
0x1d3: {  	v11 =	vld [tilespmem:s0+$0x5170]  }
0x1d4: {  	v12 =	vld [tilespmem:s0+$0x30A0]  }
0x1d5: {  	v13 =	vld [tilespmem:s0+$0x7BB0]  }
0x1d6: {  	v14 =	vld [tilespmem:s0+$0x5AE0]  }
0x1d7: {  	v16 =	vld [tilespmem:s0+$0xA5F0]  }
0x1d8: {  	v17 =	vld [tilespmem:s0+$0x8520];
	_ =	sdelay $0x1  }
0x1d9: {  	p1 =	sne.s32 s18, $0x40  }
.Ltmp9:
0x1da: {  	_ = 	snop;
	(pc) =	sbr.rel @p1 .LBB2_21-.Ltmp9, $4  }
0x1db: {  	v8 =	vmul.f32 v10, v8;
	v10 =	vmul.f32 v12, v11  }
0x1dc: {  	v11 =	vmovc v6;
	v12 =	vmovc v15;
	v13 =	vmul.f32 v14, v13;
	v14 =	vmul.f32 v17, v16;
	v16 =	vmov v9  }
0x1dd: {  	v17 =	vmovc v5;
	v6 =	vmovc v7;
	v15 =	vmov v4;
	v7 =	vadd.f32 v8, v11;
	v4 =	vadd.f32 v10, v12  }
0x1de: {  	s17 =	sadd.s32 $0x1B0, s17;
	s18 =	sadd.s32 $0x10, s18;
	v9 =	vmovc v2;
	v5 =	vmov v3;
	v2 =	vadd.f32 v13, v16;
	v3 =	vadd.f32 v14, v17  }
0x1df: {  	p1 =	por $0x0, $0x0;
	s0 =	simm.s32 $0xFFFFFFEC  }
0x1e0: {  	s0 =	simm.s32 @!p1 $0x6  }
0x1e1: {  	s19 =	sadd.s32 $0x0, s16;
	s1 =	smul.u32 $0x680, s0;
	s0 =	sshll.u32 s0, $0x6  }
0x1e2: {  	s18 =	sadd.s32 $0x0, s0;
	s0 =	sadd.s32 s0, s19  }
0x1e3: {  	s0 =	sshra.s32 s0, $0x2  }
0x1e4: {  	s9 =	sadd.s32 $0x0, s1;
	s0 =	sadd.s32 $0xD00, s0  }
0x1e5: {  	s8 =	sadd.s32 $0xD00, s15;
	s17 =	simm.s32 $0xFFFFFFEE;
	s9 =	sshra.s32 s9, $0x2;
	v24 =	vld [tilespmem:s0+$0x5480]  }
0x1e6: {  	p1 =	por $0x0, $0x0;
	s18 =	sshra.s32 s18, $0x2;
	s9 =	sadd.s32 s9, s8;
	v27 =	vld [tilespmem:s0+$0x7EC0]  }
0x1e7: {  	s17 =	simm.s32 @!p1 $0x8;
	s1 =	sadd.s32 s1, s19;
	s8 =	sadd.s32 s18, s8;
	v17 =	vld [tilespmem:s9+$0x2A40]  }
0x1e8: {  	s20 =	smul.u32 $0x680, s17;
	s1 =	sshra.s32 s1, $0x2;
	v20 =	vld [tilespmem:s8+$0x2A40]  }
0x1e9: {  	s1 =	sadd.s32 $0xD00, s1;
	v21 =	vld [tilespmem:s9+$0x0]  }
0x1ea: {  	s21 =	sadd.s32 s20, s19;
	v22 =	vld [tilespmem:s1+$0x7EC0]  }
0x1eb: {  	p1 =	por $0x0, $0x0;
	s22 =	sshra.s32 s21, $0x2;
	v14 =	vld [tilespmem:s1+$0x5480];
	s9 =	simm.s32 $0xFFFFFFED  }
0x1ec: {  	v23 =	vld [tilespmem:s8+$0x0];
	s1 =	sadd.s32 $0xD00, s22;
	s9 =	simm.s32 @!p1 $0x7  }
0x1ed: {  	s8 =	simm.s32 $0xFFFFFFEF;
	v8 =	vld [tilespmem:s1+$0x7EE0];
	p1 =	por $0x0, $0x0;
	s23 =	sshll.u32 s9, $0x6  }
0x1ee: {  	v26 =	vld [tilespmem:s1+$0x2A60];
	s8 =	simm.s32 @!p1 $0x9;
	s18 =	sadd.s32 s23, s19  }
0x1ef: {  	v13 =	vld [tilespmem:s1+$0x20];
	s24 =	smul.u32 $0x680, s9;
	s20 =	sshll.u32 s8, $0x6;
	s18 =	sshra.s32 s18, $0x2  }
0x1f0: {  	v19 =	vld [tilespmem:s1+$0x54A0];
	s8 =	smul.u32 $0x680, s8;
	s20 =	sadd.s32 s20, s19;
	s23 =	sadd.s32 $0xD00, s18  }
0x1f1: {  	s1 =	sadd.s32 s24, s19;
	s25 =	sshra.s32 s20, $0x2;
	v11 =	vld [tilespmem:s23+$0x2BE0]  }
0x1f2: {  	s26 =	sadd.s32 s8, s19;
	s30 =	sshra.s32 s1, $0x2;
	s28 =	sadd.s32 $0xD00, s25;
	v16 =	vld [tilespmem:s23+$0x5620]  }
0x1f3: {  	s0 =	sshra.s32 s26, $0x2;
	s26 =	sadd.s32 $0xD00, s30;
	v28 =	vld [tilespmem:s28+$0x2F20]  }
0x1f4: {  	s29 =	sshll.u32 s17, $0x6;
	v10 =	vld [tilespmem:s26+$0x7ED0]  }
0x1f5: {  	s8 =	sadd.s32 s29, s19;
	v18 =	vld [tilespmem:s28+$0x4E0]  }
0x1f6: {  	v24 =	vmul.f32 v14, v24;
	s31 =	sshra.s32 s8, $0x2;
	s24 =	sadd.s32 $0xD00, s0;
	v14 =	vld [tilespmem:s28+$0x83A0]  }
0x1f7: {  	s0 =	sadd.s32 $0xD00, s31;
	v29 =	vld [tilespmem:s24+$0x2A70]  }
0x1f8: {  	v30 =	vld [tilespmem:s0+$0x2D80]  }
0x1f9: {  	v12 =	vld [tilespmem:s0+$0x8200]  }
0x1fa: {  	v25 =	vld [tilespmem:s0+$0x57C0]  }
0x1fb: {  	s17 =	simm.s32 $0xD00;
	v31 =	vmul.f32 v17, v20;
	v17 =	vld [tilespmem:s24+$0x7EF0]  }
0x1fc: {  	s21 =	simm.s32 $0xD40;
	s22 =	simm.s32 $0x100;
	v21 =	vmul.f32 v21, v23;
	v20 =	vmul.f32 v22, v27;
	s19 =	simm.s32 $0x1380;
	v23 =	vadd.f32 v24, v9;
	v24 =	vld [tilespmem:s0+$0x340]  }
0x1fd: {  	s18 =	simm.s32 $0x40;
	s20 =	simm.s32 $0x1A00;
	s25 =	simm.s32 $0x4;
	v15 =	vadd.f32 v31, v15;
	v22 =	vld [tilespmem:s24+$0x30];
	v9 =	vmul.f32 v29, v28;
	v26 =	vmul.f32 v26, v30  }
.LBB2_23:
0x1fe: {  	p1 =	sgt.u32 s25, $0x13;
	s0 =	sadd.s32 s15, s21  }
0x1ff: {  	p2 =	sgt.u32 s25, $0x12;
	s1 =	smov.u32 s25;
	s8 =	simm.s32 $0xFFFFFFED  }
0x200: {  	v19 =	vmul.f32 v19, v25;
	v25 =	vld [tilespmem:s28+$0x5960];
	s29 =	simm.s32 $0xFFFFFFEE;
	s30 =	sadd.s32 s15, s19;
	s1 =	simm.s32 $0xFFFFFFEC  }
0x201: {  	s8 =	simm.s32 @!p2 $0x7;
	v27 =	vld [tilespmem:s23+$0x1A0];
	v15 =	vadd.f32 v26, v15;
	s1 =	simm.s32 @!p1 $0x6;
	p1 =	sgt.u32 s25, $0x11  }
0x202: {  	v23 =	vadd.f32 v19, v23;
	s9 =	sshll.u32 s1, $0x6;
	s1 =	smul.u32 $0x680, s1;
	s29 =	simm.s32 @!p1 $0x8;
	v26 =	vld [tilespmem:s26+$0x2A50]  }
0x203: {  	v6 =	vadd.f32 v21, v6;
	v13 =	vmul.f32 v13, v24;
	p1 =	sgt.u32 s25, $0x10;
	s28 =	sadd.s32 s9, s22;
	s31 =	smul.u32 $0x680, s29;
	v19 =	vld [tilespmem:s26+$0x5490]  }
0x204: {  	s10 =	sshra.s32 s28, $0x2;
	s4 =	sadd.s32 s1, s20;
	s28 =	smul.u32 $0x680, s8;
	v21 =	vld [tilespmem:s26+$0x10]  }
0x205: {  	s8 =	sshll.u32 s8, $0x6;
	v6 =	vadd.f32 v13, v6;
	s10 =	sadd.s32 s10, s30;
	s4 =	sshra.s32 s4, $0x2;
	v24 =	vld [tilespmem:s23+$0x8060]  }
0x206: {  	s23 =	sshll.u32 s29, $0x6;
	s0 =	sadd.s32 s4, s0;
	s4 =	sadd.s32 s20, s16;
	v13 =	vld [tilespmem:s24+$0x54B0]  }
0x207: {  	s26 =	simm.s32 $0xFFFFFFEF;
	s24 =	sadd.s32 s22, s16;
	v28 =	vld [tilespmem:s0+$0x2A40];
	s1 =	sadd.s32 s1, s4;
	v11 =	vmul.f32 v26, v11  }
0x208: {  	s26 =	simm.s32 @!p1 $0x9;
	s9 =	sadd.s32 s9, s24;
	v26 =	vld [tilespmem:s10+$0x2A40];
	s1 =	sshra.s32 s1, $0x2;
	v16 =	vmul.f32 v19, v16  }
0x209: {  	v5 =	vadd.f32 v20, v5;
	v18 =	vmul.f32 v22, v18;
	v19 =	vld [tilespmem:s0+$0x0];
	s0 =	sadd.s32 s1, s21;
	s1 =	sadd.s32 s8, s24;
	s8 =	sshll.u32 s26, $0x6;
	v20 =	vmul.f32 v21, v27  }
0x20a: {  	v8 =	vmul.f32 v8, v12;
	s29 =	sadd.s32 s31, s4;
	s26 =	smul.u32 $0x680, s26;
	v4 =	vadd.f32 v11, v4;
	v22 =	vld [tilespmem:s0+$0x7EC0];
	s1 =	sshra.s32 s1, $0x2;
	v10 =	vmul.f32 v10, v24  }
0x20b: {  	v11 =	vmul.f32 v17, v14;
	s8 =	sadd.s32 s8, s24;
	v2 =	vadd.f32 v16, v2;
	v12 =	vld [tilespmem:s0+$0x5480];
	s0 =	sadd.s32 s23, s24;
	s23 =	sshra.s32 s29, $0x2;
	v7 =	vadd.f32 v20, v7  }
0x20c: {  	v5 =	vadd.f32 v8, v5;
	s8 =	sshra.s32 s8, $0x2;
	s24 =	sadd.s32 s26, s4;
	v14 =	vld [tilespmem:s10+$0x0];
	s10 =	sadd.s32 s23, s21;
	v3 =	vadd.f32 v10, v3;
	v10 =	vmul.f32 v13, v25  }
0x20d: {  	s9 =	sshra.s32 s9, $0x2;
	v4 =	vadd.f32 v9, v4;
	s23 =	sadd.s32 s1, s19;
	s1 =	sshra.s32 s24, $0x2;
	v26 =	vmul.f32 v28, v26;
	v8 =	vld [tilespmem:s10+$0x7EE0];
	v7 =	vadd.f32 v18, v7  }
0x20e: {  	s4 =	sadd.s32 s28, s4;
	s24 =	sadd.s32 s1, s21;
	s1 =	sadd.s32 $0x4, s25;
	v27 =	vld [tilespmem:s10+$0x2A60];
	v2 =	vadd.f32 v10, v2;
	v3 =	vadd.f32 v11, v3  }
0x20f: {  	p1 =	slt.u32 s25, $0x14;
	s9 =	sadd.s32 s9, s19;
	s4 =	sshra.s32 s4, $0x2;
	v13 =	vld [tilespmem:s10+$0x20]  }
0x210: {  	v9 =	vld [tilespmem:s9+$0x5480]  }
0x211: {  	v21 =	vmul.f32 v19, v14;
	v19 =	vld [tilespmem:s10+$0x54A0]  }
0x212: {  	v10 =	vld [tilespmem:s9+$0x7EC0]  }
0x213: {  	s28 =	sadd.s32 s8, s19;
	v11 =	vld [tilespmem:s23+$0x2BE0]  }
0x214: {  	v14 =	vld [tilespmem:s28+$0x2F20]  }
0x215: {  	s26 =	sadd.s32 s4, s21;
	v9 =	vmul.f32 v12, v9;
	v16 =	vld [tilespmem:s23+$0x5620]  }
0x216: {  	s0 =	sshra.s32 s0, $0x2;
	v17 =	vld [tilespmem:s24+$0x2A70]  }
0x217: {  	s0 =	sadd.s32 s0, s19;
	v23 =	vadd.f32 v9, v23;
	v20 =	vmul.f32 v22, v10;
	v10 =	vld [tilespmem:s26+$0x7ED0]  }
0x218: {  	v12 =	vld [tilespmem:s0+$0x8200]  }
0x219: {  	v22 =	vld [tilespmem:s0+$0x2D80]  }
0x21a: {  	v18 =	vld [tilespmem:s28+$0x4E0]  }
.Ltmp10:
0x21b: {  	v25 =	vld [tilespmem:s0+$0x57C0];
	v9 =	vmul.f32 v17, v14;
	(pc) =	sbr.rel @p1 .LBB2_23-.Ltmp10, $4  }
0x21c: {  	v14 =	vld [tilespmem:s28+$0x83A0]  }
0x21d: {  	v17 =	vld [tilespmem:s24+$0x7EF0]  }
0x21e: {  	s20 =	sadd.s32 $0x1A00, s20;
	s19 =	sadd.s32 $0x680, s19;
	v24 =	vld [tilespmem:s0+$0x340]  }
0x21f: {  	s22 =	sadd.s32 $0x100, s22;
	s21 =	sadd.s32 $0x40, s21;
	s25 =	smov.u32 s1;
	v15 =	vadd.f32 v26, v15;
	v26 =	vmul.f32 v27, v22;
	v22 =	vld [tilespmem:s24+$0x30]  }
0x220: {  	v27 =	vld [tilespmem:s23+$0x1A0]  }
0x221: {  	v28 =	vld [tilespmem:s26+$0x2A50]  }
0x222: {  	v29 =	vld [tilespmem:s26+$0x5490]  }
0x223: {  	v30 =	vld [tilespmem:s26+$0x10]  }
0x224: {  	v61 =	vld [tilespmem:s23+$0x8060]  }
0x225: {  	v19 =	vmul.f32 v19, v25;
	v6 =	vadd.f32 v21, v6;
	v62 =	vld [tilespmem:s28+$0x5960]  }
0x226: {  	v63 =	vld [tilespmem:s24+$0x54B0];
	v5 =	vadd.f32 v20, v5;
	v8 =	vmul.f32 v8, v12;
	v13 =	vmul.f32 v13, v24  }
0x227: {  	v15 =	vadd.f32 v26, v15;
	v19 =	vadd.f32 v19, v23;
	v11 =	vmul.f32 v28, v11  }
0x228: {  	v6 =	vadd.f32 v13, v6;
	v13 =	vmul.f32 v29, v16;
	v16 =	vmul.f32 v30, v27  }
0x229: {  	v12 =	vmul.f32 v17, v14;
	v8 =	vadd.f32 v8, v5;
	v10 =	vmul.f32 v10, v61  }
0x22a: {  	v18 =	vmul.f32 v22, v18;
	v4 =	vadd.f32 v11, v4;
	v7 =	vadd.f32 v16, v7  }
0x22b: {  	v5 =	vmul.f32 v63, v62;
	v11 =	vadd.f32 v13, v2;
	v3 =	vadd.f32 v10, v3  }
0x22c: {  	v2 =	vadd.f32 v18, v7;
	v7 =	vadd.f32 v9, v4  }
0x22d: {  	v5 =	vadd.f32 v5, v11;
	v4 =	vadd.f32 v12, v3  }
.LBB2_25:
0x22e: {  	s0 =	sadd.s32 s15, s17  }
0x22f: {  	v3 =	vld [tilespmem:s0+$0x2740]  }
0x230: {  	v9 =	vld [tilespmem:s0+$0x800]  }
0x231: {  	v10 =	vld [tilespmem:s0+$0x5180]  }
0x232: {  	v11 =	vld [tilespmem:s0+$0x3240]  }
0x233: {  	v12 =	vld [tilespmem:s0+$0x7BC0]  }
0x234: {  	v13 =	vld [tilespmem:s0+$0x5C80]  }
0x235: {  	v14 =	vld [tilespmem:s0+$0xA600]  }
0x236: {  	v16 =	vld [tilespmem:s0+$0x86C0];
	_ =	sdelay $0x1  }
0x237: {  	p1 =	sne.s32 s18, $0x50  }
.Ltmp11:
0x238: {  	_ = 	snop;
	(pc) =	sbr.rel @p1 .LBB2_25-.Ltmp11, $4  }
0x239: {  	v3 =	vmul.f32 v9, v3;
	v9 =	vmul.f32 v11, v10  }
0x23a: {  	v10 =	vmovc v6;
	v11 =	vmovc v15;
	v12 =	vmul.f32 v13, v12;
	v13 =	vmul.f32 v16, v14;
	v14 =	vmov v19  }
0x23b: {  	v16 =	vmovc v8;
	v6 =	vmovc v2;
	v15 =	vmov v7;
	v2 =	vadd.f32 v3, v10;
	v7 =	vadd.f32 v9, v11  }
0x23c: {  	s17 =	sadd.s32 $0x1B0, s17;
	s18 =	sadd.s32 $0x10, s18;
	v19 =	vmovc v5;
	v8 =	vmov v4;
	v5 =	vadd.f32 v12, v14;
	v4 =	vadd.f32 v13, v16  }
0x23d: {  	p1 =	por $0x0, $0x0;
	s0 =	simm.s32 $0xFFFFFFED  }
0x23e: {  	s0 =	simm.s32 @!p1 $0x7  }
0x23f: {  	s17 =	sadd.s32 $0x0, s16;
	s1 =	smul.u32 $0x680, s0;
	s0 =	sshll.u32 s0, $0x6  }
0x240: {  	s10 =	sadd.s32 $0x0, s0;
	s0 =	sadd.s32 s0, s17  }
0x241: {  	s0 =	sshra.s32 s0, $0x2  }
0x242: {  	s8 =	sadd.s32 $0x0, s1;
	s0 =	sadd.s32 $0xD00, s0  }
0x243: {  	s4 =	sadd.s32 $0xD00, s15;
	s9 =	simm.s32 $0xFFFFFFEF;
	s8 =	sshra.s32 s8, $0x2;
	v24 =	vld [tilespmem:s0+$0x5480]  }
0x244: {  	p1 =	por $0x0, $0x0;
	s10 =	sshra.s32 s10, $0x2;
	s8 =	sadd.s32 s8, s4;
	v27 =	vld [tilespmem:s0+$0x7EC0]  }
0x245: {  	s9 =	simm.s32 @!p1 $0x9;
	s1 =	sadd.s32 s1, s17;
	s4 =	sadd.s32 s10, s4;
	v10 =	vld [tilespmem:s8+$0x2A40]  }
0x246: {  	s20 =	smul.u32 $0x680, s9;
	s1 =	sshra.s32 s1, $0x2;
	v17 =	vld [tilespmem:s4+$0x2A40]  }
0x247: {  	s1 =	sadd.s32 $0xD00, s1;
	v20 =	vld [tilespmem:s8+$0x0]  }
0x248: {  	s21 =	sadd.s32 s20, s17;
	v23 =	vld [tilespmem:s1+$0x7EC0]  }
0x249: {  	p1 =	por $0x0, $0x0;
	s22 =	sshra.s32 s21, $0x2;
	v14 =	vld [tilespmem:s1+$0x5480];
	s8 =	simm.s32 $0xFFFFFFEE  }
0x24a: {  	v22 =	vld [tilespmem:s4+$0x0];
	s1 =	sadd.s32 $0xD00, s22;
	s8 =	simm.s32 @!p1 $0x8  }
0x24b: {  	s4 =	simm.s32 $0xFFFFFFF0;
	v9 =	vld [tilespmem:s1+$0x7EE0];
	p1 =	por $0x0, $0x0;
	s23 =	sshll.u32 s8, $0x6  }
0x24c: {  	v26 =	vld [tilespmem:s1+$0x2A60];
	s4 =	simm.s32 @!p1 $0xA;
	s10 =	sadd.s32 s23, s17  }
0x24d: {  	v3 =	vld [tilespmem:s1+$0x20];
	s24 =	smul.u32 $0x680, s8;
	s18 =	sshll.u32 s4, $0x6;
	s10 =	sshra.s32 s10, $0x2  }
0x24e: {  	v21 =	vld [tilespmem:s1+$0x54A0];
	s4 =	smul.u32 $0x680, s4;
	s18 =	sadd.s32 s18, s17;
	s23 =	sadd.s32 $0xD00, s10  }
0x24f: {  	s1 =	sadd.s32 s24, s17;
	s25 =	sshra.s32 s18, $0x2;
	v12 =	vld [tilespmem:s23+$0x2BE0]  }
0x250: {  	s26 =	sadd.s32 s4, s17;
	s30 =	sshra.s32 s1, $0x2;
	s28 =	sadd.s32 $0xD00, s25;
	v16 =	vld [tilespmem:s23+$0x5620]  }
0x251: {  	s0 =	sshra.s32 s26, $0x2;
	s26 =	sadd.s32 $0xD00, s30;
	v28 =	vld [tilespmem:s28+$0x2F20]  }
0x252: {  	s29 =	sshll.u32 s9, $0x6;
	v11 =	vld [tilespmem:s26+$0x7ED0]  }
0x253: {  	s4 =	sadd.s32 s29, s17;
	v18 =	vld [tilespmem:s28+$0x4E0]  }
0x254: {  	v24 =	vmul.f32 v14, v24;
	s31 =	sshra.s32 s4, $0x2;
	s24 =	sadd.s32 $0xD00, s0;
	v14 =	vld [tilespmem:s28+$0x83A0]  }
0x255: {  	s0 =	sadd.s32 $0xD00, s31;
	v29 =	vld [tilespmem:s24+$0x2A70]  }
0x256: {  	v30 =	vld [tilespmem:s0+$0x2D80]  }
0x257: {  	v13 =	vld [tilespmem:s0+$0x8200]  }
0x258: {  	v25 =	vld [tilespmem:s0+$0x57C0]  }
0x259: {  	s19 =	simm.s32 $0x1380;
	v31 =	vmul.f32 v10, v17;
	v17 =	vld [tilespmem:s24+$0x7EF0]  }
0x25a: {  	s20 =	simm.s32 $0x1A00;
	s21 =	simm.s32 $0xD40;
	s22 =	simm.s32 $0x100;
	v22 =	vmul.f32 v20, v22;
	v20 =	vmul.f32 v23, v27;
	v19 =	vadd.f32 v24, v19;
	v24 =	vld [tilespmem:s0+$0x340]  }
0x25b: {  	s17 =	simm.s32 $0xD00;
	s18 =	simm.s32 $0x50;
	s25 =	simm.s32 $0x4;
	v15 =	vadd.f32 v31, v15;
	v23 =	vld [tilespmem:s24+$0x30];
	v10 =	vmul.f32 v29, v28;
	v26 =	vmul.f32 v26, v30  }
.LBB2_27:
0x25c: {  	p1 =	sgt.u32 s25, $0x12;
	s0 =	sadd.s32 s15, s21  }
0x25d: {  	p2 =	sgt.u32 s25, $0x11;
	s1 =	smov.u32 s25;
	s4 =	simm.s32 $0xFFFFFFEE  }
0x25e: {  	v21 =	vmul.f32 v21, v25;
	v25 =	vld [tilespmem:s28+$0x5960];
	s9 =	simm.s32 $0xFFFFFFEF;
	s10 =	sadd.s32 s15, s19;
	s1 =	simm.s32 $0xFFFFFFED  }
0x25f: {  	s4 =	simm.s32 @!p2 $0x8;
	v27 =	vld [tilespmem:s23+$0x1A0];
	v15 =	vadd.f32 v26, v15;
	s1 =	simm.s32 @!p1 $0x7;
	p1 =	sgt.u32 s25, $0x10  }
0x260: {  	v19 =	vadd.f32 v21, v19;
	s8 =	sshll.u32 s1, $0x6;
	s1 =	smul.u32 $0x680, s1;
	s9 =	simm.s32 @!p1 $0x9;
	v26 =	vld [tilespmem:s26+$0x2A50]  }
0x261: {  	v6 =	vadd.f32 v22, v6;
	v3 =	vmul.f32 v3, v24;
	p1 =	sgt.u32 s25, $0xF;
	s28 =	sadd.s32 s8, s22;
	s29 =	smul.u32 $0x680, s9;
	v21 =	vld [tilespmem:s26+$0x5490]  }
0x262: {  	s30 =	sshra.s32 s28, $0x2;
	s31 =	sadd.s32 s1, s20;
	s28 =	smul.u32 $0x680, s4;
	v22 =	vld [tilespmem:s26+$0x10]  }
0x263: {  	s4 =	sshll.u32 s4, $0x6;
	v6 =	vadd.f32 v3, v6;
	s10 =	sadd.s32 s30, s10;
	s26 =	sshra.s32 s31, $0x2;
	v24 =	vld [tilespmem:s23+$0x8060]  }
0x264: {  	s9 =	sshll.u32 s9, $0x6;
	s0 =	sadd.s32 s26, s0;
	s26 =	sadd.s32 s20, s16;
	v3 =	vld [tilespmem:s24+$0x54B0]  }
0x265: {  	s23 =	sadd.s32 s22, s16;
	s24 =	simm.s32 $0xFFFFFFF0;
	v28 =	vld [tilespmem:s0+$0x2A40];
	s1 =	sadd.s32 s1, s26;
	v12 =	vmul.f32 v26, v12  }
0x266: {  	s8 =	sadd.s32 s8, s23;
	s24 =	simm.s32 @!p1 $0xA;
	v26 =	vld [tilespmem:s10+$0x2A40];
	s1 =	sshra.s32 s1, $0x2;
	v16 =	vmul.f32 v21, v16  }
0x267: {  	v8 =	vadd.f32 v20, v8;
	v18 =	vmul.f32 v23, v18;
	v21 =	vld [tilespmem:s0+$0x0];
	s0 =	sadd.s32 s1, s21;
	s1 =	sadd.s32 s4, s23;
	s4 =	sshll.u32 s24, $0x6;
	v20 =	vmul.f32 v22, v27  }
0x268: {  	v9 =	vmul.f32 v9, v13;
	s29 =	sadd.s32 s29, s26;
	s24 =	smul.u32 $0x680, s24;
	v7 =	vadd.f32 v12, v7;
	v23 =	vld [tilespmem:s0+$0x7EC0];
	s1 =	sshra.s32 s1, $0x2;
	v11 =	vmul.f32 v11, v24  }
0x269: {  	v12 =	vmul.f32 v17, v14;
	s4 =	sadd.s32 s4, s23;
	v5 =	vadd.f32 v16, v5;
	v13 =	vld [tilespmem:s0+$0x5480];
	s0 =	sadd.s32 s9, s23;
	s9 =	sshra.s32 s29, $0x2;
	v2 =	vadd.f32 v20, v2  }
0x26a: {  	v8 =	vadd.f32 v9, v8;
	s4 =	sshra.s32 s4, $0x2;
	v3 =	vmul.f32 v3, v25;
	v14 =	vld [tilespmem:s10+$0x0];
	s9 =	sadd.s32 s9, s21;
	s10 =	sadd.s32 s24, s26;
	v4 =	vadd.f32 v11, v4  }
0x26b: {  	s8 =	sshra.s32 s8, $0x2;
	s23 =	sadd.s32 s1, s19;
	v7 =	vadd.f32 v10, v7;
	v26 =	vmul.f32 v28, v26;
	v9 =	vld [tilespmem:s9+$0x7EE0];
	s1 =	sshra.s32 s10, $0x2;
	v2 =	vadd.f32 v18, v2  }
0x26c: {  	s10 =	sadd.s32 s28, s26;
	v5 =	vadd.f32 v3, v5;
	v27 =	vld [tilespmem:s9+$0x2A60];
	s24 =	sadd.s32 s1, s21;
	s1 =	sadd.s32 $0x4, s25;
	v4 =	vadd.f32 v12, v4  }
0x26d: {  	p1 =	slt.u32 s25, $0x14;
	s8 =	sadd.s32 s8, s19;
	s10 =	sshra.s32 s10, $0x2;
	v3 =	vld [tilespmem:s9+$0x20]  }
0x26e: {  	v10 =	vld [tilespmem:s8+$0x5480]  }
0x26f: {  	v22 =	vmul.f32 v21, v14;
	v21 =	vld [tilespmem:s9+$0x54A0]  }
0x270: {  	v11 =	vld [tilespmem:s8+$0x7EC0]  }
0x271: {  	s28 =	sadd.s32 s4, s19;
	v12 =	vld [tilespmem:s23+$0x2BE0]  }
0x272: {  	v14 =	vld [tilespmem:s28+$0x2F20]  }
0x273: {  	s26 =	sadd.s32 s10, s21;
	v10 =	vmul.f32 v13, v10;
	v16 =	vld [tilespmem:s23+$0x5620]  }
0x274: {  	s0 =	sshra.s32 s0, $0x2;
	v17 =	vld [tilespmem:s24+$0x2A70]  }
0x275: {  	s0 =	sadd.s32 s0, s19;
	v19 =	vadd.f32 v10, v19;
	v20 =	vmul.f32 v23, v11;
	v11 =	vld [tilespmem:s26+$0x7ED0]  }
0x276: {  	v13 =	vld [tilespmem:s0+$0x8200]  }
0x277: {  	v23 =	vld [tilespmem:s0+$0x2D80]  }
0x278: {  	v18 =	vld [tilespmem:s28+$0x4E0]  }
.Ltmp12:
0x279: {  	v25 =	vld [tilespmem:s0+$0x57C0];
	v10 =	vmul.f32 v17, v14;
	(pc) =	sbr.rel @p1 .LBB2_27-.Ltmp12, $4  }
0x27a: {  	v14 =	vld [tilespmem:s28+$0x83A0]  }
0x27b: {  	v17 =	vld [tilespmem:s24+$0x7EF0]  }
0x27c: {  	s22 =	sadd.s32 $0x100, s22;
	s19 =	sadd.s32 $0x680, s19;
	v24 =	vld [tilespmem:s0+$0x340]  }
0x27d: {  	s20 =	sadd.s32 $0x1A00, s20;
	v15 =	vadd.f32 v26, v15;
	s21 =	sadd.s32 $0x40, s21;
	s25 =	smov.u32 s1;
	v26 =	vmul.f32 v27, v23;
	v23 =	vld [tilespmem:s24+$0x30]  }
0x27e: {  	v27 =	vld [tilespmem:s23+$0x1A0]  }
0x27f: {  	v28 =	vld [tilespmem:s26+$0x2A50]  }
0x280: {  	v29 =	vld [tilespmem:s26+$0x5490]  }
0x281: {  	v30 =	vld [tilespmem:s26+$0x10]  }
0x282: {  	v60 =	vld [tilespmem:s23+$0x8060]  }
0x283: {  	v6 =	vadd.f32 v22, v6;
	v61 =	vld [tilespmem:s28+$0x5960];
	v3 =	vmul.f32 v3, v24  }
0x284: {  	v21 =	vmul.f32 v21, v25;
	v62 =	vld [tilespmem:s24+$0x54B0];
	v8 =	vadd.f32 v20, v8;
	v9 =	vmul.f32 v9, v13  }
0x285: {  	v15 =	vadd.f32 v26, v15;
	v3 =	vadd.f32 v3, v6;
	v6 =	vmul.f32 v28, v12  }
0x286: {  	v19 =	vadd.f32 v21, v19;
	v12 =	vmul.f32 v29, v16;
	v16 =	vmul.f32 v30, v27  }
0x287: {  	v63 =	vmul.f32 v17, v14;
	v6 =	vadd.f32 v6, v7;
	v7 =	vmul.f32 v11, v60  }
0x288: {  	v18 =	vmul.f32 v23, v18;
	v2 =	vadd.f32 v16, v2;
	v5 =	vadd.f32 v12, v5  }
0x289: {  	v4 =	vadd.f32 v7, v4;
	v7 =	vadd.f32 v9, v8;
	v8 =	vmul.f32 v62, v61  }
0x28a: {  	v2 =	vadd.f32 v18, v2;
	v6 =	vadd.f32 v10, v6  }
0x28b: {  	v5 =	vadd.f32 v8, v5;
	v4 =	vadd.f32 v63, v4  }
.LBB2_29:
0x28c: {  	s0 =	sadd.s32 s15, s17  }
0x28d: {  	v8 =	vld [tilespmem:s0+$0x2750]  }
0x28e: {  	v9 =	vld [tilespmem:s0+$0x9A0]  }
0x28f: {  	v10 =	vld [tilespmem:s0+$0x5190]  }
0x290: {  	v11 =	vld [tilespmem:s0+$0x33E0]  }
0x291: {  	v12 =	vld [tilespmem:s0+$0x7BD0]  }
0x292: {  	v13 =	vld [tilespmem:s0+$0x5E20]  }
0x293: {  	v14 =	vld [tilespmem:s0+$0xA610]  }
0x294: {  	v16 =	vld [tilespmem:s0+$0x8860];
	_ =	sdelay $0x1  }
0x295: {  	p1 =	sne.s32 s18, $0x60  }
.Ltmp13:
0x296: {  	_ = 	snop;
	(pc) =	sbr.rel @p1 .LBB2_29-.Ltmp13, $4  }
0x297: {  	v8 =	vmul.f32 v9, v8;
	v61 =	vmul.f32 v11, v10  }
0x298: {  	v62 =	vmovc v3;
	v63 =	vmovc v15;
	v3 =	vmov v2;
	v12 =	vmul.f32 v13, v12;
	v13 =	vmul.f32 v16, v14  }
0x299: {  	v15 =	vmovc v6;
	v14 =	vmovc v19;
	v16 =	vmov v7;
	v2 =	vadd.f32 v8, v62;
	v6 =	vadd.f32 v61, v63  }
0x29a: {  	s17 =	sadd.s32 $0x1B0, s17;
	s18 =	sadd.s32 $0x10, s18;
	v19 =	vmovc v5;
	v7 =	vmov v4;
	v5 =	vadd.f32 v12, v14;
	v4 =	vadd.f32 v13, v16  }
0x29b: {  	p1 =	por $0x0, $0x0;
	s0 =	simm.s32 $0xFFFFFFEE  }
0x29c: {  	s0 =	simm.s32 @!p1 $0x8  }
0x29d: {  	s17 =	sadd.s32 $0x0, s16;
	s1 =	smul.u32 $0x680, s0;
	s0 =	sshll.u32 s0, $0x6  }
0x29e: {  	s10 =	sadd.s32 $0x0, s0;
	s0 =	sadd.s32 s0, s17  }
0x29f: {  	s0 =	sshra.s32 s0, $0x2  }
0x2a0: {  	s8 =	sadd.s32 $0x0, s1;
	s0 =	sadd.s32 $0xD00, s0  }
0x2a1: {  	s4 =	sadd.s32 $0xD00, s15;
	s9 =	simm.s32 $0xFFFFFFF0;
	s8 =	sshra.s32 s8, $0x2;
	v24 =	vld [tilespmem:s0+$0x5480]  }
0x2a2: {  	p1 =	por $0x0, $0x0;
	s10 =	sshra.s32 s10, $0x2;
	s8 =	sadd.s32 s8, s4;
	v27 =	vld [tilespmem:s0+$0x7EC0]  }
0x2a3: {  	s9 =	simm.s32 @!p1 $0xA;
	s1 =	sadd.s32 s1, s17;
	s4 =	sadd.s32 s10, s4;
	v9 =	vld [tilespmem:s8+$0x2A40]  }
0x2a4: {  	s20 =	smul.u32 $0x680, s9;
	s1 =	sshra.s32 s1, $0x2;
	v17 =	vld [tilespmem:s4+$0x2A40]  }
0x2a5: {  	s1 =	sadd.s32 $0xD00, s1;
	v20 =	vld [tilespmem:s8+$0x0]  }
0x2a6: {  	s21 =	sadd.s32 s20, s17;
	v23 =	vld [tilespmem:s1+$0x7EC0]  }
0x2a7: {  	p1 =	por $0x0, $0x0;
	s22 =	sshra.s32 s21, $0x2;
	v14 =	vld [tilespmem:s1+$0x5480];
	s8 =	simm.s32 $0xFFFFFFEF  }
0x2a8: {  	v22 =	vld [tilespmem:s4+$0x0];
	s1 =	sadd.s32 $0xD00, s22;
	s8 =	simm.s32 @!p1 $0x9  }
0x2a9: {  	s4 =	simm.s32 $0xFFFFFFF1;
	v8 =	vld [tilespmem:s1+$0x7EE0];
	p1 =	por $0x0, $0x0;
	s23 =	sshll.u32 s8, $0x6  }
0x2aa: {  	v26 =	vld [tilespmem:s1+$0x2A60];
	s4 =	simm.s32 @!p1 $0xB;
	s10 =	sadd.s32 s23, s17  }
0x2ab: {  	v13 =	vld [tilespmem:s1+$0x20];
	s24 =	smul.u32 $0x680, s8;
	s18 =	sshll.u32 s4, $0x6;
	s10 =	sshra.s32 s10, $0x2  }
0x2ac: {  	v21 =	vld [tilespmem:s1+$0x54A0];
	s4 =	smul.u32 $0x680, s4;
	s18 =	sadd.s32 s18, s17;
	s23 =	sadd.s32 $0xD00, s10  }
0x2ad: {  	s1 =	sadd.s32 s24, s17;
	s25 =	sshra.s32 s18, $0x2;
	v11 =	vld [tilespmem:s23+$0x2BE0]  }
0x2ae: {  	s26 =	sadd.s32 s4, s17;
	s30 =	sshra.s32 s1, $0x2;
	s28 =	sadd.s32 $0xD00, s25;
	v16 =	vld [tilespmem:s23+$0x5620]  }
0x2af: {  	s0 =	sshra.s32 s26, $0x2;
	s26 =	sadd.s32 $0xD00, s30;
	v28 =	vld [tilespmem:s28+$0x2F20]  }
0x2b0: {  	s29 =	sshll.u32 s9, $0x6;
	v10 =	vld [tilespmem:s26+$0x7ED0]  }
0x2b1: {  	s4 =	sadd.s32 s29, s17;
	v18 =	vld [tilespmem:s28+$0x4E0]  }
0x2b2: {  	v24 =	vmul.f32 v14, v24;
	s31 =	sshra.s32 s4, $0x2;
	s24 =	sadd.s32 $0xD00, s0;
	v14 =	vld [tilespmem:s28+$0x83A0]  }
0x2b3: {  	s0 =	sadd.s32 $0xD00, s31;
	v29 =	vld [tilespmem:s24+$0x2A70]  }
0x2b4: {  	v30 =	vld [tilespmem:s0+$0x2D80]  }
0x2b5: {  	v12 =	vld [tilespmem:s0+$0x8200]  }
0x2b6: {  	v25 =	vld [tilespmem:s0+$0x57C0]  }
0x2b7: {  	s19 =	simm.s32 $0x1380;
	v31 =	vmul.f32 v9, v17;
	v17 =	vld [tilespmem:s24+$0x7EF0]  }
0x2b8: {  	s20 =	simm.s32 $0x1A00;
	s21 =	simm.s32 $0xD40;
	s22 =	simm.s32 $0x100;
	v22 =	vmul.f32 v20, v22;
	v20 =	vmul.f32 v23, v27;
	v19 =	vadd.f32 v24, v19;
	v24 =	vld [tilespmem:s0+$0x340]  }
0x2b9: {  	s17 =	simm.s32 $0xD00;
	s18 =	simm.s32 $0x60;
	s25 =	simm.s32 $0x4;
	v15 =	vadd.f32 v31, v15;
	v23 =	vld [tilespmem:s24+$0x30];
	v9 =	vmul.f32 v29, v28;
	v26 =	vmul.f32 v26, v30  }
.LBB2_31:
0x2ba: {  	p1 =	sgt.u32 s25, $0x11;
	s0 =	sadd.s32 s15, s21  }
0x2bb: {  	p2 =	sgt.u32 s25, $0x10;
	s1 =	smov.u32 s25;
	s4 =	simm.s32 $0xFFFFFFEF  }
0x2bc: {  	v21 =	vmul.f32 v21, v25;
	v25 =	vld [tilespmem:s28+$0x5960];
	s9 =	simm.s32 $0xFFFFFFF0;
	s10 =	sadd.s32 s15, s19;
	s1 =	simm.s32 $0xFFFFFFEE  }
0x2bd: {  	s4 =	simm.s32 @!p2 $0x9;
	v27 =	vld [tilespmem:s23+$0x1A0];
	v15 =	vadd.f32 v26, v15;
	s1 =	simm.s32 @!p1 $0x8;
	p1 =	sgt.u32 s25, $0xF  }
0x2be: {  	v19 =	vadd.f32 v21, v19;
	s8 =	sshll.u32 s1, $0x6;
	s1 =	smul.u32 $0x680, s1;
	s9 =	simm.s32 @!p1 $0xA;
	v26 =	vld [tilespmem:s26+$0x2A50]  }
0x2bf: {  	v3 =	vadd.f32 v22, v3;
	v13 =	vmul.f32 v13, v24;
	p1 =	sgt.u32 s25, $0xE;
	s28 =	sadd.s32 s8, s22;
	s29 =	smul.u32 $0x680, s9;
	v21 =	vld [tilespmem:s26+$0x5490]  }
0x2c0: {  	s30 =	sshra.s32 s28, $0x2;
	s31 =	sadd.s32 s1, s20;
	s28 =	smul.u32 $0x680, s4;
	v22 =	vld [tilespmem:s26+$0x10]  }
0x2c1: {  	s4 =	sshll.u32 s4, $0x6;
	v3 =	vadd.f32 v13, v3;
	s10 =	sadd.s32 s30, s10;
	s26 =	sshra.s32 s31, $0x2;
	v24 =	vld [tilespmem:s23+$0x8060]  }
0x2c2: {  	s9 =	sshll.u32 s9, $0x6;
	s0 =	sadd.s32 s26, s0;
	s26 =	sadd.s32 s20, s16;
	v13 =	vld [tilespmem:s24+$0x54B0]  }
0x2c3: {  	s23 =	sadd.s32 s22, s16;
	s24 =	simm.s32 $0xFFFFFFF1;
	v28 =	vld [tilespmem:s0+$0x2A40];
	s1 =	sadd.s32 s1, s26;
	v11 =	vmul.f32 v26, v11  }
0x2c4: {  	s8 =	sadd.s32 s8, s23;
	s24 =	simm.s32 @!p1 $0xB;
	v26 =	vld [tilespmem:s10+$0x2A40];
	s1 =	sshra.s32 s1, $0x2;
	v16 =	vmul.f32 v21, v16  }
0x2c5: {  	v7 =	vadd.f32 v20, v7;
	v18 =	vmul.f32 v23, v18;
	v21 =	vld [tilespmem:s0+$0x0];
	s0 =	sadd.s32 s1, s21;
	s1 =	sadd.s32 s4, s23;
	s4 =	sshll.u32 s24, $0x6;
	v20 =	vmul.f32 v22, v27  }
0x2c6: {  	v8 =	vmul.f32 v8, v12;
	s29 =	sadd.s32 s29, s26;
	s24 =	smul.u32 $0x680, s24;
	v6 =	vadd.f32 v11, v6;
	v23 =	vld [tilespmem:s0+$0x7EC0];
	s1 =	sshra.s32 s1, $0x2;
	v10 =	vmul.f32 v10, v24  }
0x2c7: {  	v11 =	vmul.f32 v17, v14;
	s4 =	sadd.s32 s4, s23;
	v5 =	vadd.f32 v16, v5;
	v12 =	vld [tilespmem:s0+$0x5480];
	s0 =	sadd.s32 s9, s23;
	s9 =	sshra.s32 s29, $0x2;
	v2 =	vadd.f32 v20, v2  }
0x2c8: {  	v7 =	vadd.f32 v8, v7;
	s4 =	sshra.s32 s4, $0x2;
	v14 =	vld [tilespmem:s10+$0x0];
	s9 =	sadd.s32 s9, s21;
	s10 =	sadd.s32 s24, s26;
	v4 =	vadd.f32 v10, v4;
	v10 =	vmul.f32 v13, v25  }
0x2c9: {  	s8 =	sshra.s32 s8, $0x2;
	s23 =	sadd.s32 s1, s19;
	v6 =	vadd.f32 v9, v6;
	v26 =	vmul.f32 v28, v26;
	v8 =	vld [tilespmem:s9+$0x7EE0];
	s1 =	sshra.s32 s10, $0x2;
	v2 =	vadd.f32 v18, v2  }
0x2ca: {  	s10 =	sadd.s32 s28, s26;
	v27 =	vld [tilespmem:s9+$0x2A60];
	s24 =	sadd.s32 s1, s21;
	s1 =	sadd.s32 $0x4, s25;
	v5 =	vadd.f32 v10, v5;
	v4 =	vadd.f32 v11, v4  }
0x2cb: {  	p1 =	slt.u32 s25, $0x14;
	s8 =	sadd.s32 s8, s19;
	s10 =	sshra.s32 s10, $0x2;
	v13 =	vld [tilespmem:s9+$0x20]  }
0x2cc: {  	v9 =	vld [tilespmem:s8+$0x5480]  }
0x2cd: {  	v22 =	vmul.f32 v21, v14;
	v21 =	vld [tilespmem:s9+$0x54A0]  }
0x2ce: {  	v10 =	vld [tilespmem:s8+$0x7EC0]  }
0x2cf: {  	s28 =	sadd.s32 s4, s19;
	v11 =	vld [tilespmem:s23+$0x2BE0]  }
0x2d0: {  	v14 =	vld [tilespmem:s28+$0x2F20]  }
0x2d1: {  	s26 =	sadd.s32 s10, s21;
	v9 =	vmul.f32 v12, v9;
	v16 =	vld [tilespmem:s23+$0x5620]  }
0x2d2: {  	s0 =	sshra.s32 s0, $0x2;
	v17 =	vld [tilespmem:s24+$0x2A70]  }
0x2d3: {  	s0 =	sadd.s32 s0, s19;
	v19 =	vadd.f32 v9, v19;
	v20 =	vmul.f32 v23, v10;
	v10 =	vld [tilespmem:s26+$0x7ED0]  }
0x2d4: {  	v12 =	vld [tilespmem:s0+$0x8200]  }
0x2d5: {  	v23 =	vld [tilespmem:s0+$0x2D80]  }
0x2d6: {  	v18 =	vld [tilespmem:s28+$0x4E0]  }
.Ltmp14:
0x2d7: {  	v25 =	vld [tilespmem:s0+$0x57C0];
	v9 =	vmul.f32 v17, v14;
	(pc) =	sbr.rel @p1 .LBB2_31-.Ltmp14, $4  }
0x2d8: {  	v14 =	vld [tilespmem:s28+$0x83A0]  }
0x2d9: {  	v17 =	vld [tilespmem:s24+$0x7EF0]  }
0x2da: {  	s22 =	sadd.s32 $0x100, s22;
	s19 =	sadd.s32 $0x680, s19;
	v24 =	vld [tilespmem:s0+$0x340]  }
0x2db: {  	s20 =	sadd.s32 $0x1A00, s20;
	v15 =	vadd.f32 v26, v15;
	s21 =	sadd.s32 $0x40, s21;
	s25 =	smov.u32 s1;
	v26 =	vmul.f32 v27, v23;
	v23 =	vld [tilespmem:s24+$0x30]  }
0x2dc: {  	v27 =	vld [tilespmem:s23+$0x1A0]  }
0x2dd: {  	v28 =	vld [tilespmem:s26+$0x2A50]  }
0x2de: {  	v29 =	vld [tilespmem:s26+$0x5490]  }
0x2df: {  	v30 =	vld [tilespmem:s26+$0x10]  }
0x2e0: {  	v60 =	vld [tilespmem:s23+$0x8060]  }
0x2e1: {  	v21 =	vmul.f32 v21, v25;
	v3 =	vadd.f32 v22, v3;
	v61 =	vld [tilespmem:s28+$0x5960]  }
0x2e2: {  	v62 =	vld [tilespmem:s24+$0x54B0];
	v7 =	vadd.f32 v20, v7;
	v8 =	vmul.f32 v8, v12;
	v13 =	vmul.f32 v13, v24  }
0x2e3: {  	v15 =	vadd.f32 v26, v15;
	v19 =	vadd.f32 v21, v19;
	v11 =	vmul.f32 v28, v11  }
0x2e4: {  	v3 =	vadd.f32 v13, v3;
	v13 =	vmul.f32 v29, v16;
	v16 =	vmul.f32 v30, v27  }
0x2e5: {  	v63 =	vmul.f32 v17, v14;
	v7 =	vadd.f32 v8, v7;
	v10 =	vmul.f32 v10, v60  }
0x2e6: {  	v18 =	vmul.f32 v23, v18;
	v6 =	vadd.f32 v11, v6;
	v2 =	vadd.f32 v16, v2  }
0x2e7: {  	v8 =	vmul.f32 v62, v61;
	v5 =	vadd.f32 v13, v5;
	v4 =	vadd.f32 v10, v4  }
0x2e8: {  	v2 =	vadd.f32 v18, v2;
	v6 =	vadd.f32 v9, v6  }
0x2e9: {  	v5 =	vadd.f32 v8, v5;
	v4 =	vadd.f32 v63, v4  }
.LBB2_33:
0x2ea: {  	s0 =	sadd.s32 s15, s17  }
0x2eb: {  	v8 =	vld [tilespmem:s0+$0x2760]  }
0x2ec: {  	v9 =	vld [tilespmem:s0+$0xB40]  }
0x2ed: {  	v10 =	vld [tilespmem:s0+$0x51A0]  }
0x2ee: {  	v11 =	vld [tilespmem:s0+$0x3580]  }
0x2ef: {  	v12 =	vld [tilespmem:s0+$0x7BE0]  }
0x2f0: {  	v13 =	vld [tilespmem:s0+$0x5FC0]  }
0x2f1: {  	v14 =	vld [tilespmem:s0+$0xA620]  }
0x2f2: {  	v16 =	vld [tilespmem:s0+$0x8A00];
	_ =	sdelay $0x1  }
0x2f3: {  	p1 =	sne.s32 s18, $0x70  }
.Ltmp15:
0x2f4: {  	_ = 	snop;
	(pc) =	sbr.rel @p1 .LBB2_33-.Ltmp15, $4  }
0x2f5: {  	v8 =	vmul.f32 v9, v8;
	v61 =	vmul.f32 v11, v10  }
0x2f6: {  	v62 =	vmovc v3;
	v63 =	vmovc v15;
	v3 =	vmov v2;
	v12 =	vmul.f32 v13, v12;
	v13 =	vmul.f32 v16, v14  }
0x2f7: {  	v15 =	vmovc v6;
	v14 =	vmovc v19;
	v16 =	vmov v7;
	v2 =	vadd.f32 v8, v62;
	v6 =	vadd.f32 v61, v63  }
0x2f8: {  	s17 =	sadd.s32 $0x1B0, s17;
	s18 =	sadd.s32 $0x10, s18;
	v19 =	vmovc v5;
	v7 =	vmov v4;
	v5 =	vadd.f32 v12, v14;
	v4 =	vadd.f32 v13, v16  }
0x2f9: {  	p1 =	por $0x0, $0x0;
	s0 =	simm.s32 $0xFFFFFFEF  }
0x2fa: {  	s0 =	simm.s32 @!p1 $0x9  }
0x2fb: {  	s17 =	sadd.s32 $0x0, s16;
	s1 =	smul.u32 $0x680, s0;
	s0 =	sshll.u32 s0, $0x6  }
0x2fc: {  	s10 =	sadd.s32 $0x0, s0;
	s0 =	sadd.s32 s0, s17  }
0x2fd: {  	s0 =	sshra.s32 s0, $0x2  }
0x2fe: {  	s8 =	sadd.s32 $0x0, s1;
	s0 =	sadd.s32 $0xD00, s0  }
0x2ff: {  	s4 =	sadd.s32 $0xD00, s15;
	s9 =	simm.s32 $0xFFFFFFF1;
	s8 =	sshra.s32 s8, $0x2;
	v24 =	vld [tilespmem:s0+$0x5480]  }
0x300: {  	p1 =	por $0x0, $0x0;
	s10 =	sshra.s32 s10, $0x2;
	s8 =	sadd.s32 s8, s4;
	v27 =	vld [tilespmem:s0+$0x7EC0]  }
0x301: {  	s9 =	simm.s32 @!p1 $0xB;
	s1 =	sadd.s32 s1, s17;
	s4 =	sadd.s32 s10, s4;
	v9 =	vld [tilespmem:s8+$0x2A40]  }
0x302: {  	s20 =	smul.u32 $0x680, s9;
	s1 =	sshra.s32 s1, $0x2;
	v17 =	vld [tilespmem:s4+$0x2A40]  }
0x303: {  	s1 =	sadd.s32 $0xD00, s1;
	v20 =	vld [tilespmem:s8+$0x0]  }
0x304: {  	s21 =	sadd.s32 s20, s17;
	v23 =	vld [tilespmem:s1+$0x7EC0]  }
0x305: {  	p1 =	por $0x0, $0x0;
	s22 =	sshra.s32 s21, $0x2;
	v14 =	vld [tilespmem:s1+$0x5480];
	s8 =	simm.s32 $0xFFFFFFF0  }
0x306: {  	v22 =	vld [tilespmem:s4+$0x0];
	s1 =	sadd.s32 $0xD00, s22;
	s8 =	simm.s32 @!p1 $0xA  }
0x307: {  	s4 =	simm.s32 $0xFFFFFFF2;
	v8 =	vld [tilespmem:s1+$0x7EE0];
	p1 =	por $0x0, $0x0;
	s23 =	sshll.u32 s8, $0x6  }
0x308: {  	v26 =	vld [tilespmem:s1+$0x2A60];
	s4 =	simm.s32 @!p1 $0xC;
	s10 =	sadd.s32 s23, s17  }
0x309: {  	v13 =	vld [tilespmem:s1+$0x20];
	s24 =	smul.u32 $0x680, s8;
	s18 =	sshll.u32 s4, $0x6;
	s10 =	sshra.s32 s10, $0x2  }
0x30a: {  	v21 =	vld [tilespmem:s1+$0x54A0];
	s4 =	smul.u32 $0x680, s4;
	s18 =	sadd.s32 s18, s17;
	s23 =	sadd.s32 $0xD00, s10  }
0x30b: {  	s1 =	sadd.s32 s24, s17;
	s25 =	sshra.s32 s18, $0x2;
	v11 =	vld [tilespmem:s23+$0x2BE0]  }
0x30c: {  	s26 =	sadd.s32 s4, s17;
	s30 =	sshra.s32 s1, $0x2;
	s28 =	sadd.s32 $0xD00, s25;
	v16 =	vld [tilespmem:s23+$0x5620]  }
0x30d: {  	s0 =	sshra.s32 s26, $0x2;
	s26 =	sadd.s32 $0xD00, s30;
	v28 =	vld [tilespmem:s28+$0x2F20]  }
0x30e: {  	s29 =	sshll.u32 s9, $0x6;
	v10 =	vld [tilespmem:s26+$0x7ED0]  }
0x30f: {  	s4 =	sadd.s32 s29, s17;
	v18 =	vld [tilespmem:s28+$0x4E0]  }
0x310: {  	v24 =	vmul.f32 v14, v24;
	s31 =	sshra.s32 s4, $0x2;
	s24 =	sadd.s32 $0xD00, s0;
	v14 =	vld [tilespmem:s28+$0x83A0]  }
0x311: {  	s0 =	sadd.s32 $0xD00, s31;
	v29 =	vld [tilespmem:s24+$0x2A70]  }
0x312: {  	v30 =	vld [tilespmem:s0+$0x2D80]  }
0x313: {  	v12 =	vld [tilespmem:s0+$0x8200]  }
0x314: {  	v25 =	vld [tilespmem:s0+$0x57C0]  }
0x315: {  	s19 =	simm.s32 $0x1380;
	v31 =	vmul.f32 v9, v17;
	v17 =	vld [tilespmem:s24+$0x7EF0]  }
0x316: {  	s20 =	simm.s32 $0x1A00;
	s21 =	simm.s32 $0xD40;
	s22 =	simm.s32 $0x100;
	v22 =	vmul.f32 v20, v22;
	v20 =	vmul.f32 v23, v27;
	v19 =	vadd.f32 v24, v19;
	v24 =	vld [tilespmem:s0+$0x340]  }
0x317: {  	s17 =	simm.s32 $0xD00;
	s18 =	simm.s32 $0x70;
	s25 =	simm.s32 $0x4;
	v15 =	vadd.f32 v31, v15;
	v23 =	vld [tilespmem:s24+$0x30];
	v9 =	vmul.f32 v29, v28;
	v26 =	vmul.f32 v26, v30  }
.LBB2_35:
0x318: {  	p1 =	sgt.u32 s25, $0x10;
	s0 =	sadd.s32 s15, s21  }
0x319: {  	p2 =	sgt.u32 s25, $0xF;
	s1 =	smov.u32 s25;
	s4 =	simm.s32 $0xFFFFFFF0  }
0x31a: {  	v21 =	vmul.f32 v21, v25;
	v25 =	vld [tilespmem:s28+$0x5960];
	s9 =	simm.s32 $0xFFFFFFF1;
	s10 =	sadd.s32 s15, s19;
	s1 =	simm.s32 $0xFFFFFFEF  }
0x31b: {  	s4 =	simm.s32 @!p2 $0xA;
	v27 =	vld [tilespmem:s23+$0x1A0];
	v15 =	vadd.f32 v26, v15;
	s1 =	simm.s32 @!p1 $0x9;
	p1 =	sgt.u32 s25, $0xE  }
0x31c: {  	v19 =	vadd.f32 v21, v19;
	s8 =	sshll.u32 s1, $0x6;
	s1 =	smul.u32 $0x680, s1;
	s9 =	simm.s32 @!p1 $0xB;
	v26 =	vld [tilespmem:s26+$0x2A50]  }
0x31d: {  	v3 =	vadd.f32 v22, v3;
	v13 =	vmul.f32 v13, v24;
	p1 =	sgt.u32 s25, $0xD;
	s28 =	sadd.s32 s8, s22;
	s29 =	smul.u32 $0x680, s9;
	v21 =	vld [tilespmem:s26+$0x5490]  }
0x31e: {  	s30 =	sshra.s32 s28, $0x2;
	s31 =	sadd.s32 s1, s20;
	s28 =	smul.u32 $0x680, s4;
	v22 =	vld [tilespmem:s26+$0x10]  }
0x31f: {  	s4 =	sshll.u32 s4, $0x6;
	v3 =	vadd.f32 v13, v3;
	s10 =	sadd.s32 s30, s10;
	s26 =	sshra.s32 s31, $0x2;
	v24 =	vld [tilespmem:s23+$0x8060]  }
0x320: {  	s9 =	sshll.u32 s9, $0x6;
	s0 =	sadd.s32 s26, s0;
	s26 =	sadd.s32 s20, s16;
	v13 =	vld [tilespmem:s24+$0x54B0]  }
0x321: {  	s23 =	sadd.s32 s22, s16;
	s24 =	simm.s32 $0xFFFFFFF2;
	v28 =	vld [tilespmem:s0+$0x2A40];
	s1 =	sadd.s32 s1, s26;
	v11 =	vmul.f32 v26, v11  }
0x322: {  	s8 =	sadd.s32 s8, s23;
	s24 =	simm.s32 @!p1 $0xC;
	v26 =	vld [tilespmem:s10+$0x2A40];
	s1 =	sshra.s32 s1, $0x2;
	v16 =	vmul.f32 v21, v16  }
0x323: {  	v7 =	vadd.f32 v20, v7;
	v18 =	vmul.f32 v23, v18;
	v21 =	vld [tilespmem:s0+$0x0];
	s0 =	sadd.s32 s1, s21;
	s1 =	sadd.s32 s4, s23;
	s4 =	sshll.u32 s24, $0x6;
	v20 =	vmul.f32 v22, v27  }
0x324: {  	v8 =	vmul.f32 v8, v12;
	s29 =	sadd.s32 s29, s26;
	s24 =	smul.u32 $0x680, s24;
	v6 =	vadd.f32 v11, v6;
	v23 =	vld [tilespmem:s0+$0x7EC0];
	s1 =	sshra.s32 s1, $0x2;
	v10 =	vmul.f32 v10, v24  }
0x325: {  	v11 =	vmul.f32 v17, v14;
	s4 =	sadd.s32 s4, s23;
	v5 =	vadd.f32 v16, v5;
	v12 =	vld [tilespmem:s0+$0x5480];
	s0 =	sadd.s32 s9, s23;
	s9 =	sshra.s32 s29, $0x2;
	v2 =	vadd.f32 v20, v2  }
0x326: {  	v7 =	vadd.f32 v8, v7;
	s4 =	sshra.s32 s4, $0x2;
	v14 =	vld [tilespmem:s10+$0x0];
	s9 =	sadd.s32 s9, s21;
	s10 =	sadd.s32 s24, s26;
	v4 =	vadd.f32 v10, v4;
	v10 =	vmul.f32 v13, v25  }
0x327: {  	s8 =	sshra.s32 s8, $0x2;
	s23 =	sadd.s32 s1, s19;
	v6 =	vadd.f32 v9, v6;
	v26 =	vmul.f32 v28, v26;
	v8 =	vld [tilespmem:s9+$0x7EE0];
	s1 =	sshra.s32 s10, $0x2;
	v2 =	vadd.f32 v18, v2  }
0x328: {  	s10 =	sadd.s32 s28, s26;
	v27 =	vld [tilespmem:s9+$0x2A60];
	s24 =	sadd.s32 s1, s21;
	s1 =	sadd.s32 $0x4, s25;
	v5 =	vadd.f32 v10, v5;
	v4 =	vadd.f32 v11, v4  }
0x329: {  	p1 =	slt.u32 s25, $0x14;
	s8 =	sadd.s32 s8, s19;
	s10 =	sshra.s32 s10, $0x2;
	v13 =	vld [tilespmem:s9+$0x20]  }
0x32a: {  	v9 =	vld [tilespmem:s8+$0x5480]  }
0x32b: {  	v22 =	vmul.f32 v21, v14;
	v21 =	vld [tilespmem:s9+$0x54A0]  }
0x32c: {  	v10 =	vld [tilespmem:s8+$0x7EC0]  }
0x32d: {  	s28 =	sadd.s32 s4, s19;
	v11 =	vld [tilespmem:s23+$0x2BE0]  }
0x32e: {  	v14 =	vld [tilespmem:s28+$0x2F20]  }
0x32f: {  	s26 =	sadd.s32 s10, s21;
	v9 =	vmul.f32 v12, v9;
	v16 =	vld [tilespmem:s23+$0x5620]  }
0x330: {  	s0 =	sshra.s32 s0, $0x2;
	v17 =	vld [tilespmem:s24+$0x2A70]  }
0x331: {  	s0 =	sadd.s32 s0, s19;
	v19 =	vadd.f32 v9, v19;
	v20 =	vmul.f32 v23, v10;
	v10 =	vld [tilespmem:s26+$0x7ED0]  }
0x332: {  	v12 =	vld [tilespmem:s0+$0x8200]  }
0x333: {  	v23 =	vld [tilespmem:s0+$0x2D80]  }
0x334: {  	v18 =	vld [tilespmem:s28+$0x4E0]  }
.Ltmp16:
0x335: {  	v25 =	vld [tilespmem:s0+$0x57C0];
	v9 =	vmul.f32 v17, v14;
	(pc) =	sbr.rel @p1 .LBB2_35-.Ltmp16, $4  }
0x336: {  	v14 =	vld [tilespmem:s28+$0x83A0]  }
0x337: {  	v17 =	vld [tilespmem:s24+$0x7EF0]  }
0x338: {  	s22 =	sadd.s32 $0x100, s22;
	s19 =	sadd.s32 $0x680, s19;
	v24 =	vld [tilespmem:s0+$0x340]  }
0x339: {  	s20 =	sadd.s32 $0x1A00, s20;
	v15 =	vadd.f32 v26, v15;
	s21 =	sadd.s32 $0x40, s21;
	s25 =	smov.u32 s1;
	v26 =	vmul.f32 v27, v23;
	v23 =	vld [tilespmem:s24+$0x30]  }
0x33a: {  	v27 =	vld [tilespmem:s23+$0x1A0]  }
0x33b: {  	v28 =	vld [tilespmem:s26+$0x2A50]  }
0x33c: {  	v29 =	vld [tilespmem:s26+$0x5490]  }
0x33d: {  	v30 =	vld [tilespmem:s26+$0x10]  }
0x33e: {  	v60 =	vld [tilespmem:s23+$0x8060]  }
0x33f: {  	v21 =	vmul.f32 v21, v25;
	v3 =	vadd.f32 v22, v3;
	v61 =	vld [tilespmem:s28+$0x5960]  }
0x340: {  	v62 =	vld [tilespmem:s24+$0x54B0];
	v7 =	vadd.f32 v20, v7;
	v8 =	vmul.f32 v8, v12;
	v13 =	vmul.f32 v13, v24  }
0x341: {  	v15 =	vadd.f32 v26, v15;
	v19 =	vadd.f32 v21, v19;
	v11 =	vmul.f32 v28, v11  }
0x342: {  	v3 =	vadd.f32 v13, v3;
	v13 =	vmul.f32 v29, v16;
	v16 =	vmul.f32 v30, v27  }
0x343: {  	v63 =	vmul.f32 v17, v14;
	v7 =	vadd.f32 v8, v7;
	v10 =	vmul.f32 v10, v60  }
0x344: {  	v18 =	vmul.f32 v23, v18;
	v6 =	vadd.f32 v11, v6;
	v2 =	vadd.f32 v16, v2  }
0x345: {  	v8 =	vmul.f32 v62, v61;
	v5 =	vadd.f32 v13, v5;
	v4 =	vadd.f32 v10, v4  }
0x346: {  	v2 =	vadd.f32 v18, v2;
	v6 =	vadd.f32 v9, v6  }
0x347: {  	v5 =	vadd.f32 v8, v5;
	v4 =	vadd.f32 v63, v4  }
.LBB2_37:
0x348: {  	s0 =	sadd.s32 s15, s17  }
0x349: {  	v8 =	vld [tilespmem:s0+$0x2770]  }
0x34a: {  	v9 =	vld [tilespmem:s0+$0xCE0]  }
0x34b: {  	v10 =	vld [tilespmem:s0+$0x51B0]  }
0x34c: {  	v11 =	vld [tilespmem:s0+$0x3720]  }
0x34d: {  	v12 =	vld [tilespmem:s0+$0x7BF0]  }
0x34e: {  	v13 =	vld [tilespmem:s0+$0x6160]  }
0x34f: {  	v14 =	vld [tilespmem:s0+$0xA630]  }
0x350: {  	v16 =	vld [tilespmem:s0+$0x8BA0];
	_ =	sdelay $0x1  }
0x351: {  	p1 =	sne.s32 s18, $0x80  }
.Ltmp17:
0x352: {  	_ = 	snop;
	(pc) =	sbr.rel @p1 .LBB2_37-.Ltmp17, $4  }
0x353: {  	v8 =	vmul.f32 v9, v8;
	v61 =	vmul.f32 v11, v10  }
0x354: {  	v62 =	vmovc v3;
	v63 =	vmovc v15;
	v3 =	vmov v2;
	v12 =	vmul.f32 v13, v12;
	v13 =	vmul.f32 v16, v14  }
0x355: {  	v15 =	vmovc v6;
	v14 =	vmovc v19;
	v16 =	vmov v7;
	v2 =	vadd.f32 v8, v62;
	v6 =	vadd.f32 v61, v63  }
0x356: {  	s17 =	sadd.s32 $0x1B0, s17;
	s18 =	sadd.s32 $0x10, s18;
	v19 =	vmovc v5;
	v7 =	vmov v4;
	v5 =	vadd.f32 v12, v14;
	v4 =	vadd.f32 v13, v16  }
0x357: {  	p1 =	por $0x0, $0x0;
	s0 =	simm.s32 $0xFFFFFFF0  }
0x358: {  	s0 =	simm.s32 @!p1 $0xA  }
0x359: {  	s17 =	sadd.s32 $0x0, s16;
	s1 =	smul.u32 $0x680, s0;
	s0 =	sshll.u32 s0, $0x6  }
0x35a: {  	s10 =	sadd.s32 $0x0, s0;
	s0 =	sadd.s32 s0, s17  }
0x35b: {  	s0 =	sshra.s32 s0, $0x2  }
0x35c: {  	s8 =	sadd.s32 $0x0, s1;
	s0 =	sadd.s32 $0xD00, s0  }
0x35d: {  	s4 =	sadd.s32 $0xD00, s15;
	s9 =	simm.s32 $0xFFFFFFF2;
	s8 =	sshra.s32 s8, $0x2;
	v24 =	vld [tilespmem:s0+$0x5480]  }
0x35e: {  	p1 =	por $0x0, $0x0;
	s10 =	sshra.s32 s10, $0x2;
	s8 =	sadd.s32 s8, s4;
	v27 =	vld [tilespmem:s0+$0x7EC0]  }
0x35f: {  	s9 =	simm.s32 @!p1 $0xC;
	s1 =	sadd.s32 s1, s17;
	s4 =	sadd.s32 s10, s4;
	v10 =	vld [tilespmem:s8+$0x2A40]  }
0x360: {  	s20 =	smul.u32 $0x680, s9;
	s1 =	sshra.s32 s1, $0x2;
	v17 =	vld [tilespmem:s4+$0x2A40]  }
0x361: {  	s1 =	sadd.s32 $0xD00, s1;
	v21 =	vld [tilespmem:s8+$0x0]  }
0x362: {  	s21 =	sadd.s32 s20, s17;
	v23 =	vld [tilespmem:s1+$0x7EC0]  }
0x363: {  	p1 =	por $0x0, $0x0;
	s22 =	sshra.s32 s21, $0x2;
	v14 =	vld [tilespmem:s1+$0x5480];
	s8 =	simm.s32 $0xFFFFFFF1  }
0x364: {  	v22 =	vld [tilespmem:s4+$0x0];
	s1 =	sadd.s32 $0xD00, s22;
	s8 =	simm.s32 @!p1 $0xB  }
0x365: {  	s4 =	simm.s32 $0xD;
	v8 =	vld [tilespmem:s1+$0x7EE0];
	p1 =	por $0x1, $0x1;
	s23 =	sshll.u32 s8, $0x6  }
0x366: {  	v26 =	vld [tilespmem:s1+$0x2A60];
	s4 =	simm.s32 @!p1 $0xFFFFFFF3;
	s10 =	sadd.s32 s23, s17  }
0x367: {  	v13 =	vld [tilespmem:s1+$0x20];
	s24 =	smul.u32 $0x680, s8;
	s18 =	sshll.u32 s4, $0x6;
	s10 =	sshra.s32 s10, $0x2  }
0x368: {  	v18 =	vld [tilespmem:s1+$0x54A0];
	s4 =	smul.u32 $0x680, s4;
	s18 =	sadd.s32 s18, s17;
	s23 =	sadd.s32 $0xD00, s10  }
0x369: {  	s1 =	sadd.s32 s24, s17;
	s25 =	sshra.s32 s18, $0x2;
	v11 =	vld [tilespmem:s23+$0x2BE0]  }
0x36a: {  	s26 =	sadd.s32 s4, s17;
	s30 =	sshra.s32 s1, $0x2;
	s28 =	sadd.s32 $0xD00, s25;
	v16 =	vld [tilespmem:s23+$0x5620]  }
0x36b: {  	s0 =	sshra.s32 s26, $0x2;
	s26 =	sadd.s32 $0xD00, s30;
	v28 =	vld [tilespmem:s28+$0x2F20]  }
0x36c: {  	s29 =	sshll.u32 s9, $0x6;
	v9 =	vld [tilespmem:s26+$0x7ED0]  }
0x36d: {  	s4 =	sadd.s32 s29, s17;
	v20 =	vld [tilespmem:s28+$0x4E0]  }
0x36e: {  	v24 =	vmul.f32 v14, v24;
	s31 =	sshra.s32 s4, $0x2;
	s24 =	sadd.s32 $0xD00, s0;
	v14 =	vld [tilespmem:s28+$0x83A0]  }
0x36f: {  	s0 =	sadd.s32 $0xD00, s31;
	v29 =	vld [tilespmem:s24+$0x2A70]  }
0x370: {  	v30 =	vld [tilespmem:s0+$0x2D80]  }
0x371: {  	v12 =	vld [tilespmem:s0+$0x8200]  }
0x372: {  	v25 =	vld [tilespmem:s0+$0x57C0]  }
0x373: {  	s19 =	simm.s32 $0x1380;
	v31 =	vmul.f32 v10, v17;
	v17 =	vld [tilespmem:s24+$0x7EF0]  }
0x374: {  	s20 =	simm.s32 $0x1A00;
	s21 =	simm.s32 $0xD40;
	s22 =	simm.s32 $0x100;
	v22 =	vmul.f32 v21, v22;
	v21 =	vmul.f32 v23, v27;
	v19 =	vadd.f32 v24, v19;
	v24 =	vld [tilespmem:s0+$0x340]  }
0x375: {  	s17 =	simm.s32 $0xD00;
	s18 =	simm.s32 $0x80;
	s25 =	simm.s32 $0x4;
	v15 =	vadd.f32 v31, v15;
	v23 =	vld [tilespmem:s24+$0x30];
	v10 =	vmul.f32 v29, v28;
	v26 =	vmul.f32 v26, v30  }
.LBB2_39:
0x376: {  	p1 =	sgt.u32 s25, $0xF;
	s0 =	sadd.s32 s15, s21  }
0x377: {  	p2 =	sgt.u32 s25, $0xE;
	s1 =	smov.u32 s25;
	s4 =	simm.s32 $0xFFFFFFF1  }
0x378: {  	v18 =	vmul.f32 v18, v25;
	v25 =	vld [tilespmem:s28+$0x5960];
	s9 =	simm.s32 $0xFFFFFFF2;
	s10 =	sadd.s32 s15, s19;
	s1 =	simm.s32 $0xFFFFFFF0  }
0x379: {  	s4 =	simm.s32 @!p2 $0xB;
	v27 =	vld [tilespmem:s23+$0x1A0];
	v15 =	vadd.f32 v26, v15;
	s1 =	simm.s32 @!p1 $0xA;
	p1 =	sgt.u32 s25, $0xD  }
0x37a: {  	v19 =	vadd.f32 v18, v19;
	s8 =	sshll.u32 s1, $0x6;
	s1 =	smul.u32 $0x680, s1;
	s9 =	simm.s32 @!p1 $0xC;
	v26 =	vld [tilespmem:s26+$0x2A50]  }
0x37b: {  	v3 =	vadd.f32 v22, v3;
	v13 =	vmul.f32 v13, v24;
	p1 =	slt.u32 s25, $0xD;
	s28 =	sadd.s32 s8, s22;
	s29 =	smul.u32 $0x680, s9;
	v18 =	vld [tilespmem:s26+$0x5490]  }
0x37c: {  	s30 =	sshra.s32 s28, $0x2;
	s31 =	sadd.s32 s1, s20;
	s28 =	smul.u32 $0x680, s4;
	v22 =	vld [tilespmem:s26+$0x10]  }
0x37d: {  	s4 =	sshll.u32 s4, $0x6;
	v3 =	vadd.f32 v13, v3;
	s10 =	sadd.s32 s30, s10;
	s26 =	sshra.s32 s31, $0x2;
	v24 =	vld [tilespmem:s23+$0x8060]  }
0x37e: {  	s9 =	sshll.u32 s9, $0x6;
	s0 =	sadd.s32 s26, s0;
	s26 =	sadd.s32 s20, s16;
	v13 =	vld [tilespmem:s24+$0x54B0]  }
0x37f: {  	s23 =	sadd.s32 s22, s16;
	s24 =	simm.s32 $0xD;
	v28 =	vld [tilespmem:s0+$0x2A40];
	s1 =	sadd.s32 s1, s26;
	v11 =	vmul.f32 v26, v11  }
0x380: {  	s8 =	sadd.s32 s8, s23;
	s24 =	simm.s32 @!p1 $0xFFFFFFF3;
	v26 =	vld [tilespmem:s10+$0x2A40];
	s1 =	sshra.s32 s1, $0x2;
	v16 =	vmul.f32 v18, v16  }
0x381: {  	v7 =	vadd.f32 v21, v7;
	v20 =	vmul.f32 v23, v20;
	v18 =	vld [tilespmem:s0+$0x0];
	s0 =	sadd.s32 s1, s21;
	s1 =	sadd.s32 s4, s23;
	s4 =	sshll.u32 s24, $0x6;
	v21 =	vmul.f32 v22, v27  }
0x382: {  	v8 =	vmul.f32 v8, v12;
	s29 =	sadd.s32 s29, s26;
	s24 =	smul.u32 $0x680, s24;
	v6 =	vadd.f32 v11, v6;
	v23 =	vld [tilespmem:s0+$0x7EC0];
	s1 =	sshra.s32 s1, $0x2;
	v9 =	vmul.f32 v9, v24  }
0x383: {  	v11 =	vmul.f32 v17, v14;
	s4 =	sadd.s32 s4, s23;
	v5 =	vadd.f32 v16, v5;
	v12 =	vld [tilespmem:s0+$0x5480];
	s0 =	sadd.s32 s9, s23;
	s9 =	sshra.s32 s29, $0x2;
	v2 =	vadd.f32 v21, v2  }
0x384: {  	v7 =	vadd.f32 v8, v7;
	s4 =	sshra.s32 s4, $0x2;
	v14 =	vld [tilespmem:s10+$0x0];
	s9 =	sadd.s32 s9, s21;
	s10 =	sadd.s32 s24, s26;
	v4 =	vadd.f32 v9, v4;
	v9 =	vmul.f32 v13, v25  }
0x385: {  	s8 =	sshra.s32 s8, $0x2;
	s23 =	sadd.s32 s1, s19;
	v6 =	vadd.f32 v10, v6;
	v26 =	vmul.f32 v28, v26;
	v8 =	vld [tilespmem:s9+$0x7EE0];
	s1 =	sshra.s32 s10, $0x2;
	v2 =	vadd.f32 v20, v2  }
0x386: {  	s10 =	sadd.s32 s28, s26;
	v27 =	vld [tilespmem:s9+$0x2A60];
	s24 =	sadd.s32 s1, s21;
	s1 =	sadd.s32 $0x4, s25;
	v5 =	vadd.f32 v9, v5;
	v4 =	vadd.f32 v11, v4  }
0x387: {  	p1 =	slt.u32 s25, $0x14;
	s8 =	sadd.s32 s8, s19;
	s10 =	sshra.s32 s10, $0x2;
	v13 =	vld [tilespmem:s9+$0x20]  }
0x388: {  	v9 =	vld [tilespmem:s8+$0x5480]  }
0x389: {  	v22 =	vmul.f32 v18, v14;
	v18 =	vld [tilespmem:s9+$0x54A0]  }
0x38a: {  	v10 =	vld [tilespmem:s8+$0x7EC0]  }
0x38b: {  	s28 =	sadd.s32 s4, s19;
	v11 =	vld [tilespmem:s23+$0x2BE0]  }
0x38c: {  	v14 =	vld [tilespmem:s28+$0x2F20]  }
0x38d: {  	s26 =	sadd.s32 s10, s21;
	v9 =	vmul.f32 v12, v9;
	v16 =	vld [tilespmem:s23+$0x5620]  }
0x38e: {  	s0 =	sshra.s32 s0, $0x2;
	v17 =	vld [tilespmem:s24+$0x2A70]  }
0x38f: {  	s0 =	sadd.s32 s0, s19;
	v19 =	vadd.f32 v9, v19;
	v21 =	vmul.f32 v23, v10;
	v9 =	vld [tilespmem:s26+$0x7ED0]  }
0x390: {  	v12 =	vld [tilespmem:s0+$0x8200]  }
0x391: {  	v23 =	vld [tilespmem:s0+$0x2D80]  }
0x392: {  	v20 =	vld [tilespmem:s28+$0x4E0]  }
.Ltmp18:
0x393: {  	v25 =	vld [tilespmem:s0+$0x57C0];
	v10 =	vmul.f32 v17, v14;
	(pc) =	sbr.rel @p1 .LBB2_39-.Ltmp18, $4  }
0x394: {  	v14 =	vld [tilespmem:s28+$0x83A0]  }
0x395: {  	v17 =	vld [tilespmem:s24+$0x7EF0]  }
0x396: {  	s22 =	sadd.s32 $0x100, s22;
	s19 =	sadd.s32 $0x680, s19;
	v24 =	vld [tilespmem:s0+$0x340]  }
0x397: {  	s20 =	sadd.s32 $0x1A00, s20;
	v15 =	vadd.f32 v26, v15;
	s21 =	sadd.s32 $0x40, s21;
	s25 =	smov.u32 s1;
	v26 =	vmul.f32 v27, v23;
	v23 =	vld [tilespmem:s24+$0x30]  }
0x398: {  	v27 =	vld [tilespmem:s23+$0x1A0]  }
0x399: {  	v28 =	vld [tilespmem:s26+$0x2A50]  }
0x39a: {  	v29 =	vld [tilespmem:s26+$0x5490]  }
0x39b: {  	v30 =	vld [tilespmem:s26+$0x10]  }
0x39c: {  	v31 =	vld [tilespmem:s23+$0x8060]  }
0x39d: {  	v25 =	vmul.f32 v18, v25;
	v3 =	vadd.f32 v22, v3;
	v61 =	vld [tilespmem:s28+$0x5960]  }
0x39e: {  	v62 =	vld [tilespmem:s24+$0x54B0];
	v7 =	vadd.f32 v21, v7;
	v8 =	vmul.f32 v8, v12;
	v13 =	vmul.f32 v13, v24  }
0x39f: {  	v18 =	vadd.f32 v26, v15;
	v20 =	vmul.f32 v23, v20;
	v11 =	vmul.f32 v28, v11  }
0x3a0: {  	v19 =	vadd.f32 v25, v19;
	v63 =	vmul.f32 v29, v16;
	v16 =	vmul.f32 v30, v27  }
0x3a1: {  	v3 =	vadd.f32 v13, v3;
	v9 =	vmul.f32 v9, v31;
	v6 =	vadd.f32 v11, v6  }
0x3a2: {  	v2 =	vadd.f32 v16, v2;
	v5 =	vadd.f32 v63, v5;
	v11 =	vmul.f32 v17, v14  }
0x3a3: {  	v4 =	vadd.f32 v9, v4;
	v9 =	vadd.f32 v8, v7;
	v7 =	vmul.f32 v62, v61  }
0x3a4: {  	v2 =	vadd.f32 v20, v2;
	v8 =	vadd.f32 v10, v6  }
0x3a5: {  	v5 =	vadd.f32 v7, v5;
	v4 =	vadd.f32 v11, v4  }
.LBB2_41:
0x3a6: {  	s0 =	sadd.s32 s15, s17  }
0x3a7: {  	v6 =	vld [tilespmem:s0+$0x2780]  }
0x3a8: {  	v7 =	vld [tilespmem:s0+$0xE80]  }
0x3a9: {  	v10 =	vld [tilespmem:s0+$0x51C0]  }
0x3aa: {  	v11 =	vld [tilespmem:s0+$0x38C0]  }
0x3ab: {  	v12 =	vld [tilespmem:s0+$0x7C00]  }
0x3ac: {  	v13 =	vld [tilespmem:s0+$0x6300]  }
0x3ad: {  	v14 =	vld [tilespmem:s0+$0xA640]  }
0x3ae: {  	v15 =	vld [tilespmem:s0+$0x8D40];
	_ =	sdelay $0x1  }
0x3af: {  	p1 =	sne.s32 s18, $0x90  }
.Ltmp19:
0x3b0: {  	_ = 	snop;
	(pc) =	sbr.rel @p1 .LBB2_41-.Ltmp19, $4  }
0x3b1: {  	v6 =	vmul.f32 v7, v6;
	v7 =	vmul.f32 v11, v10  }
0x3b2: {  	v62 =	vmovc v19;
	v10 =	vmovc v3;
	v11 =	vmov v18;
	v12 =	vmul.f32 v13, v12;
	v61 =	vmul.f32 v15, v14  }
0x3b3: {  	v63 =	vmovc v9;
	v3 =	vmovc v2;
	v18 =	vmov v8;
	v2 =	vadd.f32 v6, v10;
	v8 =	vadd.f32 v7, v11  }
0x3b4: {  	s17 =	sadd.s32 $0x1B0, s17;
	s18 =	sadd.s32 $0x10, s18;
	v19 =	vmovc v5;
	v9 =	vmov v4;
	v5 =	vadd.f32 v12, v62;
	v4 =	vadd.f32 v61, v63  }
0x3b5: {  	p1 =	por $0x0, $0x0;
	s0 =	simm.s32 $0xFFFFFFF1  }
0x3b6: {  	s0 =	simm.s32 @!p1 $0xB  }
0x3b7: {  	s17 =	sadd.s32 $0x0, s16;
	s1 =	smul.u32 $0x680, s0;
	s0 =	sshll.u32 s0, $0x6  }
0x3b8: {  	s10 =	sadd.s32 $0x0, s0;
	s0 =	sadd.s32 s0, s17  }
0x3b9: {  	s0 =	sshra.s32 s0, $0x2  }
0x3ba: {  	s8 =	sadd.s32 $0x0, s1;
	s0 =	sadd.s32 $0xD00, s0  }
0x3bb: {  	s4 =	sadd.s32 $0xD00, s15;
	s9 =	simm.s32 $0xD;
	s8 =	sshra.s32 s8, $0x2;
	v17 =	vld [tilespmem:s0+$0x5480]  }
0x3bc: {  	p1 =	por $0x1, $0x1;
	s10 =	sshra.s32 s10, $0x2;
	s8 =	sadd.s32 s8, s4;
	v25 =	vld [tilespmem:s0+$0x7EC0]  }
0x3bd: {  	s9 =	simm.s32 @!p1 $0xFFFFFFF3;
	s1 =	sadd.s32 s1, s17;
	s4 =	sadd.s32 s10, s4;
	v7 =	vld [tilespmem:s8+$0x2A40]  }
0x3be: {  	s20 =	smul.u32 $0x680, s9;
	s1 =	sshra.s32 s1, $0x2;
	v11 =	vld [tilespmem:s4+$0x2A40]  }
0x3bf: {  	s1 =	sadd.s32 $0xD00, s1;
	v22 =	vld [tilespmem:s8+$0x0]  }
0x3c0: {  	s21 =	sadd.s32 s20, s17;
	v23 =	vld [tilespmem:s1+$0x7EC0]  }
0x3c1: {  	p1 =	por $0x0, $0x0;
	s22 =	sshra.s32 s21, $0x2;
	v15 =	vld [tilespmem:s1+$0x5480];
	s8 =	simm.s32 $0xFFFFFFF2  }
0x3c2: {  	v24 =	vld [tilespmem:s4+$0x0];
	s1 =	sadd.s32 $0xD00, s22;
	s8 =	simm.s32 @!p1 $0xC  }
0x3c3: {  	s4 =	simm.s32 $0xFFFFFFF4;
	v10 =	vld [tilespmem:s1+$0x7EE0];
	p1 =	por $0x0, $0x0;
	s23 =	sshll.u32 s8, $0x6  }
0x3c4: {  	v27 =	vld [tilespmem:s1+$0x2A60];
	s4 =	simm.s32 @!p1 $0xE;
	s10 =	sadd.s32 s23, s17  }
0x3c5: {  	v6 =	vld [tilespmem:s1+$0x20];
	s24 =	smul.u32 $0x680, s8;
	s18 =	sshll.u32 s4, $0x6;
	s10 =	sshra.s32 s10, $0x2  }
0x3c6: {  	v21 =	vld [tilespmem:s1+$0x54A0];
	s4 =	smul.u32 $0x680, s4;
	s18 =	sadd.s32 s18, s17;
	s23 =	sadd.s32 $0xD00, s10  }
0x3c7: {  	s1 =	sadd.s32 s24, s17;
	s25 =	sshra.s32 s18, $0x2;
	v13 =	vld [tilespmem:s23+$0x2BE0]  }
0x3c8: {  	s26 =	sadd.s32 s4, s17;
	s30 =	sshra.s32 s1, $0x2;
	s28 =	sadd.s32 $0xD00, s25;
	v16 =	vld [tilespmem:s23+$0x5620]  }
0x3c9: {  	s0 =	sshra.s32 s26, $0x2;
	s26 =	sadd.s32 $0xD00, s30;
	v28 =	vld [tilespmem:s28+$0x2F20]  }
0x3ca: {  	s29 =	sshll.u32 s9, $0x6;
	v12 =	vld [tilespmem:s26+$0x7ED0]  }
0x3cb: {  	s4 =	sadd.s32 s29, s17;
	v20 =	vld [tilespmem:s28+$0x4E0]  }
0x3cc: {  	v31 =	vmul.f32 v15, v17;
	s31 =	sshra.s32 s4, $0x2;
	s24 =	sadd.s32 $0xD00, s0;
	v15 =	vld [tilespmem:s28+$0x83A0]  }
0x3cd: {  	s0 =	sadd.s32 $0xD00, s31;
	v29 =	vld [tilespmem:s24+$0x2A70]  }
0x3ce: {  	v30 =	vld [tilespmem:s0+$0x2D80]  }
0x3cf: {  	v14 =	vld [tilespmem:s0+$0x8200]  }
0x3d0: {  	v26 =	vld [tilespmem:s0+$0x57C0]  }
0x3d1: {  	s19 =	simm.s32 $0x1380;
	v7 =	vmul.f32 v7, v11;
	v17 =	vld [tilespmem:s24+$0x7EF0]  }
0x3d2: {  	s20 =	simm.s32 $0x1A00;
	s21 =	simm.s32 $0xD40;
	s22 =	simm.s32 $0x100;
	v22 =	vmul.f32 v22, v24;
	v24 =	vadd.f32 v31, v19;
	v19 =	vmul.f32 v23, v25;
	v25 =	vld [tilespmem:s0+$0x340]  }
0x3d3: {  	s17 =	simm.s32 $0xD00;
	s18 =	simm.s32 $0x90;
	s25 =	simm.s32 $0x4;
	v7 =	vadd.f32 v7, v18;
	v23 =	vld [tilespmem:s24+$0x30];
	v11 =	vmul.f32 v29, v28;
	v18 =	vmul.f32 v27, v30  }
.LBB2_43:
0x3d4: {  	p1 =	sgt.u32 s25, $0xE;
	s0 =	sadd.s32 s15, s21  }
0x3d5: {  	p2 =	sgt.u32 s25, $0xD;
	s1 =	smov.u32 s25;
	s4 =	simm.s32 $0xFFFFFFF2  }
0x3d6: {  	v21 =	vmul.f32 v21, v26;
	v26 =	vld [tilespmem:s28+$0x5960];
	s9 =	simm.s32 $0xD;
	s10 =	sadd.s32 s15, s19;
	s1 =	simm.s32 $0xFFFFFFF1  }
0x3d7: {  	s4 =	simm.s32 @!p2 $0xC;
	v27 =	vld [tilespmem:s23+$0x1A0];
	v7 =	vadd.f32 v18, v7;
	s1 =	simm.s32 @!p1 $0xB;
	p1 =	slt.u32 s25, $0xD  }
0x3d8: {  	v24 =	vadd.f32 v21, v24;
	s8 =	sshll.u32 s1, $0x6;
	s1 =	smul.u32 $0x680, s1;
	s9 =	simm.s32 @!p1 $0xFFFFFFF3;
	v18 =	vld [tilespmem:s26+$0x2A50]  }
0x3d9: {  	v3 =	vadd.f32 v22, v3;
	v6 =	vmul.f32 v6, v25;
	p1 =	sgt.u32 s25, $0xB;
	s28 =	sadd.s32 s8, s22;
	s29 =	smul.u32 $0x680, s9;
	v21 =	vld [tilespmem:s26+$0x5490]  }
0x3da: {  	s30 =	sshra.s32 s28, $0x2;
	s31 =	sadd.s32 s1, s20;
	s28 =	smul.u32 $0x680, s4;
	v22 =	vld [tilespmem:s26+$0x10]  }
0x3db: {  	s4 =	sshll.u32 s4, $0x6;
	v3 =	vadd.f32 v6, v3;
	s10 =	sadd.s32 s30, s10;
	s26 =	sshra.s32 s31, $0x2;
	v25 =	vld [tilespmem:s23+$0x8060]  }
0x3dc: {  	s9 =	sshll.u32 s9, $0x6;
	s0 =	sadd.s32 s26, s0;
	s26 =	sadd.s32 s20, s16;
	v6 =	vld [tilespmem:s24+$0x54B0]  }
0x3dd: {  	s23 =	sadd.s32 s22, s16;
	s24 =	simm.s32 $0xFFFFFFF4;
	v28 =	vld [tilespmem:s0+$0x2A40];
	s1 =	sadd.s32 s1, s26;
	v13 =	vmul.f32 v18, v13  }
0x3de: {  	s8 =	sadd.s32 s8, s23;
	s24 =	simm.s32 @!p1 $0xE;
	v18 =	vld [tilespmem:s10+$0x2A40];
	s1 =	sshra.s32 s1, $0x2;
	v16 =	vmul.f32 v21, v16  }
0x3df: {  	v9 =	vadd.f32 v19, v9;
	v20 =	vmul.f32 v23, v20;
	v21 =	vld [tilespmem:s0+$0x0];
	s0 =	sadd.s32 s1, s21;
	s1 =	sadd.s32 s4, s23;
	s4 =	sshll.u32 s24, $0x6;
	v19 =	vmul.f32 v22, v27  }
0x3e0: {  	v10 =	vmul.f32 v10, v14;
	s29 =	sadd.s32 s29, s26;
	s24 =	smul.u32 $0x680, s24;
	v8 =	vadd.f32 v13, v8;
	v23 =	vld [tilespmem:s0+$0x7EC0];
	s1 =	sshra.s32 s1, $0x2;
	v12 =	vmul.f32 v12, v25  }
0x3e1: {  	v13 =	vmul.f32 v17, v15;
	s4 =	sadd.s32 s4, s23;
	v5 =	vadd.f32 v16, v5;
	v14 =	vld [tilespmem:s0+$0x5480];
	s0 =	sadd.s32 s9, s23;
	s9 =	sshra.s32 s29, $0x2;
	v2 =	vadd.f32 v19, v2  }
0x3e2: {  	v9 =	vadd.f32 v10, v9;
	s4 =	sshra.s32 s4, $0x2;
	v6 =	vmul.f32 v6, v26;
	v15 =	vld [tilespmem:s10+$0x0];
	s9 =	sadd.s32 s9, s21;
	s10 =	sadd.s32 s24, s26;
	v4 =	vadd.f32 v12, v4  }
0x3e3: {  	s8 =	sshra.s32 s8, $0x2;
	s23 =	sadd.s32 s1, s19;
	v8 =	vadd.f32 v11, v8;
	v18 =	vmul.f32 v28, v18;
	v10 =	vld [tilespmem:s9+$0x7EE0];
	s1 =	sshra.s32 s10, $0x2;
	v2 =	vadd.f32 v20, v2  }
0x3e4: {  	s10 =	sadd.s32 s28, s26;
	v5 =	vadd.f32 v6, v5;
	v27 =	vld [tilespmem:s9+$0x2A60];
	s24 =	sadd.s32 s1, s21;
	s1 =	sadd.s32 $0x4, s25;
	v4 =	vadd.f32 v13, v4  }
0x3e5: {  	p1 =	slt.u32 s25, $0x14;
	s8 =	sadd.s32 s8, s19;
	s10 =	sshra.s32 s10, $0x2;
	v6 =	vld [tilespmem:s9+$0x20]  }
0x3e6: {  	v11 =	vld [tilespmem:s8+$0x5480]  }
0x3e7: {  	v22 =	vmul.f32 v21, v15;
	v21 =	vld [tilespmem:s9+$0x54A0]  }
0x3e8: {  	v12 =	vld [tilespmem:s8+$0x7EC0]  }
0x3e9: {  	s28 =	sadd.s32 s4, s19;
	v13 =	vld [tilespmem:s23+$0x2BE0]  }
0x3ea: {  	v15 =	vld [tilespmem:s28+$0x2F20]  }
0x3eb: {  	s26 =	sadd.s32 s10, s21;
	v11 =	vmul.f32 v14, v11;
	v16 =	vld [tilespmem:s23+$0x5620]  }
0x3ec: {  	s0 =	sshra.s32 s0, $0x2;
	v17 =	vld [tilespmem:s24+$0x2A70]  }
0x3ed: {  	s0 =	sadd.s32 s0, s19;
	v24 =	vadd.f32 v11, v24;
	v19 =	vmul.f32 v23, v12;
	v12 =	vld [tilespmem:s26+$0x7ED0]  }
0x3ee: {  	v14 =	vld [tilespmem:s0+$0x8200]  }
0x3ef: {  	v23 =	vld [tilespmem:s0+$0x2D80]  }
0x3f0: {  	v20 =	vld [tilespmem:s28+$0x4E0]  }
.Ltmp20:
0x3f1: {  	v26 =	vld [tilespmem:s0+$0x57C0];
	v11 =	vmul.f32 v17, v15;
	(pc) =	sbr.rel @p1 .LBB2_43-.Ltmp20, $4  }
0x3f2: {  	v15 =	vld [tilespmem:s28+$0x83A0]  }
0x3f3: {  	v17 =	vld [tilespmem:s24+$0x7EF0]  }
0x3f4: {  	s22 =	sadd.s32 $0x100, s22;
	s19 =	sadd.s32 $0x680, s19;
	v25 =	vld [tilespmem:s0+$0x340]  }
0x3f5: {  	s20 =	sadd.s32 $0x1A00, s20;
	v7 =	vadd.f32 v18, v7;
	s21 =	sadd.s32 $0x40, s21;
	s25 =	smov.u32 s1;
	v18 =	vmul.f32 v27, v23;
	v23 =	vld [tilespmem:s24+$0x30]  }
0x3f6: {  	v27 =	vld [tilespmem:s23+$0x1A0]  }
0x3f7: {  	v28 =	vld [tilespmem:s26+$0x2A50]  }
0x3f8: {  	v29 =	vld [tilespmem:s26+$0x5490]  }
0x3f9: {  	v30 =	vld [tilespmem:s26+$0x10]  }
0x3fa: {  	v59 =	vld [tilespmem:s23+$0x8060]  }
0x3fb: {  	v3 =	vadd.f32 v22, v3;
	v61 =	vld [tilespmem:s28+$0x5960];
	v60 =	vmul.f32 v6, v25  }
0x3fc: {  	v21 =	vmul.f32 v21, v26;
	v62 =	vld [tilespmem:s24+$0x54B0];
	v9 =	vadd.f32 v19, v9;
	v7 =	vadd.f32 v18, v7  }
0x3fd: {  	v19 =	vmul.f32 v23, v20;
	v18 =	vadd.f32 v60, v3;
	v3 =	vmul.f32 v28, v13  }
0x3fe: {  	v6 =	vadd.f32 v21, v24;
	v63 =	vmul.f32 v29, v16;
	v16 =	vmul.f32 v30, v27  }
0x3ff: {  	v20 =	vadd.f32 v3, v8;
	v3 =	vmul.f32 v12, v59;
	v8 =	vmul.f32 v10, v14  }
0x400: {  	v2 =	vadd.f32 v16, v2;
	v5 =	vadd.f32 v63, v5;
	v10 =	vmul.f32 v17, v15  }
0x401: {  	v12 =	vadd.f32 v3, v4;
	v8 =	vadd.f32 v8, v9;
	v9 =	vmul.f32 v62, v61  }
0x402: {  	v3 =	vadd.f32 v19, v2;
	v4 =	vadd.f32 v11, v20  }
0x403: {  	v9 =	vadd.f32 v9, v5;
	v5 =	vadd.f32 v10, v12  }
.LBB2_45:
0x404: {  	s0 =	sadd.s32 s15, s17  }
0x405: {  	v2 =	vld [tilespmem:s0+$0x2790]  }
0x406: {  	v10 =	vld [tilespmem:s0+$0x1020]  }
0x407: {  	v11 =	vld [tilespmem:s0+$0x51D0]  }
0x408: {  	v12 =	vld [tilespmem:s0+$0x3A60]  }
0x409: {  	v13 =	vld [tilespmem:s0+$0x7C10]  }
0x40a: {  	v14 =	vld [tilespmem:s0+$0x64A0]  }
0x40b: {  	v15 =	vld [tilespmem:s0+$0xA650]  }
0x40c: {  	v16 =	vld [tilespmem:s0+$0x8EE0];
	_ =	sdelay $0x1  }
0x40d: {  	p1 =	sne.s32 s18, $0xA0  }
.Ltmp21:
0x40e: {  	_ = 	snop;
	(pc) =	sbr.rel @p1 .LBB2_45-.Ltmp21, $4  }
0x40f: {  	v2 =	vmul.f32 v10, v2;
	v10 =	vmul.f32 v12, v11  }
0x410: {  	v61 =	vmovc v7;
	v63 =	vmovc v6;
	v11 =	vmov v18;
	v13 =	vmul.f32 v14, v13;
	v62 =	vmul.f32 v16, v15  }
0x411: {  	v7 =	vmovc v4;
	v16 =	vmovc v8;
	v18 =	vmov v3;
	v3 =	vadd.f32 v2, v11;
	v4 =	vadd.f32 v10, v61  }
0x412: {  	s17 =	sadd.s32 $0x1B0, s17;
	s18 =	sadd.s32 $0x10, s18;
	v6 =	vmovc v9;
	v8 =	vmov v5;
	v9 =	vadd.f32 v13, v63;
	v5 =	vadd.f32 v62, v16  }
0x413: {  	p1 =	por $0x0, $0x0;
	s0 =	simm.s32 $0xFFFFFFF2  }
0x414: {  	s0 =	simm.s32 @!p1 $0xC  }
0x415: {  	s1 =	sshll.u32 s0, $0x6  }
0x416: {  	s8 =	sadd.s32 $0x0, s1  }
0x417: {  	s18 =	sadd.s32 $0x0, s16;
	s9 =	sadd.s32 $0xD00, s15;
	s8 =	sshra.s32 s8, $0x2  }
0x418: {  	s0 =	smul.u32 $0x680, s0;
	s1 =	sadd.s32 s1, s18;
	s8 =	sadd.s32 s8, s9  }
0x419: {  	s4 =	rddreg [dreg:$0x3];
	s1 =	sshra.s32 s1, $0x2;
	v2 =	vld [tilespmem:s8+$0x2A40]  }
0x41a: {  	p1 =	por $0x0, $0x0;
	s10 =	sadd.s32 $0x0, s0;
	s1 =	sadd.s32 $0xD00, s1;
	v14 =	vld [tilespmem:s8+$0x0]  }
0x41b: {  	s4 =	simm.s32 @!p1 $0xF;
	s10 =	sshra.s32 s10, $0x2;
	v22 =	vld [tilespmem:s1+$0x7EC0]  }
0x41c: {  	s17 =	smul.u32 $0x680, s4;
	s0 =	sadd.s32 s0, s18;
	s19 =	sadd.s32 s10, s9;
	v23 =	vld [tilespmem:s1+$0x5480]  }
0x41d: {  	s0 =	sshra.s32 s0, $0x2;
	v15 =	vld [tilespmem:s19+$0x2A40]  }
0x41e: {  	s20 =	sadd.s32 s17, s18;
	s0 =	sadd.s32 $0xD00, s0;
	v19 =	vld [tilespmem:s19+$0x0]  }
0x41f: {  	s21 =	sshra.s32 s20, $0x2;
	v26 =	vld [tilespmem:s0+$0x5480]  }
0x420: {  	s22 =	sadd.s32 $0xD00, s21;
	v27 =	vld [tilespmem:s0+$0x7EC0]  }
0x421: {  	p1 =	por $0x0, $0x0;
	s26 =	sshll.u32 s4, $0x6;
	s9 =	simm.s32 $0xFFFFFFF4;
	v24 =	vld [tilespmem:s22+$0x30]  }
0x422: {  	s1 =	sadd.s32 s26, s18;
	s9 =	simm.s32 @!p1 $0xE;
	v10 =	vld [tilespmem:s22+$0x54B0]  }
0x423: {  	s29 =	sshra.s32 s1, $0x2;
	v20 =	vld [tilespmem:s22+$0x7EF0];
	s24 =	sshll.u32 s9, $0x6  }
0x424: {  	s23 =	smul.u32 $0x680, s9;
	v13 =	vld [tilespmem:s22+$0x2A70];
	s26 =	sadd.s32 $0xD00, s29;
	s25 =	sadd.s32 s24, s18  }
0x425: {  	v29 =	vld [tilespmem:s26+$0x4E0];
	s0 =	sshra.s32 s25, $0x2  }
0x426: {  	v25 =	vld [tilespmem:s26+$0x83A0];
	s8 =	sadd.s32 s23, s18;
	s21 =	sadd.s32 $0xD00, s0  }
0x427: {  	s8 =	sshra.s32 s8, $0x2;
	v16 =	vld [tilespmem:s21+$0x8200]  }
0x428: {  	p1 =	por $0x1, $0x1;
	s1 =	simm.s32 $0xD;
	s8 =	sadd.s32 $0xD00, s8;
	v28 =	vld [tilespmem:s21+$0x340]  }
0x429: {  	s1 =	simm.s32 @!p1 $0xFFFFFFF3;
	v21 =	vld [tilespmem:s8+$0x20]  }
0x42a: {  	s30 =	sshll.u32 s1, $0x6;
	s1 =	smul.u32 $0x680, s1;
	v14 =	vmul.f32 v19, v14;
	v19 =	vld [tilespmem:s21+$0x57C0]  }
0x42b: {  	s0 =	sadd.s32 s30, s18;
	v12 =	vld [tilespmem:s8+$0x7EE0]  }
0x42c: {  	s1 =	sadd.s32 s1, s18;
	s0 =	sshra.s32 s0, $0x2;
	v11 =	vld [tilespmem:s8+$0x2A60]  }
0x42d: {  	s31 =	sshra.s32 s1, $0x2;
	v17 =	vld [tilespmem:s8+$0x54A0];
	s25 =	sadd.s32 $0xD00, s0  }
0x42e: {  	s17 =	simm.s32 $0xD00;
	s28 =	sadd.s32 $0xD00, s31;
	v30 =	vadd.f32 v14, v18;
	v18 =	vmul.f32 v26, v23;
	v23 =	vld [tilespmem:s25+$0x8060];
	v28 =	vmul.f32 v21, v28  }
0x42f: {  	s20 =	simm.s32 $0x1380;
	s19 =	simm.s32 $0x4;
	s22 =	simm.s32 $0x1A00;
	v14 =	vmul.f32 v24, v29;
	v24 =	vld [tilespmem:s28+$0x7ED0]  }
0x430: {  	s24 =	simm.s32 $0x100;
	s23 =	simm.s32 $0xD40;
	s18 =	simm.s32 $0xA0;
	v15 =	vmul.f32 v15, v2;
	v22 =	vmul.f32 v27, v22;
	v21 =	vld [tilespmem:s26+$0x2F20];
	v2 =	vadd.f32 v28, v30  }
.LBB2_47:
0x431: {  	v26 =	vld [tilespmem:s25+$0x5620]  }
0x432: {  	p1 =	sgt.u32 s19, $0xD;
	v27 =	vld [tilespmem:s28+$0x5490]  }
0x433: {  	s29 =	sadd.s32 s24, s16;
	s0 =	rddreg [dreg:$0x3];
	s1 =	simm.s32 $0xFFFFFFF2;
	v28 =	vld [tilespmem:s26+$0x5960]  }
0x434: {  	s4 =	sadd.s32 s15, s20;
	s9 =	sadd.s32 s15, s23;
	v29 =	vld [tilespmem:s28+$0x2A50];
	s1 =	simm.s32 @!p1 $0xC  }
0x435: {  	s30 =	sadd.s32 s22, s16;
	s26 =	simm.s32 $0xFFFFFFF4;
	v30 =	vld [tilespmem:s25+$0x1A0];
	s8 =	sshll.u32 s1, $0x6  }
0x436: {  	v31 =	vld [tilespmem:s28+$0x10];
	p1 =	sgt.u32 s19, $0xA;
	s1 =	smul.u32 $0x680, s1;
	s10 =	sadd.s32 s8, s24  }
0x437: {  	v6 =	vadd.f32 v18, v6;
	v18 =	vld [tilespmem:s21+$0x2D80];
	s0 =	simm.s32 @!p1 $0xF;
	p1 =	sgt.u32 s19, $0xB;
	s10 =	sshra.s32 s10, $0x2  }
0x438: {  	s26 =	simm.s32 @!p1 $0xE;
	s8 =	sadd.s32 s8, s29;
	v20 =	vmul.f32 v20, v25;
	v25 =	vld [tilespmem:s25+$0x2BE0];
	s4 =	sadd.s32 s10, s4  }
0x439: {  	s31 =	sadd.s32 s1, s30;
	s1 =	sadd.s32 s1, s22;
	v23 =	vmul.f32 v24, v23;
	s8 =	sshra.s32 s8, $0x2;
	v24 =	vld [tilespmem:s4+$0x2A40]  }
0x43a: {  	p1 =	slt.u32 s19, $0xD;
	v17 =	vmul.f32 v17, v19;
	s1 =	sshra.s32 s1, $0x2;
	v19 =	vld [tilespmem:s4+$0x0];
	s4 =	sadd.s32 s8, s20  }
0x43b: {  	v8 =	vadd.f32 v22, v8;
	s25 =	smul.u32 $0x680, s0;
	v12 =	vmul.f32 v12, v16;
	s8 =	simm.s32 $0xD;
	s1 =	sadd.s32 s1, s9;
	v22 =	vld [tilespmem:s4+$0x7EC0]  }
0x43c: {  	v7 =	vadd.f32 v15, v7;
	s31 =	sshra.s32 s31, $0x2;
	s8 =	simm.s32 @!p1 $0xFFFFFFF3;
	v15 =	vld [tilespmem:s1+$0x2A40]  }
0x43d: {  	v26 =	vmul.f32 v27, v26;
	s9 =	sadd.s32 s31, s23;
	s25 =	sadd.s32 s25, s30;
	v8 =	vadd.f32 v12, v8;
	v11 =	vmul.f32 v11, v18;
	v12 =	vld [tilespmem:s1+$0x0];
	s31 =	sshll.u32 s8, $0x6  }
0x43e: {  	v10 =	vmul.f32 v10, v28;
	v6 =	vadd.f32 v17, v6;
	v17 =	vld [tilespmem:s4+$0x5480];
	s10 =	sadd.s32 s31, s29;
	s31 =	sshra.s32 s25, $0x2  }
0x43f: {  	s28 =	smul.u32 $0x680, s26;
	v16 =	vmul.f32 v31, v30;
	v9 =	vadd.f32 v26, v9;
	v7 =	vadd.f32 v11, v7;
	v11 =	vld [tilespmem:s9+$0x5480];
	s4 =	sadd.s32 s31, s23  }
0x440: {  	s26 =	sshll.u32 s26, $0x6;
	s0 =	sshll.u32 s0, $0x6;
	v5 =	vadd.f32 v23, v5;
	s8 =	smul.u32 $0x680, s8;
	v26 =	vld [tilespmem:s4+$0x30]  }
0x441: {  	s21 =	sadd.s32 s26, s29;
	s0 =	sadd.s32 s0, s29;
	v3 =	vadd.f32 v16, v3;
	v9 =	vadd.f32 v10, v9;
	s29 =	sadd.s32 s28, s30;
	v10 =	vld [tilespmem:s4+$0x54B0]  }
0x442: {  	v13 =	vmul.f32 v13, v21;
	v5 =	vadd.f32 v20, v5;
	v21 =	vmul.f32 v29, v25;
	s8 =	sadd.s32 s8, s30;
	s30 =	sshra.s32 s29, $0x2;
	v20 =	vld [tilespmem:s4+$0x7EF0]  }
0x443: {  	v3 =	vadd.f32 v14, v3;
	s31 =	sadd.s32 s30, s23;
	v14 =	vmul.f32 v12, v19;
	v19 =	vld [tilespmem:s9+$0x7EC0]  }
0x444: {  	v4 =	vadd.f32 v21, v4;
	v12 =	vld [tilespmem:s31+$0x7EE0]  }
0x445: {  	s26 =	sshra.s32 s10, $0x2;
	v21 =	vld [tilespmem:s31+$0x20]  }
0x446: {  	s25 =	sadd.s32 s26, s20;
	s26 =	sshra.s32 s21, $0x2;
	v4 =	vadd.f32 v13, v4;
	v13 =	vld [tilespmem:s4+$0x2A70]  }
0x447: {  	s21 =	sadd.s32 s26, s20;
	v18 =	vmul.f32 v11, v17;
	v11 =	vld [tilespmem:s31+$0x2A60]  }
0x448: {  	s0 =	sshra.s32 s0, $0x2;
	v16 =	vld [tilespmem:s21+$0x8200]  }
0x449: {  	s26 =	sadd.s32 s0, s20;
	v23 =	vld [tilespmem:s21+$0x340]  }
0x44a: {  	v15 =	vmul.f32 v15, v24;
	v24 =	vld [tilespmem:s26+$0x4E0]  }
0x44b: {  	p1 =	slt.u32 s19, $0x14;
	v17 =	vld [tilespmem:s31+$0x54A0]  }
.Ltmp22:
0x44c: {  	v25 =	vld [tilespmem:s26+$0x83A0];
	(pc) =	sbr.rel @p1 .LBB2_47-.Ltmp22, $4  }
0x44d: {  	v22 =	vmul.f32 v19, v22;
	v19 =	vld [tilespmem:s21+$0x57C0]  }
0x44e: {  	s1 =	sshra.s32 s8, $0x2;
	v2 =	vadd.f32 v14, v2;
	v27 =	vmul.f32 v21, v23;
	v21 =	vld [tilespmem:s26+$0x2F20]  }
0x44f: {  	s24 =	sadd.s32 $0x100, s24;
	s22 =	sadd.s32 $0x1A00, s22;
	s28 =	sadd.s32 s1, s23;
	v23 =	vld [tilespmem:s25+$0x8060]  }
0x450: {  	s19 =	sadd.s32 $0x4, s19;
	s20 =	sadd.s32 $0x680, s20;
	s23 =	sadd.s32 $0x40, s23;
	v14 =	vmul.f32 v26, v24;
	v24 =	vld [tilespmem:s28+$0x7ED0];
	v2 =	vadd.f32 v27, v2  }
0x451: {  	[tilespmem:$0x1FFF0] =	vst v1  }
0x452: {  	v26 =	vld [tilespmem:s25+$0x5620]  }
0x453: {  	v27 =	vld [tilespmem:s28+$0x5490]  }
0x454: {  	v28 =	vld [tilespmem:s25+$0x2BE0]  }
0x455: {  	v29 =	vld [tilespmem:s28+$0x2A50]  }
0x456: {  	v30 =	vld [tilespmem:s25+$0x1A0]  }
0x457: {  	v31 =	vld [tilespmem:s28+$0x10]  }
0x458: {  	v20 =	vmul.f32 v20, v25;
	v6 =	vadd.f32 v18, v6;
	v59 =	vld [tilespmem:s26+$0x5960]  }
0x459: {  	v8 =	vadd.f32 v22, v8;
	v12 =	vmul.f32 v12, v16;
	v60 =	vld [tilespmem:s21+$0x2D80];
	v23 =	vmul.f32 v24, v23  }
0x45a: {  	v15 =	vadd.f32 v15, v7;
	v17 =	vmul.f32 v17, v19;
	v13 =	vmul.f32 v13, v21  }
0x45b: {  	v26 =	vmul.f32 v27, v26;
	v61 =	vmul.f32 v29, v28;
	v62 =	vadd.f32 v23, v5  }
0x45c: {  	v5 =	vadd.f32 v17, v6;
	v7 =	vmul.f32 v31, v30;
	v6 =	vadd.f32 v12, v8  }
0x45d: {  	v10 =	vmul.f32 v10, v59;
	v9 =	vadd.f32 v26, v9;
	v63 =	vadd.f32 v61, v4  }
0x45e: {  	v11 =	vmul.f32 v11, v60;
	v4 =	vadd.f32 v20, v62;
	v8 =	vadd.f32 v7, v3  }
0x45f: {  	v3 =	vadd.f32 v10, v9;
	v7 =	vadd.f32 v13, v63  }
0x460: {  	v9 =	vadd.f32 v11, v15;
	v8 =	vadd.f32 v14, v8  }
.LBB2_49:
0x461: {  	s0 =	sadd.s32 s15, s17  }
0x462: {  	v10 =	vld [tilespmem:s0+$0x27A0]  }
0x463: {  	v11 =	vld [tilespmem:s0+$0x11C0]  }
0x464: {  	v12 =	vld [tilespmem:s0+$0x51E0]  }
0x465: {  	v13 =	vld [tilespmem:s0+$0x3C00]  }
0x466: {  	v14 =	vld [tilespmem:s0+$0x7C20]  }
0x467: {  	v15 =	vld [tilespmem:s0+$0x6640]  }
0x468: {  	v16 =	vld [tilespmem:s0+$0xA660]  }
0x469: {  	v17 =	vld [tilespmem:s0+$0x9080];
	_ =	sdelay $0x1  }
0x46a: {  	p1 =	sne.s32 s18, $0xB0  }
.Ltmp23:
0x46b: {  	_ = 	snop;
	(pc) =	sbr.rel @p1 .LBB2_49-.Ltmp23, $4  }
0x46c: {  	v10 =	vmul.f32 v11, v10;
	v11 =	vmul.f32 v13, v12  }
0x46d: {  	v60 =	vmovc v9;
	v62 =	vmovc v5;
	v59 =	vmov v2;
	v14 =	vmul.f32 v15, v14;
	v61 =	vmul.f32 v17, v16  }
0x46e: {  	v63 =	vmovc v6;
	v2 =	vmovc v8;
	v9 =	vmov v7;
	v8 =	vadd.f32 v10, v59;
	v7 =	vadd.f32 v11, v60  }
0x46f: {  	s17 =	sadd.s32 $0x1B0, s17;
	s18 =	sadd.s32 $0x10, s18;
	v5 =	vmovc v3;
	v6 =	vmov v4;
	v3 =	vadd.f32 v14, v62;
	v4 =	vadd.f32 v61, v63  }
0x470: {  	v10 =	vld [tilespmem:s14+$0xDD0]  }
0x471: {  	v11 =	vld [tilespmem:s14+$0x2220]  }
0x472: {  	v12 =	vld [tilespmem:s14+$0x3810]  }
0x473: {  	v13 =	vld [tilespmem:s14+$0x4C60]  }
0x474: {  	v14 =	vld [tilespmem:s14+$0x6250]  }
0x475: {  	v15 =	vld [tilespmem:s14+$0x76A0]  }
0x476: {  	v16 =	vld [tilespmem:s14+$0x8C90]  }
0x477: {  	v17 =	vld [tilespmem:s14+$0xA0E0]  }
0x478: {  	v18 =	vld [tilespmem:s14+$0xF80]  }
0x479: {  	v19 =	vld [tilespmem:s14+$0x23D0]  }
0x47a: {  	v20 =	vld [tilespmem:s14+$0x39C0]  }
0x47b: {  	v21 =	vld [tilespmem:s14+$0x4E10]  }
0x47c: {  	v22 =	vld [tilespmem:s14+$0x6400]  }
0x47d: {  	v23 =	vld [tilespmem:s14+$0x7850]  }
0x47e: {  	v24 =	vld [tilespmem:s14+$0x8E40]  }
0x47f: {  	v25 =	vld [tilespmem:s14+$0xA290]  }
0x480: {  	v26 =	vld [tilespmem:s14+$0x1130]  }
0x481: {  	v27 =	vld [tilespmem:s14+$0x2580]  }
0x482: {  	v28 =	vld [tilespmem:s14+$0x3B70]  }
0x483: {  	v29 =	vld [tilespmem:s14+$0x4FC0]  }
0x484: {  	v30 =	vld [tilespmem:s14+$0x65B0]  }
0x485: {  	v31 =	vld [tilespmem:s14+$0x7A00]  }
0x486: {  	v32 =	vld [tilespmem:s14+$0x8FF0]  }
0x487: {  	v33 =	vld [tilespmem:s14+$0xA440]  }
0x488: {  	v34 =	vld [tilespmem:s14+$0x12E0]  }
0x489: {  	v35 =	vld [tilespmem:s14+$0x2730]  }
0x48a: {  	v36 =	vld [tilespmem:s14+$0x3D20]  }
0x48b: {  	v37 =	vld [tilespmem:s14+$0x5170]  }
0x48c: {  	v38 =	vld [tilespmem:s14+$0x6760]  }
0x48d: {  	v39 =	vld [tilespmem:s14+$0x7BB0]  }
0x48e: {  	v40 =	vld [tilespmem:s14+$0x91A0]  }
0x48f: {  	v41 =	vld [tilespmem:s14+$0xA5F0]  }
0x490: {  	v42 =	vld [tilespmem:s14+$0x1490]  }
0x491: {  	v43 =	vld [tilespmem:s14+$0x28E0]  }
0x492: {  	v44 =	vld [tilespmem:s14+$0x3ED0]  }
0x493: {  	v45 =	vld [tilespmem:s14+$0x5320]  }
0x494: {  	v46 =	vld [tilespmem:s14+$0x6910]  }
0x495: {  	v60 =	vld [tilespmem:s14+$0x6E20]  }
0x496: {  	v47 =	vld [tilespmem:s14+$0x7D60]  }
0x497: {  	v48 =	vld [tilespmem:s14+$0x9350]  }
0x498: {  	v49 =	vld [tilespmem:s14+$0xA7A0]  }
0x499: {  	v50 =	vld [tilespmem:s14+$0x1640]  }
0x49a: {  	[tilespmem:$0x1FF30] =	vst v60;
	v60 =	vld [tilespmem:s14+$0x8270]  }
0x49b: {  	v51 =	vld [tilespmem:s14+$0x2A90]  }
0x49c: {  	v52 =	vld [tilespmem:s14+$0x4080]  }
0x49d: {  	v53 =	vld [tilespmem:s14+$0x54D0]  }
0x49e: {  	v54 =	vld [tilespmem:s14+$0x6AC0]  }
0x49f: {  	[tilespmem:$0x1FF40] =	vst v60;
	v60 =	vld [tilespmem:s14+$0x9860]  }
0x4a0: {  	v55 =	vld [tilespmem:s14+$0x7F10]  }
0x4a1: {  	v56 =	vld [tilespmem:s14+$0x9500]  }
0x4a2: {  	v57 =	vld [tilespmem:s14+$0xA950]  }
0x4a3: {  	v58 =	vld [tilespmem:s14+$0x17F0]  }
0x4a4: {  	[tilespmem:$0x1FF50] =	vst v60;
	v60 =	vld [tilespmem:s14+$0xACB0]  }
0x4a5: {  	v59 =	vld [tilespmem:s14+$0x2C40]  }
0x4a6: {  	v0 =	vld [tilespmem:s14+$0x4230]  }
0x4a7: {  	v61 =	vld [tilespmem:s14+$0x5680]  }
0x4a8: {  	v63 =	vld [tilespmem:s14+$0x80C0]  }
0x4a9: {  	[tilespmem:$0x1FF60] =	vst v60;
	v60 =	vld [tilespmem:s14+$0x1B50]  }
0x4aa: {  	v1 =	vld [tilespmem:s14+$0xAB00]  }
0x4ab: {  	v62 =	vld [tilespmem:s14+$0x2DF0]  }
0x4ac: {  	[tilespmem:$0x1FEE0] =	vst v0;
	v0 =	vld [tilespmem:s14+$0x6C70]  }
0x4ad: {  	v10 =	vmul.f32 v11, v10;
	v11 =	vld [tilespmem:s14+$0x1D00]  }
0x4ae: {  	[tilespmem:$0x1FF70] =	vst v60;
	v60 =	vld [tilespmem:s14+$0x2FA0]  }
0x4af: {  	v12 =	vmul.f32 v13, v12;
	v13 =	vld [tilespmem:s14+$0x3150]  }
0x4b0: {  	v16 =	vmul.f32 v17, v16;
	v17 =	vmul.f32 v21, v20;
	v20 =	vld [tilespmem:s14+$0x7180]  }
0x4b1: {  	v25 =	vmul.f32 v25, v24;
	v21 =	vld [tilespmem:s14+$0x85D0]  }
0x4b2: {  	v28 =	vmul.f32 v29, v28;
	v29 =	vmul.f32 v31, v30;
	v24 =	vld [tilespmem:s14+$0x3300]  }
0x4b3: {  	v30 =	vmul.f32 v33, v32;
	v32 =	vmul.f32 v37, v36;
	[tilespmem:$0x1FF80] =	vst v60;
	v60 =	vld [tilespmem:s14+$0x4590]  }
0x4b4: {  	v36 =	vmul.f32 v45, v44;
	v44 =	vmul.f32 v59, v58;
	v58 =	vld [tilespmem:s14+$0x9F20]  }
0x4b5: {  	v31 =	vmul.f32 v35, v34;
	v45 =	vld [tilespmem:$0x1FEE0];
	v16 =	vadd.f32 $0.0e+00, v16  }
0x4b6: {  	v34 =	vmul.f32 v41, v40;
	v40 =	vmul.f32 v51, v50;
	v50 =	vld [tilespmem:$0x1FF30];
	v12 =	vadd.f32 $0.0e+00, v12  }
0x4b7: {  	v16 =	vadd.f32 v25, v16;
	v25 =	vld [tilespmem:s14+$0xB010]  }
0x4b8: {  	v12 =	vadd.f32 v17, v12;
	[tilespmem:$0x1FF90] =	vst v60;
	v60 =	vld [tilespmem:s14+$0x59E0]  }
0x4b9: {  	[tilespmem:$0x1FEF0] =	vst v0;
	v0 =	vld [tilespmem:s14+$0x96B0]  }
0x4ba: {  	v12 =	vadd.f32 v28, v12;
	v28 =	vld [tilespmem:s14+$0x8780]  }
0x4bb: {  	v16 =	vadd.f32 v30, v16;
	v30 =	vld [tilespmem:s14+$0x2060]  }
0x4bc: {  	v33 =	vmul.f32 v39, v38;
	v38 =	vmul.f32 v47, v46;
	v46 =	vld [tilespmem:$0x1FEF0]  }
0x4bd: {  	[tilespmem:$0x1FFA0] =	vst v60;
	v60 =	vld [tilespmem:s14+$0x6FD0]  }
0x4be: {  	v51 =	vld [tilespmem:$0x1FF40]  }
0x4bf: {  	[tilespmem:$0x1FF00] =	vst v0;
	v0 =	vld [tilespmem:s14+$0x19A0]  }
0x4c0: {  	v12 =	vadd.f32 v32, v12;
	v32 =	vld [tilespmem:s14+$0x34B0]  }
0x4c1: {  	v37 =	vadd.f32 v34, v16;
	v34 =	vld [tilespmem:s14+$0x4AA0]  }
0x4c2: {  	[tilespmem:$0x1FFC0] =	vst v60;
	v60 =	vld [tilespmem:s14+$0x8420]  }
0x4c3: {  	v47 =	vld [tilespmem:$0x1FF00]  }
0x4c4: {  	[tilespmem:$0x1FF10] =	vst v0;
	v0 =	vld [tilespmem:s14+$0x43E0]  }
0x4c5: {  	v41 =	vmul.f32 v53, v52;
	v52 =	vld [tilespmem:$0x1FF50]  }
0x4c6: {  	v16 =	vmul.f32 v63, v46;
	v63 =	vld [tilespmem:s14+$0xB370]  }
0x4c7: {  	[tilespmem:$0x1FFB0] =	vst v60;
	v60 =	vld [tilespmem:s14+$0x9A10]  }
0x4c8: {  	v46 =	vld [tilespmem:s14+$0x60A0]  }
0x4c9: {  	[tilespmem:$0x1FF20] =	vst v0;
	v0 =	vld [tilespmem:s14+$0x5830]  }
0x4ca: {  	v39 =	vmul.f32 v49, v48;
	v49 =	vld [tilespmem:$0x1FF20]  }
0x4cb: {  	v35 =	vmul.f32 v43, v42;
	v43 =	vmul.f32 v57, v56;
	v56 =	vld [tilespmem:$0x1FF90]  }
0x4cc: {  	v14 =	vmul.f32 v15, v14;
	v12 =	vadd.f32 v36, v12;
	v15 =	vadd.f32 v39, v37;
	[tilespmem:$0x1FFE0] =	vst v60;
	v60 =	vld [tilespmem:s14+$0xAE60]  }
0x4cd: {  	v57 =	vld [tilespmem:$0x1FFA0]  }
0x4ce: {  	v17 =	vmul.f32 v61, v45;
	v12 =	vadd.f32 v41, v12;
	v15 =	vadd.f32 v43, v15;
	v43 =	vld [tilespmem:s14+$0x4C50]  }
0x4cf: {  	v1 =	vmul.f32 v1, v47;
	v48 =	vld [tilespmem:$0x1FF10]  }
0x4d0: {  	v10 =	vadd.f32 $0.0e+00, v10;
	v12 =	vadd.f32 v17, v12;
	v53 =	vld [tilespmem:$0x1FF60];
	v0 =	vmul.f32 v0, v49  }
0x4d1: {  	v1 =	vadd.f32 v1, v15;
	v15 =	vmul.f32 v51, v50;
	v50 =	vld [tilespmem:s14+$0x8AE0];
	[tilespmem:$0x1FFD0] =	vst v60;
	v60 =	vmul.f32 v19, v18  }
0x4d2: {  	v42 =	vmul.f32 v55, v54;
	v54 =	vld [tilespmem:$0x1FF70];
	v0 =	vadd.f32 v0, v12;
	v36 =	vmul.f32 v57, v56  }
0x4d3: {  	v14 =	vadd.f32 $0.0e+00, v14;
	v55 =	vld [tilespmem:$0x1FF80];
	v10 =	vadd.f32 v60, v10;
	v60 =	vmul.f32 v23, v22  }
0x4d4: {  	v0 =	vadd.f32 v36, v0;
	v36 =	vld [tilespmem:s14+$0x2210]  }
0x4d5: {  	v59 =	vld [tilespmem:$0x1FFB0];
	v14 =	vadd.f32 v60, v14;
	v60 =	vmul.f32 v27, v26  }
0x4d6: {  	v17 =	vmul.f32 v62, v48;
	v62 =	vld [tilespmem:$0x1FFE0]  }
0x4d7: {  	v18 =	vld [tilespmem:s14+$0x4740];
	v10 =	vadd.f32 v60, v10;
	v14 =	vadd.f32 v29, v14  }
0x4d8: {  	v19 =	vld [tilespmem:s14+$0x5B90]  }
0x4d9: {  	v61 =	vld [tilespmem:$0x1FFD0];
	v10 =	vadd.f32 v31, v10;
	v14 =	vadd.f32 v33, v14  }
0x4da: {  	v23 =	vld [tilespmem:s14+$0x9BC0]  }
0x4db: {  	v22 =	vld [tilespmem:s14+$0x1EB0];
	v10 =	vadd.f32 v35, v10;
	v14 =	vadd.f32 v38, v14  }
0x4dc: {  	v27 =	vld [tilespmem:s14+$0x48F0]  }
0x4dd: {  	v26 =	vld [tilespmem:s14+$0x7330];
	v10 =	vadd.f32 v40, v10;
	v14 =	vadd.f32 v42, v14  }
0x4de: {  	v2 =	vadd.f32 v8, v2;
	v7 =	vadd.f32 v7, v9;
	v60 =	vld [tilespmem:$0x1FFC0]  }
0x4df: {  	v11 =	vmul.f32 v13, v11;
	v29 =	vld [tilespmem:s14+$0x5D40];
	v10 =	vadd.f32 v44, v10;
	v14 =	vadd.f32 v16, v14  }
0x4e0: {  	v3 =	vadd.f32 v3, v5;
	v41 =	vmul.f32 v21, v20;
	v12 =	vmul.f32 v53, v52;
	v31 =	vld [tilespmem:s14+$0x9D70]  }
0x4e1: {  	v33 =	vld [tilespmem:s14+$0xB1C0];
	v10 =	vadd.f32 v17, v10;
	v14 =	vadd.f32 v15, v14;
	v15 =	vmul.f32 v55, v54  }
0x4e2: {  	v51 =	vmul.f32 v32, v30;
	v1 =	vadd.f32 v12, v1;
	v35 =	vld [tilespmem:s14+$0x5EF0];
	v38 =	vmul.f32 v61, v62  }
0x4e3: {  	v47 =	vmul.f32 v28, v26;
	v12 =	vmul.f32 v59, v60;
	v40 =	vld [tilespmem:s14+$0x3660];
	v10 =	vadd.f32 v15, v10  }
0x4e4: {  	v45 =	vmul.f32 v29, v27;
	v1 =	vadd.f32 v38, v1;
	v38 =	vmul.f32 v19, v18;
	v16 =	vld [tilespmem:s14+$0x74E0]  }
0x4e5: {  	v42 =	vmul.f32 v25, v23;
	v44 =	vmul.f32 v24, v22;
	v17 =	vld [tilespmem:s14+$0x8930];
	v10 =	vadd.f32 v11, v10  }
0x4e6: {  	v48 =	vld [tilespmem:s14+$0x7690];
	v49 =	vmul.f32 v33, v31;
	v0 =	vadd.f32 v38, v0;
	v12 =	vadd.f32 v12, v14  }
0x4e7: {  	v53 =	vld [tilespmem:s14+$0xA0D0];
	v1 =	vadd.f32 v42, v1;
	v52 =	vmul.f32 v35, v34;
	v10 =	vadd.f32 v44, v10  }
0x4e8: {  	v56 =	vld [tilespmem:s14+$0xB520];
	v0 =	vadd.f32 v45, v0;
	v55 =	vmul.f32 v63, v58;
	v11 =	vadd.f32 v41, v12  }
0x4e9: {  	v58 =	vmul.f32 v46, v43;
	v57 =	vmul.f32 v40, v36;
	v10 =	vadd.f32 v51, v10  }
0x4ea: {  	v0 =	vadd.f32 v52, v0;
	v54 =	vmul.f32 v17, v16;
	v11 =	vadd.f32 v47, v11  }
0x4eb: {  	v1 =	vadd.f32 v49, v1;
	v10 =	vadd.f32 v57, v10  }
0x4ec: {  	v59 =	vmul.f32 v50, v48;
	v0 =	vadd.f32 v58, v0;
	v11 =	vadd.f32 v54, v11  }
0x4ed: {  	v61 =	vmul.f32 v56, v53;
	v1 =	vadd.f32 v55, v1;
	v2 =	vadd.f32 v10, v2  }
0x4ee: {  	v0 =	vadd.f32 v0, v7;
	v60 =	vadd.f32 v59, v11  }
0x4ef: {  	v1 =	vadd.f32 v61, v1;
	(xrf2) =	vadd.scan.msk.f32 $0xffff, v2;
	v2 =	vadd.f32 v4, v6  }
0x4f0: {  	(xrf2) =	vadd.scan.msk.f32 $0xffff, v0;
	v0 =	vadd.f32 v60, v3  }
0x4f1: {  	v1 =	vadd.f32 v1, v2  }
0x4f2: {  	(xrf2) =	vadd.scan.msk.f32 $0xffff, v0  }
0x4f3: {  	(xrf2) =	vadd.scan.msk.f32 $0xffff, v1;
	_ =	sdelay $0x3  }
0x4f4: {  	s0 =	sshll.u32 s13, $0x2;
	v63 =	vld [tilespmem:$0x1FFF0]  }
0x4f5: {  	s0 =	sand.u32 $0xC, s0  }
0x4f6: {  	s1 =	sor.u32 $0x1, s0;
	v62 =	vlaneseq.u32;
	v2 =	vmov s0;
	v0, _, _ =	vpop (xrf2)  }
0x4f7: {  	vm0 =	veq.s32 v2, v62;
	v2 =	vmov s1;
	v1, _, _ =	vpop (xrf2);
	v0 =	vbroadcast v0, $0xF  }
0x4f8: {  	v1 =	vbroadcast v1, $0xF  }
0x4f9: {  	s30 =	sor.u32 $0x2, s0;
	vm13 =	veq.s32 v2, v62;
	v3, _, _ =	vpop (xrf2);
	v0 =	vsel vm0, v0, v63  }
0x4fa: {  	s31 =	sor.u32 $0x3, s0;
	v2, _, _ =	vpop (xrf2);
	v0 =	vsel vm13, v1, v0;
	v1 =	vmov s30;
	v3 =	vbroadcast v3, $0xF  }
0x4fb: {  	vm14 =	veq.s32 v1, v62;
	v1 =	vmov s31;
	v2 =	vbroadcast v2, $0xF  }
0x4fc: {  	v0 =	vsel vm14, v3, v0;
	vm15 =	veq.s32 v1, v62  }
0x4fd: {  	p1 =	sne.s32 s0, $0xC;
	v1 =	vsel vm15, v2, v0  }
0x4fe: {  	v0 =	vsub.f32 @!p1 $0.0e+00, v1;
	_ =	sdelay $0x1  }
0x4ff: {  	v0 =	vmul.f32 @!p1 $1.442695020e+00, v0;
	_ =	sdelay $0x1  }
0x500: {  	(erf) = vpow2.f32 @!p1 v0;
	_ =	sdelay $0x8  }
0x501: {  	v0 =	vpop @!p1 (erf)  }
0x502: {  	v0 =	vadd.f32 @!p1 $1.000000000e+00, v0;
	_ =	sdelay $0x1  }
0x503: {  	(erf) = vrcp.f32 @!p1 v0;
	_ =	sdelay $0x2  }
0x504: {  	p2 =	seq.s32 @!p1 s13, $0x0  }
0x505: {  	p2 =	por !p2, p1;
	s0 =	simm.s32 @!p1 $0x1  }
0x506: {  	s0 =	simm.s32 @p2 $0x0;
	p2 =	sne.s32 s12, $0x20  }
.Ltmp24:
0x507: {  	s1 =	sshrl.u32 @!p1 s13, $0x2;
	(pc) =	sbr.rel @p2 .LBB2_2-.Ltmp24, $4  }
0x508: {  	s0 =	ssub.s32 @!p1 s1, s0  }
0x509: {  	s0 =	sshll.u32 @!p1 s0, $0x6  }
0x50a: {  	s0 =	sshra.s32 @!p1 s0, $0x2;
	v0 =	vpop @!p1 (erf)  }
0x50b: {  	p0 =	por !p0, !p0;
	s13 =	smov.u32 s12;
	[tilespmem:s0+$0x15F00] =	vst @!p1 v0  }
0x50c: {  	s11 =	sadd.s32 $0x1, s11  }
0x50d: {  	p0 =	sne.s32 s11, s6  }
.Ltmp25:
0x50e: {  	s0 =	simm.s32 $0x15F00;
	(pc) =	sbr.rel @p0 .LBB2_1-.Ltmp25, $4  }
0x50f: {  	[hbm4b:s5+s2] =	stream.linear.scatter [tilespmem:s0], [sflag:$0x3], $0x80, $0x38;
	[tilespmem:$0x15F80] =	vst v63  }
0x510: {  	_ =	swait.ge [sflag:s7], $0x80  }
0x511: {  	[sflag:s7] =	ssyncset.done $0x0  }
0x512: {  	[sflag:s7] =	ssyncadd.s32 $0xFFFFFF80  }
0x513: {  	_ =	sfence.sel $0x180000  }
0x514: {  	[bflag:$0x0] =	sbarrier.arrive $0xFFFF  }
0x515: {  	_ =	strace $0x9000004A  }
0x516: {  	s0 =	stileid.u32;
	[bflag:$0x2] =	sbarrier.arrive $0xFFFF  }
0x517: {  	p0 =	sne.s32 s0, $0x0;
	s0 =	rddreg [dreg:$0x2]  }
0x518: {  	s0 =	sadd.s32 @!p0 $0x100000, s0  }
0x519: {  	[sflag:s0] =	ssyncadd.tile.s32 @!p0 $0x1;
	_ =	shalt  }
.Lfunc_end2:
_tile_overlayer_lowered:
.L_overlay_start_2:
0x51a: {  	(tag) =	ssettag $0x2  }
0x51b: {  	s0 =	rddreg [dreg:$0x0];
	s2 =	stileid.u32  }
0x51c: {  	s1 =	rddreg [dreg:$0x1];
	p0 =	sne.s32 s2, $0x0  }
0x51d: {  	s3 =	rddreg [dreg:$0x2];
	[bflag:$0x3] =	sbarrier.arrive $0xFFFF;
	s2 =	simm.s32 @!p0 $0x1C03  }
0x51e: {  	[timem:s3], [sflag:s2] =	dma.local @!p0 [hbm:s0], s1  }
0x51f: {  	s0 =	simm.s32 @!p0 $0x3  }
0x520: {  	_ =	swait.ge @!p0 [sflag:s0], s1  }
0x521: {  	s1 =	ssub.s32 @!p0 $0x0, s1;
	[sflag:s0] =	ssyncset.done @!p0 $0x0  }
0x522: {  	[sflag:s0] =	ssyncadd.s32 @!p0 s1  }
0x523: {  	[bflag:$0x3] =	sbarrier.arrive $0xFFFF  }
0x524: {  	_ =	shalt  }

// kernel: sparse-core-data-format-call.cloned.1.call-start
scs
called_computation_lowered:
.L_overlay_start_0:
0x0: {  	s2 =	sld [smem:$0x3FD9]  }
0x1: {  	s3 =	sld [smem:$0x3FFE];
	_ =	sdelay $0x1  }
0x2: {  	s1 =	srdreg.scid  }
0x3: {  	s0 =	sand.u32 $0x1, s1  }
0x4: {  	s18 =	sshll.u32 s0, $0xA;
	s2 =	sadd.s32 s3, s2  }
0x5: {  	s2 =	sadd.s32 s2, s18  }
0x6: {  	[smem:$0x3FC6] =	sst s2  }
0x7: {  	_ = 	snop  }
0x8: {  	s2 =	sld [smem:$0x3FC8];
	(tm) =	ssettm $0x1  }
0x9: {  	s19 =	sld [smem:$0x3FFB];
	_ =	sdelay $0x3  }
0xa: {  	_ =	strace s19  }
0xb: {  	s3 =	sld [smem:$0x3FFC];
	_ =	sdelay $0x3  }
0xc: {  	_ =	strace s3  }
0xd: {  	s3 =	sld [smem:$0x3FFD];
	_ =	sdelay $0x3  }
0xe: {  	_ =	strace s3  }
0xf: {  	_ =	strace $0x8FFFFFFF  }
0x10: {  	s20 =	sld [smem:$0x3FDB];
	_ =	sdelay $0x1  }
0x11: {  	s4 =	simm.s32 $_scs_section_size  }
0x12: {  	s5 =	simm.s32 $_size__tile_overlayer_lowered;
	s6 =	simm.s32 $_tile_overlayer_lowered  }
0x13: {  	s23 =	simm.s32 $0x1BFF;
	s22 =	sshll.u32 s6, $0x1;
	s3 =	sadd.s32 s4, s20  }
0x14: {  	s7 =	simm.s32 $0x0;
	s21 =	sshll.u32 s5, $0x1;
	s5 =	sadd.s32 s22, s3  }
0x15: {  	[timem:s7], [sflag:s23] =	dma.local [hbm:s5], s21  }
0x16: {  	_ =	swait.ge [sflag:s23], s21  }
0x17: {  	s4 =	ssub.s32 $0x0, s21;
	[sflag:s23] =	ssyncset.done $0x0  }
0x18: {  	[sflag:s23] =	ssyncadd.s32 s4;
	_ =	sdelay $0x1  }
0x19: {  	s24 =	simm.s32 $0x1B8B  }
0x1a: {  	_ =	swait.ge [sflag:s24], $0x1  }
0x1b: {  	[sflag:s24] =	ssyncset.done $0x0  }
0x1c: {  	s26 =	simm.s32 $0x1B8E;
	s25 =	sld [smem:$0x3FFE];
	[sflag:s24] =	ssyncadd.s32 $0xFFFFFFFF  }
0x1d: {  	s27 =	simm.s32 $execute0_lowered;
	[smem:$0x3FD2] =	sst s26  }
0x1e: {  	s5 =	sshll.u32 s27, $0x1;
	_ =	strace $0x80000046;
	[dreg:$0x1] =	wrdreg $0xFFFFFFFF  }
0x1f: {  	s28 =	simm.s32 $_size_execute0_lowered;
	s3 =	sadd.s32 s3, s5;
	[dreg:$0x0] =	wrdreg $0x0  }
0x20: {  	s5 =	sshll.u32 s28, $0x1;
	[dreg:$0x2] =	wrdreg s3  }
0x21: {  	[dreg:$0x3] =	wrdreg s5  }
0x22: {  	[dreg:$0x4] =	wrdreg $0xC0  }
0x23: {  	_ =	task [dreg:s7], $0x5FFFF  }
0x24: {  	[dreg:$0x1] =	wrdreg $0xFFFFFFFF  }
0x25: {  	[dreg:$0x0] =	wrdreg $0x60  }
0x26: {  	[dreg:$0x2] =	wrdreg s2  }
0x27: {  	[dreg:$0x3] =	wrdreg s25  }
0x28: {  	[dreg:$0x4] =	wrdreg $0x9  }
0x29: {  	_ =	task.clear_ibuf [dreg:s7], $0x5FFFF;
	_ =	strace $0x90000046  }
0x2a: {  	s29 =	simm.s32 $0x9;
	_ =	strace $0x80000048  }
0x2b: {  	_ =	swait.ge [sflag:s29], $0x1  }
0x2c: {  	[sflag:s29] =	ssyncadd.s32 $0xFFFFFFFF  }
0x2d: {  	_ =	strace $0x90000048  }
0x2e: {  	_ =	sfence  }
0x2f: {  	s30 =	sld [smem:$0x0];
	_ =	sdelay $0x2  }
0x30: {  	s31 =	sshll.u32 s1, $0xD;
	s1 =	sshrl.u32 s1, $0x2  }
0x31: {  	s3 =	sand.u32 $0x4000, s31;
	s1 =	sadd.s32 s1, s30  }
0x32: {  	s0 =	sor.u32 s3, s0;
	s1 =	sshll.u32 s1, $0x11  }
0x33: {  	s0 =	sor.u32 s1, s0  }
0x34: {  	s0 =	sadd.s32 $0x8F2B, s0  }
0x35: {  	[sflag:s0] =	ssyncadd.remote.s32 $0x1  }
0x36: {  	_ =	sfence.sel $0xFFFF  }
0x37: {  	[dreg:$0x0] =	wrdreg $0xFFFFFFFF;
	(pc) =	sbr.abs _section_cstart, $3  }
0x38: {  	[dreg:$0x1] =	wrdreg $0xFFFFFFFF  }
0x39: {  	_ =	task.clear_ibuf [dreg:s7], $0x2FFFF;
	_ =	strace $0x9FFFFFFF  }
0x3a: {  	(tm) =	ssettm $0x7FFFFFFF  }
0x3b: {  	_ =	shalt  }
tec
execute0_lowered:
.L_overlay_start_1:
0x0: {  	(tag) =	ssettag $0x1  }
0x1: {  	s3 =	stileid.u32;
	s0 =	srdreg.scid  }
0x2: {  	s1 =	rddreg [dreg:$0x1];
	_ =	strace $0x80000047;
	s29 =	simm.s32 $0x1  }
0x3: {  	s31 =	simm.s32 $0x2;
	s10 =	simm.s32 $0x0;
	s9 =	simm.s32 $0x0  }
0x4: {  	s2 =	sshll.u32 s3, $0x5;
	s0 =	sshll.u32 s0, $0x9;
	s1 =	sadd.s32 $0xA00, s1  }
0x5: {  	s28 =	sshll.u32 s3, $0x7;
	s0 =	sor.u32 s2, s0;
	[dreg:$0x3] =	wrdreg s1  }
.Ltmp0:
0x6: {  	s13 =	sand.u32 $0x180, s28;
	s11 =	sand.u32 $0x380, s0;
	(pc) =	sbr.rel .LBB1_1-.Ltmp0, $4  }
0x7: {  	s8 =	simm.s32 $0x0;
	[dreg:$0x6] =	wrdreg s13;
	s30 =	ssub.s32 $0x18680, s11  }
0x8: {  	s12 =	simm.s32 $0x0;
	[dreg:$0x4] =	wrdreg s11;
	s1 =	sshrl.u32 s30, $0xA  }
0x9: {  	[sflag:s29] =	ssyncpa.u1 $0x0;
	[dreg:$0x5] =	wrdreg s1;
	s7 =	sor.u32 $0x2, s1  }
0xa: {  	s14 =	simm.s32 $0x0;
	[sflag:s31] =	ssyncpa.u1 $0x0;
	[dreg:$0x7] =	wrdreg s7  }
.LBB1_12:
0xb: {  	s8 =	rddreg [dreg:$0x8]  }
0xc: {  	s5 =	rddreg [dreg:$0xc]  }
0xd: {  	s1 =	sshll.u32 s12, $0x3;
	s24 =	rddreg [dreg:$0xb]  }
0xe: {  	s4 =	smov.u32 s12;
	s27 =	sand.u32 $0x78, s12;
	s29 =	rddreg [dreg:$0x3]  }
0xf: {  	s28 =	sand.u32 $0x7, s12;
	s31 =	simm.s32 $0x1000;
	s7 =	rddreg [dreg:$0x7]  }
0x10: {  	s9 =	rddreg [dreg:$0x9];
	s0 =	sshll.u32 s8, $0x9;
	s1 =	sand.u32 $0xFFFFFC00, s1  }
0x11: {  	s2 =	sshll.u32 s8, $0x7;
	p0 =	sgt.s32 s8, $0x18620;
	s0 =	sand.u32 $0xFFFFF000, s0  }
0x12: {  	s23 =	sand.u32 $0x200, s2;
	s0 =	sadd.s32 s1, s0;
	s1 =	smov.u32 s8  }
0x13: {  	s2 =	sand.u32 $0x180, s2;
	s0 =	sor.u32 s23, s0;
	s1 =	simm.s32 @!p0 $0x18620  }
0x14: {  	p0 =	sgt.s32 s12, $0x180;
	s0 =	sshrl.u32 s0, $0x9;
	s1 =	sadd.s32 s5, s1  }
0x15: {  	s4 =	simm.s32 @!p0 $0x180;
	s3 =	smulhi.u32 $0xA7C5AD, s0;
	s25 =	sadd.s32 $0xFFFE79E0, s1  }
0x16: {  	s4 =	sadd.s32 s24, s4;
	s1 =	ssub.s32 $0x186A0, s1;
	p0 =	sgt.s32 s25, $0x7F  }
0x17: {  	s26 =	sadd.s32 $0xFFFFFE80, s4;
	s4 =	ssub.s32 $0x200, s4;
	s3 =	sshrl.u32 s3, $0x8  }
0x18: {  	s1 =	simm.s32 @p0 $0x0;
	p0 =	sgt.s32 s26, $0x7F;
	s3 =	smul.u32 $0x186A0, s3  }
0x19: {  	s10 =	rddreg [dreg:$0xa];
	s2 =	sor.u32 s27, s2;
	s4 =	simm.s32 @p0 $0x0  }
0x1a: {  	s2 =	sshrl.u32 s2, $0x3;
	s1 =	smul.u32 s4, s1;
	s0 =	ssub.s32 s0, s3  }
0x1b: {  	s2 =	sadd.s32 s29, s2;
	s3 =	sshll.u32 s28, $0x12;
	s0 =	sshll.u32 s0, $0x6  }
0x1c: {  	s1 =	sand.u32 $0x3FFFFFFF, s1;
	s30 =	sor.u32 $0x400, s3;
	s0 =	sadd.s32 s0, s2  }
0x1d: {  	[hbm4b:s0+s30] =	stream.strided.scatter [tilespmem:s18], [sflag:$0x2], s1, s31, s30, $0x20;
	[tilespmem:$0x10100] =	vst v63  }
.LBB1_13:
0x1e: {  	p0 =	slt.u32 s14, $0x2  }
0x1f: {  	s1 =	smov.u32 s10;
	s2 =	smov.u32 s9;
	p1 =	sgt.s32 @!p0 s10, $0x18620  }
0x20: {  	s0 =	sshra.s32 @!p0 s10, $0x1F;
	p2 =	sgt.s32 @!p0 s9, $0x180;
	s3 =	sshra.s32 @!p0 s9, $0x1F  }
0x21: {  	p1 =	por !p1, p0;
	s0 =	sand.u32 @!p0 s0, s10;
	p2 =	por !p2, p0  }
0x22: {  	s3 =	sand.u32 @!p0 s3, s9;
	s1 =	simm.s32 @p1 $0x18620;
	s2 =	simm.s32 @p2 $0x180  }
0x23: {  	s0 =	ssub.s32 @!p0 s1, s0;
	s1 =	ssub.s32 @!p0 s2, s3  }
0x24: {  	s2 =	sadd.s32 @!p0 $0xFFFE79E0, s0;
	s3 =	sadd.s32 @!p0 $0xFFFFFE80, s1  }
0x25: {  	s0 =	ssub.s32 @!p0 $0x186A0, s0;
	p1 =	sgt.s32 @!p0 s2, $0x7F;
	p2 =	sgt.s32 @!p0 s3, $0x7F  }
0x26: {  	s1 =	ssub.s32 @!p0 $0x200, s1;
	p1 =	por !p1, p0;
	p2 =	por !p2, p0  }
0x27: {  	s0 =	simm.s32 @!p1 $0x0;
	s1 =	simm.s32 @!p2 $0x0  }
0x28: {  	s0 =	smul.u32 @!p0 s1, s0  }
0x29: {  	s4 =	smov.u32 s13  }
0x2a: {  	s2 =	simm.s32 @!p0 $0x2;
	s1 =	sadd.s32 $0x400, s11;
	s0 =	sand.u32 @!p0 $0x3FFFFFFF, s0  }
0x2b: {  	s3 =	sadd.s32 $0x200, s13;
	p1 =	sgt.s32 s1, $0x1869F;
	_ =	swait.ge @!p0 [sflag:s2], s0  }
0x2c: {  	s4 =	smov.u32 @p1 s3;
	s3 =	rddreg [dreg:$0x4]  }
0x2d: {  	s1 =	smov.u32 @p1 s3;
	p1 =	sgt.s32 s4, $0x19F;
	s3 =	rddreg [dreg:$0x6]  }
0x2e: {  	s4 =	smov.u32 @p1 s3;
	p1 =	sne.s32 s14, s7  }
.Ltmp1:
0x2f: {  	_ = 	snop;
	(pc) =	sbr.rel @!p1 .LBB1_14-.Ltmp1, $4  }
0x30: {  	s10 =	smov.u32 s8  }
0x31: {  	s9 =	smov.u32 s12;
	s0 =	ssub.s32 @!p0 $0x0, s0;
	[sflag:s2] =	ssyncset.done @!p0 $0x0  }
0x32: {  	s8 =	smov.u32 s11;
	s12 =	smov.u32 s13;
	[sflag:s2] =	ssyncadd.s32 @!p0 s0  }
0x33: {  	s14 =	sadd.s32 $0x1, s14;
	s11 =	smov.u32 s1;
	s13 =	smov.u32 s4  }
.LBB1_1:
0x34: {  	s0 =	rddreg [dreg:$0x5]  }
0x35: {  	p0 =	sgt.u32 s14, s0  }
0x36: {  	s0 =	sshrl.u32 @!p0 s13, $0x3  }
0x37: {  	s1 =	sshll.u32 @!p0 s11, $0x3;
	s0 =	smul.u32 @!p0 $0xC3800, s0  }
0x38: {  	s5 =	smov.u32 s11;
	s2 =	sshll.u32 @!p0 s13, $0x7;
	s1 =	sand.u32 @!p0 $0xFFFFFC00, s1  }
0x39: {  	s3 =	sand.u32 @!p0 $0x7F, s11;
	s0 =	sadd.s32 @!p0 s0, s1;
	s1 =	sand.u32 @!p0 $0x380, s2  }
0x3a: {  	p1 =	sgt.s32 @!p0 s13, $0x120;
	s4 =	sshra.s32 @!p0 s13, $0x1F;
	s0 =	sor.u32 @!p0 s1, s0  }
0x3b: {  	s6 =	sshra.s32 @!p0 s11, $0x1F;
	p1 =	por !p1, p0;
	s1 =	smulhi.u32 @!p0 $0xA79C7B17, s0  }
0x3c: {  	s4 =	sand.u32 @!p0 s4, s13;
	s0 =	sor.u32 @!p0 s3, s0;
	s3 =	smov.u32 s13  }
0x3d: {  	s3 =	simm.s32 @p1 $0x120;
	p1 =	sgt.s32 @!p0 s11, $0x18680;
	s1 =	sshrl.u32 @!p0 s1, $0x10  }
0x3e: {  	p1 =	por !p1, p0;
	s3 =	ssub.s32 @!p0 s3, s4;
	s2 =	smul.u32 @!p0 $0x4EC5, s1  }
0x3f: {  	s4 =	sand.u32 @!p0 s6, s11;
	s6 =	smulhi.u32 @!p0 $0xA79C7B17, s0;
	s5 =	simm.s32 @p1 $0x18680  }
0x40: {  	s4 =	ssub.s32 @!p0 s5, s4;
	s5 =	sadd.s32 @!p0 $0xFFFFFEE0, s3;
	s2 =	sshrl.u32 @!p0 s2, $0x17  }
0x41: {  	p1 =	sgt.s32 @!p0 s5, $0x7F;
	s5 =	sshrl.u32 @!p0 s6, $0x10;
	s2 =	smul.u32 @!p0 $0x1A0, s2  }
0x42: {  	s3 =	ssub.s32 @!p0 $0x1A0, s3;
	s5 =	smul.u32 @!p0 $0x18700, s5  }
0x43: {  	p1 =	por !p1, p0;
	s1 =	ssub.s32 @!p0 s1, s2;
	s2 =	sadd.s32 @!p0 $0xFFFE7980, s4  }
0x44: {  	s3 =	simm.s32 @!p1 $0x0;
	s4 =	ssub.s32 @!p0 $0x18700, s4;
	p2 =	sgt.s32 @!p0 s2, $0x7F  }
0x45: {  	s0 =	ssub.s32 @!p0 s0, s5;
	s1 =	sand.u32 @!p0 $0xFFFF, s1;
	p2 =	por !p2, p0  }
0x46: {  	s2 =	sxor.u32 @!p0 $0xFFFFFFFF, s14;
	s1 =	smul.u32 @!p0 $0x30E0, s1;
	s4 =	simm.s32 @!p2 $0x0  }
0x47: {  	s5 =	rddreg [dreg:$0x0];
	s2 =	sshll.u32 @!p0 s2, $0xE;
	s3 =	smul.u32 @!p0 s3, s4  }
0x48: {  	s2 =	sand.u32 @!p0 $0x4000, s2;
	s4 =	sshrl.u32 @!p0 s0, $0x3;
	s0 =	sand.u32 @!p0 $0x7, s0  }
0x49: {  	s4 =	sadd.s32 @!p0 s5, s4;
	s0 =	sshll.u32 @!p0 s0, $0x12;
	s3 =	sand.u32 @!p0 $0x3FFFFFFF, s3  }
0x4a: {  	s1 =	sadd.s32 @!p0 s1, s4;
	s0 =	sor.u32 @!p0 $0x400, s0;
	s4 =	simm.s32 @!p0 $0xC3800  }
0x4b: {  	[tilespmem:s2], [sflag:$0x1] =	stream.strided.gather @!p0 [hbm4b:s1+s0], s3, s4, s0, $0x38;
	[tilespmem:$0x10100] =	vst v63  }
0x4c: {  	p0 =	seq.s32 s14, $0x0  }
0x4d: {  	p1 =	sge.u32 @!p0 s14, s7  }
0x4e: {  	p0 =	por p0, p1  }
.Ltmp2:
0x4f: {  	_ = 	snop;
	(pc) =	sbr.rel @p0 .LBB1_13-.Ltmp2, $1  }
0x50: {  	_ =	sdelay $0x3  }
0x51: {  	s0 =	ssub.s32 $0x0, s12;
	s1 =	sshra.s32 s12, $0x1F;
	p0 =	sgt.s32 s12, $0x120  }
0x52: {  	s2 =	smov.u32 s12;
	s25 =	ssub.s32 $0x0, s8;
	s26 =	sshra.s32 s8, $0x1F  }
0x53: {  	s3 =	smov.u32 s8;
	s2 =	simm.s32 @!p0 $0x120;
	p0 =	sgt.s32 s8, $0x18680  }
0x54: {  	s4 =	sand.u32 s0, s1;
	s1 =	sand.u32 s25, s26;
	s3 =	simm.s32 @!p0 $0x18680  }
0x55: {  	s2 =	sadd.s32 s4, s2;
	[dreg:$0xc] =	wrdreg s1;
	s1 =	sadd.s32 s1, s3  }
0x56: {  	s27 =	sadd.s32 $0xFFFFFEE0, s2;
	s2 =	ssub.s32 $0x1A0, s2;
	s28 =	sadd.s32 $0xFFFE7980, s1  }
0x57: {  	p0 =	sgt.s32 s27, $0x7F;
	s0 =	ssub.s32 $0x18700, s1;
	p1 =	sgt.s32 s28, $0x7F  }
0x58: {  	s2 =	simm.s32 @p0 $0x0;
	s0 =	simm.s32 @p1 $0x0  }
0x59: {  	s29 =	smul.u32 s2, s0;
	s2 =	sadd.s32 $0x80, s12  }
0x5a: {  	p0 =	slt.s32 s2, $0x1A0  }
0x5b: {  	s2 =	simm.s32 @!p0 $0x1A0  }
0x5c: {  	[dreg:$0xa] =	wrdreg s10;
	s20 =	ssub.s32 s2, s12  }
0x5d: {  	[dreg:$0x9] =	wrdreg s9;
	p0 =	slt.s32 s20, $0x1  }
.Ltmp3:
0x5e: {  	[dreg:$0x8] =	wrdreg s8;
	s30 =	simm.s32 $0x1;
	(pc) =	sbr.rel @p0 .LBB1_12-.Ltmp3, $4  }
0x5f: {  	[dreg:$0xb] =	wrdreg s4;
	s0 =	sand.u32 $0x1, s14;
	s1 =	sand.u32 $0x3FFFFFFF, s29  }
0x60: {  	s31 =	smul.u32 $0x4080, s0;
	_ =	swait.ge [sflag:s30], s1  }
0x61: {  	s1 =	ssub.s32 $0x0, s1;
	[sflag:s30] =	ssyncset.done $0x0  }
0x62: {  	s18 =	sor.u32 $0x8000, s31;
	[sflag:s30] =	ssyncadd.s32 s1  }
0x63: {  	s2 =	rddreg [dreg:$0x8]  }
0x64: {  	s1 =	sadd.s32 $0x80, s2  }
0x65: {  	p0 =	slt.s32 s1, $0x186A0  }
.Ltmp4:
0x66: {  	s1 =	simm.s32 @!p0 $0x186A0;
	(pc) =	sbr.rel .LBB1_4-.Ltmp4, $4  }
0x67: {  	s23 =	sshll.u32 s0, $0xE;
	s1 =	ssub.s32 s1, s2  }
0x68: {  	s25 =	simm.s32 $0x0;
	s26 =	simm.s32 $0x400;
	s1 =	sadd.s32 $0xF, s1  }
0x69: {  	s21 =	sand.u32 $0xFFFFFFF0, s1;
	s22 =	sand.u32 $0xFFFFFF00, s1;
	s31 =	sshll.u32 s1, $0x3  }
0x6a: {  	p0 =	slt.s32 s1, $0x100;
	s24 =	sand.u32 $0xFFFFF800, s31;
	p1 =	sge.s32 s22, s21  }
.LBB1_11:
0x6b: {  	s25 =	sadd.s32 $0x1, s25  }
0x6c: {  	p2 =	sne.s32 s25, s20  }
.Ltmp5:
0x6d: {  	_ = 	snop;
	(pc) =	sbr.rel @!p2 .LBB1_12-.Ltmp5, $2  }
0x6e: {  	_ =	sdelay $0x2  }
0x6f: {  	s26 =	sadd.s32 $0x80, s26  }
.LBB1_4:
.Ltmp6:
0x70: {  	(pc) =	sbr.rel @p0 .LBB1_8-.Ltmp6, $2  }
0x71: {  	_ =	sdelay $0x2  }
0x72: {  	s27 =	sshll.u32 s25, $0x7;
	s28 =	sand.u32 $0x7F, s25  }
0x73: {  	s2 =	sshll.u32 s25, $0x3  }
0x74: {  	s5 =	sand.u32 $0x380, s27;
	s4 =	sshrl.u32 s2, $0x7  }
0x75: {  	s1 =	sadd.s32 $0x800, s2;
	s6 =	sadd.s32 $0x1000, s2;
	s19 =	sadd.s32 s5, s23  }
0x76: {  	s7 =	sadd.s32 $0x1800, s2;
	s10 =	sadd.s32 $0x2800, s2;
	s17 =	sadd.s32 $0x3000, s2  }
0x77: {  	s2 =	sadd.s32 $0x3800, s2;
	s0 =	sand.u32 $0x78, s4;
	s1 =	sshrl.u32 s1, $0x7  }
0x78: {  	s6 =	sshrl.u32 s6, $0x7;
	s15 =	sshrl.u32 s10, $0x7;
	s2 =	sshrl.u32 s2, $0x7  }
0x79: {  	v0 =	vmov s19;
	s19 =	sand.u32 $0x3C00, s26;
	s3 =	smul.u32 $0x204, s0;
	s1 =	sand.u32 $0x78, s1  }
0x7a: {  	s5 =	sand.u32 $0x78, s6;
	s6 =	sshrl.u32 s7, $0x7;
	s1 =	smul.u32 $0x204, s1  }
0x7b: {  	s0 =	sxor.u32 $0x40, s0;
	s7 =	sshrl.u32 s17, $0x7;
	s5 =	smul.u32 $0x204, s5  }
0x7c: {  	s2 =	sand.u32 $0x78, s2;
	s0 =	smul.u32 $0x204, s0;
	s3 =	sshrl.u32 s3, $0x2  }
0x7d: {  	s8 =	sand.u32 $0x78, s6;
	s10 =	smul.u32 $0x204, s2;
	s3 =	sadd.s32 s3, s18  }
0x7e: {  	s1 =	sshrl.u32 s1, $0x2;
	s9 =	sshrl.u32 s5, $0x2;
	s0 =	sshrl.u32 s0, $0x2  }
0x7f: {  	s5 =	sand.u32 $0x78, s7;
	s7 =	sadd.s32 $0x20, s4;
	s6 =	sshrl.u32 s10, $0x2  }
0x80: {  	s1 =	sadd.s32 s1, s18;
	s29 =	sadd.s32 s28, s3;
	s3 =	sadd.s32 s9, s18  }
0x81: {  	s16 =	sadd.s32 s0, s18;
	s5 =	smul.u32 $0x204, s5;
	s30 =	sadd.s32 s28, s1  }
0x82: {  	s1 =	smul.u32 $0x204, s8;
	s31 =	sadd.s32 s28, s3;
	s3 =	sand.u32 $0x78, s15  }
0x83: {  	s7 =	sand.u32 $0x78, s7;
	s8 =	sadd.s32 $0x10, s4;
	s3 =	smul.u32 $0x204, s3  }
0x84: {  	s5 =	sshrl.u32 s5, $0x2;
	s15 =	sand.u32 $0x78, s8;
	s8 =	sadd.s32 $0x30, s4  }
0x85: {  	s1 =	sshrl.u32 s1, $0x2;
	s17 =	smul.u32 $0x204, s15;
	s15 =	sadd.s32 $0x60, s4  }
0x86: {  	s1 =	sadd.s32 s1, s18;
	s3 =	sshrl.u32 s3, $0x2;
	s15 =	sand.u32 $0x78, s15  }
0x87: {  	s0 =	sadd.s32 s28, s1;
	s1 =	sadd.s32 s28, s16;
	s3 =	sadd.s32 s3, s18  }
0x88: {  	s16 =	sadd.s32 s5, s18;
	s5 =	sshrl.u32 s17, $0x2;
	s15 =	smul.u32 $0x204, s15  }
0x89: {  	s9 =	sadd.s32 s28, s3;
	s2 =	sadd.s32 s28, s16;
	s3 =	sadd.s32 s6, s18  }
0x8a: {  	s6 =	smul.u32 $0x204, s7;
	s7 =	sand.u32 $0x78, s8;
	s8 =	sadd.s32 $0x50, s4  }
0x8b: {  	s4 =	sadd.s32 $0x70, s4;
	s7 =	smul.u32 $0x204, s7;
	s8 =	sand.u32 $0x78, s8  }
0x8c: {  	s5 =	sadd.s32 s5, s18;
	s4 =	sand.u32 $0x78, s4;
	s8 =	smul.u32 $0x204, s8  }
0x8d: {  	v1 =	vld.idx.msk [tilespmem:v0+s19+$0x0 ss:$0x1], $0xffff;
	s15 =	sshrl.u32 s15, $0x2;
	s6 =	sshrl.u32 s6, $0x2;
	s4 =	smul.u32 $0x204, s4  }
0x8e: {  	s15 =	sadd.s32 s15, s18;
	s7 =	sshrl.u32 s7, $0x2;
	s6 =	sadd.s32 s6, s18  }
0x8f: {  	s16 =	sadd.s32 s7, s18;
	s7 =	sadd.s32 s28, s5;
	s5 =	sadd.s32 s28, s6  }
0x90: {  	s8 =	sshrl.u32 s8, $0x2;
	s4 =	sshrl.u32 s4, $0x2;
	s6 =	sadd.s32 s28, s16  }
0x91: {  	s8 =	sadd.s32 s8, s18;
	s10 =	sadd.s32 s4, s18;
	s16 =	sadd.s32 $0xFFFFFC00, s26  }
0x92: {  	[tilespmem:s29+$0x0 ss:$0x81] =	vst.msk $0xffff, v1;
	v1 =	vld.idx.msk [tilespmem:v0+s19+$0x20 ss:$0x1], $0xffff;
	s4 =	sadd.s32 s28, s8;
	s8 =	sadd.s32 s28, s15;
	s15 =	sand.u32 $0x3C00, s16  }
0x93: {  	v2 =	vld.idx.msk [tilespmem:v0+s15+$0x70 ss:$0x1], $0xffff  }
0x94: {  	v3 =	vld.idx.msk [tilespmem:v0+s15+$0x0 ss:$0x1], $0xffff  }
0x95: {  	v4 =	vld.idx.msk [tilespmem:v0+s15+$0x10 ss:$0x1], $0xffff  }
0x96: {  	v5 =	vld.idx.msk [tilespmem:v0+s15+$0x20 ss:$0x1], $0xffff  }
0x97: {  	s3 =	sadd.s32 s28, s3;
	v6 =	vld.idx.msk [tilespmem:v0+s15+$0x30 ss:$0x1], $0xffff  }
0x98: {  	v7 =	vld.idx.msk [tilespmem:v0+s15+$0x40 ss:$0x1], $0xffff;
	[tilespmem:s3+$0x0 ss:$0x81] =	vst.msk $0xffff, v2  }
0x99: {  	v8 =	vld.idx.msk [tilespmem:v0+s15+$0x50 ss:$0x1], $0xffff;
	[tilespmem:s29+$0x0 ss:$0x81] =	vst.msk $0xffff, v3  }
0x9a: {  	p2 =	sgt.s32 s22, $0x100;
	v9 =	vld.idx.msk [tilespmem:v0+s15+$0x60 ss:$0x1], $0xffff;
	[tilespmem:s30+$0x0 ss:$0x81] =	vst.msk $0xffff, v4  }
.Ltmp7:
0x9b: {  	v4 =	vld.idx.msk [tilespmem:v0+s19+$0x10 ss:$0x1], $0xffff;
	[tilespmem:s31+$0x0 ss:$0x81] =	vst.msk $0xffff, v5;
	(pc) =	sbr.rel @!p2 .LBB1_7-.Ltmp7, $4  }
0x9c: {  	[tilespmem:s0+$0x0 ss:$0x81] =	vst.msk $0xffff, v6;
	v2 =	vld.idx.msk [tilespmem:v0+s19+$0x30 ss:$0x1], $0xffff  }
0x9d: {  	[tilespmem:s1+$0x0 ss:$0x81] =	vst.msk $0xffff, v7;
	v3 =	vld.idx.msk [tilespmem:v0+s19+$0x40 ss:$0x1], $0xffff  }
0x9e: {  	[tilespmem:s9+$0x0 ss:$0x81] =	vst.msk $0xffff, v8;
	v5 =	vld.idx.msk [tilespmem:v0+s19+$0x50 ss:$0x1], $0xffff  }
0x9f: {  	s17 =	sadd.s32 s28, s10;
	s16 =	sadd.s32 $0x800, s26;
	s15 =	simm.s32 $0x100;
	[tilespmem:s2+$0x0 ss:$0x81] =	vst.msk $0xffff, v9;
	v6 =	vld.idx.msk [tilespmem:v0+s19+$0x60 ss:$0x1], $0xffff  }
.LBB1_6:
0xa0: {  	s10 =	sadd.s32 $0xFFFFFC00, s16;
	s15 =	sadd.s32 $0x100, s15;
	[tilespmem:s7+$0x0 ss:$0x81] =	vst.msk $0xffff, v4;
	v4 =	vld.idx.msk [tilespmem:v0+s19+$0x70 ss:$0x1], $0xffff;
	s19 =	sand.u32 $0x3C00, s16  }
0xa1: {  	s10 =	sand.u32 $0x3C00, s10;
	v7 =	vld.idx.msk [tilespmem:v0+s19+$0x0 ss:$0x1], $0xffff;
	p2 =	slt.s32 s15, s22;
	[tilespmem:s5+$0x0 ss:$0x81] =	vst.msk $0xffff, v1  }
0xa2: {  	v1 =	vld.idx.msk [tilespmem:v0+s10+$0x70 ss:$0x1], $0xffff;
	[tilespmem:s6+$0x0 ss:$0x81] =	vst.msk $0xffff, v2  }
0xa3: {  	v2 =	vld.idx.msk [tilespmem:v0+s10+$0x0 ss:$0x1], $0xffff;
	[tilespmem:s1+$0x0 ss:$0x81] =	vst.msk $0xffff, v3  }
0xa4: {  	v3 =	vld.idx.msk [tilespmem:v0+s10+$0x10 ss:$0x1], $0xffff;
	[tilespmem:s4+$0x0 ss:$0x81] =	vst.msk $0xffff, v5  }
0xa5: {  	v5 =	vld.idx.msk [tilespmem:v0+s10+$0x20 ss:$0x1], $0xffff;
	[tilespmem:s8+$0x0 ss:$0x81] =	vst.msk $0xffff, v6  }
0xa6: {  	v6 =	vld.idx.msk [tilespmem:v0+s10+$0x30 ss:$0x1], $0xffff;
	[tilespmem:s17+$0x0 ss:$0x81] =	vst.msk $0xffff, v4  }
0xa7: {  	v8 =	vld.idx.msk [tilespmem:v0+s10+$0x40 ss:$0x1], $0xffff;
	[tilespmem:s29+$0x0 ss:$0x81] =	vst.msk $0xffff, v7  }
0xa8: {  	v7 =	vld.idx.msk [tilespmem:v0+s10+$0x50 ss:$0x1], $0xffff;
	[tilespmem:s3+$0x0 ss:$0x81] =	vst.msk $0xffff, v1  }
0xa9: {  	[tilespmem:s29+$0x0 ss:$0x81] =	vst.msk $0xffff, v2;
	v9 =	vld.idx.msk [tilespmem:v0+s10+$0x60 ss:$0x1], $0xffff  }
0xaa: {  	[tilespmem:s30+$0x0 ss:$0x81] =	vst.msk $0xffff, v3;
	v4 =	vld.idx.msk [tilespmem:v0+s19+$0x10 ss:$0x1], $0xffff  }
.Ltmp8:
0xab: {  	[tilespmem:s31+$0x0 ss:$0x81] =	vst.msk $0xffff, v5;
	v1 =	vld.idx.msk [tilespmem:v0+s19+$0x20 ss:$0x1], $0xffff;
	(pc) =	sbr.rel @p2 .LBB1_6-.Ltmp8, $4  }
0xac: {  	[tilespmem:s0+$0x0 ss:$0x81] =	vst.msk $0xffff, v6;
	v2 =	vld.idx.msk [tilespmem:v0+s19+$0x30 ss:$0x1], $0xffff  }
0xad: {  	[tilespmem:s1+$0x0 ss:$0x81] =	vst.msk $0xffff, v8;
	v3 =	vld.idx.msk [tilespmem:v0+s19+$0x40 ss:$0x1], $0xffff  }
0xae: {  	[tilespmem:s9+$0x0 ss:$0x81] =	vst.msk $0xffff, v7;
	v5 =	vld.idx.msk [tilespmem:v0+s19+$0x50 ss:$0x1], $0xffff  }
0xaf: {  	s16 =	sadd.s32 $0x800, s16;
	[tilespmem:s2+$0x0 ss:$0x81] =	vst.msk $0xffff, v9;
	v6 =	vld.idx.msk [tilespmem:v0+s19+$0x60 ss:$0x1], $0xffff  }
.LBB1_7:
0xb0: {  	_ =	sdelay $0x2  }
0xb1: {  	[tilespmem:s7+$0x0 ss:$0x81] =	vst.msk $0xffff, v4  }
0xb2: {  	v0 =	vld.idx.msk [tilespmem:v0+s19+$0x70 ss:$0x1], $0xffff;
	[tilespmem:s5+$0x0 ss:$0x81] =	vst.msk $0xffff, v1  }
0xb3: {  	[tilespmem:s6+$0x0 ss:$0x81] =	vst.msk $0xffff, v2  }
0xb4: {  	[tilespmem:s1+$0x0 ss:$0x81] =	vst.msk $0xffff, v3  }
0xb5: {  	[tilespmem:s4+$0x0 ss:$0x81] =	vst.msk $0xffff, v5  }
0xb6: {  	[tilespmem:s8+$0x0 ss:$0x81] =	vst.msk $0xffff, v6  }
0xb7: {  	[tilespmem:s17+$0x0 ss:$0x81] =	vst.msk $0xffff, v0  }
.LBB1_8:
.Ltmp9:
0xb8: {  	(pc) =	sbr.rel @p1 .LBB1_11-.Ltmp9, $1  }
0xb9: {  	_ =	sdelay $0x3  }
0xba: {  	s1 =	sand.u32 $0x380, s27;
	s0 =	sshrl.u32 s25, $0x4;
	s2 =	sadd.s32 s28, s18  }
0xbb: {  	s3 =	smov.u32 s24;
	s4 =	smov.u32 s22;
	s1 =	sadd.s32 s1, s23  }
.LBB1_10:
0xbc: {  	s5 =	sand.u32 $0x3C00, s3  }
0xbd: {  	s5 =	sadd.s32 s27, s5  }
0xbe: {  	s5 =	sand.u32 $0x3C00, s5  }
0xbf: {  	s6 =	sand.u32 $0x70, s4;
	s30 =	sadd.s32 s4, s0;
	s5 =	sadd.s32 s5, s1  }
0xc0: {  	s4 =	sadd.s32 $0x10, s4;
	s31 =	sand.u32 $0x78, s30;
	s5 =	sadd.s32 s6, s5  }
0xc1: {  	p2 =	slt.s32 s4, s21;
	v0 =	vld [tilespmem:s5+$0x0];
	s5 =	smul.u32 $0x204, s31  }
.Ltmp10:
0xc2: {  	_ = 	snop;
	(pc) =	sbr.rel @p2 .LBB1_10-.Ltmp10, $4  }
0xc3: {  	_ = 	snop  }
0xc4: {  	s5 =	sshrl.u32 s5, $0x2  }
0xc5: {  	s5 =	sadd.s32 s5, s2  }
0xc6: {  	s3 =	sadd.s32 $0x80, s3;
	[tilespmem:s5+$0x0 ss:$0x81] =	vst.msk $0xffff, v0  }
.Ltmp11:
0xc7: {  	_ = 	snop;
	(pc) =	sbr.rel .LBB1_11-.Ltmp11, $1  }
0xc8: {  	_ =	sdelay $0x3  }
.LBB1_14:
0xc9: {  	_ =	sfence.sel $0x180000  }
0xca: {  	s0 =	simm.s32 $0x1;
	[bflag:$0x0] =	sbarrier.arrive $0xFFFF  }
0xcb: {  	s30 =	simm.s32 $0x2;
	[sflag:s0] =	ssyncpa.u1 $0x1  }
0xcc: {  	[sflag:s30] =	ssyncpa.u1 $0x1  }
0xcd: {  	_ =	strace $0x90000047  }
0xce: {  	s31 =	stileid.u32;
	[bflag:$0x2] =	sbarrier.arrive $0xFFFF  }
0xcf: {  	p0 =	sne.s32 s31, $0x0;
	s0 =	rddreg [dreg:$0x2]  }
0xd0: {  	s0 =	sadd.s32 @!p0 $0x100000, s0  }
0xd1: {  	[sflag:s0] =	ssyncadd.tile.s32 @!p0 $0x1;
	_ =	shalt  }
.Lfunc_end1:
_tile_overlayer_lowered:
.L_overlay_start_2:
0xd2: {  	(tag) =	ssettag $0x2  }
0xd3: {  	s0 =	rddreg [dreg:$0x0];
	s2 =	stileid.u32  }
0xd4: {  	s1 =	rddreg [dreg:$0x1];
	p0 =	sne.s32 s2, $0x0  }
0xd5: {  	s3 =	rddreg [dreg:$0x2];
	[bflag:$0x3] =	sbarrier.arrive $0xFFFF;
	s2 =	simm.s32 @!p0 $0x1C01  }
0xd6: {  	[timem:s3], [sflag:s2] =	dma.local @!p0 [hbm:s0], s1  }
0xd7: {  	s0 =	simm.s32 @!p0 $0x1  }
0xd8: {  	_ =	swait.ge @!p0 [sflag:s0], s1  }
0xd9: {  	s1 =	ssub.s32 @!p0 $0x0, s1;
	[sflag:s0] =	ssyncset.done @!p0 $0x0  }
0xda: {  	[sflag:s0] =	ssyncadd.s32 @!p0 s1  }
0xdb: {  	[bflag:$0x3] =	sbarrier.arrive $0xFFFF  }
0xdc: {  	_ =	shalt  }

</sc_bundles>
